<compile_context>
chip_gen: v7x
topology: tpu7x:2x2x1
jax: 0.10.2.dev20260603
libtpu: 0.0.44.dev20260713+nightly
codegen_flags: <defaults>
</compile_context>

<pallas_src>
import functools
import jax
import jax.numpy as jnp
from jax import lax
from jax.experimental import pallas as pl
from jax.experimental.pallas import tpu as pltpu
from jax.experimental.pallas import tpu_sc as plsc

N = 10000
E = 320000
NFEAT = 128
HIDDEN = 128
CH = 4
PCD = 32

NTILES = 32
FPT = HIDDEN // NTILES
UOFF = HIDDEN * N

EPT1 = E // NTILES
CH1 = 2000
CH2 = 4000

_mesh = plsc.VectorSubcoreMesh(core_axis_name="c", subcore_axis_name="s")
_sc_params = pltpu.CompilerParams(needs_layout_passes=False)


def _pre_body(conv_ref, lin_ref, linb_ref, a1_ref, a1b_ref, x_ref, o_ref):
    mrows = [
        jnp.dot(conv_ref[k], lin_ref[k], preferred_element_type=jnp.float32)
        for k in range(CH)
    ]
    w = jnp.concatenate(mrows + [a1_ref[:, :NFEAT], a1_ref[:, NFEAT:]], axis=0)
    acc = lax.dot_general(
        w, x_ref[...], (((1,), (1,)), ((), ())),
        preferred_element_type=jnp.float32,
    )
    bcs = [
        jnp.dot(conv_ref[k], linb_ref[...][k, :, None],
                preferred_element_type=jnp.float32)
        for k in range(CH)
    ]
    bvec = jnp.concatenate(
        bcs + [jnp.zeros((4, 1), jnp.float32), a1b_ref[...].reshape(4, 1)],
        axis=0,
    )
    o_ref[...] = acc + jnp.broadcast_to(bvec, acc.shape)


def _pre_call(conv_W, lin_W, lin_b, A1_W, A1_b, x):
    return pl.pallas_call(
        _pre_body,
        out_shape=jax.ShapeDtypeStruct((136, N), jnp.float32),
    )(conv_W, lin_W, lin_b, A1_W, A1_b, x)


@functools.partial(
    pl.kernel,
    out_type=jax.ShapeDtypeStruct((CH * E,), jnp.float32),
    mesh=_mesh,
    compiler_params=_sc_params,
    scratch_types=[
        pltpu.VMEM((8 * N,), jnp.float32),
        pltpu.VMEM((CH1,), jnp.int32),
        pltpu.VMEM((CH1,), jnp.int32),
        pltpu.VMEM((CH1,), jnp.int32),
        pltpu.VMEM((CH1,), jnp.int32),
        pltpu.VMEM((4 * CH1,), jnp.float32),
        pltpu.VMEM((4 * CH1,), jnp.float32),
        pltpu.VMEM((16,), jnp.float32),
        pltpu.VMEM((16,), jnp.float32),
        pltpu.SemaphoreType.DMA,
        pltpu.SemaphoreType.DMA,
        pltpu.SemaphoreType.DMA,
        pltpu.SemaphoreType.DMA,
    ],
)
def _sc_alpha(ot_hbm, ei_hbm, a2w_hbm, a2b_hbm, alT_hbm,
              uv_v, col0_v, col1_v, row0_v, row1_v, a0_v, a1_v, w_v, b_v,
              isem0, isem1, osem0, osem1):
    wid = lax.axis_index("s") * 2 + lax.axis_index("c")
    e0 = wid * EPT1
    nchunks = EPT1 // CH1
    cols_v = [col0_v, col1_v]
    rows_v = [row0_v, row1_v]
    as_v = [a0_v, a1_v]
    isems = [isem0, isem1]
    osems = [osem0, osem1]

    def fetch(ci, b):
        base = e0 + ci * CH1
        pltpu.async_copy(ei_hbm.at[pl.ds(E + base, CH1)], cols_v[b], isems[b])
        pltpu.async_copy(ei_hbm.at[pl.ds(base, CH1)], rows_v[b], isems[b])

    def drain_in(b):
        pltpu.make_async_copy(ei_hbm.at[pl.ds(0, CH1)], cols_v[b], isems[b]).wait()
        pltpu.make_async_copy(ei_hbm.at[pl.ds(0, CH1)], rows_v[b], isems[b]).wait()

    def store_out(ci, b):
        base = e0 + ci * CH1
        for c in range(4):
            pltpu.async_copy(
                as_v[b].at[pl.ds(c * CH1, CH1)],
                alT_hbm.at[pl.ds(c * E + base, CH1)],
                osems[b],
            )

    def drain_out(b):
        for c in range(4):
            pltpu.make_async_copy(
                as_v[b].at[pl.ds(c * CH1, CH1)],
                alT_hbm.at[pl.ds(0, CH1)],
                osems[b],
            ).wait()

    fetch(0, 0)
    pltpu.sync_copy(ot_hbm.at[pl.ds(UOFF, 8 * N)], uv_v)
    pltpu.sync_copy(a2w_hbm, w_v)
    pltpu.sync_copy(a2b_hbm, b_v)
    wvec = w_v[...]
    bvec = b_v[...]
    ws = [[wvec[c * 4 + j] for j in range(4)] for c in range(4)]
    bs = [bvec[c] for c in range(4)]

    for ci in range(nchunks):
        b = ci & 1
        if ci + 1 < nchunks:
            fetch(ci + 1, 1 - b)
        drain_in(b)
        if ci >= 2:
            drain_out(b)

        def g_body(g, _):
            off = g * 16
            cols = cols_v[b][pl.ds(off, 16)]
            rows = rows_v[b][pl.ds(off, 16)] + (4 * N)
            t = [
                plsc.load_gather(uv_v, [cols + (c * N)])
                + plsc.load_gather(uv_v, [rows + (c * N)])
                for c in range(4)
            ]
            s = [
                bs[c]
                + t[0] * ws[c][0]
                + t[1] * ws[c][1]
                + t[2] * ws[c][2]
                + t[3] * ws[c][3]
                for c in range(4)
            ]
            m = jnp.maximum(jnp.maximum(s[0], s[1]), jnp.maximum(s[2], s[3]))
            ex = [jnp.exp(s[c] - m) for c in range(4)]
            r = 1.0 / ((ex[0] + ex[1]) + (ex[2] + ex[3]))
            for c in range(4):
                as_v[b][pl.ds(c * CH1 + off, 16)] = ex[c] * r
            return 0

        lax.fori_loop(0, CH1 // 16, g_body, 0, unroll=2)
        store_out(ci, b)

    drain_out((nchunks - 2) & 1)
    drain_out((nchunks - 1) & 1)


@functools.partial(
    pl.kernel,
    out_type=jax.ShapeDtypeStruct((HIDDEN * N,), jnp.float32),
    mesh=_mesh,
    compiler_params=_sc_params,
    scratch_types=[
        pltpu.VMEM((FPT * N,), jnp.float32),
        pltpu.VMEM((FPT * N,), jnp.float32),
        pltpu.VMEM((CH2,), jnp.int32),
        pltpu.VMEM((CH2,), jnp.int32),
        pltpu.VMEM((CH2,), jnp.int32),
        pltpu.VMEM((CH2,), jnp.int32),
        pltpu.VMEM((CH2,), jnp.float32),
        pltpu.VMEM((CH2,), jnp.float32),
        pltpu.SemaphoreType.DMA,
        pltpu.SemaphoreType.DMA,
    ],
)
def _sc_agg(ot_hbm, ei_hbm, alT_hbm, pout_hbm,
            ct_v, out_v, col0_v, col1_v, row0_v, row1_v, al0_v, al1_v,
            sem0, sem1):
    wid = lax.axis_index("s") * 2 + lax.axis_index("c")
    ch = wid // (NTILES // CH)
    sems = [sem0, sem1]
    cols_v = [col0_v, col1_v]
    rows_v = [row0_v, row1_v]
    als_v = [al0_v, al1_v]
    nchunks = E // CH2

    def start_fetch(ci, b):
        base = ci * CH2
        pltpu.async_copy(ei_hbm.at[pl.ds(E + base, CH2)], cols_v[b], sems[b])
        pltpu.async_copy(ei_hbm.at[pl.ds(base, CH2)], rows_v[b], sems[b])
        pltpu.async_copy(alT_hbm.at[pl.ds(ch * E + base, CH2)], als_v[b], sems[b])

    def drain(b):
        pltpu.make_async_copy(ei_hbm.at[pl.ds(0, CH2)], cols_v[b], sems[b]).wait()
        pltpu.make_async_copy(ei_hbm.at[pl.ds(0, CH2)], rows_v[b], sems[b]).wait()
        pltpu.make_async_copy(alT_hbm.at[pl.ds(0, CH2)], als_v[b], sems[b]).wait()

    start_fetch(0, 0)
    pltpu.sync_copy(ot_hbm.at[pl.ds(wid * (FPT * N), FPT * N)], ct_v)

    def zero_body(i, _):
        out_v[pl.ds(i * 16, 16)] = jnp.zeros((16,), jnp.float32)
        return 0

    lax.fori_loop(0, FPT * N // 16, zero_body, 0, unroll=10)

    def process(b):
        def g_body(g, _):
            off = g * 16
            cols = cols_v[b][pl.ds(off, 16)]
            rows = rows_v[b][pl.ds(off, 16)]
            a = als_v[b][pl.ds(off, 16)]
            for f in range(FPT):
                vals = plsc.load_gather(ct_v, [cols + (f * N)]) * a
                plsc.addupdate_scatter(out_v, [rows + (f * N)], vals)
            return 0

        lax.fori_loop(0, CH2 // 16, g_body, 0)

    def pair_body(ci2, _):
        for b in range(2):
            ci = ci2 * 2 + b
            nxt = jnp.minimum(ci + 1, nchunks - 1)
            start_fetch(nxt, 1 - b)
            drain(b)
            process(b)
        return 0

    lax.fori_loop(0, nchunks // 2, pair_body, 0)
    drain(0)
    pltpu.sync_copy(out_v, pout_hbm.at[pl.ds(wid * (FPT * N), FPT * N)])


def _post_body(st_ref, cb_ref, wc_ref, bc_ref, h_ref, o_ref):
    y = st_ref[...] + jnp.broadcast_to(cb_ref[...], st_ref.shape)
    ri = lax.broadcasted_iota(jnp.int32, (HIDDEN, HIDDEN), 0) // PCD
    ci = lax.broadcasted_iota(jnp.int32, (HIDDEN, HIDDEN), 1) // PCD
    bm = jnp.where(ri == ci, 1.0, 0.0).astype(jnp.float32)
    nsq = jnp.dot(bm, y * y, preferred_element_type=jnp.float32)
    ht = y / jnp.maximum(jnp.sqrt(nsq), 1e-12)
    h = ht.T
    h_ref[...] = h
    o_ref[...] = (
        lax.dot_general(h, wc_ref[...], (((1,), (1,)), ((), ())),
                        preferred_element_type=jnp.float32)
        + jnp.broadcast_to(bc_ref[...], (N, 2))
    )


def _post_call(ST, ch_bias, cls_W, cls_b):
    return pl.pallas_call(
        _post_body,
        out_shape=[
            jax.ShapeDtypeStruct((N, 128), jnp.float32),
            jax.ShapeDtypeStruct((N, 2), jnp.float32),
        ],
    )(ST, ch_bias, cls_W, cls_b)


def kernel(x, edge_index, A1_W, A1_b, A2_W, A2_b, lin_W, lin_b, conv_W,
           ch_bias, cls_W, cls_b):
    ei_flat = edge_index.astype(jnp.int32).reshape(-1)

    OT = _pre_call(conv_W, lin_W, lin_b, A1_W, A1_b, x)
    ot_flat = OT.reshape(-1)

    a2w = A2_W.reshape(-1)
    a2b = jnp.concatenate([A2_b, jnp.zeros((12,), jnp.float32)])
    alT = _sc_alpha(ot_flat, ei_flat, a2w, a2b)

    pout = _sc_agg(ot_flat, ei_flat, alT)
    ST = pout.reshape(HIDDEN, N)

    h, out = _post_call(ST, ch_bias.reshape(HIDDEN, 1), cls_W, cls_b[None, :])
    return (h, out)

# --- scband reference (transcript-rebuilt; emitter-appended) ---
"""Pipeline reference for scband-pre-fair-adg-6296422056682 (READ-ONLY COPY).

The authoritative reference and input builder live on the scoring server;
editing this copy changes nothing except your own understanding.
"""

import jax, jax.numpy as jnp
import numpy as np

N_NODES = 10000
N_EDGES = 320000
NFEAT = 128
HIDDEN = 128
CHANNELS = 4
NCLASS = 2
PCD = HIDDEN // CHANNELS  # per_channel_dim = 32


def setup_inputs(seed: int = 0) -> dict:
    key = jax.random.key(seed)
    ks = jax.random.split(key, 14)
    x = jax.random.normal(ks[0], (N_NODES, NFEAT), dtype=jnp.float32)
    edge_index = jax.random.randint(ks[1], (2, N_EDGES), 0, N_NODES)
    # NeiborAssigner params: Linear(2*nfeat -> channels), Linear(channels -> channels)
    A1_W = jax.random.normal(ks[2], (CHANNELS, 2 * NFEAT), dtype=jnp.float32) * 0.05
    A1_b = jnp.zeros((CHANNELS,), dtype=jnp.float32)
    A2_W = jax.random.normal(ks[3], (CHANNELS, CHANNELS), dtype=jnp.float32) * 0.05
    A2_b = jnp.zeros((CHANNELS,), dtype=jnp.float32)
    # DisenLayer (single layer, layer_num=2): per-channel lin (with bias) + conv (no bias) + bias_list
    lin_W = jax.random.normal(ks[4], (CHANNELS, PCD, NFEAT), dtype=jnp.float32) * 0.05
    lin_b = jnp.zeros((CHANNELS, PCD), dtype=jnp.float32)
    conv_W = jax.random.normal(ks[5], (CHANNELS, PCD, PCD), dtype=jnp.float32) * 0.05
    ch_bias = jax.random.normal(ks[6], (CHANNELS, PCD), dtype=jnp.float32) * 0.05
    # classifier Linear(hidden -> nclass)
    cls_W = jax.random.normal(ks[7], (NCLASS, HIDDEN), dtype=jnp.float32) * 0.05
    cls_b = jnp.zeros((NCLASS,), dtype=jnp.float32)
    return {"x": x, "edge_index": edge_index, "A1_W": A1_W, "A1_b": A1_b,
            "A2_W": A2_W, "A2_b": A2_b, "lin_W": lin_W, "lin_b": lin_b,
            "conv_W": conv_W, "ch_bias": ch_bias, "cls_W": cls_W, "cls_b": cls_b}


def reference(x, edge_index, A1_W, A1_b, A2_W, A2_b, lin_W, lin_b, conv_W, ch_bias, cls_W, cls_b):
    row = edge_index[0]  # dst (SparseTensor row)
    col = edge_index[1]  # src (SparseTensor col)
    N = x.shape[0]
    # NeiborAssigner on detached feature pairs: cat([x[col], x[row]], dim=1)
    xd = jax.lax.stop_gradient(x)
    pair = jnp.concatenate([xd[col], xd[row]], axis=1)  # [E, 2*nfeat]
    s = pair @ A1_W.T + A1_b
    s = s @ A2_W.T + A2_b
    alpha = jax.nn.softmax(s, axis=1)  # edge_weight [E, channels]
    # DisenLayer forward (reduce=True): per-channel lin -> conv -> weighted spmm -> bias -> L2 normalize
    feats = []
    for k in range(CHANNELS):
        z = x @ lin_W[k].T + lin_b[k]          # [N, pcd]
        c = z @ conv_W[k].T                     # [N, pcd] (no bias)
        msg = c[col] * alpha[:, k:k + 1]        # gather src feats, scale by edge weight
        out = jax.ops.segment_sum(msg, row, num_segments=N)  # scatter-add to dst
        out = out + ch_bias[k][None, :]
        norm = jnp.sqrt(jnp.sum(out * out, axis=1, keepdims=True))
        out = out / jnp.maximum(norm, 1e-12)    # F.normalize(p=2, dim=1)
        feats.append(out)
    h = jnp.concatenate(feats, axis=1)          # [N, hidden]  (dropout is identity in eval)
    output = h @ cls_W.T + cls_b                # [N, nclass]
    return (h, output)

if __name__ == "__main__":
    import jax
    _d = setup_inputs()
    print(jax.jit(kernel)(*tuple(_d.values())))

</pallas_src>

<mosaic_0001>
#map = affine_map<(d0, d1) -> (0)>
module attributes {stable_mosaic.version = 14 : i64} {
  func.func @_sc_agg(%arg0: i32, %arg1: i32, %arg2: memref<1360000xf32, #tpu.memory_space<hbm>>, %arg3: memref<640000xi32, #tpu.memory_space<hbm>>, %arg4: memref<1280000xf32, #tpu.memory_space<hbm>>, %arg5: memref<1280000xf32, #tpu.memory_space<hbm>>, %arg6: memref<40000xf32, #tpu.memory_space<vmem>>, %arg7: memref<40000xf32, #tpu.memory_space<vmem>>, %arg8: memref<4000xi32, #tpu.memory_space<vmem>>, %arg9: memref<4000xi32, #tpu.memory_space<vmem>>, %arg10: memref<4000xi32, #tpu.memory_space<vmem>>, %arg11: memref<4000xi32, #tpu.memory_space<vmem>>, %arg12: memref<4000xf32, #tpu.memory_space<vmem>>, %arg13: memref<4000xf32, #tpu.memory_space<vmem>>, %arg14: memref<!tpu.dma_semaphore, #tpu.memory_space<semaphore_mem>>, %arg15: memref<!tpu.dma_semaphore, #tpu.memory_space<semaphore_mem>>) attributes {dimension_semantics = [#tpu.dimension_semantics<core_parallel>, #tpu.dimension_semantics<subcore_parallel>], iteration_bounds = array<i64: 2, 16>, scalar_prefetch = 0 : i64, scratch_operands = 10 : i64, tpu.core_type = #tpu.core_type<sc_vector_subcore>, window_params = [{transform_indices = #map}, {transform_indices = #map}, {transform_indices = #map}, {transform_indices = #map}]} {
    %mul3A = arith.constant 2 : i32
    %mul3A_0 = arith.muli %arg1, %mul3A : i32
    %add3A = arith.addi %mul3A_0, %arg0 : i32
    %jit3A = arith.constant 8 : i32
    %div3A = arith.divsi %add3A, %jit3A : i32
    %sign3A = arith.constant 0 : i32
    %sign3A_1 = arith.cmpi sgt, %add3A, %sign3A : i32
    %sign3A_2 = arith.extui %sign3A_1 : i1 to i32
    %sign3A_3 = arith.constant 0 : i32
    %sign3A_4 = arith.cmpi slt, %add3A, %sign3A_3 : i32
    %sign3A_5 = arith.extui %sign3A_4 : i1 to i32
    %sign3A_6 = arith.subi %sign3A_2, %sign3A_5 : i32
    %sign3A_7 = arith.constant 0 : i32
    %sign3A_8 = arith.cmpi sgt, %jit3A, %sign3A_7 : i32
    %sign3A_9 = arith.extui %sign3A_8 : i1 to i32
    %sign3A_10 = arith.constant 0 : i32
    %sign3A_11 = arith.cmpi slt, %jit3A, %sign3A_10 : i32
    %sign3A_12 = arith.extui %sign3A_11 : i1 to i32
    %sign3A_13 = arith.subi %sign3A_9, %sign3A_12 : i32
    %ne3A = arith.cmpi ne, %sign3A_6, %sign3A_13 : i32
    %rem3A = arith.remsi %add3A, %jit3A : i32
    %ne3A_14 = arith.constant 0 : i32
    %ne3A_15 = arith.cmpi ne, %rem3A, %ne3A_14 : i32
    %and3A = arith.andi %ne3A, %ne3A_15 : i1
    %sub3A = arith.constant 1 : i32
    %sub3A_16 = arith.subi %div3A, %sub3A : i32
    %select_n3A = arith.select %and3A, %sub3A_16, %div3A : i32
    %dma_start3A = arith.constant 320000 : i32
    %dma_start3A_17 = tpu.memref_slice %arg3[%dma_start3A] : memref<640000xi32, #tpu.memory_space<hbm>> -> memref<4000xi32, #tpu.memory_space<hbm>>
    %dma_start3A_18 = arith.constant 320000 : i32
    %dma_start3A_19 = tpu.memref_slice %arg3[%dma_start3A_18] : memref<640000xi32, #tpu.memory_space<hbm>> -> memref<4000xi32, #tpu.memory_space<hbm>>
    tpu.enqueue_dma source(%dma_start3A_19 : memref<4000xi32, #tpu.memory_space<hbm>>) target(%arg8 : memref<4000xi32, #tpu.memory_space<vmem>>) target_semaphore(%arg14 : memref<!tpu.dma_semaphore, #tpu.memory_space<semaphore_mem>>)
    %dma_start3A_20 = arith.constant 0 : i32
    %dma_start3A_21 = tpu.memref_slice %arg3[%dma_start3A_20] : memref<640000xi32, #tpu.memory_space<hbm>> -> memref<4000xi32, #tpu.memory_space<hbm>>
    %dma_start3A_22 = arith.constant 0 : i32
    %dma_start3A_23 = tpu.memref_slice %arg3[%dma_start3A_22] : memref<640000xi32, #tpu.memory_space<hbm>> -> memref<4000xi32, #tpu.memory_space<hbm>>
    tpu.enqueue_dma source(%dma_start3A_23 : memref<4000xi32, #tpu.memory_space<hbm>>) target(%arg10 : memref<4000xi32, #tpu.memory_space<vmem>>) target_semaphore(%arg14 : memref<!tpu.dma_semaphore, #tpu.memory_space<semaphore_mem>>)
    %mul3A_24 = arith.constant 320000 : i32
    %mul3A_25 = arith.muli %select_n3A, %mul3A_24 : i32
    %add3A_26 = arith.constant 0 : i32
    %add3A_27 = arith.addi %mul3A_25, %add3A_26 : i32
    %dma_start3A_28 = tpu.memref_slice %arg4[%add3A_27] : memref<1280000xf32, #tpu.memory_space<hbm>> -> memref<4000xf32, #tpu.memory_space<hbm>>
    %dma_start3A_29 = tpu.memref_slice %arg4[%add3A_27] : memref<1280000xf32, #tpu.memory_space<hbm>> -> memref<4000xf32, #tpu.memory_space<hbm>>
    tpu.enqueue_dma source(%dma_start3A_29 : memref<4000xf32, #tpu.memory_space<hbm>>) target(%arg12 : memref<4000xf32, #tpu.memory_space<vmem>>) target_semaphore(%arg14 : memref<!tpu.dma_semaphore, #tpu.memory_space<semaphore_mem>>)
    %mul3A_30 = arith.constant 40000 : i32
    %mul3A_31 = arith.muli %add3A, %mul3A_30 : i32
    "tpu.region"() ({
      %run_scoped3A = tpu.sem_alloc : memref<!tpu.dma_semaphore, #tpu.memory_space<semaphore_mem>>
      %dma_start3A_58 = tpu.memref_slice %arg2[%mul3A_31] : memref<1360000xf32, #tpu.memory_space<hbm>> -> memref<40000xf32, #tpu.memory_space<hbm>>
      %dma_start3A_59 = tpu.memref_slice %arg2[%mul3A_31] : memref<1360000xf32, #tpu.memory_space<hbm>> -> memref<40000xf32, #tpu.memory_space<hbm>>
      tpu.enqueue_dma source(%dma_start3A_59 : memref<40000xf32, #tpu.memory_space<hbm>>) target(%arg6 : memref<40000xf32, #tpu.memory_space<vmem>>) target_semaphore(%run_scoped3A : memref<!tpu.dma_semaphore, #tpu.memory_space<semaphore_mem>>)
      %dma_wait3A_60 = tpu.memref_slice %arg2[%mul3A_31] : memref<1360000xf32, #tpu.memory_space<hbm>> -> memref<40000xf32, #tpu.memory_space<hbm>>
      %dma_wait3A_61 = tpu.memref_slice %arg2[%mul3A_31] : memref<1360000xf32, #tpu.memory_space<hbm>> -> memref<40000xf32, #tpu.memory_space<hbm>>
      tpu.wait_dma2 semaphore(%run_scoped3A : memref<!tpu.dma_semaphore, #tpu.memory_space<semaphore_mem>>) src(%dma_wait3A_61 : memref<40000xf32, #tpu.memory_space<hbm>>) dst(%arg6 : memref<40000xf32, #tpu.memory_space<vmem>>)
      tpu.yield
    }) : () -> ()
    %scan3A = arith.constant 0 : i32
    %scan3A_32 = arith.constant 0 : i32
    %scan3A_33 = arith.constant 2500 : i32
    %scan3A_34 = arith.addi %scan3A_32, %scan3A_33 : i32
    %scan3A_35 = arith.constant 10 : i32
    %scan3A_36 = scf.for %scan3A_58 = %scan3A_32 to %scan3A_34 step %scan3A_35 iter_args(%scan3A_59 = %scan3A) -> (i32)  : i32 {
      %broadcast_in_dim3A = arith.constant 0.000000e+00 : f32
      %broadcast_in_dim3A_60 = vector.broadcast %broadcast_in_dim3A : f32 to vector<16xf32>
      %mul3A_61 = arith.constant 16 : i32
      %mul3A_62 = arith.muli %scan3A_58, %mul3A_61 : i32
      %swap3A = arith.index_cast %mul3A_62 : i32 to index
      %swap3A_63 = tpu.vector_load %arg7[%swap3A] {strides = array<i32>} : memref<40000xf32, #tpu.memory_space<vmem>>, vector<16xf32>,
      tpu.vector_store %arg7[%swap3A], %broadcast_in_dim3A_60 {strides = array<i32>} : memref<40000xf32, #tpu.memory_space<vmem>>, vector<16xf32>,
      %scan3A_64 = arith.constant 0 : i32
      %scan3A_65 = arith.constant 1 : i32
      %scan3A_66 = arith.addi %scan3A_58, %scan3A_65 : i32
      %broadcast_in_dim3A_67 = arith.constant 0.000000e+00 : f32
      %broadcast_in_dim3A_68 = vector.broadcast %broadcast_in_dim3A_67 : f32 to vector<16xf32>
      %mul3A_69 = arith.constant 16 : i32
      %mul3A_70 = arith.muli %scan3A_66, %mul3A_69 : i32
      %swap3A_71 = arith.index_cast %mul3A_70 : i32 to index
      %swap3A_72 = tpu.vector_load %arg7[%swap3A_71] {strides = array<i32>} : memref<40000xf32, #tpu.memory_space<vmem>>, vector<16xf32>,
      tpu.vector_store %arg7[%swap3A_71], %broadcast_in_dim3A_68 {strides = array<i32>} : memref<40000xf32, #tpu.memory_space<vmem>>, vector<16xf32>,
      %scan3A_73 = arith.constant 0 : i32
      %scan3A_74 = arith.constant 2 : i32
      %scan3A_75 = arith.addi %scan3A_58, %scan3A_74 : i32
      %broadcast_in_dim3A_76 = arith.constant 0.000000e+00 : f32
      %broadcast_in_dim3A_77 = vector.broadcast %broadcast_in_dim3A_76 : f32 to vector<16xf32>
      %mul3A_78 = arith.constant 16 : i32
      %mul3A_79 = arith.muli %scan3A_75, %mul3A_78 : i32
      %swap3A_80 = arith.index_cast %mul3A_79 : i32 to index
      %swap3A_81 = tpu.vector_load %arg7[%swap3A_80] {strides = array<i32>} : memref<40000xf32, #tpu.memory_space<vmem>>, vector<16xf32>,
      tpu.vector_store %arg7[%swap3A_80], %broadcast_in_dim3A_77 {strides = array<i32>} : memref<40000xf32, #tpu.memory_space<vmem>>, vector<16xf32>,
      %scan3A_82 = arith.constant 0 : i32
      %scan3A_83 = arith.constant 3 : i32
      %scan3A_84 = arith.addi %scan3A_58, %scan3A_83 : i32
      %broadcast_in_dim3A_85 = arith.constant 0.000000e+00 : f32
      %broadcast_in_dim3A_86 = vector.broadcast %broadcast_in_dim3A_85 : f32 to vector<16xf32>
      %mul3A_87 = arith.constant 16 : i32
      %mul3A_88 = arith.muli %scan3A_84, %mul3A_87 : i32
      %swap3A_89 = arith.index_cast %mul3A_88 : i32 to index
      %swap3A_90 = tpu.vector_load %arg7[%swap3A_89] {strides = array<i32>} : memref<40000xf32, #tpu.memory_space<vmem>>, vector<16xf32>,
      tpu.vector_store %arg7[%swap3A_89], %broadcast_in_dim3A_86 {strides = array<i32>} : memref<40000xf32, #tpu.memory_space<vmem>>, vector<16xf32>,
      %scan3A_91 = arith.constant 0 : i32
      %scan3A_92 = arith.constant 4 : i32
      %scan3A_93 = arith.addi %scan3A_58, %scan3A_92 : i32
      %broadcast_in_dim3A_94 = arith.constant 0.000000e+00 : f32
      %broadcast_in_dim3A_95 = vector.broadcast %broadcast_in_dim3A_94 : f32 to vector<16xf32>
      %mul3A_96 = arith.constant 16 : i32
      %mul3A_97 = arith.muli %scan3A_93, %mul3A_96 : i32
      %swap3A_98 = arith.index_cast %mul3A_97 : i32 to index
      %swap3A_99 = tpu.vector_load %arg7[%swap3A_98] {strides = array<i32>} : memref<40000xf32, #tpu.memory_space<vmem>>, vector<16xf32>,
      tpu.vector_store %arg7[%swap3A_98], %broadcast_in_dim3A_95 {strides = array<i32>} : memref<40000xf32, #tpu.memory_space<vmem>>, vector<16xf32>,
      %scan3A_100 = arith.constant 0 : i32
      %scan3A_101 = arith.constant 5 : i32
      %scan3A_102 = arith.addi %scan3A_58, %scan3A_101 : i32
      %broadcast_in_dim3A_103 = arith.constant 0.000000e+00 : f32
      %broadcast_in_dim3A_104 = vector.broadcast %broadcast_in_dim3A_103 : f32 to vector<16xf32>
      %mul3A_105 = arith.constant 16 : i32
      %mul3A_106 = arith.muli %scan3A_102, %mul3A_105 : i32
      %swap3A_107 = arith.index_cast %mul3A_106 : i32 to index
      %swap3A_108 = tpu.vector_load %arg7[%swap3A_107] {strides = array<i32>} : memref<40000xf32, #tpu.memory_space<vmem>>, vector<16xf32>,
      tpu.vector_store %arg7[%swap3A_107], %broadcast_in_dim3A_104 {strides = array<i32>} : memref<40000xf32, #tpu.memory_space<vmem>>, vector<16xf32>,
      %scan3A_109 = arith.constant 0 : i32
      %scan3A_110 = arith.constant 6 : i32
      %scan3A_111 = arith.addi %scan3A_58, %scan3A_110 : i32
      %broadcast_in_dim3A_112 = arith.constant 0.000000e+00 : f32
      %broadcast_in_dim3A_113 = vector.broadcast %broadcast_in_dim3A_112 : f32 to vector<16xf32>
      %mul3A_114 = arith.constant 16 : i32
      %mul3A_115 = arith.muli %scan3A_111, %mul3A_114 : i32
      %swap3A_116 = arith.index_cast %mul3A_115 : i32 to index
      %swap3A_117 = tpu.vector_load %arg7[%swap3A_116] {strides = array<i32>} : memref<40000xf32, #tpu.memory_space<vmem>>, vector<16xf32>,
      tpu.vector_store %arg7[%swap3A_116], %broadcast_in_dim3A_113 {strides = array<i32>} : memref<40000xf32, #tpu.memory_space<vmem>>, vector<16xf32>,
      %scan3A_118 = arith.constant 0 : i32
      %scan3A_119 = arith.constant 7 : i32
      %scan3A_120 = arith.addi %scan3A_58, %scan3A_119 : i32
      %broadcast_in_dim3A_121 = arith.constant 0.000000e+00 : f32
      %broadcast_in_dim3A_122 = vector.broadcast %broadcast_in_dim3A_121 : f32 to vector<16xf32>
      %mul3A_123 = arith.constant 16 : i32
      %mul3A_124 = arith.muli %scan3A_120, %mul3A_123 : i32
      %swap3A_125 = arith.index_cast %mul3A_124 : i32 to index
      %swap3A_126 = tpu.vector_load %arg7[%swap3A_125] {strides = array<i32>} : memref<40000xf32, #tpu.memory_space<vmem>>, vector<16xf32>,
      tpu.vector_store %arg7[%swap3A_125], %broadcast_in_dim3A_122 {strides = array<i32>} : memref<40000xf32, #tpu.memory_space<vmem>>, vector<16xf32>,
      %scan3A_127 = arith.constant 0 : i32
      %scan3A_128 = arith.constant 8 : i32
      %scan3A_129 = arith.addi %scan3A_58, %scan3A_128 : i32
      %broadcast_in_dim3A_130 = arith.constant 0.000000e+00 : f32
      %broadcast_in_dim3A_131 = vector.broadcast %broadcast_in_dim3A_130 : f32 to vector<16xf32>
      %mul3A_132 = arith.constant 16 : i32
      %mul3A_133 = arith.muli %scan3A_129, %mul3A_132 : i32
      %swap3A_134 = arith.index_cast %mul3A_133 : i32 to index
      %swap3A_135 = tpu.vector_load %arg7[%swap3A_134] {strides = array<i32>} : memref<40000xf32, #tpu.memory_space<vmem>>, vector<16xf32>,
      tpu.vector_store %arg7[%swap3A_134], %broadcast_in_dim3A_131 {strides = array<i32>} : memref<40000xf32, #tpu.memory_space<vmem>>, vector<16xf32>,
      %scan3A_136 = arith.constant 0 : i32
      %scan3A_137 = arith.constant 9 : i32
      %scan3A_138 = arith.addi %scan3A_58, %scan3A_137 : i32
      %broadcast_in_dim3A_139 = arith.constant 0.000000e+00 : f32
      %broadcast_in_dim3A_140 = vector.broadcast %broadcast_in_dim3A_139 : f32 to vector<16xf32>
      %mul3A_141 = arith.constant 16 : i32
      %mul3A_142 = arith.muli %scan3A_138, %mul3A_141 : i32
      %swap3A_143 = arith.index_cast %mul3A_142 : i32 to index
      %swap3A_144 = tpu.vector_load %arg7[%swap3A_143] {strides = array<i32>} : memref<40000xf32, #tpu.memory_space<vmem>>, vector<16xf32>,
      tpu.vector_store %arg7[%swap3A_143], %broadcast_in_dim3A_140 {strides = array<i32>} : memref<40000xf32, #tpu.memory_space<vmem>>, vector<16xf32>,
      %scan3A_145 = arith.constant 0 : i32
      scf.yield %scan3A_145 : i32
    }
    %scan3A_37 = arith.constant 2500 : i32
    %scan3A_38 = arith.constant 0 : i32
    %scan3A_39 = arith.constant 0 : i32
    %scan3A_40 = arith.constant 40 : i32
    %scan3A_41 = arith.addi %scan3A_39, %scan3A_40 : i32
    %scan3A_42 = arith.constant 1 : i32
    %scan3A_43 = scf.for %scan3A_58 = %scan3A_39 to %scan3A_41 step %scan3A_42 iter_args(%scan3A_59 = %scan3A_38) -> (i32)  : i32 {
      %mul3A_60 = arith.constant 2 : i32
      %mul3A_61 = arith.muli %scan3A_58, %mul3A_60 : i32
      %add3A_62 = arith.constant 0 : i32
      %add3A_63 = arith.addi %mul3A_61, %add3A_62 : i32
      %add3A_64 = arith.constant 1 : i32
      %add3A_65 = arith.addi %add3A_63, %add3A_64 : i32
      %min3A = arith.constant 79 : i32
      %min3A_66 = arith.minsi %add3A_65, %min3A : i32
      %mul3A_67 = arith.constant 4000 : i32
      %mul3A_68 = arith.muli %min3A_66, %mul3A_67 : i32
      %add3A_69 = arith.constant 320000 : i32
      %add3A_70 = arith.addi %add3A_69, %mul3A_68 : i32
      %dma_start3A_71 = tpu.memref_slice %arg3[%add3A_70] : memref<640000xi32, #tpu.memory_space<hbm>> -> memref<4000xi32, #tpu.memory_space<hbm>>
      %dma_start3A_72 = tpu.memref_slice %arg3[%add3A_70] : memref<640000xi32, #tpu.memory_space<hbm>> -> memref<4000xi32, #tpu.memory_space<hbm>>
      tpu.enqueue_dma source(%dma_start3A_72 : memref<4000xi32, #tpu.memory_space<hbm>>) target(%arg9 : memref<4000xi32, #tpu.memory_space<vmem>>) target_semaphore(%arg15 : memref<!tpu.dma_semaphore, #tpu.memory_space<semaphore_mem>>)
      %dma_start3A_73 = tpu.memref_slice %arg3[%mul3A_68] : memref<640000xi32, #tpu.memory_space<hbm>> -> memref<4000xi32, #tpu.memory_space<hbm>>
      %dma_start3A_74 = tpu.memref_slice %arg3[%mul3A_68] : memref<640000xi32, #tpu.memory_space<hbm>> -> memref<4000xi32, #tpu.memory_space<hbm>>
      tpu.enqueue_dma source(%dma_start3A_74 : memref<4000xi32, #tpu.memory_space<hbm>>) target(%arg11 : memref<4000xi32, #tpu.memory_space<vmem>>) target_semaphore(%arg15 : memref<!tpu.dma_semaphore, #tpu.memory_space<semaphore_mem>>)
      %mul3A_75 = arith.constant 320000 : i32
      %mul3A_76 = arith.muli %select_n3A, %mul3A_75 : i32
      %add3A_77 = arith.addi %mul3A_76, %mul3A_68 : i32
      %dma_start3A_78 = tpu.memref_slice %arg4[%add3A_77] : memref<1280000xf32, #tpu.memory_space<hbm>> -> memref<4000xf32, #tpu.memory_space<hbm>>
      %dma_start3A_79 = tpu.memref_slice %arg4[%add3A_77] : memref<1280000xf32, #tpu.memory_space<hbm>> -> memref<4000xf32, #tpu.memory_space<hbm>>
      tpu.enqueue_dma source(%dma_start3A_79 : memref<4000xf32, #tpu.memory_space<hbm>>) target(%arg13 : memref<4000xf32, #tpu.memory_space<vmem>>) target_semaphore(%arg15 : memref<!tpu.dma_semaphore, #tpu.memory_space<semaphore_mem>>)
      %dma_wait3A_80 = arith.constant 0 : i32
      %dma_wait3A_81 = tpu.memref_slice %arg3[%dma_wait3A_80] : memref<640000xi32, #tpu.memory_space<hbm>> -> memref<4000xi32, #tpu.memory_space<hbm>>
      %dma_wait3A_82 = arith.constant 0 : i32
      %dma_wait3A_83 = tpu.memref_slice %arg3[%dma_wait3A_82] : memref<640000xi32, #tpu.memory_space<hbm>> -> memref<4000xi32, #tpu.memory_space<hbm>>
      tpu.wait_dma2 semaphore(%arg14 : memref<!tpu.dma_semaphore, #tpu.memory_space<semaphore_mem>>) src(%dma_wait3A_83 : memref<4000xi32, #tpu.memory_space<hbm>>) dst(%arg8 : memref<4000xi32, #tpu.memory_space<vmem>>)
      %dma_wait3A_84 = arith.constant 0 : i32
      %dma_wait3A_85 = tpu.memref_slice %arg3[%dma_wait3A_84] : memref<640000xi32, #tpu.memory_space<hbm>> -> memref<4000xi32, #tpu.memory_space<hbm>>
      %dma_wait3A_86 = arith.constant 0 : i32
      %dma_wait3A_87 = tpu.memref_slice %arg3[%dma_wait3A_86] : memref<640000xi32, #tpu.memory_space<hbm>> -> memref<4000xi32, #tpu.memory_space<hbm>>
      tpu.wait_dma2 semaphore(%arg14 : memref<!tpu.dma_semaphore, #tpu.memory_space<semaphore_mem>>) src(%dma_wait3A_87 : memref<4000xi32, #tpu.memory_space<hbm>>) dst(%arg10 : memref<4000xi32, #tpu.memory_space<vmem>>)
      %dma_wait3A_88 = arith.constant 0 : i32
      %dma_wait3A_89 = tpu.memref_slice %arg4[%dma_wait3A_88] : memref<1280000xf32, #tpu.memory_space<hbm>> -> memref<4000xf32, #tpu.memory_space<hbm>>
      %dma_wait3A_90 = arith.constant 0 : i32
      %dma_wait3A_91 = tpu.memref_slice %arg4[%dma_wait3A_90] : memref<1280000xf32, #tpu.memory_space<hbm>> -> memref<4000xf32, #tpu.memory_space<hbm>>
      tpu.wait_dma2 semaphore(%arg14 : memref<!tpu.dma_semaphore, #tpu.memory_space<semaphore_mem>>) src(%dma_wait3A_91 : memref<4000xf32, #tpu.memory_space<hbm>>) dst(%arg12 : memref<4000xf32, #tpu.memory_space<vmem>>)
      %scan3A_92 = arith.constant 0 : i32
      %scan3A_93 = arith.constant 0 : i32
      %scan3A_94 = arith.constant 250 : i32
      %scan3A_95 = arith.addi %scan3A_93, %scan3A_94 : i32
      %scan3A_96 = arith.constant 1 : i32
      %scan3A_97 = scf.for %scan3A_140 = %scan3A_93 to %scan3A_95 step %scan3A_96 iter_args(%scan3A_141 = %scan3A_92) -> (i32)  : i32 {
        %mul3A_142 = arith.constant 16 : i32
        %mul3A_143 = arith.muli %scan3A_140, %mul3A_142 : i32
        %get3A = arith.index_cast %mul3A_143 : i32 to index
        %get3A_144 = tpu.vector_load %arg8[%get3A] {strides = array<i32>} : memref<4000xi32, #tpu.memory_space<vmem>>, vector<16xi32>,
        %get3A_145 = arith.index_cast %mul3A_143 : i32 to index
        %get3A_146 = tpu.vector_load %arg10[%get3A_145] {strides = array<i32>} : memref<4000xi32, #tpu.memory_space<vmem>>, vector<16xi32>,
        %get3A_147 = arith.index_cast %mul3A_143 : i32 to index
        %get3A_148 = tpu.vector_load %arg12[%get3A_147] {strides = array<i32>} : memref<4000xf32, #tpu.memory_space<vmem>>, vector<16xf32>,
        %add3A_149 = arith.constant 0 : i32
        %add3A_150 = vector.broadcast %add3A_149 : i32 to vector<16xi32>
        %add3A_151 = arith.addi %get3A_144, %add3A_150 : vector<16xi32>
        %gather3A = tpu.vector_load_idx %arg6[%add3A_151] : memref<40000xf32, #tpu.memory_space<vmem>>[vector<16xi32>], vector<16xf32>,
        %mul3A_152 = arith.mulf %gather3A, %get3A_148 : vector<16xf32>
        %add3A_153 = arith.constant 0 : i32
        %add3A_154 = vector.broadcast %add3A_153 : i32 to vector<16xi32>
        %add3A_155 = arith.addi %get3A_146, %add3A_154 : vector<16xi32>
        tpu.vector_store_idx %arg7[%add3A_155], %mul3A_152 {add = true} : memref<40000xf32, #tpu.memory_space<vmem>>[vector<16xi32>], vector<16xf32>,
        %add3A_156 = arith.constant 10000 : i32
        %add3A_157 = vector.broadcast %add3A_156 : i32 to vector<16xi32>
        %add3A_158 = arith.addi %get3A_144, %add3A_157 : vector<16xi32>
        %gather3A_159 = tpu.vector_load_idx %arg6[%add3A_158] : memref<40000xf32, #tpu.memory_space<vmem>>[vector<16xi32>], vector<16xf32>,
        %mul3A_160 = arith.mulf %gather3A_159, %get3A_148 : vector<16xf32>
        %add3A_161 = arith.constant 10000 : i32
        %add3A_162 = vector.broadcast %add3A_161 : i32 to vector<16xi32>
        %add3A_163 = arith.addi %get3A_146, %add3A_162 : vector<16xi32>
        tpu.vector_store_idx %arg7[%add3A_163], %mul3A_160 {add = true} : memref<40000xf32, #tpu.memory_space<vmem>>[vector<16xi32>], vector<16xf32>,
        %add3A_164 = arith.constant 20000 : i32
        %add3A_165 = vector.broadcast %add3A_164 : i32 to vector<16xi32>
        %add3A_166 = arith.addi %get3A_144, %add3A_165 : vector<16xi32>
        %gather3A_167 = tpu.vector_load_idx %arg6[%add3A_166] : memref<40000xf32, #tpu.memory_space<vmem>>[vector<16xi32>], vector<16xf32>,
        %mul3A_168 = arith.mulf %gather3A_167, %get3A_148 : vector<16xf32>
        %add3A_169 = arith.constant 20000 : i32
        %add3A_170 = vector.broadcast %add3A_169 : i32 to vector<16xi32>
        %add3A_171 = arith.addi %get3A_146, %add3A_170 : vector<16xi32>
        tpu.vector_store_idx %arg7[%add3A_171], %mul3A_168 {add = true} : memref<40000xf32, #tpu.memory_space<vmem>>[vector<16xi32>], vector<16xf32>,
        %add3A_172 = arith.constant 30000 : i32
        %add3A_173 = vector.broadcast %add3A_172 : i32 to vector<16xi32>
        %add3A_174 = arith.addi %get3A_144, %add3A_173 : vector<16xi32>
        %gather3A_175 = tpu.vector_load_idx %arg6[%add3A_174] : memref<40000xf32, #tpu.memory_space<vmem>>[vector<16xi32>], vector<16xf32>,
        %mul3A_176 = arith.mulf %gather3A_175, %get3A_148 : vector<16xf32>
        %add3A_177 = arith.constant 30000 : i32
        %add3A_178 = vector.broadcast %add3A_177 : i32 to vector<16xi32>
        %add3A_179 = arith.addi %get3A_146, %add3A_178 : vector<16xi32>
        tpu.vector_store_idx %arg7[%add3A_179], %mul3A_176 {add = true} : memref<40000xf32, #tpu.memory_space<vmem>>[vector<16xi32>], vector<16xf32>,
        %scan3A_180 = arith.constant 0 : i32
        scf.yield %scan3A_180 : i32
      }
      %scan3A_98 = arith.constant 250 : i32
      %mul3A_99 = arith.constant 2 : i32
      %mul3A_100 = arith.muli %scan3A_58, %mul3A_99 : i32
      %add3A_101 = arith.constant 1 : i32
      %add3A_102 = arith.addi %mul3A_100, %add3A_101 : i32
      %add3A_103 = arith.constant 1 : i32
      %add3A_104 = arith.addi %add3A_102, %add3A_103 : i32
      %min3A_105 = arith.constant 79 : i32
      %min3A_106 = arith.minsi %add3A_104, %min3A_105 : i32
      %mul3A_107 = arith.constant 4000 : i32
      %mul3A_108 = arith.muli %min3A_106, %mul3A_107 : i32
      %add3A_109 = arith.constant 320000 : i32
      %add3A_110 = arith.addi %add3A_109, %mul3A_108 : i32
      %dma_start3A_111 = tpu.memref_slice %arg3[%add3A_110] : memref<640000xi32, #tpu.memory_space<hbm>> -> memref<4000xi32, #tpu.memory_space<hbm>>
      %dma_start3A_112 = tpu.memref_slice %arg3[%add3A_110] : memref<640000xi32, #tpu.memory_space<hbm>> -> memref<4000xi32, #tpu.memory_space<hbm>>
      tpu.enqueue_dma source(%dma_start3A_112 : memref<4000xi32, #tpu.memory_space<hbm>>) target(%arg8 : memref<4000xi32, #tpu.memory_space<vmem>>) target_semaphore(%arg14 : memref<!tpu.dma_semaphore, #tpu.memory_space<semaphore_mem>>)
      %dma_start3A_113 = tpu.memref_slice %arg3[%mul3A_108] : memref<640000xi32, #tpu.memory_space<hbm>> -> memref<4000xi32, #tpu.memory_space<hbm>>
      %dma_start3A_114 = tpu.memref_slice %arg3[%mul3A_108] : memref<640000xi32, #tpu.memory_space<hbm>> -> memref<4000xi32, #tpu.memory_space<hbm>>
      tpu.enqueue_dma source(%dma_start3A_114 : memref<4000xi32, #tpu.memory_space<hbm>>) target(%arg10 : memref<4000xi32, #tpu.memory_space<vmem>>) target_semaphore(%arg14 : memref<!tpu.dma_semaphore, #tpu.memory_space<semaphore_mem>>)
      %mul3A_115 = arith.constant 320000 : i32
      %mul3A_116 = arith.muli %select_n3A, %mul3A_115 : i32
      %add3A_117 = arith.addi %mul3A_116, %mul3A_108 : i32
      %dma_start3A_118 = tpu.memref_slice %arg4[%add3A_117] : memref<1280000xf32, #tpu.memory_space<hbm>> -> memref<4000xf32, #tpu.memory_space<hbm>>
      %dma_start3A_119 = tpu.memref_slice %arg4[%add3A_117] : memref<1280000xf32, #tpu.memory_space<hbm>> -> memref<4000xf32, #tpu.memory_space<hbm>>
      tpu.enqueue_dma source(%dma_start3A_119 : memref<4000xf32, #tpu.memory_space<hbm>>) target(%arg12 : memref<4000xf32, #tpu.memory_space<vmem>>) target_semaphore(%arg14 : memref<!tpu.dma_semaphore, #tpu.memory_space<semaphore_mem>>)
      %dma_wait3A_120 = arith.constant 0 : i32
      %dma_wait3A_121 = tpu.memref_slice %arg3[%dma_wait3A_120] : memref<640000xi32, #tpu.memory_space<hbm>> -> memref<4000xi32, #tpu.memory_space<hbm>>
      %dma_wait3A_122 = arith.constant 0 : i32
      %dma_wait3A_123 = tpu.memref_slice %arg3[%dma_wait3A_122] : memref<640000xi32, #tpu.memory_space<hbm>> -> memref<4000xi32, #tpu.memory_space<hbm>>
      tpu.wait_dma2 semaphore(%arg15 : memref<!tpu.dma_semaphore, #tpu.memory_space<semaphore_mem>>) src(%dma_wait3A_123 : memref<4000xi32, #tpu.memory_space<hbm>>) dst(%arg9 : memref<4000xi32, #tpu.memory_space<vmem>>)
      %dma_wait3A_124 = arith.constant 0 : i32
      %dma_wait3A_125 = tpu.memref_slice %arg3[%dma_wait3A_124] : memref<640000xi32, #tpu.memory_space<hbm>> -> memref<4000xi32, #tpu.memory_space<hbm>>
      %dma_wait3A_126 = arith.constant 0 : i32
      %dma_wait3A_127 = tpu.memref_slice %arg3[%dma_wait3A_126] : memref<640000xi32, #tpu.memory_space<hbm>> -> memref<4000xi32, #tpu.memory_space<hbm>>
      tpu.wait_dma2 semaphore(%arg15 : memref<!tpu.dma_semaphore, #tpu.memory_space<semaphore_mem>>) src(%dma_wait3A_127 : memref<4000xi32, #tpu.memory_space<hbm>>) dst(%arg11 : memref<4000xi32, #tpu.memory_space<vmem>>)
      %dma_wait3A_128 = arith.constant 0 : i32
      %dma_wait3A_129 = tpu.memref_slice %arg4[%dma_wait3A_128] : memref<1280000xf32, #tpu.memory_space<hbm>> -> memref<4000xf32, #tpu.memory_space<hbm>>
      %dma_wait3A_130 = arith.constant 0 : i32
      %dma_wait3A_131 = tpu.memref_slice %arg4[%dma_wait3A_130] : memref<1280000xf32, #tpu.memory_space<hbm>> -> memref<4000xf32, #tpu.memory_space<hbm>>
      tpu.wait_dma2 semaphore(%arg15 : memref<!tpu.dma_semaphore, #tpu.memory_space<semaphore_mem>>) src(%dma_wait3A_131 : memref<4000xf32, #tpu.memory_space<hbm>>) dst(%arg13 : memref<4000xf32, #tpu.memory_space<vmem>>)
      %scan3A_132 = arith.constant 0 : i32
      %scan3A_133 = arith.constant 0 : i32
      %scan3A_134 = arith.constant 250 : i32
      %scan3A_135 = arith.addi %scan3A_133, %scan3A_134 : i32
      %scan3A_136 = arith.constant 1 : i32
      %scan3A_137 = scf.for %scan3A_140 = %scan3A_133 to %scan3A_135 step %scan3A_136 iter_args(%scan3A_141 = %scan3A_132) -> (i32)  : i32 {
        %mul3A_142 = arith.constant 16 : i32
        %mul3A_143 = arith.muli %scan3A_140, %mul3A_142 : i32
        %get3A = arith.index_cast %mul3A_143 : i32 to index
        %get3A_144 = tpu.vector_load %arg9[%get3A] {strides = array<i32>} : memref<4000xi32, #tpu.memory_space<vmem>>, vector<16xi32>,
        %get3A_145 = arith.index_cast %mul3A_143 : i32 to index
        %get3A_146 = tpu.vector_load %arg11[%get3A_145] {strides = array<i32>} : memref<4000xi32, #tpu.memory_space<vmem>>, vector<16xi32>,
        %get3A_147 = arith.index_cast %mul3A_143 : i32 to index
        %get3A_148 = tpu.vector_load %arg13[%get3A_147] {strides = array<i32>} : memref<4000xf32, #tpu.memory_space<vmem>>, vector<16xf32>,
        %add3A_149 = arith.constant 0 : i32
        %add3A_150 = vector.broadcast %add3A_149 : i32 to vector<16xi32>
        %add3A_151 = arith.addi %get3A_144, %add3A_150 : vector<16xi32>
        %gather3A = tpu.vector_load_idx %arg6[%add3A_151] : memref<40000xf32, #tpu.memory_space<vmem>>[vector<16xi32>], vector<16xf32>,
        %mul3A_152 = arith.mulf %gather3A, %get3A_148 : vector<16xf32>
        %add3A_153 = arith.constant 0 : i32
        %add3A_154 = vector.broadcast %add3A_153 : i32 to vector<16xi32>
        %add3A_155 = arith.addi %get3A_146, %add3A_154 : vector<16xi32>
        tpu.vector_store_idx %arg7[%add3A_155], %mul3A_152 {add = true} : memref<40000xf32, #tpu.memory_space<vmem>>[vector<16xi32>], vector<16xf32>,
        %add3A_156 = arith.constant 10000 : i32
        %add3A_157 = vector.broadcast %add3A_156 : i32 to vector<16xi32>
        %add3A_158 = arith.addi %get3A_144, %add3A_157 : vector<16xi32>
        %gather3A_159 = tpu.vector_load_idx %arg6[%add3A_158] : memref<40000xf32, #tpu.memory_space<vmem>>[vector<16xi32>], vector<16xf32>,
        %mul3A_160 = arith.mulf %gather3A_159, %get3A_148 : vector<16xf32>
        %add3A_161 = arith.constant 10000 : i32
        %add3A_162 = vector.broadcast %add3A_161 : i32 to vector<16xi32>
        %add3A_163 = arith.addi %get3A_146, %add3A_162 : vector<16xi32>
        tpu.vector_store_idx %arg7[%add3A_163], %mul3A_160 {add = true} : memref<40000xf32, #tpu.memory_space<vmem>>[vector<16xi32>], vector<16xf32>,
        %add3A_164 = arith.constant 20000 : i32
        %add3A_165 = vector.broadcast %add3A_164 : i32 to vector<16xi32>
        %add3A_166 = arith.addi %get3A_144, %add3A_165 : vector<16xi32>
        %gather3A_167 = tpu.vector_load_idx %arg6[%add3A_166] : memref<40000xf32, #tpu.memory_space<vmem>>[vector<16xi32>], vector<16xf32>,
        %mul3A_168 = arith.mulf %gather3A_167, %get3A_148 : vector<16xf32>
        %add3A_169 = arith.constant 20000 : i32
        %add3A_170 = vector.broadcast %add3A_169 : i32 to vector<16xi32>
        %add3A_171 = arith.addi %get3A_146, %add3A_170 : vector<16xi32>
        tpu.vector_store_idx %arg7[%add3A_171], %mul3A_168 {add = true} : memref<40000xf32, #tpu.memory_space<vmem>>[vector<16xi32>], vector<16xf32>,
        %add3A_172 = arith.constant 30000 : i32
        %add3A_173 = vector.broadcast %add3A_172 : i32 to vector<16xi32>
        %add3A_174 = arith.addi %get3A_144, %add3A_173 : vector<16xi32>
        %gather3A_175 = tpu.vector_load_idx %arg6[%add3A_174] : memref<40000xf32, #tpu.memory_space<vmem>>[vector<16xi32>], vector<16xf32>,
        %mul3A_176 = arith.mulf %gather3A_175, %get3A_148 : vector<16xf32>
        %add3A_177 = arith.constant 30000 : i32
        %add3A_178 = vector.broadcast %add3A_177 : i32 to vector<16xi32>
        %add3A_179 = arith.addi %get3A_146, %add3A_178 : vector<16xi32>
        tpu.vector_store_idx %arg7[%add3A_179], %mul3A_176 {add = true} : memref<40000xf32, #tpu.memory_space<vmem>>[vector<16xi32>], vector<16xf32>,
        %scan3A_180 = arith.constant 0 : i32
        scf.yield %scan3A_180 : i32
      }
      %scan3A_138 = arith.constant 250 : i32
      %scan3A_139 = arith.constant 0 : i32
      scf.yield %scan3A_139 : i32
    }
    %scan3A_44 = arith.constant 40 : i32
    %dma_wait3A = arith.constant 0 : i32
    %dma_wait3A_45 = tpu.memref_slice %arg3[%dma_wait3A] : memref<640000xi32, #tpu.memory_space<hbm>> -> memref<4000xi32, #tpu.memory_space<hbm>>
    %dma_wait3A_46 = arith.constant 0 : i32
    %dma_wait3A_47 = tpu.memref_slice %arg3[%dma_wait3A_46] : memref<640000xi32, #tpu.memory_space<hbm>> -> memref<4000xi32, #tpu.memory_space<hbm>>
    tpu.wait_dma2 semaphore(%arg14 : memref<!tpu.dma_semaphore, #tpu.memory_space<semaphore_mem>>) src(%dma_wait3A_47 : memref<4000xi32, #tpu.memory_space<hbm>>) dst(%arg8 : memref<4000xi32, #tpu.memory_space<vmem>>)
    %dma_wait3A_48 = arith.constant 0 : i32
    %dma_wait3A_49 = tpu.memref_slice %arg3[%dma_wait3A_48] : memref<640000xi32, #tpu.memory_space<hbm>> -> memref<4000xi32, #tpu.memory_space<hbm>>
    %dma_wait3A_50 = arith.constant 0 : i32
    %dma_wait3A_51 = tpu.memref_slice %arg3[%dma_wait3A_50] : memref<640000xi32, #tpu.memory_space<hbm>> -> memref<4000xi32, #tpu.memory_space<hbm>>
    tpu.wait_dma2 semaphore(%arg14 : memref<!tpu.dma_semaphore, #tpu.memory_space<semaphore_mem>>) src(%dma_wait3A_51 : memref<4000xi32, #tpu.memory_space<hbm>>) dst(%arg10 : memref<4000xi32, #tpu.memory_space<vmem>>)
    %dma_wait3A_52 = arith.constant 0 : i32
    %dma_wait3A_53 = tpu.memref_slice %arg4[%dma_wait3A_52] : memref<1280000xf32, #tpu.memory_space<hbm>> -> memref<4000xf32, #tpu.memory_space<hbm>>
    %dma_wait3A_54 = arith.constant 0 : i32
    %dma_wait3A_55 = tpu.memref_slice %arg4[%dma_wait3A_54] : memref<1280000xf32, #tpu.memory_space<hbm>> -> memref<4000xf32, #tpu.memory_space<hbm>>
    tpu.wait_dma2 semaphore(%arg14 : memref<!tpu.dma_semaphore, #tpu.memory_space<semaphore_mem>>) src(%dma_wait3A_55 : memref<4000xf32, #tpu.memory_space<hbm>>) dst(%arg12 : memref<4000xf32, #tpu.memory_space<vmem>>)
    %mul3A_56 = arith.constant 40000 : i32
    %mul3A_57 = arith.muli %add3A, %mul3A_56 : i32
    "tpu.region"() ({
      %run_scoped3A = tpu.sem_alloc : memref<!tpu.dma_semaphore, #tpu.memory_space<semaphore_mem>>
      %dma_start3A_58 = tpu.memref_slice %arg5[%mul3A_57] : memref<1280000xf32, #tpu.memory_space<hbm>> -> memref<40000xf32, #tpu.memory_space<hbm>>
      %dma_start3A_59 = tpu.memref_slice %arg5[%mul3A_57] : memref<1280000xf32, #tpu.memory_space<hbm>> -> memref<40000xf32, #tpu.memory_space<hbm>>
      tpu.enqueue_dma source(%arg7 : memref<40000xf32, #tpu.memory_space<vmem>>) target(%dma_start3A_59 : memref<40000xf32, #tpu.memory_space<hbm>>) target_semaphore(%run_scoped3A : memref<!tpu.dma_semaphore, #tpu.memory_space<semaphore_mem>>)
      %dma_wait3A_60 = tpu.memref_slice %arg5[%mul3A_57] : memref<1280000xf32, #tpu.memory_space<hbm>> -> memref<40000xf32, #tpu.memory_space<hbm>>
      %dma_wait3A_61 = tpu.memref_slice %arg5[%mul3A_57] : memref<1280000xf32, #tpu.memory_space<hbm>> -> memref<40000xf32, #tpu.memory_space<hbm>>
      tpu.wait_dma2 semaphore(%run_scoped3A : memref<!tpu.dma_semaphore, #tpu.memory_space<semaphore_mem>>) src(%arg7 : memref<40000xf32, #tpu.memory_space<vmem>>) dst(%dma_wait3A_61 : memref<40000xf32, #tpu.memory_space<hbm>>)
      tpu.yield
    }) : () -> ()
    return
  }
}

#map = affine_map<(d0, d1) -> (0)>
module attributes {stable_mosaic.version = 14 : i64} {
  func.func @_sc_alpha(%arg0: i32, %arg1: i32, %arg2: memref<1360000xf32, #tpu.memory_space<hbm>>, %arg3: memref<640000xi32, #tpu.memory_space<hbm>>, %arg4: memref<16xf32, #tpu.memory_space<hbm>>, %arg5: memref<16xf32, #tpu.memory_space<hbm>>, %arg6: memref<1280000xf32, #tpu.memory_space<hbm>>, %arg7: memref<80000xf32, #tpu.memory_space<vmem>>, %arg8: memref<2000xi32, #tpu.memory_space<vmem>>, %arg9: memref<2000xi32, #tpu.memory_space<vmem>>, %arg10: memref<2000xi32, #tpu.memory_space<vmem>>, %arg11: memref<2000xi32, #tpu.memory_space<vmem>>, %arg12: memref<8000xf32, #tpu.memory_space<vmem>>, %arg13: memref<8000xf32, #tpu.memory_space<vmem>>, %arg14: memref<16xf32, #tpu.memory_space<vmem>>, %arg15: memref<16xf32, #tpu.memory_space<vmem>>, %arg16: memref<!tpu.dma_semaphore, #tpu.memory_space<semaphore_mem>>, %arg17: memref<!tpu.dma_semaphore, #tpu.memory_space<semaphore_mem>>, %arg18: memref<!tpu.dma_semaphore, #tpu.memory_space<semaphore_mem>>, %arg19: memref<!tpu.dma_semaphore, #tpu.memory_space<semaphore_mem>>) attributes {dimension_semantics = [#tpu.dimension_semantics<core_parallel>, #tpu.dimension_semantics<subcore_parallel>], iteration_bounds = array<i64: 2, 16>, scalar_prefetch = 0 : i64, scratch_operands = 13 : i64, tpu.core_type = #tpu.core_type<sc_vector_subcore>, window_params = [{transform_indices = #map}, {transform_indices = #map}, {transform_indices = #map}, {transform_indices = #map}, {transform_indices = #map}]} {
    %mul3A = arith.constant 2 : i32
    %mul3A_0 = arith.muli %arg1, %mul3A : i32
    %add3A = arith.addi %mul3A_0, %arg0 : i32
    %mul3A_1 = arith.constant 10000 : i32
    %mul3A_2 = arith.muli %add3A, %mul3A_1 : i32
    %add3A_3 = arith.constant 0 : i32
    %add3A_4 = arith.addi %mul3A_2, %add3A_3 : i32
    %add3A_5 = arith.constant 320000 : i32
    %add3A_6 = arith.addi %add3A_5, %add3A_4 : i32
    %dma_start3A = tpu.memref_slice %arg3[%add3A_6] : memref<640000xi32, #tpu.memory_space<hbm>> -> memref<2000xi32, #tpu.memory_space<hbm>>
    %dma_start3A_7 = tpu.memref_slice %arg3[%add3A_6] : memref<640000xi32, #tpu.memory_space<hbm>> -> memref<2000xi32, #tpu.memory_space<hbm>>
    tpu.enqueue_dma source(%dma_start3A_7 : memref<2000xi32, #tpu.memory_space<hbm>>) target(%arg8 : memref<2000xi32, #tpu.memory_space<vmem>>) target_semaphore(%arg16 : memref<!tpu.dma_semaphore, #tpu.memory_space<semaphore_mem>>)
    %dma_start3A_8 = tpu.memref_slice %arg3[%add3A_4] : memref<640000xi32, #tpu.memory_space<hbm>> -> memref<2000xi32, #tpu.memory_space<hbm>>
    %dma_start3A_9 = tpu.memref_slice %arg3[%add3A_4] : memref<640000xi32, #tpu.memory_space<hbm>> -> memref<2000xi32, #tpu.memory_space<hbm>>
    tpu.enqueue_dma source(%dma_start3A_9 : memref<2000xi32, #tpu.memory_space<hbm>>) target(%arg10 : memref<2000xi32, #tpu.memory_space<vmem>>) target_semaphore(%arg16 : memref<!tpu.dma_semaphore, #tpu.memory_space<semaphore_mem>>)
    "tpu.region"() ({
      %run_scoped3A = tpu.sem_alloc : memref<!tpu.dma_semaphore, #tpu.memory_space<semaphore_mem>>
      %dma_start3A_1165 = arith.constant 1280000 : i32
      %dma_start3A_1166 = tpu.memref_slice %arg2[%dma_start3A_1165] : memref<1360000xf32, #tpu.memory_space<hbm>> -> memref<80000xf32, #tpu.memory_space<hbm>>
      %dma_start3A_1167 = arith.constant 1280000 : i32
      %dma_start3A_1168 = tpu.memref_slice %arg2[%dma_start3A_1167] : memref<1360000xf32, #tpu.memory_space<hbm>> -> memref<80000xf32, #tpu.memory_space<hbm>>
      tpu.enqueue_dma source(%dma_start3A_1168 : memref<80000xf32, #tpu.memory_space<hbm>>) target(%arg7 : memref<80000xf32, #tpu.memory_space<vmem>>) target_semaphore(%run_scoped3A : memref<!tpu.dma_semaphore, #tpu.memory_space<semaphore_mem>>)
      %dma_wait3A_1169 = arith.constant 1280000 : i32
      %dma_wait3A_1170 = tpu.memref_slice %arg2[%dma_wait3A_1169] : memref<1360000xf32, #tpu.memory_space<hbm>> -> memref<80000xf32, #tpu.memory_space<hbm>>
      %dma_wait3A_1171 = arith.constant 1280000 : i32
      %dma_wait3A_1172 = tpu.memref_slice %arg2[%dma_wait3A_1171] : memref<1360000xf32, #tpu.memory_space<hbm>> -> memref<80000xf32, #tpu.memory_space<hbm>>
      tpu.wait_dma2 semaphore(%run_scoped3A : memref<!tpu.dma_semaphore, #tpu.memory_space<semaphore_mem>>) src(%dma_wait3A_1172 : memref<80000xf32, #tpu.memory_space<hbm>>) dst(%arg7 : memref<80000xf32, #tpu.memory_space<vmem>>)
      tpu.yield
    }) : () -> ()
    "tpu.region"() ({
      %run_scoped3A = tpu.sem_alloc : memref<!tpu.dma_semaphore, #tpu.memory_space<semaphore_mem>>
      tpu.enqueue_dma source(%arg4 : memref<16xf32, #tpu.memory_space<hbm>>) target(%arg14 : memref<16xf32, #tpu.memory_space<vmem>>) target_semaphore(%run_scoped3A : memref<!tpu.dma_semaphore, #tpu.memory_space<semaphore_mem>>)
      tpu.wait_dma2 semaphore(%run_scoped3A : memref<!tpu.dma_semaphore, #tpu.memory_space<semaphore_mem>>) src(%arg4 : memref<16xf32, #tpu.memory_space<hbm>>) dst(%arg14 : memref<16xf32, #tpu.memory_space<vmem>>)
      tpu.yield
    }) : () -> ()
    "tpu.region"() ({
      %run_scoped3A = tpu.sem_alloc : memref<!tpu.dma_semaphore, #tpu.memory_space<semaphore_mem>>
      tpu.enqueue_dma source(%arg5 : memref<16xf32, #tpu.memory_space<hbm>>) target(%arg15 : memref<16xf32, #tpu.memory_space<vmem>>) target_semaphore(%run_scoped3A : memref<!tpu.dma_semaphore, #tpu.memory_space<semaphore_mem>>)
      tpu.wait_dma2 semaphore(%run_scoped3A : memref<!tpu.dma_semaphore, #tpu.memory_space<semaphore_mem>>) src(%arg5 : memref<16xf32, #tpu.memory_space<hbm>>) dst(%arg15 : memref<16xf32, #tpu.memory_space<vmem>>)
      tpu.yield
    }) : () -> ()
    %get3A = arith.constant 0 : index
    %get3A_10 = tpu.vector_load %arg14[%get3A] {strides = array<i32>} : memref<16xf32, #tpu.memory_space<vmem>>, vector<16xf32>,
    %get3A_11 = arith.constant 0 : index
    %get3A_12 = tpu.vector_load %arg15[%get3A_11] {strides = array<i32>} : memref<16xf32, #tpu.memory_space<vmem>>, vector<16xf32>,
    %slice3A = vector.extract_strided_slice %get3A_10 {offsets = [0], sizes = [1], strides = [1]} : vector<16xf32> to vector<1xf32>
    %squeeze3A = vector.extract %slice3A[0] : f32 from vector<1xf32>
    %slice3A_13 = vector.extract_strided_slice %get3A_10 {offsets = [1], sizes = [1], strides = [1]} : vector<16xf32> to vector<1xf32>
    %squeeze3A_14 = vector.extract %slice3A_13[0] : f32 from vector<1xf32>
    %slice3A_15 = vector.extract_strided_slice %get3A_10 {offsets = [2], sizes = [1], strides = [1]} : vector<16xf32> to vector<1xf32>
    %squeeze3A_16 = vector.extract %slice3A_15[0] : f32 from vector<1xf32>
    %slice3A_17 = vector.extract_strided_slice %get3A_10 {offsets = [3], sizes = [1], strides = [1]} : vector<16xf32> to vector<1xf32>
    %squeeze3A_18 = vector.extract %slice3A_17[0] : f32 from vector<1xf32>
    %slice3A_19 = vector.extract_strided_slice %get3A_10 {offsets = [4], sizes = [1], strides = [1]} : vector<16xf32> to vector<1xf32>
    %squeeze3A_20 = vector.extract %slice3A_19[0] : f32 from vector<1xf32>
    %slice3A_21 = vector.extract_strided_slice %get3A_10 {offsets = [5], sizes = [1], strides = [1]} : vector<16xf32> to vector<1xf32>
    %squeeze3A_22 = vector.extract %slice3A_21[0] : f32 from vector<1xf32>
    %slice3A_23 = vector.extract_strided_slice %get3A_10 {offsets = [6], sizes = [1], strides = [1]} : vector<16xf32> to vector<1xf32>
    %squeeze3A_24 = vector.extract %slice3A_23[0] : f32 from vector<1xf32>
    %slice3A_25 = vector.extract_strided_slice %get3A_10 {offsets = [7], sizes = [1], strides = [1]} : vector<16xf32> to vector<1xf32>
    %squeeze3A_26 = vector.extract %slice3A_25[0] : f32 from vector<1xf32>
    %slice3A_27 = vector.extract_strided_slice %get3A_10 {offsets = [8], sizes = [1], strides = [1]} : vector<16xf32> to vector<1xf32>
    %squeeze3A_28 = vector.extract %slice3A_27[0] : f32 from vector<1xf32>
    %slice3A_29 = vector.extract_strided_slice %get3A_10 {offsets = [9], sizes = [1], strides = [1]} : vector<16xf32> to vector<1xf32>
    %squeeze3A_30 = vector.extract %slice3A_29[0] : f32 from vector<1xf32>
    %slice3A_31 = vector.extract_strided_slice %get3A_10 {offsets = [10], sizes = [1], strides = [1]} : vector<16xf32> to vector<1xf32>
    %squeeze3A_32 = vector.extract %slice3A_31[0] : f32 from vector<1xf32>
    %slice3A_33 = vector.extract_strided_slice %get3A_10 {offsets = [11], sizes = [1], strides = [1]} : vector<16xf32> to vector<1xf32>
    %squeeze3A_34 = vector.extract %slice3A_33[0] : f32 from vector<1xf32>
    %slice3A_35 = vector.extract_strided_slice %get3A_10 {offsets = [12], sizes = [1], strides = [1]} : vector<16xf32> to vector<1xf32>
    %squeeze3A_36 = vector.extract %slice3A_35[0] : f32 from vector<1xf32>
    %slice3A_37 = vector.extract_strided_slice %get3A_10 {offsets = [13], sizes = [1], strides = [1]} : vector<16xf32> to vector<1xf32>
    %squeeze3A_38 = vector.extract %slice3A_37[0] : f32 from vector<1xf32>
    %slice3A_39 = vector.extract_strided_slice %get3A_10 {offsets = [14], sizes = [1], strides = [1]} : vector<16xf32> to vector<1xf32>
    %squeeze3A_40 = vector.extract %slice3A_39[0] : f32 from vector<1xf32>
    %slice3A_41 = vector.extract_strided_slice %get3A_10 {offsets = [15], sizes = [1], strides = [1]} : vector<16xf32> to vector<1xf32>
    %squeeze3A_42 = vector.extract %slice3A_41[0] : f32 from vector<1xf32>
    %slice3A_43 = vector.extract_strided_slice %get3A_12 {offsets = [0], sizes = [1], strides = [1]} : vector<16xf32> to vector<1xf32>
    %squeeze3A_44 = vector.extract %slice3A_43[0] : f32 from vector<1xf32>
    %slice3A_45 = vector.extract_strided_slice %get3A_12 {offsets = [1], sizes = [1], strides = [1]} : vector<16xf32> to vector<1xf32>
    %squeeze3A_46 = vector.extract %slice3A_45[0] : f32 from vector<1xf32>
    %slice3A_47 = vector.extract_strided_slice %get3A_12 {offsets = [2], sizes = [1], strides = [1]} : vector<16xf32> to vector<1xf32>
    %squeeze3A_48 = vector.extract %slice3A_47[0] : f32 from vector<1xf32>
    %slice3A_49 = vector.extract_strided_slice %get3A_12 {offsets = [3], sizes = [1], strides = [1]} : vector<16xf32> to vector<1xf32>
    %squeeze3A_50 = vector.extract %slice3A_49[0] : f32 from vector<1xf32>
    %add3A_51 = arith.constant 2000 : i32
    %add3A_52 = arith.addi %mul3A_2, %add3A_51 : i32
    %add3A_53 = arith.constant 320000 : i32
    %add3A_54 = arith.addi %add3A_53, %add3A_52 : i32
    %dma_start3A_55 = tpu.memref_slice %arg3[%add3A_54] : memref<640000xi32, #tpu.memory_space<hbm>> -> memref<2000xi32, #tpu.memory_space<hbm>>
    %dma_start3A_56 = tpu.memref_slice %arg3[%add3A_54] : memref<640000xi32, #tpu.memory_space<hbm>> -> memref<2000xi32, #tpu.memory_space<hbm>>
    tpu.enqueue_dma source(%dma_start3A_56 : memref<2000xi32, #tpu.memory_space<hbm>>) target(%arg9 : memref<2000xi32, #tpu.memory_space<vmem>>) target_semaphore(%arg17 : memref<!tpu.dma_semaphore, #tpu.memory_space<semaphore_mem>>)
    %dma_start3A_57 = tpu.memref_slice %arg3[%add3A_52] : memref<640000xi32, #tpu.memory_space<hbm>> -> memref<2000xi32, #tpu.memory_space<hbm>>
    %dma_start3A_58 = tpu.memref_slice %arg3[%add3A_52] : memref<640000xi32, #tpu.memory_space<hbm>> -> memref<2000xi32, #tpu.memory_space<hbm>>
    tpu.enqueue_dma source(%dma_start3A_58 : memref<2000xi32, #tpu.memory_space<hbm>>) target(%arg11 : memref<2000xi32, #tpu.memory_space<vmem>>) target_semaphore(%arg17 : memref<!tpu.dma_semaphore, #tpu.memory_space<semaphore_mem>>)
    %dma_wait3A = arith.constant 0 : i32
    %dma_wait3A_59 = tpu.memref_slice %arg3[%dma_wait3A] : memref<640000xi32, #tpu.memory_space<hbm>> -> memref<2000xi32, #tpu.memory_space<hbm>>
    %dma_wait3A_60 = arith.constant 0 : i32
    %dma_wait3A_61 = tpu.memref_slice %arg3[%dma_wait3A_60] : memref<640000xi32, #tpu.memory_space<hbm>> -> memref<2000xi32, #tpu.memory_space<hbm>>
    tpu.wait_dma2 semaphore(%arg16 : memref<!tpu.dma_semaphore, #tpu.memory_space<semaphore_mem>>) src(%dma_wait3A_61 : memref<2000xi32, #tpu.memory_space<hbm>>) dst(%arg8 : memref<2000xi32, #tpu.memory_space<vmem>>)
    %dma_wait3A_62 = arith.constant 0 : i32
    %dma_wait3A_63 = tpu.memref_slice %arg3[%dma_wait3A_62] : memref<640000xi32, #tpu.memory_space<hbm>> -> memref<2000xi32, #tpu.memory_space<hbm>>
    %dma_wait3A_64 = arith.constant 0 : i32
    %dma_wait3A_65 = tpu.memref_slice %arg3[%dma_wait3A_64] : memref<640000xi32, #tpu.memory_space<hbm>> -> memref<2000xi32, #tpu.memory_space<hbm>>
    tpu.wait_dma2 semaphore(%arg16 : memref<!tpu.dma_semaphore, #tpu.memory_space<semaphore_mem>>) src(%dma_wait3A_65 : memref<2000xi32, #tpu.memory_space<hbm>>) dst(%arg10 : memref<2000xi32, #tpu.memory_space<vmem>>)
    %scan3A = arith.constant 0 : i32
    %scan3A_66 = arith.constant 0 : i32
    %scan3A_67 = arith.constant 124 : i32
    %scan3A_68 = arith.addi %scan3A_66, %scan3A_67 : i32
    %scan3A_69 = arith.constant 2 : i32
    %scan3A_70 = scf.for %scan3A_1165 = %scan3A_66 to %scan3A_68 step %scan3A_69 iter_args(%scan3A_1166 = %scan3A) -> (i32)  : i32 {
      %mul3A_1167 = arith.constant 16 : i32
      %mul3A_1168 = arith.muli %scan3A_1165, %mul3A_1167 : i32
      %get3A_1169 = arith.index_cast %mul3A_1168 : i32 to index
      %get3A_1170 = tpu.vector_load %arg8[%get3A_1169] {strides = array<i32>} : memref<2000xi32, #tpu.memory_space<vmem>>, vector<16xi32>,
      %get3A_1171 = arith.index_cast %mul3A_1168 : i32 to index
      %get3A_1172 = tpu.vector_load %arg10[%get3A_1171] {strides = array<i32>} : memref<2000xi32, #tpu.memory_space<vmem>>, vector<16xi32>,
      %add3A_1173 = arith.constant 40000 : i32
      %add3A_1174 = vector.broadcast %add3A_1173 : i32 to vector<16xi32>
      %add3A_1175 = arith.addi %get3A_1172, %add3A_1174 : vector<16xi32>
      %add3A_1176 = arith.constant 0 : i32
      %add3A_1177 = vector.broadcast %add3A_1176 : i32 to vector<16xi32>
      %add3A_1178 = arith.addi %get3A_1170, %add3A_1177 : vector<16xi32>
      %gather3A_1179 = tpu.vector_load_idx %arg7[%add3A_1178] : memref<80000xf32, #tpu.memory_space<vmem>>[vector<16xi32>], vector<16xf32>,
      %add3A_1180 = arith.constant 0 : i32
      %add3A_1181 = vector.broadcast %add3A_1180 : i32 to vector<16xi32>
      %add3A_1182 = arith.addi %add3A_1175, %add3A_1181 : vector<16xi32>
      %gather3A_1183 = tpu.vector_load_idx %arg7[%add3A_1182] : memref<80000xf32, #tpu.memory_space<vmem>>[vector<16xi32>], vector<16xf32>,
      %add3A_1184 = arith.addf %gather3A_1179, %gather3A_1183 : vector<16xf32>
      %add3A_1185 = arith.constant 10000 : i32
      %add3A_1186 = vector.broadcast %add3A_1185 : i32 to vector<16xi32>
      %add3A_1187 = arith.addi %get3A_1170, %add3A_1186 : vector<16xi32>
      %gather3A_1188 = tpu.vector_load_idx %arg7[%add3A_1187] : memref<80000xf32, #tpu.memory_space<vmem>>[vector<16xi32>], vector<16xf32>,
      %add3A_1189 = arith.constant 10000 : i32
      %add3A_1190 = vector.broadcast %add3A_1189 : i32 to vector<16xi32>
      %add3A_1191 = arith.addi %add3A_1175, %add3A_1190 : vector<16xi32>
      %gather3A_1192 = tpu.vector_load_idx %arg7[%add3A_1191] : memref<80000xf32, #tpu.memory_space<vmem>>[vector<16xi32>], vector<16xf32>,
      %add3A_1193 = arith.addf %gather3A_1188, %gather3A_1192 : vector<16xf32>
      %add3A_1194 = arith.constant 20000 : i32
      %add3A_1195 = vector.broadcast %add3A_1194 : i32 to vector<16xi32>
      %add3A_1196 = arith.addi %get3A_1170, %add3A_1195 : vector<16xi32>
      %gather3A_1197 = tpu.vector_load_idx %arg7[%add3A_1196] : memref<80000xf32, #tpu.memory_space<vmem>>[vector<16xi32>], vector<16xf32>,
      %add3A_1198 = arith.constant 20000 : i32
      %add3A_1199 = vector.broadcast %add3A_1198 : i32 to vector<16xi32>
      %add3A_1200 = arith.addi %add3A_1175, %add3A_1199 : vector<16xi32>
      %gather3A_1201 = tpu.vector_load_idx %arg7[%add3A_1200] : memref<80000xf32, #tpu.memory_space<vmem>>[vector<16xi32>], vector<16xf32>,
      %add3A_1202 = arith.addf %gather3A_1197, %gather3A_1201 : vector<16xf32>
      %add3A_1203 = arith.constant 30000 : i32
      %add3A_1204 = vector.broadcast %add3A_1203 : i32 to vector<16xi32>
      %add3A_1205 = arith.addi %get3A_1170, %add3A_1204 : vector<16xi32>
      %gather3A_1206 = tpu.vector_load_idx %arg7[%add3A_1205] : memref<80000xf32, #tpu.memory_space<vmem>>[vector<16xi32>], vector<16xf32>,
      %add3A_1207 = arith.constant 30000 : i32
      %add3A_1208 = vector.broadcast %add3A_1207 : i32 to vector<16xi32>
      %add3A_1209 = arith.addi %add3A_1175, %add3A_1208 : vector<16xi32>
      %gather3A_1210 = tpu.vector_load_idx %arg7[%add3A_1209] : memref<80000xf32, #tpu.memory_space<vmem>>[vector<16xi32>], vector<16xf32>,
      %add3A_1211 = arith.addf %gather3A_1206, %gather3A_1210 : vector<16xf32>
      %mul3A_1212 = vector.broadcast %squeeze3A : f32 to vector<16xf32>
      %mul3A_1213 = arith.mulf %add3A_1184, %mul3A_1212 : vector<16xf32>
      %add3A_1214 = vector.broadcast %squeeze3A_44 : f32 to vector<16xf32>
      %add3A_1215 = arith.addf %add3A_1214, %mul3A_1213 : vector<16xf32>
      %mul3A_1216 = vector.broadcast %squeeze3A_14 : f32 to vector<16xf32>
      %mul3A_1217 = arith.mulf %add3A_1193, %mul3A_1216 : vector<16xf32>
      %add3A_1218 = arith.addf %add3A_1215, %mul3A_1217 : vector<16xf32>
      %mul3A_1219 = vector.broadcast %squeeze3A_16 : f32 to vector<16xf32>
      %mul3A_1220 = arith.mulf %add3A_1202, %mul3A_1219 : vector<16xf32>
      %add3A_1221 = arith.addf %add3A_1218, %mul3A_1220 : vector<16xf32>
      %mul3A_1222 = vector.broadcast %squeeze3A_18 : f32 to vector<16xf32>
      %mul3A_1223 = arith.mulf %add3A_1211, %mul3A_1222 : vector<16xf32>
      %add3A_1224 = arith.addf %add3A_1221, %mul3A_1223 : vector<16xf32>
      %mul3A_1225 = vector.broadcast %squeeze3A_20 : f32 to vector<16xf32>
      %mul3A_1226 = arith.mulf %add3A_1184, %mul3A_1225 : vector<16xf32>
      %add3A_1227 = vector.broadcast %squeeze3A_46 : f32 to vector<16xf32>
      %add3A_1228 = arith.addf %add3A_1227, %mul3A_1226 : vector<16xf32>
      %mul3A_1229 = vector.broadcast %squeeze3A_22 : f32 to vector<16xf32>
      %mul3A_1230 = arith.mulf %add3A_1193, %mul3A_1229 : vector<16xf32>
      %add3A_1231 = arith.addf %add3A_1228, %mul3A_1230 : vector<16xf32>
      %mul3A_1232 = vector.broadcast %squeeze3A_24 : f32 to vector<16xf32>
      %mul3A_1233 = arith.mulf %add3A_1202, %mul3A_1232 : vector<16xf32>
      %add3A_1234 = arith.addf %add3A_1231, %mul3A_1233 : vector<16xf32>
      %mul3A_1235 = vector.broadcast %squeeze3A_26 : f32 to vector<16xf32>
      %mul3A_1236 = arith.mulf %add3A_1211, %mul3A_1235 : vector<16xf32>
      %add3A_1237 = arith.addf %add3A_1234, %mul3A_1236 : vector<16xf32>
      %mul3A_1238 = vector.broadcast %squeeze3A_28 : f32 to vector<16xf32>
      %mul3A_1239 = arith.mulf %add3A_1184, %mul3A_1238 : vector<16xf32>
      %add3A_1240 = vector.broadcast %squeeze3A_48 : f32 to vector<16xf32>
      %add3A_1241 = arith.addf %add3A_1240, %mul3A_1239 : vector<16xf32>
      %mul3A_1242 = vector.broadcast %squeeze3A_30 : f32 to vector<16xf32>
      %mul3A_1243 = arith.mulf %add3A_1193, %mul3A_1242 : vector<16xf32>
      %add3A_1244 = arith.addf %add3A_1241, %mul3A_1243 : vector<16xf32>
      %mul3A_1245 = vector.broadcast %squeeze3A_32 : f32 to vector<16xf32>
      %mul3A_1246 = arith.mulf %add3A_1202, %mul3A_1245 : vector<16xf32>
      %add3A_1247 = arith.addf %add3A_1244, %mul3A_1246 : vector<16xf32>
      %mul3A_1248 = vector.broadcast %squeeze3A_34 : f32 to vector<16xf32>
      %mul3A_1249 = arith.mulf %add3A_1211, %mul3A_1248 : vector<16xf32>
      %add3A_1250 = arith.addf %add3A_1247, %mul3A_1249 : vector<16xf32>
      %mul3A_1251 = vector.broadcast %squeeze3A_36 : f32 to vector<16xf32>
      %mul3A_1252 = arith.mulf %add3A_1184, %mul3A_1251 : vector<16xf32>
      %add3A_1253 = vector.broadcast %squeeze3A_50 : f32 to vector<16xf32>
      %add3A_1254 = arith.addf %add3A_1253, %mul3A_1252 : vector<16xf32>
      %mul3A_1255 = vector.broadcast %squeeze3A_38 : f32 to vector<16xf32>
      %mul3A_1256 = arith.mulf %add3A_1193, %mul3A_1255 : vector<16xf32>
      %add3A_1257 = arith.addf %add3A_1254, %mul3A_1256 : vector<16xf32>
      %mul3A_1258 = vector.broadcast %squeeze3A_40 : f32 to vector<16xf32>
      %mul3A_1259 = arith.mulf %add3A_1202, %mul3A_1258 : vector<16xf32>
      %add3A_1260 = arith.addf %add3A_1257, %mul3A_1259 : vector<16xf32>
      %mul3A_1261 = vector.broadcast %squeeze3A_42 : f32 to vector<16xf32>
      %mul3A_1262 = arith.mulf %add3A_1211, %mul3A_1261 : vector<16xf32>
      %add3A_1263 = arith.addf %add3A_1260, %mul3A_1262 : vector<16xf32>
      %max3A_1264 = arith.maximumf %add3A_1224, %add3A_1237 : vector<16xf32>
      %max3A_1265 = arith.maximumf %add3A_1250, %add3A_1263 : vector<16xf32>
      %max3A_1266 = arith.maximumf %max3A_1264, %max3A_1265 : vector<16xf32>
      %sub3A_1267 = arith.subf %add3A_1224, %max3A_1266 : vector<16xf32>
      %exp3A_1268 = math.exp %sub3A_1267 : vector<16xf32>
      %sub3A_1269 = arith.subf %add3A_1237, %max3A_1266 : vector<16xf32>
      %exp3A_1270 = math.exp %sub3A_1269 : vector<16xf32>
      %sub3A_1271 = arith.subf %add3A_1250, %max3A_1266 : vector<16xf32>
      %exp3A_1272 = math.exp %sub3A_1271 : vector<16xf32>
      %sub3A_1273 = arith.subf %add3A_1263, %max3A_1266 : vector<16xf32>
      %exp3A_1274 = math.exp %sub3A_1273 : vector<16xf32>
      %add3A_1275 = arith.addf %exp3A_1268, %exp3A_1270 : vector<16xf32>
      %add3A_1276 = arith.addf %exp3A_1272, %exp3A_1274 : vector<16xf32>
      %add3A_1277 = arith.addf %add3A_1275, %add3A_1276 : vector<16xf32>
      %div3A_1278 = arith.constant 1.000000e+00 : f32
      %div3A_1279 = vector.broadcast %div3A_1278 : f32 to vector<16xf32>
      %div3A_1280 = arith.divf %div3A_1279, %add3A_1277 : vector<16xf32>
      %mul3A_1281 = arith.mulf %exp3A_1268, %div3A_1280 : vector<16xf32>
      %add3A_1282 = arith.constant 0 : i32
      %add3A_1283 = arith.addi %add3A_1282, %mul3A_1168 : i32
      %swap3A_1284 = arith.index_cast %add3A_1283 : i32 to index
      %swap3A_1285 = tpu.vector_load %arg12[%swap3A_1284] {strides = array<i32>} : memref<8000xf32, #tpu.memory_space<vmem>>, vector<16xf32>,
      tpu.vector_store %arg12[%swap3A_1284], %mul3A_1281 {strides = array<i32>} : memref<8000xf32, #tpu.memory_space<vmem>>, vector<16xf32>,
      %mul3A_1286 = arith.mulf %exp3A_1270, %div3A_1280 : vector<16xf32>
      %add3A_1287 = arith.constant 2000 : i32
      %add3A_1288 = arith.addi %add3A_1287, %mul3A_1168 : i32
      %swap3A_1289 = arith.index_cast %add3A_1288 : i32 to index
      %swap3A_1290 = tpu.vector_load %arg12[%swap3A_1289] {strides = array<i32>} : memref<8000xf32, #tpu.memory_space<vmem>>, vector<16xf32>,
      tpu.vector_store %arg12[%swap3A_1289], %mul3A_1286 {strides = array<i32>} : memref<8000xf32, #tpu.memory_space<vmem>>, vector<16xf32>,
      %mul3A_1291 = arith.mulf %exp3A_1272, %div3A_1280 : vector<16xf32>
      %add3A_1292 = arith.constant 4000 : i32
      %add3A_1293 = arith.addi %add3A_1292, %mul3A_1168 : i32
      %swap3A_1294 = arith.index_cast %add3A_1293 : i32 to index
      %swap3A_1295 = tpu.vector_load %arg12[%swap3A_1294] {strides = array<i32>} : memref<8000xf32, #tpu.memory_space<vmem>>, vector<16xf32>,
      tpu.vector_store %arg12[%swap3A_1294], %mul3A_1291 {strides = array<i32>} : memref<8000xf32, #tpu.memory_space<vmem>>, vector<16xf32>,
      %mul3A_1296 = arith.mulf %exp3A_1274, %div3A_1280 : vector<16xf32>
      %add3A_1297 = arith.constant 6000 : i32
      %add3A_1298 = arith.addi %add3A_1297, %mul3A_1168 : i32
      %swap3A_1299 = arith.index_cast %add3A_1298 : i32 to index
      %swap3A_1300 = tpu.vector_load %arg12[%swap3A_1299] {strides = array<i32>} : memref<8000xf32, #tpu.memory_space<vmem>>, vector<16xf32>,
      tpu.vector_store %arg12[%swap3A_1299], %mul3A_1296 {strides = array<i32>} : memref<8000xf32, #tpu.memory_space<vmem>>, vector<16xf32>,
      %scan3A_1301 = arith.constant 0 : i32
      %scan3A_1302 = arith.constant 1 : i32
      %scan3A_1303 = arith.addi %scan3A_1165, %scan3A_1302 : i32
      %mul3A_1304 = arith.constant 16 : i32
      %mul3A_1305 = arith.muli %scan3A_1303, %mul3A_1304 : i32
      %get3A_1306 = arith.index_cast %mul3A_1305 : i32 to index
      %get3A_1307 = tpu.vector_load %arg8[%get3A_1306] {strides = array<i32>} : memref<2000xi32, #tpu.memory_space<vmem>>, vector<16xi32>,
      %get3A_1308 = arith.index_cast %mul3A_1305 : i32 to index
      %get3A_1309 = tpu.vector_load %arg10[%get3A_1308] {strides = array<i32>} : memref<2000xi32, #tpu.memory_space<vmem>>, vector<16xi32>,
      %add3A_1310 = arith.constant 40000 : i32
      %add3A_1311 = vector.broadcast %add3A_1310 : i32 to vector<16xi32>
      %add3A_1312 = arith.addi %get3A_1309, %add3A_1311 : vector<16xi32>
      %add3A_1313 = arith.constant 0 : i32
      %add3A_1314 = vector.broadcast %add3A_1313 : i32 to vector<16xi32>
      %add3A_1315 = arith.addi %get3A_1307, %add3A_1314 : vector<16xi32>
      %gather3A_1316 = tpu.vector_load_idx %arg7[%add3A_1315] : memref<80000xf32, #tpu.memory_space<vmem>>[vector<16xi32>], vector<16xf32>,
      %add3A_1317 = arith.constant 0 : i32
      %add3A_1318 = vector.broadcast %add3A_1317 : i32 to vector<16xi32>
      %add3A_1319 = arith.addi %add3A_1312, %add3A_1318 : vector<16xi32>
      %gather3A_1320 = tpu.vector_load_idx %arg7[%add3A_1319] : memref<80000xf32, #tpu.memory_space<vmem>>[vector<16xi32>], vector<16xf32>,
      %add3A_1321 = arith.addf %gather3A_1316, %gather3A_1320 : vector<16xf32>
      %add3A_1322 = arith.constant 10000 : i32
      %add3A_1323 = vector.broadcast %add3A_1322 : i32 to vector<16xi32>
      %add3A_1324 = arith.addi %get3A_1307, %add3A_1323 : vector<16xi32>
      %gather3A_1325 = tpu.vector_load_idx %arg7[%add3A_1324] : memref<80000xf32, #tpu.memory_space<vmem>>[vector<16xi32>], vector<16xf32>,
      %add3A_1326 = arith.constant 10000 : i32
      %add3A_1327 = vector.broadcast %add3A_1326 : i32 to vector<16xi32>
      %add3A_1328 = arith.addi %add3A_1312, %add3A_1327 : vector<16xi32>
      %gather3A_1329 = tpu.vector_load_idx %arg7[%add3A_1328] : memref<80000xf32, #tpu.memory_space<vmem>>[vector<16xi32>], vector<16xf32>,
      %add3A_1330 = arith.addf %gather3A_1325, %gather3A_1329 : vector<16xf32>
      %add3A_1331 = arith.constant 20000 : i32
      %add3A_1332 = vector.broadcast %add3A_1331 : i32 to vector<16xi32>
      %add3A_1333 = arith.addi %get3A_1307, %add3A_1332 : vector<16xi32>
      %gather3A_1334 = tpu.vector_load_idx %arg7[%add3A_1333] : memref<80000xf32, #tpu.memory_space<vmem>>[vector<16xi32>], vector<16xf32>,
      %add3A_1335 = arith.constant 20000 : i32
      %add3A_1336 = vector.broadcast %add3A_1335 : i32 to vector<16xi32>
      %add3A_1337 = arith.addi %add3A_1312, %add3A_1336 : vector<16xi32>
      %gather3A_1338 = tpu.vector_load_idx %arg7[%add3A_1337] : memref<80000xf32, #tpu.memory_space<vmem>>[vector<16xi32>], vector<16xf32>,
      %add3A_1339 = arith.addf %gather3A_1334, %gather3A_1338 : vector<16xf32>
      %add3A_1340 = arith.constant 30000 : i32
      %add3A_1341 = vector.broadcast %add3A_1340 : i32 to vector<16xi32>
      %add3A_1342 = arith.addi %get3A_1307, %add3A_1341 : vector<16xi32>
      %gather3A_1343 = tpu.vector_load_idx %arg7[%add3A_1342] : memref<80000xf32, #tpu.memory_space<vmem>>[vector<16xi32>], vector<16xf32>,
      %add3A_1344 = arith.constant 30000 : i32
      %add3A_1345 = vector.broadcast %add3A_1344 : i32 to vector<16xi32>
      %add3A_1346 = arith.addi %add3A_1312, %add3A_1345 : vector<16xi32>
      %gather3A_1347 = tpu.vector_load_idx %arg7[%add3A_1346] : memref<80000xf32, #tpu.memory_space<vmem>>[vector<16xi32>], vector<16xf32>,
      %add3A_1348 = arith.addf %gather3A_1343, %gather3A_1347 : vector<16xf32>
      %mul3A_1349 = vector.broadcast %squeeze3A : f32 to vector<16xf32>
      %mul3A_1350 = arith.mulf %add3A_1321, %mul3A_1349 : vector<16xf32>
      %add3A_1351 = vector.broadcast %squeeze3A_44 : f32 to vector<16xf32>
      %add3A_1352 = arith.addf %add3A_1351, %mul3A_1350 : vector<16xf32>
      %mul3A_1353 = vector.broadcast %squeeze3A_14 : f32 to vector<16xf32>
      %mul3A_1354 = arith.mulf %add3A_1330, %mul3A_1353 : vector<16xf32>
      %add3A_1355 = arith.addf %add3A_1352, %mul3A_1354 : vector<16xf32>
      %mul3A_1356 = vector.broadcast %squeeze3A_16 : f32 to vector<16xf32>
      %mul3A_1357 = arith.mulf %add3A_1339, %mul3A_1356 : vector<16xf32>
      %add3A_1358 = arith.addf %add3A_1355, %mul3A_1357 : vector<16xf32>
      %mul3A_1359 = vector.broadcast %squeeze3A_18 : f32 to vector<16xf32>
      %mul3A_1360 = arith.mulf %add3A_1348, %mul3A_1359 : vector<16xf32>
      %add3A_1361 = arith.addf %add3A_1358, %mul3A_1360 : vector<16xf32>
      %mul3A_1362 = vector.broadcast %squeeze3A_20 : f32 to vector<16xf32>
      %mul3A_1363 = arith.mulf %add3A_1321, %mul3A_1362 : vector<16xf32>
      %add3A_1364 = vector.broadcast %squeeze3A_46 : f32 to vector<16xf32>
      %add3A_1365 = arith.addf %add3A_1364, %mul3A_1363 : vector<16xf32>
      %mul3A_1366 = vector.broadcast %squeeze3A_22 : f32 to vector<16xf32>
      %mul3A_1367 = arith.mulf %add3A_1330, %mul3A_1366 : vector<16xf32>
      %add3A_1368 = arith.addf %add3A_1365, %mul3A_1367 : vector<16xf32>
      %mul3A_1369 = vector.broadcast %squeeze3A_24 : f32 to vector<16xf32>
      %mul3A_1370 = arith.mulf %add3A_1339, %mul3A_1369 : vector<16xf32>
      %add3A_1371 = arith.addf %add3A_1368, %mul3A_1370 : vector<16xf32>
      %mul3A_1372 = vector.broadcast %squeeze3A_26 : f32 to vector<16xf32>
      %mul3A_1373 = arith.mulf %add3A_1348, %mul3A_1372 : vector<16xf32>
      %add3A_1374 = arith.addf %add3A_1371, %mul3A_1373 : vector<16xf32>
      %mul3A_1375 = vector.broadcast %squeeze3A_28 : f32 to vector<16xf32>
      %mul3A_1376 = arith.mulf %add3A_1321, %mul3A_1375 : vector<16xf32>
      %add3A_1377 = vector.broadcast %squeeze3A_48 : f32 to vector<16xf32>
      %add3A_1378 = arith.addf %add3A_1377, %mul3A_1376 : vector<16xf32>
      %mul3A_1379 = vector.broadcast %squeeze3A_30 : f32 to vector<16xf32>
      %mul3A_1380 = arith.mulf %add3A_1330, %mul3A_1379 : vector<16xf32>
      %add3A_1381 = arith.addf %add3A_1378, %mul3A_1380 : vector<16xf32>
      %mul3A_1382 = vector.broadcast %squeeze3A_32 : f32 to vector<16xf32>
      %mul3A_1383 = arith.mulf %add3A_1339, %mul3A_1382 : vector<16xf32>
      %add3A_1384 = arith.addf %add3A_1381, %mul3A_1383 : vector<16xf32>
      %mul3A_1385 = vector.broadcast %squeeze3A_34 : f32 to vector<16xf32>
      %mul3A_1386 = arith.mulf %add3A_1348, %mul3A_1385 : vector<16xf32>
      %add3A_1387 = arith.addf %add3A_1384, %mul3A_1386 : vector<16xf32>
      %mul3A_1388 = vector.broadcast %squeeze3A_36 : f32 to vector<16xf32>
      %mul3A_1389 = arith.mulf %add3A_1321, %mul3A_1388 : vector<16xf32>
      %add3A_1390 = vector.broadcast %squeeze3A_50 : f32 to vector<16xf32>
      %add3A_1391 = arith.addf %add3A_1390, %mul3A_1389 : vector<16xf32>
      %mul3A_1392 = vector.broadcast %squeeze3A_38 : f32 to vector<16xf32>
      %mul3A_1393 = arith.mulf %add3A_1330, %mul3A_1392 : vector<16xf32>
      %add3A_1394 = arith.addf %add3A_1391, %mul3A_1393 : vector<16xf32>
      %mul3A_1395 = vector.broadcast %squeeze3A_40 : f32 to vector<16xf32>
      %mul3A_1396 = arith.mulf %add3A_1339, %mul3A_1395 : vector<16xf32>
      %add3A_1397 = arith.addf %add3A_1394, %mul3A_1396 : vector<16xf32>
      %mul3A_1398 = vector.broadcast %squeeze3A_42 : f32 to vector<16xf32>
      %mul3A_1399 = arith.mulf %add3A_1348, %mul3A_1398 : vector<16xf32>
      %add3A_1400 = arith.addf %add3A_1397, %mul3A_1399 : vector<16xf32>
      %max3A_1401 = arith.maximumf %add3A_1361, %add3A_1374 : vector<16xf32>
      %max3A_1402 = arith.maximumf %add3A_1387, %add3A_1400 : vector<16xf32>
      %max3A_1403 = arith.maximumf %max3A_1401, %max3A_1402 : vector<16xf32>
      %sub3A_1404 = arith.subf %add3A_1361, %max3A_1403 : vector<16xf32>
      %exp3A_1405 = math.exp %sub3A_1404 : vector<16xf32>
      %sub3A_1406 = arith.subf %add3A_1374, %max3A_1403 : vector<16xf32>
      %exp3A_1407 = math.exp %sub3A_1406 : vector<16xf32>
      %sub3A_1408 = arith.subf %add3A_1387, %max3A_1403 : vector<16xf32>
      %exp3A_1409 = math.exp %sub3A_1408 : vector<16xf32>
      %sub3A_1410 = arith.subf %add3A_1400, %max3A_1403 : vector<16xf32>
      %exp3A_1411 = math.exp %sub3A_1410 : vector<16xf32>
      %add3A_1412 = arith.addf %exp3A_1405, %exp3A_1407 : vector<16xf32>
      %add3A_1413 = arith.addf %exp3A_1409, %exp3A_1411 : vector<16xf32>
      %add3A_1414 = arith.addf %add3A_1412, %add3A_1413 : vector<16xf32>
      %div3A_1415 = arith.constant 1.000000e+00 : f32
      %div3A_1416 = vector.broadcast %div3A_1415 : f32 to vector<16xf32>
      %div3A_1417 = arith.divf %div3A_1416, %add3A_1414 : vector<16xf32>
      %mul3A_1418 = arith.mulf %exp3A_1405, %div3A_1417 : vector<16xf32>
      %add3A_1419 = arith.constant 0 : i32
      %add3A_1420 = arith.addi %add3A_1419, %mul3A_1305 : i32
      %swap3A_1421 = arith.index_cast %add3A_1420 : i32 to index
      %swap3A_1422 = tpu.vector_load %arg12[%swap3A_1421] {strides = array<i32>} : memref<8000xf32, #tpu.memory_space<vmem>>, vector<16xf32>,
      tpu.vector_store %arg12[%swap3A_1421], %mul3A_1418 {strides = array<i32>} : memref<8000xf32, #tpu.memory_space<vmem>>, vector<16xf32>,
      %mul3A_1423 = arith.mulf %exp3A_1407, %div3A_1417 : vector<16xf32>
      %add3A_1424 = arith.constant 2000 : i32
      %add3A_1425 = arith.addi %add3A_1424, %mul3A_1305 : i32
      %swap3A_1426 = arith.index_cast %add3A_1425 : i32 to index
      %swap3A_1427 = tpu.vector_load %arg12[%swap3A_1426] {strides = array<i32>} : memref<8000xf32, #tpu.memory_space<vmem>>, vector<16xf32>,
      tpu.vector_store %arg12[%swap3A_1426], %mul3A_1423 {strides = array<i32>} : memref<8000xf32, #tpu.memory_space<vmem>>, vector<16xf32>,
      %mul3A_1428 = arith.mulf %exp3A_1409, %div3A_1417 : vector<16xf32>
      %add3A_1429 = arith.constant 4000 : i32
      %add3A_1430 = arith.addi %add3A_1429, %mul3A_1305 : i32
      %swap3A_1431 = arith.index_cast %add3A_1430 : i32 to index
      %swap3A_1432 = tpu.vector_load %arg12[%swap3A_1431] {strides = array<i32>} : memref<8000xf32, #tpu.memory_space<vmem>>, vector<16xf32>,
      tpu.vector_store %arg12[%swap3A_1431], %mul3A_1428 {strides = array<i32>} : memref<8000xf32, #tpu.memory_space<vmem>>, vector<16xf32>,
      %mul3A_1433 = arith.mulf %exp3A_1411, %div3A_1417 : vector<16xf32>
      %add3A_1434 = arith.constant 6000 : i32
      %add3A_1435 = arith.addi %add3A_1434, %mul3A_1305 : i32
      %swap3A_1436 = arith.index_cast %add3A_1435 : i32 to index
      %swap3A_1437 = tpu.vector_load %arg12[%swap3A_1436] {strides = array<i32>} : memref<8000xf32, #tpu.memory_space<vmem>>, vector<16xf32>,
      tpu.vector_store %arg12[%swap3A_1436], %mul3A_1433 {strides = array<i32>} : memref<8000xf32, #tpu.memory_space<vmem>>, vector<16xf32>,
      %scan3A_1438 = arith.constant 0 : i32
      scf.yield %scan3A_1438 : i32
    }
    %scan3A_71 = arith.constant 124 : i32
    %scan3A_72 = arith.addi %scan3A_66, %scan3A_71 : i32
    %mul3A_73 = arith.constant 16 : i32
    %mul3A_74 = arith.muli %scan3A_72, %mul3A_73 : i32
    %get3A_75 = arith.index_cast %mul3A_74 : i32 to index
    %get3A_76 = tpu.vector_load %arg8[%get3A_75] {strides = array<i32>} : memref<2000xi32, #tpu.memory_space<vmem>>, vector<16xi32>,
    %get3A_77 = arith.index_cast %mul3A_74 : i32 to index
    %get3A_78 = tpu.vector_load %arg10[%get3A_77] {strides = array<i32>} : memref<2000xi32, #tpu.memory_space<vmem>>, vector<16xi32>,
    %add3A_79 = arith.constant 40000 : i32
    %add3A_80 = vector.broadcast %add3A_79 : i32 to vector<16xi32>
    %add3A_81 = arith.addi %get3A_78, %add3A_80 : vector<16xi32>
    %add3A_82 = arith.constant 0 : i32
    %add3A_83 = vector.broadcast %add3A_82 : i32 to vector<16xi32>
    %add3A_84 = arith.addi %get3A_76, %add3A_83 : vector<16xi32>
    %gather3A = tpu.vector_load_idx %arg7[%add3A_84] : memref<80000xf32, #tpu.memory_space<vmem>>[vector<16xi32>], vector<16xf32>,
    %add3A_85 = arith.constant 0 : i32
    %add3A_86 = vector.broadcast %add3A_85 : i32 to vector<16xi32>
    %add3A_87 = arith.addi %add3A_81, %add3A_86 : vector<16xi32>
    %gather3A_88 = tpu.vector_load_idx %arg7[%add3A_87] : memref<80000xf32, #tpu.memory_space<vmem>>[vector<16xi32>], vector<16xf32>,
    %add3A_89 = arith.addf %gather3A, %gather3A_88 : vector<16xf32>
    %add3A_90 = arith.constant 10000 : i32
    %add3A_91 = vector.broadcast %add3A_90 : i32 to vector<16xi32>
    %add3A_92 = arith.addi %get3A_76, %add3A_91 : vector<16xi32>
    %gather3A_93 = tpu.vector_load_idx %arg7[%add3A_92] : memref<80000xf32, #tpu.memory_space<vmem>>[vector<16xi32>], vector<16xf32>,
    %add3A_94 = arith.constant 10000 : i32
    %add3A_95 = vector.broadcast %add3A_94 : i32 to vector<16xi32>
    %add3A_96 = arith.addi %add3A_81, %add3A_95 : vector<16xi32>
    %gather3A_97 = tpu.vector_load_idx %arg7[%add3A_96] : memref<80000xf32, #tpu.memory_space<vmem>>[vector<16xi32>], vector<16xf32>,
    %add3A_98 = arith.addf %gather3A_93, %gather3A_97 : vector<16xf32>
    %add3A_99 = arith.constant 20000 : i32
    %add3A_100 = vector.broadcast %add3A_99 : i32 to vector<16xi32>
    %add3A_101 = arith.addi %get3A_76, %add3A_100 : vector<16xi32>
    %gather3A_102 = tpu.vector_load_idx %arg7[%add3A_101] : memref<80000xf32, #tpu.memory_space<vmem>>[vector<16xi32>], vector<16xf32>,
    %add3A_103 = arith.constant 20000 : i32
    %add3A_104 = vector.broadcast %add3A_103 : i32 to vector<16xi32>
    %add3A_105 = arith.addi %add3A_81, %add3A_104 : vector<16xi32>
    %gather3A_106 = tpu.vector_load_idx %arg7[%add3A_105] : memref<80000xf32, #tpu.memory_space<vmem>>[vector<16xi32>], vector<16xf32>,
    %add3A_107 = arith.addf %gather3A_102, %gather3A_106 : vector<16xf32>
    %add3A_108 = arith.constant 30000 : i32
    %add3A_109 = vector.broadcast %add3A_108 : i32 to vector<16xi32>
    %add3A_110 = arith.addi %get3A_76, %add3A_109 : vector<16xi32>
    %gather3A_111 = tpu.vector_load_idx %arg7[%add3A_110] : memref<80000xf32, #tpu.memory_space<vmem>>[vector<16xi32>], vector<16xf32>,
    %add3A_112 = arith.constant 30000 : i32
    %add3A_113 = vector.broadcast %add3A_112 : i32 to vector<16xi32>
    %add3A_114 = arith.addi %add3A_81, %add3A_113 : vector<16xi32>
    %gather3A_115 = tpu.vector_load_idx %arg7[%add3A_114] : memref<80000xf32, #tpu.memory_space<vmem>>[vector<16xi32>], vector<16xf32>,
    %add3A_116 = arith.addf %gather3A_111, %gather3A_115 : vector<16xf32>
    %mul3A_117 = vector.broadcast %squeeze3A : f32 to vector<16xf32>
    %mul3A_118 = arith.mulf %add3A_89, %mul3A_117 : vector<16xf32>
    %add3A_119 = vector.broadcast %squeeze3A_44 : f32 to vector<16xf32>
    %add3A_120 = arith.addf %add3A_119, %mul3A_118 : vector<16xf32>
    %mul3A_121 = vector.broadcast %squeeze3A_14 : f32 to vector<16xf32>
    %mul3A_122 = arith.mulf %add3A_98, %mul3A_121 : vector<16xf32>
    %add3A_123 = arith.addf %add3A_120, %mul3A_122 : vector<16xf32>
    %mul3A_124 = vector.broadcast %squeeze3A_16 : f32 to vector<16xf32>
    %mul3A_125 = arith.mulf %add3A_107, %mul3A_124 : vector<16xf32>
    %add3A_126 = arith.addf %add3A_123, %mul3A_125 : vector<16xf32>
    %mul3A_127 = vector.broadcast %squeeze3A_18 : f32 to vector<16xf32>
    %mul3A_128 = arith.mulf %add3A_116, %mul3A_127 : vector<16xf32>
    %add3A_129 = arith.addf %add3A_126, %mul3A_128 : vector<16xf32>
    %mul3A_130 = vector.broadcast %squeeze3A_20 : f32 to vector<16xf32>
    %mul3A_131 = arith.mulf %add3A_89, %mul3A_130 : vector<16xf32>
    %add3A_132 = vector.broadcast %squeeze3A_46 : f32 to vector<16xf32>
    %add3A_133 = arith.addf %add3A_132, %mul3A_131 : vector<16xf32>
    %mul3A_134 = vector.broadcast %squeeze3A_22 : f32 to vector<16xf32>
    %mul3A_135 = arith.mulf %add3A_98, %mul3A_134 : vector<16xf32>
    %add3A_136 = arith.addf %add3A_133, %mul3A_135 : vector<16xf32>
    %mul3A_137 = vector.broadcast %squeeze3A_24 : f32 to vector<16xf32>
    %mul3A_138 = arith.mulf %add3A_107, %mul3A_137 : vector<16xf32>
    %add3A_139 = arith.addf %add3A_136, %mul3A_138 : vector<16xf32>
    %mul3A_140 = vector.broadcast %squeeze3A_26 : f32 to vector<16xf32>
    %mul3A_141 = arith.mulf %add3A_116, %mul3A_140 : vector<16xf32>
    %add3A_142 = arith.addf %add3A_139, %mul3A_141 : vector<16xf32>
    %mul3A_143 = vector.broadcast %squeeze3A_28 : f32 to vector<16xf32>
    %mul3A_144 = arith.mulf %add3A_89, %mul3A_143 : vector<16xf32>
    %add3A_145 = vector.broadcast %squeeze3A_48 : f32 to vector<16xf32>
    %add3A_146 = arith.addf %add3A_145, %mul3A_144 : vector<16xf32>
    %mul3A_147 = vector.broadcast %squeeze3A_30 : f32 to vector<16xf32>
    %mul3A_148 = arith.mulf %add3A_98, %mul3A_147 : vector<16xf32>
    %add3A_149 = arith.addf %add3A_146, %mul3A_148 : vector<16xf32>
    %mul3A_150 = vector.broadcast %squeeze3A_32 : f32 to vector<16xf32>
    %mul3A_151 = arith.mulf %add3A_107, %mul3A_150 : vector<16xf32>
    %add3A_152 = arith.addf %add3A_149, %mul3A_151 : vector<16xf32>
    %mul3A_153 = vector.broadcast %squeeze3A_34 : f32 to vector<16xf32>
    %mul3A_154 = arith.mulf %add3A_116, %mul3A_153 : vector<16xf32>
    %add3A_155 = arith.addf %add3A_152, %mul3A_154 : vector<16xf32>
    %mul3A_156 = vector.broadcast %squeeze3A_36 : f32 to vector<16xf32>
    %mul3A_157 = arith.mulf %add3A_89, %mul3A_156 : vector<16xf32>
    %add3A_158 = vector.broadcast %squeeze3A_50 : f32 to vector<16xf32>
    %add3A_159 = arith.addf %add3A_158, %mul3A_157 : vector<16xf32>
    %mul3A_160 = vector.broadcast %squeeze3A_38 : f32 to vector<16xf32>
    %mul3A_161 = arith.mulf %add3A_98, %mul3A_160 : vector<16xf32>
    %add3A_162 = arith.addf %add3A_159, %mul3A_161 : vector<16xf32>
    %mul3A_163 = vector.broadcast %squeeze3A_40 : f32 to vector<16xf32>
    %mul3A_164 = arith.mulf %add3A_107, %mul3A_163 : vector<16xf32>
    %add3A_165 = arith.addf %add3A_162, %mul3A_164 : vector<16xf32>
    %mul3A_166 = vector.broadcast %squeeze3A_42 : f32 to vector<16xf32>
    %mul3A_167 = arith.mulf %add3A_116, %mul3A_166 : vector<16xf32>
    %add3A_168 = arith.addf %add3A_165, %mul3A_167 : vector<16xf32>
    %max3A = arith.maximumf %add3A_129, %add3A_142 : vector<16xf32>
    %max3A_169 = arith.maximumf %add3A_155, %add3A_168 : vector<16xf32>
    %max3A_170 = arith.maximumf %max3A, %max3A_169 : vector<16xf32>
    %sub3A = arith.subf %add3A_129, %max3A_170 : vector<16xf32>
    %exp3A = math.exp %sub3A : vector<16xf32>
    %sub3A_171 = arith.subf %add3A_142, %max3A_170 : vector<16xf32>
    %exp3A_172 = math.exp %sub3A_171 : vector<16xf32>
    %sub3A_173 = arith.subf %add3A_155, %max3A_170 : vector<16xf32>
    %exp3A_174 = math.exp %sub3A_173 : vector<16xf32>
    %sub3A_175 = arith.subf %add3A_168, %max3A_170 : vector<16xf32>
    %exp3A_176 = math.exp %sub3A_175 : vector<16xf32>
    %add3A_177 = arith.addf %exp3A, %exp3A_172 : vector<16xf32>
    %add3A_178 = arith.addf %exp3A_174, %exp3A_176 : vector<16xf32>
    %add3A_179 = arith.addf %add3A_177, %add3A_178 : vector<16xf32>
    %div3A = arith.constant 1.000000e+00 : f32
    %div3A_180 = vector.broadcast %div3A : f32 to vector<16xf32>
    %div3A_181 = arith.divf %div3A_180, %add3A_179 : vector<16xf32>
    %mul3A_182 = arith.mulf %exp3A, %div3A_181 : vector<16xf32>
    %add3A_183 = arith.constant 0 : i32
    %add3A_184 = arith.addi %add3A_183, %mul3A_74 : i32
    %swap3A = arith.index_cast %add3A_184 : i32 to index
    %swap3A_185 = tpu.vector_load %arg12[%swap3A] {strides = array<i32>} : memref<8000xf32, #tpu.memory_space<vmem>>, vector<16xf32>,
    tpu.vector_store %arg12[%swap3A], %mul3A_182 {strides = array<i32>} : memref<8000xf32, #tpu.memory_space<vmem>>, vector<16xf32>,
    %mul3A_186 = arith.mulf %exp3A_172, %div3A_181 : vector<16xf32>
    %add3A_187 = arith.constant 2000 : i32
    %add3A_188 = arith.addi %add3A_187, %mul3A_74 : i32
    %swap3A_189 = arith.index_cast %add3A_188 : i32 to index
    %swap3A_190 = tpu.vector_load %arg12[%swap3A_189] {strides = array<i32>} : memref<8000xf32, #tpu.memory_space<vmem>>, vector<16xf32>,
    tpu.vector_store %arg12[%swap3A_189], %mul3A_186 {strides = array<i32>} : memref<8000xf32, #tpu.memory_space<vmem>>, vector<16xf32>,
    %mul3A_191 = arith.mulf %exp3A_174, %div3A_181 : vector<16xf32>
    %add3A_192 = arith.constant 4000 : i32
    %add3A_193 = arith.addi %add3A_192, %mul3A_74 : i32
    %swap3A_194 = arith.index_cast %add3A_193 : i32 to index
    %swap3A_195 = tpu.vector_load %arg12[%swap3A_194] {strides = array<i32>} : memref<8000xf32, #tpu.memory_space<vmem>>, vector<16xf32>,
    tpu.vector_store %arg12[%swap3A_194], %mul3A_191 {strides = array<i32>} : memref<8000xf32, #tpu.memory_space<vmem>>, vector<16xf32>,
    %mul3A_196 = arith.mulf %exp3A_176, %div3A_181 : vector<16xf32>
    %add3A_197 = arith.constant 6000 : i32
    %add3A_198 = arith.addi %add3A_197, %mul3A_74 : i32
    %swap3A_199 = arith.index_cast %add3A_198 : i32 to index
    %swap3A_200 = tpu.vector_load %arg12[%swap3A_199] {strides = array<i32>} : memref<8000xf32, #tpu.memory_space<vmem>>, vector<16xf32>,
    tpu.vector_store %arg12[%swap3A_199], %mul3A_196 {strides = array<i32>} : memref<8000xf32, #tpu.memory_space<vmem>>, vector<16xf32>,
    %scan3A_201 = arith.constant 0 : i32
    %scan3A_202 = arith.constant 125 : i32
    %add3A_203 = arith.constant 0 : i32
    %add3A_204 = arith.addi %mul3A_2, %add3A_203 : i32
    %add3A_205 = arith.constant 0 : i32
    %add3A_206 = arith.addi %add3A_205, %add3A_204 : i32
    %dma_start3A_207 = arith.constant 0 : i32
    %dma_start3A_208 = tpu.memref_slice %arg12[%dma_start3A_207] : memref<8000xf32, #tpu.memory_space<vmem>> -> memref<2000xf32, #tpu.memory_space<vmem>>
    %dma_start3A_209 = tpu.memref_slice %arg6[%add3A_206] : memref<1280000xf32, #tpu.memory_space<hbm>> -> memref<2000xf32, #tpu.memory_space<hbm>>
    %dma_start3A_210 = tpu.memref_slice %arg6[%add3A_206] : memref<1280000xf32, #tpu.memory_space<hbm>> -> memref<2000xf32, #tpu.memory_space<hbm>>
    %dma_start3A_211 = arith.constant 0 : i32
    %dma_start3A_212 = tpu.memref_slice %arg12[%dma_start3A_211] : memref<8000xf32, #tpu.memory_space<vmem>> -> memref<2000xf32, #tpu.memory_space<vmem>>
    tpu.enqueue_dma source(%dma_start3A_212 : memref<2000xf32, #tpu.memory_space<vmem>>) target(%dma_start3A_210 : memref<2000xf32, #tpu.memory_space<hbm>>) target_semaphore(%arg18 : memref<!tpu.dma_semaphore, #tpu.memory_space<semaphore_mem>>)
    %add3A_213 = arith.constant 320000 : i32
    %add3A_214 = arith.addi %add3A_213, %add3A_204 : i32
    %dma_start3A_215 = arith.constant 2000 : i32
    %dma_start3A_216 = tpu.memref_slice %arg12[%dma_start3A_215] : memref<8000xf32, #tpu.memory_space<vmem>> -> memref<2000xf32, #tpu.memory_space<vmem>>
    %dma_start3A_217 = tpu.memref_slice %arg6[%add3A_214] : memref<1280000xf32, #tpu.memory_space<hbm>> -> memref<2000xf32, #tpu.memory_space<hbm>>
    %dma_start3A_218 = tpu.memref_slice %arg6[%add3A_214] : memref<1280000xf32, #tpu.memory_space<hbm>> -> memref<2000xf32, #tpu.memory_space<hbm>>
    %dma_start3A_219 = arith.constant 2000 : i32
    %dma_start3A_220 = tpu.memref_slice %arg12[%dma_start3A_219] : memref<8000xf32, #tpu.memory_space<vmem>> -> memref<2000xf32, #tpu.memory_space<vmem>>
    tpu.enqueue_dma source(%dma_start3A_220 : memref<2000xf32, #tpu.memory_space<vmem>>) target(%dma_start3A_218 : memref<2000xf32, #tpu.memory_space<hbm>>) target_semaphore(%arg18 : memref<!tpu.dma_semaphore, #tpu.memory_space<semaphore_mem>>)
    %add3A_221 = arith.constant 640000 : i32
    %add3A_222 = arith.addi %add3A_221, %add3A_204 : i32
    %dma_start3A_223 = arith.constant 4000 : i32
    %dma_start3A_224 = tpu.memref_slice %arg12[%dma_start3A_223] : memref<8000xf32, #tpu.memory_space<vmem>> -> memref<2000xf32, #tpu.memory_space<vmem>>
    %dma_start3A_225 = tpu.memref_slice %arg6[%add3A_222] : memref<1280000xf32, #tpu.memory_space<hbm>> -> memref<2000xf32, #tpu.memory_space<hbm>>
    %dma_start3A_226 = tpu.memref_slice %arg6[%add3A_222] : memref<1280000xf32, #tpu.memory_space<hbm>> -> memref<2000xf32, #tpu.memory_space<hbm>>
    %dma_start3A_227 = arith.constant 4000 : i32
    %dma_start3A_228 = tpu.memref_slice %arg12[%dma_start3A_227] : memref<8000xf32, #tpu.memory_space<vmem>> -> memref<2000xf32, #tpu.memory_space<vmem>>
    tpu.enqueue_dma source(%dma_start3A_228 : memref<2000xf32, #tpu.memory_space<vmem>>) target(%dma_start3A_226 : memref<2000xf32, #tpu.memory_space<hbm>>) target_semaphore(%arg18 : memref<!tpu.dma_semaphore, #tpu.memory_space<semaphore_mem>>)
    %add3A_229 = arith.constant 960000 : i32
    %add3A_230 = arith.addi %add3A_229, %add3A_204 : i32
    %dma_start3A_231 = arith.constant 6000 : i32
    %dma_start3A_232 = tpu.memref_slice %arg12[%dma_start3A_231] : memref<8000xf32, #tpu.memory_space<vmem>> -> memref<2000xf32, #tpu.memory_space<vmem>>
    %dma_start3A_233 = tpu.memref_slice %arg6[%add3A_230] : memref<1280000xf32, #tpu.memory_space<hbm>> -> memref<2000xf32, #tpu.memory_space<hbm>>
    %dma_start3A_234 = tpu.memref_slice %arg6[%add3A_230] : memref<1280000xf32, #tpu.memory_space<hbm>> -> memref<2000xf32, #tpu.memory_space<hbm>>
    %dma_start3A_235 = arith.constant 6000 : i32
    %dma_start3A_236 = tpu.memref_slice %arg12[%dma_start3A_235] : memref<8000xf32, #tpu.memory_space<vmem>> -> memref<2000xf32, #tpu.memory_space<vmem>>
    tpu.enqueue_dma source(%dma_start3A_236 : memref<2000xf32, #tpu.memory_space<vmem>>) target(%dma_start3A_234 : memref<2000xf32, #tpu.memory_space<hbm>>) target_semaphore(%arg18 : memref<!tpu.dma_semaphore, #tpu.memory_space<semaphore_mem>>)
    %add3A_237 = arith.constant 4000 : i32
    %add3A_238 = arith.addi %mul3A_2, %add3A_237 : i32
    %add3A_239 = arith.constant 320000 : i32
    %add3A_240 = arith.addi %add3A_239, %add3A_238 : i32
    %dma_start3A_241 = tpu.memref_slice %arg3[%add3A_240] : memref<640000xi32, #tpu.memory_space<hbm>> -> memref<2000xi32, #tpu.memory_space<hbm>>
    %dma_start3A_242 = tpu.memref_slice %arg3[%add3A_240] : memref<640000xi32, #tpu.memory_space<hbm>> -> memref<2000xi32, #tpu.memory_space<hbm>>
    tpu.enqueue_dma source(%dma_start3A_242 : memref<2000xi32, #tpu.memory_space<hbm>>) target(%arg8 : memref<2000xi32, #tpu.memory_space<vmem>>) target_semaphore(%arg16 : memref<!tpu.dma_semaphore, #tpu.memory_space<semaphore_mem>>)
    %dma_start3A_243 = tpu.memref_slice %arg3[%add3A_238] : memref<640000xi32, #tpu.memory_space<hbm>> -> memref<2000xi32, #tpu.memory_space<hbm>>
    %dma_start3A_244 = tpu.memref_slice %arg3[%add3A_238] : memref<640000xi32, #tpu.memory_space<hbm>> -> memref<2000xi32, #tpu.memory_space<hbm>>
    tpu.enqueue_dma source(%dma_start3A_244 : memref<2000xi32, #tpu.memory_space<hbm>>) target(%arg10 : memref<2000xi32, #tpu.memory_space<vmem>>) target_semaphore(%arg16 : memref<!tpu.dma_semaphore, #tpu.memory_space<semaphore_mem>>)
    %dma_wait3A_245 = arith.constant 0 : i32
    %dma_wait3A_246 = tpu.memref_slice %arg3[%dma_wait3A_245] : memref<640000xi32, #tpu.memory_space<hbm>> -> memref<2000xi32, #tpu.memory_space<hbm>>
    %dma_wait3A_247 = arith.constant 0 : i32
    %dma_wait3A_248 = tpu.memref_slice %arg3[%dma_wait3A_247] : memref<640000xi32, #tpu.memory_space<hbm>> -> memref<2000xi32, #tpu.memory_space<hbm>>
    tpu.wait_dma2 semaphore(%arg17 : memref<!tpu.dma_semaphore, #tpu.memory_space<semaphore_mem>>) src(%dma_wait3A_248 : memref<2000xi32, #tpu.memory_space<hbm>>) dst(%arg9 : memref<2000xi32, #tpu.memory_space<vmem>>)
    %dma_wait3A_249 = arith.constant 0 : i32
    %dma_wait3A_250 = tpu.memref_slice %arg3[%dma_wait3A_249] : memref<640000xi32, #tpu.memory_space<hbm>> -> memref<2000xi32, #tpu.memory_space<hbm>>
    %dma_wait3A_251 = arith.constant 0 : i32
    %dma_wait3A_252 = tpu.memref_slice %arg3[%dma_wait3A_251] : memref<640000xi32, #tpu.memory_space<hbm>> -> memref<2000xi32, #tpu.memory_space<hbm>>
    tpu.wait_dma2 semaphore(%arg17 : memref<!tpu.dma_semaphore, #tpu.memory_space<semaphore_mem>>) src(%dma_wait3A_252 : memref<2000xi32, #tpu.memory_space<hbm>>) dst(%arg11 : memref<2000xi32, #tpu.memory_space<vmem>>)
    %scan3A_253 = arith.constant 0 : i32
    %scan3A_254 = arith.constant 0 : i32
    %scan3A_255 = arith.constant 124 : i32
    %scan3A_256 = arith.addi %scan3A_254, %scan3A_255 : i32
    %scan3A_257 = arith.constant 2 : i32
    %scan3A_258 = scf.for %scan3A_1165 = %scan3A_254 to %scan3A_256 step %scan3A_257 iter_args(%scan3A_1166 = %scan3A_253) -> (i32)  : i32 {
      %mul3A_1167 = arith.constant 16 : i32
      %mul3A_1168 = arith.muli %scan3A_1165, %mul3A_1167 : i32
      %get3A_1169 = arith.index_cast %mul3A_1168 : i32 to index
      %get3A_1170 = tpu.vector_load %arg9[%get3A_1169] {strides = array<i32>} : memref<2000xi32, #tpu.memory_space<vmem>>, vector<16xi32>,
      %get3A_1171 = arith.index_cast %mul3A_1168 : i32 to index
      %get3A_1172 = tpu.vector_load %arg11[%get3A_1171] {strides = array<i32>} : memref<2000xi32, #tpu.memory_space<vmem>>, vector<16xi32>,
      %add3A_1173 = arith.constant 40000 : i32
      %add3A_1174 = vector.broadcast %add3A_1173 : i32 to vector<16xi32>
      %add3A_1175 = arith.addi %get3A_1172, %add3A_1174 : vector<16xi32>
      %add3A_1176 = arith.constant 0 : i32
      %add3A_1177 = vector.broadcast %add3A_1176 : i32 to vector<16xi32>
      %add3A_1178 = arith.addi %get3A_1170, %add3A_1177 : vector<16xi32>
      %gather3A_1179 = tpu.vector_load_idx %arg7[%add3A_1178] : memref<80000xf32, #tpu.memory_space<vmem>>[vector<16xi32>], vector<16xf32>,
      %add3A_1180 = arith.constant 0 : i32
      %add3A_1181 = vector.broadcast %add3A_1180 : i32 to vector<16xi32>
      %add3A_1182 = arith.addi %add3A_1175, %add3A_1181 : vector<16xi32>
      %gather3A_1183 = tpu.vector_load_idx %arg7[%add3A_1182] : memref<80000xf32, #tpu.memory_space<vmem>>[vector<16xi32>], vector<16xf32>,
      %add3A_1184 = arith.addf %gather3A_1179, %gather3A_1183 : vector<16xf32>
      %add3A_1185 = arith.constant 10000 : i32
      %add3A_1186 = vector.broadcast %add3A_1185 : i32 to vector<16xi32>
      %add3A_1187 = arith.addi %get3A_1170, %add3A_1186 : vector<16xi32>
      %gather3A_1188 = tpu.vector_load_idx %arg7[%add3A_1187] : memref<80000xf32, #tpu.memory_space<vmem>>[vector<16xi32>], vector<16xf32>,
      %add3A_1189 = arith.constant 10000 : i32
      %add3A_1190 = vector.broadcast %add3A_1189 : i32 to vector<16xi32>
      %add3A_1191 = arith.addi %add3A_1175, %add3A_1190 : vector<16xi32>
      %gather3A_1192 = tpu.vector_load_idx %arg7[%add3A_1191] : memref<80000xf32, #tpu.memory_space<vmem>>[vector<16xi32>], vector<16xf32>,
      %add3A_1193 = arith.addf %gather3A_1188, %gather3A_1192 : vector<16xf32>
      %add3A_1194 = arith.constant 20000 : i32
      %add3A_1195 = vector.broadcast %add3A_1194 : i32 to vector<16xi32>
      %add3A_1196 = arith.addi %get3A_1170, %add3A_1195 : vector<16xi32>
      %gather3A_1197 = tpu.vector_load_idx %arg7[%add3A_1196] : memref<80000xf32, #tpu.memory_space<vmem>>[vector<16xi32>], vector<16xf32>,
      %add3A_1198 = arith.constant 20000 : i32
      %add3A_1199 = vector.broadcast %add3A_1198 : i32 to vector<16xi32>
      %add3A_1200 = arith.addi %add3A_1175, %add3A_1199 : vector<16xi32>
      %gather3A_1201 = tpu.vector_load_idx %arg7[%add3A_1200] : memref<80000xf32, #tpu.memory_space<vmem>>[vector<16xi32>], vector<16xf32>,
      %add3A_1202 = arith.addf %gather3A_1197, %gather3A_1201 : vector<16xf32>
      %add3A_1203 = arith.constant 30000 : i32
      %add3A_1204 = vector.broadcast %add3A_1203 : i32 to vector<16xi32>
      %add3A_1205 = arith.addi %get3A_1170, %add3A_1204 : vector<16xi32>
      %gather3A_1206 = tpu.vector_load_idx %arg7[%add3A_1205] : memref<80000xf32, #tpu.memory_space<vmem>>[vector<16xi32>], vector<16xf32>,
      %add3A_1207 = arith.constant 30000 : i32
      %add3A_1208 = vector.broadcast %add3A_1207 : i32 to vector<16xi32>
      %add3A_1209 = arith.addi %add3A_1175, %add3A_1208 : vector<16xi32>
      %gather3A_1210 = tpu.vector_load_idx %arg7[%add3A_1209] : memref<80000xf32, #tpu.memory_space<vmem>>[vector<16xi32>], vector<16xf32>,
      %add3A_1211 = arith.addf %gather3A_1206, %gather3A_1210 : vector<16xf32>
      %mul3A_1212 = vector.broadcast %squeeze3A : f32 to vector<16xf32>
      %mul3A_1213 = arith.mulf %add3A_1184, %mul3A_1212 : vector<16xf32>
      %add3A_1214 = vector.broadcast %squeeze3A_44 : f32 to vector<16xf32>
      %add3A_1215 = arith.addf %add3A_1214, %mul3A_1213 : vector<16xf32>
      %mul3A_1216 = vector.broadcast %squeeze3A_14 : f32 to vector<16xf32>
      %mul3A_1217 = arith.mulf %add3A_1193, %mul3A_1216 : vector<16xf32>
      %add3A_1218 = arith.addf %add3A_1215, %mul3A_1217 : vector<16xf32>
      %mul3A_1219 = vector.broadcast %squeeze3A_16 : f32 to vector<16xf32>
      %mul3A_1220 = arith.mulf %add3A_1202, %mul3A_1219 : vector<16xf32>
      %add3A_1221 = arith.addf %add3A_1218, %mul3A_1220 : vector<16xf32>
      %mul3A_1222 = vector.broadcast %squeeze3A_18 : f32 to vector<16xf32>
      %mul3A_1223 = arith.mulf %add3A_1211, %mul3A_1222 : vector<16xf32>
      %add3A_1224 = arith.addf %add3A_1221, %mul3A_1223 : vector<16xf32>
      %mul3A_1225 = vector.broadcast %squeeze3A_20 : f32 to vector<16xf32>
      %mul3A_1226 = arith.mulf %add3A_1184, %mul3A_1225 : vector<16xf32>
      %add3A_1227 = vector.broadcast %squeeze3A_46 : f32 to vector<16xf32>
      %add3A_1228 = arith.addf %add3A_1227, %mul3A_1226 : vector<16xf32>
      %mul3A_1229 = vector.broadcast %squeeze3A_22 : f32 to vector<16xf32>
      %mul3A_1230 = arith.mulf %add3A_1193, %mul3A_1229 : vector<16xf32>
      %add3A_1231 = arith.addf %add3A_1228, %mul3A_1230 : vector<16xf32>
      %mul3A_1232 = vector.broadcast %squeeze3A_24 : f32 to vector<16xf32>
      %mul3A_1233 = arith.mulf %add3A_1202, %mul3A_1232 : vector<16xf32>
      %add3A_1234 = arith.addf %add3A_1231, %mul3A_1233 : vector<16xf32>
      %mul3A_1235 = vector.broadcast %squeeze3A_26 : f32 to vector<16xf32>
      %mul3A_1236 = arith.mulf %add3A_1211, %mul3A_1235 : vector<16xf32>
      %add3A_1237 = arith.addf %add3A_1234, %mul3A_1236 : vector<16xf32>
      %mul3A_1238 = vector.broadcast %squeeze3A_28 : f32 to vector<16xf32>
      %mul3A_1239 = arith.mulf %add3A_1184, %mul3A_1238 : vector<16xf32>
      %add3A_1240 = vector.broadcast %squeeze3A_48 : f32 to vector<16xf32>
      %add3A_1241 = arith.addf %add3A_1240, %mul3A_1239 : vector<16xf32>
      %mul3A_1242 = vector.broadcast %squeeze3A_30 : f32 to vector<16xf32>
      %mul3A_1243 = arith.mulf %add3A_1193, %mul3A_1242 : vector<16xf32>
      %add3A_1244 = arith.addf %add3A_1241, %mul3A_1243 : vector<16xf32>
      %mul3A_1245 = vector.broadcast %squeeze3A_32 : f32 to vector<16xf32>
      %mul3A_1246 = arith.mulf %add3A_1202, %mul3A_1245 : vector<16xf32>
      %add3A_1247 = arith.addf %add3A_1244, %mul3A_1246 : vector<16xf32>
      %mul3A_1248 = vector.broadcast %squeeze3A_34 : f32 to vector<16xf32>
      %mul3A_1249 = arith.mulf %add3A_1211, %mul3A_1248 : vector<16xf32>
      %add3A_1250 = arith.addf %add3A_1247, %mul3A_1249 : vector<16xf32>
      %mul3A_1251 = vector.broadcast %squeeze3A_36 : f32 to vector<16xf32>
      %mul3A_1252 = arith.mulf %add3A_1184, %mul3A_1251 : vector<16xf32>
      %add3A_1253 = vector.broadcast %squeeze3A_50 : f32 to vector<16xf32>
      %add3A_1254 = arith.addf %add3A_1253, %mul3A_1252 : vector<16xf32>
      %mul3A_1255 = vector.broadcast %squeeze3A_38 : f32 to vector<16xf32>
      %mul3A_1256 = arith.mulf %add3A_1193, %mul3A_1255 : vector<16xf32>
      %add3A_1257 = arith.addf %add3A_1254, %mul3A_1256 : vector<16xf32>
      %mul3A_1258 = vector.broadcast %squeeze3A_40 : f32 to vector<16xf32>
      %mul3A_1259 = arith.mulf %add3A_1202, %mul3A_1258 : vector<16xf32>
      %add3A_1260 = arith.addf %add3A_1257, %mul3A_1259 : vector<16xf32>
      %mul3A_1261 = vector.broadcast %squeeze3A_42 : f32 to vector<16xf32>
      %mul3A_1262 = arith.mulf %add3A_1211, %mul3A_1261 : vector<16xf32>
      %add3A_1263 = arith.addf %add3A_1260, %mul3A_1262 : vector<16xf32>
      %max3A_1264 = arith.maximumf %add3A_1224, %add3A_1237 : vector<16xf32>
      %max3A_1265 = arith.maximumf %add3A_1250, %add3A_1263 : vector<16xf32>
      %max3A_1266 = arith.maximumf %max3A_1264, %max3A_1265 : vector<16xf32>
      %sub3A_1267 = arith.subf %add3A_1224, %max3A_1266 : vector<16xf32>
      %exp3A_1268 = math.exp %sub3A_1267 : vector<16xf32>
      %sub3A_1269 = arith.subf %add3A_1237, %max3A_1266 : vector<16xf32>
      %exp3A_1270 = math.exp %sub3A_1269 : vector<16xf32>
      %sub3A_1271 = arith.subf %add3A_1250, %max3A_1266 : vector<16xf32>
      %exp3A_1272 = math.exp %sub3A_1271 : vector<16xf32>
      %sub3A_1273 = arith.subf %add3A_1263, %max3A_1266 : vector<16xf32>
      %exp3A_1274 = math.exp %sub3A_1273 : vector<16xf32>
      %add3A_1275 = arith.addf %exp3A_1268, %exp3A_1270 : vector<16xf32>
      %add3A_1276 = arith.addf %exp3A_1272, %exp3A_1274 : vector<16xf32>
      %add3A_1277 = arith.addf %add3A_1275, %add3A_1276 : vector<16xf32>
      %div3A_1278 = arith.constant 1.000000e+00 : f32
      %div3A_1279 = vector.broadcast %div3A_1278 : f32 to vector<16xf32>
      %div3A_1280 = arith.divf %div3A_1279, %add3A_1277 : vector<16xf32>
      %mul3A_1281 = arith.mulf %exp3A_1268, %div3A_1280 : vector<16xf32>
      %add3A_1282 = arith.constant 0 : i32
      %add3A_1283 = arith.addi %add3A_1282, %mul3A_1168 : i32
      %swap3A_1284 = arith.index_cast %add3A_1283 : i32 to index
      %swap3A_1285 = tpu.vector_load %arg13[%swap3A_1284] {strides = array<i32>} : memref<8000xf32, #tpu.memory_space<vmem>>, vector<16xf32>,
      tpu.vector_store %arg13[%swap3A_1284], %mul3A_1281 {strides = array<i32>} : memref<8000xf32, #tpu.memory_space<vmem>>, vector<16xf32>,
      %mul3A_1286 = arith.mulf %exp3A_1270, %div3A_1280 : vector<16xf32>
      %add3A_1287 = arith.constant 2000 : i32
      %add3A_1288 = arith.addi %add3A_1287, %mul3A_1168 : i32
      %swap3A_1289 = arith.index_cast %add3A_1288 : i32 to index
      %swap3A_1290 = tpu.vector_load %arg13[%swap3A_1289] {strides = array<i32>} : memref<8000xf32, #tpu.memory_space<vmem>>, vector<16xf32>,
      tpu.vector_store %arg13[%swap3A_1289], %mul3A_1286 {strides = array<i32>} : memref<8000xf32, #tpu.memory_space<vmem>>, vector<16xf32>,
      %mul3A_1291 = arith.mulf %exp3A_1272, %div3A_1280 : vector<16xf32>
      %add3A_1292 = arith.constant 4000 : i32
      %add3A_1293 = arith.addi %add3A_1292, %mul3A_1168 : i32
      %swap3A_1294 = arith.index_cast %add3A_1293 : i32 to index
      %swap3A_1295 = tpu.vector_load %arg13[%swap3A_1294] {strides = array<i32>} : memref<8000xf32, #tpu.memory_space<vmem>>, vector<16xf32>,
      tpu.vector_store %arg13[%swap3A_1294], %mul3A_1291 {strides = array<i32>} : memref<8000xf32, #tpu.memory_space<vmem>>, vector<16xf32>,
      %mul3A_1296 = arith.mulf %exp3A_1274, %div3A_1280 : vector<16xf32>
      %add3A_1297 = arith.constant 6000 : i32
      %add3A_1298 = arith.addi %add3A_1297, %mul3A_1168 : i32
      %swap3A_1299 = arith.index_cast %add3A_1298 : i32 to index
      %swap3A_1300 = tpu.vector_load %arg13[%swap3A_1299] {strides = array<i32>} : memref<8000xf32, #tpu.memory_space<vmem>>, vector<16xf32>,
      tpu.vector_store %arg13[%swap3A_1299], %mul3A_1296 {strides = array<i32>} : memref<8000xf32, #tpu.memory_space<vmem>>, vector<16xf32>,
      %scan3A_1301 = arith.constant 0 : i32
      %scan3A_1302 = arith.constant 1 : i32
      %scan3A_1303 = arith.addi %scan3A_1165, %scan3A_1302 : i32
      %mul3A_1304 = arith.constant 16 : i32
      %mul3A_1305 = arith.muli %scan3A_1303, %mul3A_1304 : i32
      %get3A_1306 = arith.index_cast %mul3A_1305 : i32 to index
      %get3A_1307 = tpu.vector_load %arg9[%get3A_1306] {strides = array<i32>} : memref<2000xi32, #tpu.memory_space<vmem>>, vector<16xi32>,
      %get3A_1308 = arith.index_cast %mul3A_1305 : i32 to index
      %get3A_1309 = tpu.vector_load %arg11[%get3A_1308] {strides = array<i32>} : memref<2000xi32, #tpu.memory_space<vmem>>, vector<16xi32>,
      %add3A_1310 = arith.constant 40000 : i32
      %add3A_1311 = vector.broadcast %add3A_1310 : i32 to vector<16xi32>
      %add3A_1312 = arith.addi %get3A_1309, %add3A_1311 : vector<16xi32>
      %add3A_1313 = arith.constant 0 : i32
      %add3A_1314 = vector.broadcast %add3A_1313 : i32 to vector<16xi32>
      %add3A_1315 = arith.addi %get3A_1307, %add3A_1314 : vector<16xi32>
      %gather3A_1316 = tpu.vector_load_idx %arg7[%add3A_1315] : memref<80000xf32, #tpu.memory_space<vmem>>[vector<16xi32>], vector<16xf32>,
      %add3A_1317 = arith.constant 0 : i32
      %add3A_1318 = vector.broadcast %add3A_1317 : i32 to vector<16xi32>
      %add3A_1319 = arith.addi %add3A_1312, %add3A_1318 : vector<16xi32>
      %gather3A_1320 = tpu.vector_load_idx %arg7[%add3A_1319] : memref<80000xf32, #tpu.memory_space<vmem>>[vector<16xi32>], vector<16xf32>,
      %add3A_1321 = arith.addf %gather3A_1316, %gather3A_1320 : vector<16xf32>
      %add3A_1322 = arith.constant 10000 : i32
      %add3A_1323 = vector.broadcast %add3A_1322 : i32 to vector<16xi32>
      %add3A_1324 = arith.addi %get3A_1307, %add3A_1323 : vector<16xi32>
      %gather3A_1325 = tpu.vector_load_idx %arg7[%add3A_1324] : memref<80000xf32, #tpu.memory_space<vmem>>[vector<16xi32>], vector<16xf32>,
      %add3A_1326 = arith.constant 10000 : i32
      %add3A_1327 = vector.broadcast %add3A_1326 : i32 to vector<16xi32>
      %add3A_1328 = arith.addi %add3A_1312, %add3A_1327 : vector<16xi32>
      %gather3A_1329 = tpu.vector_load_idx %arg7[%add3A_1328] : memref<80000xf32, #tpu.memory_space<vmem>>[vector<16xi32>], vector<16xf32>,
      %add3A_1330 = arith.addf %gather3A_1325, %gather3A_1329 : vector<16xf32>
      %add3A_1331 = arith.constant 20000 : i32
      %add3A_1332 = vector.broadcast %add3A_1331 : i32 to vector<16xi32>
      %add3A_1333 = arith.addi %get3A_1307, %add3A_1332 : vector<16xi32>
      %gather3A_1334 = tpu.vector_load_idx %arg7[%add3A_1333] : memref<80000xf32, #tpu.memory_space<vmem>>[vector<16xi32>], vector<16xf32>,
      %add3A_1335 = arith.constant 20000 : i32
      %add3A_1336 = vector.broadcast %add3A_1335 : i32 to vector<16xi32>
      %add3A_1337 = arith.addi %add3A_1312, %add3A_1336 : vector<16xi32>
      %gather3A_1338 = tpu.vector_load_idx %arg7[%add3A_1337] : memref<80000xf32, #tpu.memory_space<vmem>>[vector<16xi32>], vector<16xf32>,
      %add3A_1339 = arith.addf %gather3A_1334, %gather3A_1338 : vector<16xf32>
      %add3A_1340 = arith.constant 30000 : i32
      %add3A_1341 = vector.broadcast %add3A_1340 : i32 to vector<16xi32>
      %add3A_1342 = arith.addi %get3A_1307, %add3A_1341 : vector<16xi32>
      %gather3A_1343 = tpu.vector_load_idx %arg7[%add3A_1342] : memref<80000xf32, #tpu.memory_space<vmem>>[vector<16xi32>], vector<16xf32>,
      %add3A_1344 = arith.constant 30000 : i32
      %add3A_1345 = vector.broadcast %add3A_1344 : i32 to vector<16xi32>
      %add3A_1346 = arith.addi %add3A_1312, %add3A_1345 : vector<16xi32>
      %gather3A_1347 = tpu.vector_load_idx %arg7[%add3A_1346] : memref<80000xf32, #tpu.memory_space<vmem>>[vector<16xi32>], vector<16xf32>,
      %add3A_1348 = arith.addf %gather3A_1343, %gather3A_1347 : vector<16xf32>
      %mul3A_1349 = vector.broadcast %squeeze3A : f32 to vector<16xf32>
      %mul3A_1350 = arith.mulf %add3A_1321, %mul3A_1349 : vector<16xf32>
      %add3A_1351 = vector.broadcast %squeeze3A_44 : f32 to vector<16xf32>
      %add3A_1352 = arith.addf %add3A_1351, %mul3A_1350 : vector<16xf32>
      %mul3A_1353 = vector.broadcast %squeeze3A_14 : f32 to vector<16xf32>
      %mul3A_1354 = arith.mulf %add3A_1330, %mul3A_1353 : vector<16xf32>
      %add3A_1355 = arith.addf %add3A_1352, %mul3A_1354 : vector<16xf32>
      %mul3A_1356 = vector.broadcast %squeeze3A_16 : f32 to vector<16xf32>
      %mul3A_1357 = arith.mulf %add3A_1339, %mul3A_1356 : vector<16xf32>
      %add3A_1358 = arith.addf %add3A_1355, %mul3A_1357 : vector<16xf32>
      %mul3A_1359 = vector.broadcast %squeeze3A_18 : f32 to vector<16xf32>
      %mul3A_1360 = arith.mulf %add3A_1348, %mul3A_1359 : vector<16xf32>
      %add3A_1361 = arith.addf %add3A_1358, %mul3A_1360 : vector<16xf32>
      %mul3A_1362 = vector.broadcast %squeeze3A_20 : f32 to vector<16xf32>
      %mul3A_1363 = arith.mulf %add3A_1321, %mul3A_1362 : vector<16xf32>
      %add3A_1364 = vector.broadcast %squeeze3A_46 : f32 to vector<16xf32>
      %add3A_1365 = arith.addf %add3A_1364, %mul3A_1363 : vector<16xf32>
      %mul3A_1366 = vector.broadcast %squeeze3A_22 : f32 to vector<16xf32>
      %mul3A_1367 = arith.mulf %add3A_1330, %mul3A_1366 : vector<16xf32>
      %add3A_1368 = arith.addf %add3A_1365, %mul3A_1367 : vector<16xf32>
      %mul3A_1369 = vector.broadcast %squeeze3A_24 : f32 to vector<16xf32>
      %mul3A_1370 = arith.mulf %add3A_1339, %mul3A_1369 : vector<16xf32>
      %add3A_1371 = arith.addf %add3A_1368, %mul3A_1370 : vector<16xf32>
      %mul3A_1372 = vector.broadcast %squeeze3A_26 : f32 to vector<16xf32>
      %mul3A_1373 = arith.mulf %add3A_1348, %mul3A_1372 : vector<16xf32>
      %add3A_1374 = arith.addf %add3A_1371, %mul3A_1373 : vector<16xf32>
      %mul3A_1375 = vector.broadcast %squeeze3A_28 : f32 to vector<16xf32>
      %mul3A_1376 = arith.mulf %add3A_1321, %mul3A_1375 : vector<16xf32>
      %add3A_1377 = vector.broadcast %squeeze3A_48 : f32 to vector<16xf32>
      %add3A_1378 = arith.addf %add3A_1377, %mul3A_1376 : vector<16xf32>
      %mul3A_1379 = vector.broadcast %squeeze3A_30 : f32 to vector<16xf32>
      %mul3A_1380 = arith.mulf %add3A_1330, %mul3A_1379 : vector<16xf32>
      %add3A_1381 = arith.addf %add3A_1378, %mul3A_1380 : vector<16xf32>
      %mul3A_1382 = vector.broadcast %squeeze3A_32 : f32 to vector<16xf32>
      %mul3A_1383 = arith.mulf %add3A_1339, %mul3A_1382 : vector<16xf32>
      %add3A_1384 = arith.addf %add3A_1381, %mul3A_1383 : vector<16xf32>
      %mul3A_1385 = vector.broadcast %squeeze3A_34 : f32 to vector<16xf32>
      %mul3A_1386 = arith.mulf %add3A_1348, %mul3A_1385 : vector<16xf32>
      %add3A_1387 = arith.addf %add3A_1384, %mul3A_1386 : vector<16xf32>
      %mul3A_1388 = vector.broadcast %squeeze3A_36 : f32 to vector<16xf32>
      %mul3A_1389 = arith.mulf %add3A_1321, %mul3A_1388 : vector<16xf32>
      %add3A_1390 = vector.broadcast %squeeze3A_50 : f32 to vector<16xf32>
      %add3A_1391 = arith.addf %add3A_1390, %mul3A_1389 : vector<16xf32>
      %mul3A_1392 = vector.broadcast %squeeze3A_38 : f32 to vector<16xf32>
      %mul3A_1393 = arith.mulf %add3A_1330, %mul3A_1392 : vector<16xf32>
      %add3A_1394 = arith.addf %add3A_1391, %mul3A_1393 : vector<16xf32>
      %mul3A_1395 = vector.broadcast %squeeze3A_40 : f32 to vector<16xf32>
      %mul3A_1396 = arith.mulf %add3A_1339, %mul3A_1395 : vector<16xf32>
      %add3A_1397 = arith.addf %add3A_1394, %mul3A_1396 : vector<16xf32>
      %mul3A_1398 = vector.broadcast %squeeze3A_42 : f32 to vector<16xf32>
      %mul3A_1399 = arith.mulf %add3A_1348, %mul3A_1398 : vector<16xf32>
      %add3A_1400 = arith.addf %add3A_1397, %mul3A_1399 : vector<16xf32>
      %max3A_1401 = arith.maximumf %add3A_1361, %add3A_1374 : vector<16xf32>
      %max3A_1402 = arith.maximumf %add3A_1387, %add3A_1400 : vector<16xf32>
      %max3A_1403 = arith.maximumf %max3A_1401, %max3A_1402 : vector<16xf32>
      %sub3A_1404 = arith.subf %add3A_1361, %max3A_1403 : vector<16xf32>
      %exp3A_1405 = math.exp %sub3A_1404 : vector<16xf32>
      %sub3A_1406 = arith.subf %add3A_1374, %max3A_1403 : vector<16xf32>
      %exp3A_1407 = math.exp %sub3A_1406 : vector<16xf32>
      %sub3A_1408 = arith.subf %add3A_1387, %max3A_1403 : vector<16xf32>
      %exp3A_1409 = math.exp %sub3A_1408 : vector<16xf32>
      %sub3A_1410 = arith.subf %add3A_1400, %max3A_1403 : vector<16xf32>
      %exp3A_1411 = math.exp %sub3A_1410 : vector<16xf32>
      %add3A_1412 = arith.addf %exp3A_1405, %exp3A_1407 : vector<16xf32>
      %add3A_1413 = arith.addf %exp3A_1409, %exp3A_1411 : vector<16xf32>
      %add3A_1414 = arith.addf %add3A_1412, %add3A_1413 : vector<16xf32>
      %div3A_1415 = arith.constant 1.000000e+00 : f32
      %div3A_1416 = vector.broadcast %div3A_1415 : f32 to vector<16xf32>
      %div3A_1417 = arith.divf %div3A_1416, %add3A_1414 : vector<16xf32>
      %mul3A_1418 = arith.mulf %exp3A_1405, %div3A_1417 : vector<16xf32>
      %add3A_1419 = arith.constant 0 : i32
      %add3A_1420 = arith.addi %add3A_1419, %mul3A_1305 : i32
      %swap3A_1421 = arith.index_cast %add3A_1420 : i32 to index
      %swap3A_1422 = tpu.vector_load %arg13[%swap3A_1421] {strides = array<i32>} : memref<8000xf32, #tpu.memory_space<vmem>>, vector<16xf32>,
      tpu.vector_store %arg13[%swap3A_1421], %mul3A_1418 {strides = array<i32>} : memref<8000xf32, #tpu.memory_space<vmem>>, vector<16xf32>,
      %mul3A_1423 = arith.mulf %exp3A_1407, %div3A_1417 : vector<16xf32>
      %add3A_1424 = arith.constant 2000 : i32
      %add3A_1425 = arith.addi %add3A_1424, %mul3A_1305 : i32
      %swap3A_1426 = arith.index_cast %add3A_1425 : i32 to index
      %swap3A_1427 = tpu.vector_load %arg13[%swap3A_1426] {strides = array<i32>} : memref<8000xf32, #tpu.memory_space<vmem>>, vector<16xf32>,
      tpu.vector_store %arg13[%swap3A_1426], %mul3A_1423 {strides = array<i32>} : memref<8000xf32, #tpu.memory_space<vmem>>, vector<16xf32>,
      %mul3A_1428 = arith.mulf %exp3A_1409, %div3A_1417 : vector<16xf32>
      %add3A_1429 = arith.constant 4000 : i32
      %add3A_1430 = arith.addi %add3A_1429, %mul3A_1305 : i32
      %swap3A_1431 = arith.index_cast %add3A_1430 : i32 to index
      %swap3A_1432 = tpu.vector_load %arg13[%swap3A_1431] {strides = array<i32>} : memref<8000xf32, #tpu.memory_space<vmem>>, vector<16xf32>,
      tpu.vector_store %arg13[%swap3A_1431], %mul3A_1428 {strides = array<i32>} : memref<8000xf32, #tpu.memory_space<vmem>>, vector<16xf32>,
      %mul3A_1433 = arith.mulf %exp3A_1411, %div3A_1417 : vector<16xf32>
      %add3A_1434 = arith.constant 6000 : i32
      %add3A_1435 = arith.addi %add3A_1434, %mul3A_1305 : i32
      %swap3A_1436 = arith.index_cast %add3A_1435 : i32 to index
      %swap3A_1437 = tpu.vector_load %arg13[%swap3A_1436] {strides = array<i32>} : memref<8000xf32, #tpu.memory_space<vmem>>, vector<16xf32>,
      tpu.vector_store %arg13[%swap3A_1436], %mul3A_1433 {strides = array<i32>} : memref<8000xf32, #tpu.memory_space<vmem>>, vector<16xf32>,
      %scan3A_1438 = arith.constant 0 : i32
      scf.yield %scan3A_1438 : i32
    }
    %scan3A_259 = arith.constant 124 : i32
    %scan3A_260 = arith.addi %scan3A_254, %scan3A_259 : i32
    %mul3A_261 = arith.constant 16 : i32
    %mul3A_262 = arith.muli %scan3A_260, %mul3A_261 : i32
    %get3A_263 = arith.index_cast %mul3A_262 : i32 to index
    %get3A_264 = tpu.vector_load %arg9[%get3A_263] {strides = array<i32>} : memref<2000xi32, #tpu.memory_space<vmem>>, vector<16xi32>,
    %get3A_265 = arith.index_cast %mul3A_262 : i32 to index
    %get3A_266 = tpu.vector_load %arg11[%get3A_265] {strides = array<i32>} : memref<2000xi32, #tpu.memory_space<vmem>>, vector<16xi32>,
    %add3A_267 = arith.constant 40000 : i32
    %add3A_268 = vector.broadcast %add3A_267 : i32 to vector<16xi32>
    %add3A_269 = arith.addi %get3A_266, %add3A_268 : vector<16xi32>
    %add3A_270 = arith.constant 0 : i32
    %add3A_271 = vector.broadcast %add3A_270 : i32 to vector<16xi32>
    %add3A_272 = arith.addi %get3A_264, %add3A_271 : vector<16xi32>
    %gather3A_273 = tpu.vector_load_idx %arg7[%add3A_272] : memref<80000xf32, #tpu.memory_space<vmem>>[vector<16xi32>], vector<16xf32>,
    %add3A_274 = arith.constant 0 : i32
    %add3A_275 = vector.broadcast %add3A_274 : i32 to vector<16xi32>
    %add3A_276 = arith.addi %add3A_269, %add3A_275 : vector<16xi32>
    %gather3A_277 = tpu.vector_load_idx %arg7[%add3A_276] : memref<80000xf32, #tpu.memory_space<vmem>>[vector<16xi32>], vector<16xf32>,
    %add3A_278 = arith.addf %gather3A_273, %gather3A_277 : vector<16xf32>
    %add3A_279 = arith.constant 10000 : i32
    %add3A_280 = vector.broadcast %add3A_279 : i32 to vector<16xi32>
    %add3A_281 = arith.addi %get3A_264, %add3A_280 : vector<16xi32>
    %gather3A_282 = tpu.vector_load_idx %arg7[%add3A_281] : memref<80000xf32, #tpu.memory_space<vmem>>[vector<16xi32>], vector<16xf32>,
    %add3A_283 = arith.constant 10000 : i32
    %add3A_284 = vector.broadcast %add3A_283 : i32 to vector<16xi32>
    %add3A_285 = arith.addi %add3A_269, %add3A_284 : vector<16xi32>
    %gather3A_286 = tpu.vector_load_idx %arg7[%add3A_285] : memref<80000xf32, #tpu.memory_space<vmem>>[vector<16xi32>], vector<16xf32>,
    %add3A_287 = arith.addf %gather3A_282, %gather3A_286 : vector<16xf32>
    %add3A_288 = arith.constant 20000 : i32
    %add3A_289 = vector.broadcast %add3A_288 : i32 to vector<16xi32>
    %add3A_290 = arith.addi %get3A_264, %add3A_289 : vector<16xi32>
    %gather3A_291 = tpu.vector_load_idx %arg7[%add3A_290] : memref<80000xf32, #tpu.memory_space<vmem>>[vector<16xi32>], vector<16xf32>,
    %add3A_292 = arith.constant 20000 : i32
    %add3A_293 = vector.broadcast %add3A_292 : i32 to vector<16xi32>
    %add3A_294 = arith.addi %add3A_269, %add3A_293 : vector<16xi32>
    %gather3A_295 = tpu.vector_load_idx %arg7[%add3A_294] : memref<80000xf32, #tpu.memory_space<vmem>>[vector<16xi32>], vector<16xf32>,
    %add3A_296 = arith.addf %gather3A_291, %gather3A_295 : vector<16xf32>
    %add3A_297 = arith.constant 30000 : i32
    %add3A_298 = vector.broadcast %add3A_297 : i32 to vector<16xi32>
    %add3A_299 = arith.addi %get3A_264, %add3A_298 : vector<16xi32>
    %gather3A_300 = tpu.vector_load_idx %arg7[%add3A_299] : memref<80000xf32, #tpu.memory_space<vmem>>[vector<16xi32>], vector<16xf32>,
    %add3A_301 = arith.constant 30000 : i32
    %add3A_302 = vector.broadcast %add3A_301 : i32 to vector<16xi32>
    %add3A_303 = arith.addi %add3A_269, %add3A_302 : vector<16xi32>
    %gather3A_304 = tpu.vector_load_idx %arg7[%add3A_303] : memref<80000xf32, #tpu.memory_space<vmem>>[vector<16xi32>], vector<16xf32>,
    %add3A_305 = arith.addf %gather3A_300, %gather3A_304 : vector<16xf32>
    %mul3A_306 = vector.broadcast %squeeze3A : f32 to vector<16xf32>
    %mul3A_307 = arith.mulf %add3A_278, %mul3A_306 : vector<16xf32>
    %add3A_308 = vector.broadcast %squeeze3A_44 : f32 to vector<16xf32>
    %add3A_309 = arith.addf %add3A_308, %mul3A_307 : vector<16xf32>
    %mul3A_310 = vector.broadcast %squeeze3A_14 : f32 to vector<16xf32>
    %mul3A_311 = arith.mulf %add3A_287, %mul3A_310 : vector<16xf32>
    %add3A_312 = arith.addf %add3A_309, %mul3A_311 : vector<16xf32>
    %mul3A_313 = vector.broadcast %squeeze3A_16 : f32 to vector<16xf32>
    %mul3A_314 = arith.mulf %add3A_296, %mul3A_313 : vector<16xf32>
    %add3A_315 = arith.addf %add3A_312, %mul3A_314 : vector<16xf32>
    %mul3A_316 = vector.broadcast %squeeze3A_18 : f32 to vector<16xf32>
    %mul3A_317 = arith.mulf %add3A_305, %mul3A_316 : vector<16xf32>
    %add3A_318 = arith.addf %add3A_315, %mul3A_317 : vector<16xf32>
    %mul3A_319 = vector.broadcast %squeeze3A_20 : f32 to vector<16xf32>
    %mul3A_320 = arith.mulf %add3A_278, %mul3A_319 : vector<16xf32>
    %add3A_321 = vector.broadcast %squeeze3A_46 : f32 to vector<16xf32>
    %add3A_322 = arith.addf %add3A_321, %mul3A_320 : vector<16xf32>
    %mul3A_323 = vector.broadcast %squeeze3A_22 : f32 to vector<16xf32>
    %mul3A_324 = arith.mulf %add3A_287, %mul3A_323 : vector<16xf32>
    %add3A_325 = arith.addf %add3A_322, %mul3A_324 : vector<16xf32>
    %mul3A_326 = vector.broadcast %squeeze3A_24 : f32 to vector<16xf32>
    %mul3A_327 = arith.mulf %add3A_296, %mul3A_326 : vector<16xf32>
    %add3A_328 = arith.addf %add3A_325, %mul3A_327 : vector<16xf32>
    %mul3A_329 = vector.broadcast %squeeze3A_26 : f32 to vector<16xf32>
    %mul3A_330 = arith.mulf %add3A_305, %mul3A_329 : vector<16xf32>
    %add3A_331 = arith.addf %add3A_328, %mul3A_330 : vector<16xf32>
    %mul3A_332 = vector.broadcast %squeeze3A_28 : f32 to vector<16xf32>
    %mul3A_333 = arith.mulf %add3A_278, %mul3A_332 : vector<16xf32>
    %add3A_334 = vector.broadcast %squeeze3A_48 : f32 to vector<16xf32>
    %add3A_335 = arith.addf %add3A_334, %mul3A_333 : vector<16xf32>
    %mul3A_336 = vector.broadcast %squeeze3A_30 : f32 to vector<16xf32>
    %mul3A_337 = arith.mulf %add3A_287, %mul3A_336 : vector<16xf32>
    %add3A_338 = arith.addf %add3A_335, %mul3A_337 : vector<16xf32>
    %mul3A_339 = vector.broadcast %squeeze3A_32 : f32 to vector<16xf32>
    %mul3A_340 = arith.mulf %add3A_296, %mul3A_339 : vector<16xf32>
    %add3A_341 = arith.addf %add3A_338, %mul3A_340 : vector<16xf32>
    %mul3A_342 = vector.broadcast %squeeze3A_34 : f32 to vector<16xf32>
    %mul3A_343 = arith.mulf %add3A_305, %mul3A_342 : vector<16xf32>
    %add3A_344 = arith.addf %add3A_341, %mul3A_343 : vector<16xf32>
    %mul3A_345 = vector.broadcast %squeeze3A_36 : f32 to vector<16xf32>
    %mul3A_346 = arith.mulf %add3A_278, %mul3A_345 : vector<16xf32>
    %add3A_347 = vector.broadcast %squeeze3A_50 : f32 to vector<16xf32>
    %add3A_348 = arith.addf %add3A_347, %mul3A_346 : vector<16xf32>
    %mul3A_349 = vector.broadcast %squeeze3A_38 : f32 to vector<16xf32>
    %mul3A_350 = arith.mulf %add3A_287, %mul3A_349 : vector<16xf32>
    %add3A_351 = arith.addf %add3A_348, %mul3A_350 : vector<16xf32>
    %mul3A_352 = vector.broadcast %squeeze3A_40 : f32 to vector<16xf32>
    %mul3A_353 = arith.mulf %add3A_296, %mul3A_352 : vector<16xf32>
    %add3A_354 = arith.addf %add3A_351, %mul3A_353 : vector<16xf32>
    %mul3A_355 = vector.broadcast %squeeze3A_42 : f32 to vector<16xf32>
    %mul3A_356 = arith.mulf %add3A_305, %mul3A_355 : vector<16xf32>
    %add3A_357 = arith.addf %add3A_354, %mul3A_356 : vector<16xf32>
    %max3A_358 = arith.maximumf %add3A_318, %add3A_331 : vector<16xf32>
    %max3A_359 = arith.maximumf %add3A_344, %add3A_357 : vector<16xf32>
    %max3A_360 = arith.maximumf %max3A_358, %max3A_359 : vector<16xf32>
    %sub3A_361 = arith.subf %add3A_318, %max3A_360 : vector<16xf32>
    %exp3A_362 = math.exp %sub3A_361 : vector<16xf32>
    %sub3A_363 = arith.subf %add3A_331, %max3A_360 : vector<16xf32>
    %exp3A_364 = math.exp %sub3A_363 : vector<16xf32>
    %sub3A_365 = arith.subf %add3A_344, %max3A_360 : vector<16xf32>
    %exp3A_366 = math.exp %sub3A_365 : vector<16xf32>
    %sub3A_367 = arith.subf %add3A_357, %max3A_360 : vector<16xf32>
    %exp3A_368 = math.exp %sub3A_367 : vector<16xf32>
    %add3A_369 = arith.addf %exp3A_362, %exp3A_364 : vector<16xf32>
    %add3A_370 = arith.addf %exp3A_366, %exp3A_368 : vector<16xf32>
    %add3A_371 = arith.addf %add3A_369, %add3A_370 : vector<16xf32>
    %div3A_372 = arith.constant 1.000000e+00 : f32
    %div3A_373 = vector.broadcast %div3A_372 : f32 to vector<16xf32>
    %div3A_374 = arith.divf %div3A_373, %add3A_371 : vector<16xf32>
    %mul3A_375 = arith.mulf %exp3A_362, %div3A_374 : vector<16xf32>
    %add3A_376 = arith.constant 0 : i32
    %add3A_377 = arith.addi %add3A_376, %mul3A_262 : i32
    %swap3A_378 = arith.index_cast %add3A_377 : i32 to index
    %swap3A_379 = tpu.vector_load %arg13[%swap3A_378] {strides = array<i32>} : memref<8000xf32, #tpu.memory_space<vmem>>, vector<16xf32>,
    tpu.vector_store %arg13[%swap3A_378], %mul3A_375 {strides = array<i32>} : memref<8000xf32, #tpu.memory_space<vmem>>, vector<16xf32>,
    %mul3A_380 = arith.mulf %exp3A_364, %div3A_374 : vector<16xf32>
    %add3A_381 = arith.constant 2000 : i32
    %add3A_382 = arith.addi %add3A_381, %mul3A_262 : i32
    %swap3A_383 = arith.index_cast %add3A_382 : i32 to index
    %swap3A_384 = tpu.vector_load %arg13[%swap3A_383] {strides = array<i32>} : memref<8000xf32, #tpu.memory_space<vmem>>, vector<16xf32>,
    tpu.vector_store %arg13[%swap3A_383], %mul3A_380 {strides = array<i32>} : memref<8000xf32, #tpu.memory_space<vmem>>, vector<16xf32>,
    %mul3A_385 = arith.mulf %exp3A_366, %div3A_374 : vector<16xf32>
    %add3A_386 = arith.constant 4000 : i32
    %add3A_387 = arith.addi %add3A_386, %mul3A_262 : i32
    %swap3A_388 = arith.index_cast %add3A_387 : i32 to index
    %swap3A_389 = tpu.vector_load %arg13[%swap3A_388] {strides = array<i32>} : memref<8000xf32, #tpu.memory_space<vmem>>, vector<16xf32>,
    tpu.vector_store %arg13[%swap3A_388], %mul3A_385 {strides = array<i32>} : memref<8000xf32, #tpu.memory_space<vmem>>, vector<16xf32>,
    %mul3A_390 = arith.mulf %exp3A_368, %div3A_374 : vector<16xf32>
    %add3A_391 = arith.constant 6000 : i32
    %add3A_392 = arith.addi %add3A_391, %mul3A_262 : i32
    %swap3A_393 = arith.index_cast %add3A_392 : i32 to index
    %swap3A_394 = tpu.vector_load %arg13[%swap3A_393] {strides = array<i32>} : memref<8000xf32, #tpu.memory_space<vmem>>, vector<16xf32>,
    tpu.vector_store %arg13[%swap3A_393], %mul3A_390 {strides = array<i32>} : memref<8000xf32, #tpu.memory_space<vmem>>, vector<16xf32>,
    %scan3A_395 = arith.constant 0 : i32
    %scan3A_396 = arith.constant 125 : i32
    %add3A_397 = arith.constant 2000 : i32
    %add3A_398 = arith.addi %mul3A_2, %add3A_397 : i32
    %add3A_399 = arith.constant 0 : i32
    %add3A_400 = arith.addi %add3A_399, %add3A_398 : i32
    %dma_start3A_401 = arith.constant 0 : i32
    %dma_start3A_402 = tpu.memref_slice %arg13[%dma_start3A_401] : memref<8000xf32, #tpu.memory_space<vmem>> -> memref<2000xf32, #tpu.memory_space<vmem>>
    %dma_start3A_403 = tpu.memref_slice %arg6[%add3A_400] : memref<1280000xf32, #tpu.memory_space<hbm>> -> memref<2000xf32, #tpu.memory_space<hbm>>
    %dma_start3A_404 = tpu.memref_slice %arg6[%add3A_400] : memref<1280000xf32, #tpu.memory_space<hbm>> -> memref<2000xf32, #tpu.memory_space<hbm>>
    %dma_start3A_405 = arith.constant 0 : i32
    %dma_start3A_406 = tpu.memref_slice %arg13[%dma_start3A_405] : memref<8000xf32, #tpu.memory_space<vmem>> -> memref<2000xf32, #tpu.memory_space<vmem>>
    tpu.enqueue_dma source(%dma_start3A_406 : memref<2000xf32, #tpu.memory_space<vmem>>) target(%dma_start3A_404 : memref<2000xf32, #tpu.memory_space<hbm>>) target_semaphore(%arg19 : memref<!tpu.dma_semaphore, #tpu.memory_space<semaphore_mem>>)
    %add3A_407 = arith.constant 320000 : i32
    %add3A_408 = arith.addi %add3A_407, %add3A_398 : i32
    %dma_start3A_409 = arith.constant 2000 : i32
    %dma_start3A_410 = tpu.memref_slice %arg13[%dma_start3A_409] : memref<8000xf32, #tpu.memory_space<vmem>> -> memref<2000xf32, #tpu.memory_space<vmem>>
    %dma_start3A_411 = tpu.memref_slice %arg6[%add3A_408] : memref<1280000xf32, #tpu.memory_space<hbm>> -> memref<2000xf32, #tpu.memory_space<hbm>>
    %dma_start3A_412 = tpu.memref_slice %arg6[%add3A_408] : memref<1280000xf32, #tpu.memory_space<hbm>> -> memref<2000xf32, #tpu.memory_space<hbm>>
    %dma_start3A_413 = arith.constant 2000 : i32
    %dma_start3A_414 = tpu.memref_slice %arg13[%dma_start3A_413] : memref<8000xf32, #tpu.memory_space<vmem>> -> memref<2000xf32, #tpu.memory_space<vmem>>
    tpu.enqueue_dma source(%dma_start3A_414 : memref<2000xf32, #tpu.memory_space<vmem>>) target(%dma_start3A_412 : memref<2000xf32, #tpu.memory_space<hbm>>) target_semaphore(%arg19 : memref<!tpu.dma_semaphore, #tpu.memory_space<semaphore_mem>>)
    %add3A_415 = arith.constant 640000 : i32
    %add3A_416 = arith.addi %add3A_415, %add3A_398 : i32
    %dma_start3A_417 = arith.constant 4000 : i32
    %dma_start3A_418 = tpu.memref_slice %arg13[%dma_start3A_417] : memref<8000xf32, #tpu.memory_space<vmem>> -> memref<2000xf32, #tpu.memory_space<vmem>>
    %dma_start3A_419 = tpu.memref_slice %arg6[%add3A_416] : memref<1280000xf32, #tpu.memory_space<hbm>> -> memref<2000xf32, #tpu.memory_space<hbm>>
    %dma_start3A_420 = tpu.memref_slice %arg6[%add3A_416] : memref<1280000xf32, #tpu.memory_space<hbm>> -> memref<2000xf32, #tpu.memory_space<hbm>>
    %dma_start3A_421 = arith.constant 4000 : i32
    %dma_start3A_422 = tpu.memref_slice %arg13[%dma_start3A_421] : memref<8000xf32, #tpu.memory_space<vmem>> -> memref<2000xf32, #tpu.memory_space<vmem>>
    tpu.enqueue_dma source(%dma_start3A_422 : memref<2000xf32, #tpu.memory_space<vmem>>) target(%dma_start3A_420 : memref<2000xf32, #tpu.memory_space<hbm>>) target_semaphore(%arg19 : memref<!tpu.dma_semaphore, #tpu.memory_space<semaphore_mem>>)
    %add3A_423 = arith.constant 960000 : i32
    %add3A_424 = arith.addi %add3A_423, %add3A_398 : i32
    %dma_start3A_425 = arith.constant 6000 : i32
    %dma_start3A_426 = tpu.memref_slice %arg13[%dma_start3A_425] : memref<8000xf32, #tpu.memory_space<vmem>> -> memref<2000xf32, #tpu.memory_space<vmem>>
    %dma_start3A_427 = tpu.memref_slice %arg6[%add3A_424] : memref<1280000xf32, #tpu.memory_space<hbm>> -> memref<2000xf32, #tpu.memory_space<hbm>>
    %dma_start3A_428 = tpu.memref_slice %arg6[%add3A_424] : memref<1280000xf32, #tpu.memory_space<hbm>> -> memref<2000xf32, #tpu.memory_space<hbm>>
    %dma_start3A_429 = arith.constant 6000 : i32
    %dma_start3A_430 = tpu.memref_slice %arg13[%dma_start3A_429] : memref<8000xf32, #tpu.memory_space<vmem>> -> memref<2000xf32, #tpu.memory_space<vmem>>
    tpu.enqueue_dma source(%dma_start3A_430 : memref<2000xf32, #tpu.memory_space<vmem>>) target(%dma_start3A_428 : memref<2000xf32, #tpu.memory_space<hbm>>) target_semaphore(%arg19 : memref<!tpu.dma_semaphore, #tpu.memory_space<semaphore_mem>>)
    %add3A_431 = arith.constant 6000 : i32
    %add3A_432 = arith.addi %mul3A_2, %add3A_431 : i32
    %add3A_433 = arith.constant 320000 : i32
    %add3A_434 = arith.addi %add3A_433, %add3A_432 : i32
    %dma_start3A_435 = tpu.memref_slice %arg3[%add3A_434] : memref<640000xi32, #tpu.memory_space<hbm>> -> memref<2000xi32, #tpu.memory_space<hbm>>
    %dma_start3A_436 = tpu.memref_slice %arg3[%add3A_434] : memref<640000xi32, #tpu.memory_space<hbm>> -> memref<2000xi32, #tpu.memory_space<hbm>>
    tpu.enqueue_dma source(%dma_start3A_436 : memref<2000xi32, #tpu.memory_space<hbm>>) target(%arg9 : memref<2000xi32, #tpu.memory_space<vmem>>) target_semaphore(%arg17 : memref<!tpu.dma_semaphore, #tpu.memory_space<semaphore_mem>>)
    %dma_start3A_437 = tpu.memref_slice %arg3[%add3A_432] : memref<640000xi32, #tpu.memory_space<hbm>> -> memref<2000xi32, #tpu.memory_space<hbm>>
    %dma_start3A_438 = tpu.memref_slice %arg3[%add3A_432] : memref<640000xi32, #tpu.memory_space<hbm>> -> memref<2000xi32, #tpu.memory_space<hbm>>
    tpu.enqueue_dma source(%dma_start3A_438 : memref<2000xi32, #tpu.memory_space<hbm>>) target(%arg11 : memref<2000xi32, #tpu.memory_space<vmem>>) target_semaphore(%arg17 : memref<!tpu.dma_semaphore, #tpu.memory_space<semaphore_mem>>)
    %dma_wait3A_439 = arith.constant 0 : i32
    %dma_wait3A_440 = tpu.memref_slice %arg3[%dma_wait3A_439] : memref<640000xi32, #tpu.memory_space<hbm>> -> memref<2000xi32, #tpu.memory_space<hbm>>
    %dma_wait3A_441 = arith.constant 0 : i32
    %dma_wait3A_442 = tpu.memref_slice %arg3[%dma_wait3A_441] : memref<640000xi32, #tpu.memory_space<hbm>> -> memref<2000xi32, #tpu.memory_space<hbm>>
    tpu.wait_dma2 semaphore(%arg16 : memref<!tpu.dma_semaphore, #tpu.memory_space<semaphore_mem>>) src(%dma_wait3A_442 : memref<2000xi32, #tpu.memory_space<hbm>>) dst(%arg8 : memref<2000xi32, #tpu.memory_space<vmem>>)
    %dma_wait3A_443 = arith.constant 0 : i32
    %dma_wait3A_444 = tpu.memref_slice %arg3[%dma_wait3A_443] : memref<640000xi32, #tpu.memory_space<hbm>> -> memref<2000xi32, #tpu.memory_space<hbm>>
    %dma_wait3A_445 = arith.constant 0 : i32
    %dma_wait3A_446 = tpu.memref_slice %arg3[%dma_wait3A_445] : memref<640000xi32, #tpu.memory_space<hbm>> -> memref<2000xi32, #tpu.memory_space<hbm>>
    tpu.wait_dma2 semaphore(%arg16 : memref<!tpu.dma_semaphore, #tpu.memory_space<semaphore_mem>>) src(%dma_wait3A_446 : memref<2000xi32, #tpu.memory_space<hbm>>) dst(%arg10 : memref<2000xi32, #tpu.memory_space<vmem>>)
    %dma_wait3A_447 = arith.constant 0 : i32
    %dma_wait3A_448 = tpu.memref_slice %arg12[%dma_wait3A_447] : memref<8000xf32, #tpu.memory_space<vmem>> -> memref<2000xf32, #tpu.memory_space<vmem>>
    %dma_wait3A_449 = arith.constant 0 : i32
    %dma_wait3A_450 = tpu.memref_slice %arg6[%dma_wait3A_449] : memref<1280000xf32, #tpu.memory_space<hbm>> -> memref<2000xf32, #tpu.memory_space<hbm>>
    %dma_wait3A_451 = arith.constant 0 : i32
    %dma_wait3A_452 = tpu.memref_slice %arg6[%dma_wait3A_451] : memref<1280000xf32, #tpu.memory_space<hbm>> -> memref<2000xf32, #tpu.memory_space<hbm>>
    %dma_wait3A_453 = arith.constant 0 : i32
    %dma_wait3A_454 = tpu.memref_slice %arg12[%dma_wait3A_453] : memref<8000xf32, #tpu.memory_space<vmem>> -> memref<2000xf32, #tpu.memory_space<vmem>>
    tpu.wait_dma2 semaphore(%arg18 : memref<!tpu.dma_semaphore, #tpu.memory_space<semaphore_mem>>) src(%dma_wait3A_454 : memref<2000xf32, #tpu.memory_space<vmem>>) dst(%dma_wait3A_452 : memref<2000xf32, #tpu.memory_space<hbm>>)
    %dma_wait3A_455 = arith.constant 2000 : i32
    %dma_wait3A_456 = tpu.memref_slice %arg12[%dma_wait3A_455] : memref<8000xf32, #tpu.memory_space<vmem>> -> memref<2000xf32, #tpu.memory_space<vmem>>
    %dma_wait3A_457 = arith.constant 0 : i32
    %dma_wait3A_458 = tpu.memref_slice %arg6[%dma_wait3A_457] : memref<1280000xf32, #tpu.memory_space<hbm>> -> memref<2000xf32, #tpu.memory_space<hbm>>
    %dma_wait3A_459 = arith.constant 0 : i32
    %dma_wait3A_460 = tpu.memref_slice %arg6[%dma_wait3A_459] : memref<1280000xf32, #tpu.memory_space<hbm>> -> memref<2000xf32, #tpu.memory_space<hbm>>
    %dma_wait3A_461 = arith.constant 2000 : i32
    %dma_wait3A_462 = tpu.memref_slice %arg12[%dma_wait3A_461] : memref<8000xf32, #tpu.memory_space<vmem>> -> memref<2000xf32, #tpu.memory_space<vmem>>
    tpu.wait_dma2 semaphore(%arg18 : memref<!tpu.dma_semaphore, #tpu.memory_space<semaphore_mem>>) src(%dma_wait3A_462 : memref<2000xf32, #tpu.memory_space<vmem>>) dst(%dma_wait3A_460 : memref<2000xf32, #tpu.memory_space<hbm>>)
    %dma_wait3A_463 = arith.constant 4000 : i32
    %dma_wait3A_464 = tpu.memref_slice %arg12[%dma_wait3A_463] : memref<8000xf32, #tpu.memory_space<vmem>> -> memref<2000xf32, #tpu.memory_space<vmem>>
    %dma_wait3A_465 = arith.constant 0 : i32
    %dma_wait3A_466 = tpu.memref_slice %arg6[%dma_wait3A_465] : memref<1280000xf32, #tpu.memory_space<hbm>> -> memref<2000xf32, #tpu.memory_space<hbm>>
    %dma_wait3A_467 = arith.constant 0 : i32
    %dma_wait3A_468 = tpu.memref_slice %arg6[%dma_wait3A_467] : memref<1280000xf32, #tpu.memory_space<hbm>> -> memref<2000xf32, #tpu.memory_space<hbm>>
    %dma_wait3A_469 = arith.constant 4000 : i32
    %dma_wait3A_470 = tpu.memref_slice %arg12[%dma_wait3A_469] : memref<8000xf32, #tpu.memory_space<vmem>> -> memref<2000xf32, #tpu.memory_space<vmem>>
    tpu.wait_dma2 semaphore(%arg18 : memref<!tpu.dma_semaphore, #tpu.memory_space<semaphore_mem>>) src(%dma_wait3A_470 : memref<2000xf32, #tpu.memory_space<vmem>>) dst(%dma_wait3A_468 : memref<2000xf32, #tpu.memory_space<hbm>>)
    %dma_wait3A_471 = arith.constant 6000 : i32
    %dma_wait3A_472 = tpu.memref_slice %arg12[%dma_wait3A_471] : memref<8000xf32, #tpu.memory_space<vmem>> -> memref<2000xf32, #tpu.memory_space<vmem>>
    %dma_wait3A_473 = arith.constant 0 : i32
    %dma_wait3A_474 = tpu.memref_slice %arg6[%dma_wait3A_473] : memref<1280000xf32, #tpu.memory_space<hbm>> -> memref<2000xf32, #tpu.memory_space<hbm>>
    %dma_wait3A_475 = arith.constant 0 : i32
    %dma_wait3A_476 = tpu.memref_slice %arg6[%dma_wait3A_475] : memref<1280000xf32, #tpu.memory_space<hbm>> -> memref<2000xf32, #tpu.memory_space<hbm>>
    %dma_wait3A_477 = arith.constant 6000 : i32
    %dma_wait3A_478 = tpu.memref_slice %arg12[%dma_wait3A_477] : memref<8000xf32, #tpu.memory_space<vmem>> -> memref<2000xf32, #tpu.memory_space<vmem>>
    tpu.wait_dma2 semaphore(%arg18 : memref<!tpu.dma_semaphore, #tpu.memory_space<semaphore_mem>>) src(%dma_wait3A_478 : memref<2000xf32, #tpu.memory_space<vmem>>) dst(%dma_wait3A_476 : memref<2000xf32, #tpu.memory_space<hbm>>)
    %scan3A_479 = arith.constant 0 : i32
    %scan3A_480 = arith.constant 0 : i32
    %scan3A_481 = arith.constant 124 : i32
    %scan3A_482 = arith.addi %scan3A_480, %scan3A_481 : i32
    %scan3A_483 = arith.constant 2 : i32
    %scan3A_484 = scf.for %scan3A_1165 = %scan3A_480 to %scan3A_482 step %scan3A_483 iter_args(%scan3A_1166 = %scan3A_479) -> (i32)  : i32 {
      %mul3A_1167 = arith.constant 16 : i32
      %mul3A_1168 = arith.muli %scan3A_1165, %mul3A_1167 : i32
      %get3A_1169 = arith.index_cast %mul3A_1168 : i32 to index
      %get3A_1170 = tpu.vector_load %arg8[%get3A_1169] {strides = array<i32>} : memref<2000xi32, #tpu.memory_space<vmem>>, vector<16xi32>,
      %get3A_1171 = arith.index_cast %mul3A_1168 : i32 to index
      %get3A_1172 = tpu.vector_load %arg10[%get3A_1171] {strides = array<i32>} : memref<2000xi32, #tpu.memory_space<vmem>>, vector<16xi32>,
      %add3A_1173 = arith.constant 40000 : i32
      %add3A_1174 = vector.broadcast %add3A_1173 : i32 to vector<16xi32>
      %add3A_1175 = arith.addi %get3A_1172, %add3A_1174 : vector<16xi32>
      %add3A_1176 = arith.constant 0 : i32
      %add3A_1177 = vector.broadcast %add3A_1176 : i32 to vector<16xi32>
      %add3A_1178 = arith.addi %get3A_1170, %add3A_1177 : vector<16xi32>
      %gather3A_1179 = tpu.vector_load_idx %arg7[%add3A_1178] : memref<80000xf32, #tpu.memory_space<vmem>>[vector<16xi32>], vector<16xf32>,
      %add3A_1180 = arith.constant 0 : i32
      %add3A_1181 = vector.broadcast %add3A_1180 : i32 to vector<16xi32>
      %add3A_1182 = arith.addi %add3A_1175, %add3A_1181 : vector<16xi32>
      %gather3A_1183 = tpu.vector_load_idx %arg7[%add3A_1182] : memref<80000xf32, #tpu.memory_space<vmem>>[vector<16xi32>], vector<16xf32>,
      %add3A_1184 = arith.addf %gather3A_1179, %gather3A_1183 : vector<16xf32>
      %add3A_1185 = arith.constant 10000 : i32
      %add3A_1186 = vector.broadcast %add3A_1185 : i32 to vector<16xi32>
      %add3A_1187 = arith.addi %get3A_1170, %add3A_1186 : vector<16xi32>
      %gather3A_1188 = tpu.vector_load_idx %arg7[%add3A_1187] : memref<80000xf32, #tpu.memory_space<vmem>>[vector<16xi32>], vector<16xf32>,
      %add3A_1189 = arith.constant 10000 : i32
      %add3A_1190 = vector.broadcast %add3A_1189 : i32 to vector<16xi32>
      %add3A_1191 = arith.addi %add3A_1175, %add3A_1190 : vector<16xi32>
      %gather3A_1192 = tpu.vector_load_idx %arg7[%add3A_1191] : memref<80000xf32, #tpu.memory_space<vmem>>[vector<16xi32>], vector<16xf32>,
      %add3A_1193 = arith.addf %gather3A_1188, %gather3A_1192 : vector<16xf32>
      %add3A_1194 = arith.constant 20000 : i32
      %add3A_1195 = vector.broadcast %add3A_1194 : i32 to vector<16xi32>
      %add3A_1196 = arith.addi %get3A_1170, %add3A_1195 : vector<16xi32>
      %gather3A_1197 = tpu.vector_load_idx %arg7[%add3A_1196] : memref<80000xf32, #tpu.memory_space<vmem>>[vector<16xi32>], vector<16xf32>,
      %add3A_1198 = arith.constant 20000 : i32
      %add3A_1199 = vector.broadcast %add3A_1198 : i32 to vector<16xi32>
      %add3A_1200 = arith.addi %add3A_1175, %add3A_1199 : vector<16xi32>
      %gather3A_1201 = tpu.vector_load_idx %arg7[%add3A_1200] : memref<80000xf32, #tpu.memory_space<vmem>>[vector<16xi32>], vector<16xf32>,
      %add3A_1202 = arith.addf %gather3A_1197, %gather3A_1201 : vector<16xf32>
      %add3A_1203 = arith.constant 30000 : i32
      %add3A_1204 = vector.broadcast %add3A_1203 : i32 to vector<16xi32>
      %add3A_1205 = arith.addi %get3A_1170, %add3A_1204 : vector<16xi32>
      %gather3A_1206 = tpu.vector_load_idx %arg7[%add3A_1205] : memref<80000xf32, #tpu.memory_space<vmem>>[vector<16xi32>], vector<16xf32>,
      %add3A_1207 = arith.constant 30000 : i32
      %add3A_1208 = vector.broadcast %add3A_1207 : i32 to vector<16xi32>
      %add3A_1209 = arith.addi %add3A_1175, %add3A_1208 : vector<16xi32>
      %gather3A_1210 = tpu.vector_load_idx %arg7[%add3A_1209] : memref<80000xf32, #tpu.memory_space<vmem>>[vector<16xi32>], vector<16xf32>,
      %add3A_1211 = arith.addf %gather3A_1206, %gather3A_1210 : vector<16xf32>
      %mul3A_1212 = vector.broadcast %squeeze3A : f32 to vector<16xf32>
      %mul3A_1213 = arith.mulf %add3A_1184, %mul3A_1212 : vector<16xf32>
      %add3A_1214 = vector.broadcast %squeeze3A_44 : f32 to vector<16xf32>
      %add3A_1215 = arith.addf %add3A_1214, %mul3A_1213 : vector<16xf32>
      %mul3A_1216 = vector.broadcast %squeeze3A_14 : f32 to vector<16xf32>
      %mul3A_1217 = arith.mulf %add3A_1193, %mul3A_1216 : vector<16xf32>
      %add3A_1218 = arith.addf %add3A_1215, %mul3A_1217 : vector<16xf32>
      %mul3A_1219 = vector.broadcast %squeeze3A_16 : f32 to vector<16xf32>
      %mul3A_1220 = arith.mulf %add3A_1202, %mul3A_1219 : vector<16xf32>
      %add3A_1221 = arith.addf %add3A_1218, %mul3A_1220 : vector<16xf32>
      %mul3A_1222 = vector.broadcast %squeeze3A_18 : f32 to vector<16xf32>
      %mul3A_1223 = arith.mulf %add3A_1211, %mul3A_1222 : vector<16xf32>
      %add3A_1224 = arith.addf %add3A_1221, %mul3A_1223 : vector<16xf32>
      %mul3A_1225 = vector.broadcast %squeeze3A_20 : f32 to vector<16xf32>
      %mul3A_1226 = arith.mulf %add3A_1184, %mul3A_1225 : vector<16xf32>
      %add3A_1227 = vector.broadcast %squeeze3A_46 : f32 to vector<16xf32>
      %add3A_1228 = arith.addf %add3A_1227, %mul3A_1226 : vector<16xf32>
      %mul3A_1229 = vector.broadcast %squeeze3A_22 : f32 to vector<16xf32>
      %mul3A_1230 = arith.mulf %add3A_1193, %mul3A_1229 : vector<16xf32>
      %add3A_1231 = arith.addf %add3A_1228, %mul3A_1230 : vector<16xf32>
      %mul3A_1232 = vector.broadcast %squeeze3A_24 : f32 to vector<16xf32>
      %mul3A_1233 = arith.mulf %add3A_1202, %mul3A_1232 : vector<16xf32>
      %add3A_1234 = arith.addf %add3A_1231, %mul3A_1233 : vector<16xf32>
      %mul3A_1235 = vector.broadcast %squeeze3A_26 : f32 to vector<16xf32>
      %mul3A_1236 = arith.mulf %add3A_1211, %mul3A_1235 : vector<16xf32>
      %add3A_1237 = arith.addf %add3A_1234, %mul3A_1236 : vector<16xf32>
      %mul3A_1238 = vector.broadcast %squeeze3A_28 : f32 to vector<16xf32>
      %mul3A_1239 = arith.mulf %add3A_1184, %mul3A_1238 : vector<16xf32>
      %add3A_1240 = vector.broadcast %squeeze3A_48 : f32 to vector<16xf32>
      %add3A_1241 = arith.addf %add3A_1240, %mul3A_1239 : vector<16xf32>
      %mul3A_1242 = vector.broadcast %squeeze3A_30 : f32 to vector<16xf32>
      %mul3A_1243 = arith.mulf %add3A_1193, %mul3A_1242 : vector<16xf32>
      %add3A_1244 = arith.addf %add3A_1241, %mul3A_1243 : vector<16xf32>
      %mul3A_1245 = vector.broadcast %squeeze3A_32 : f32 to vector<16xf32>
      %mul3A_1246 = arith.mulf %add3A_1202, %mul3A_1245 : vector<16xf32>
      %add3A_1247 = arith.addf %add3A_1244, %mul3A_1246 : vector<16xf32>
      %mul3A_1248 = vector.broadcast %squeeze3A_34 : f32 to vector<16xf32>
      %mul3A_1249 = arith.mulf %add3A_1211, %mul3A_1248 : vector<16xf32>
      %add3A_1250 = arith.addf %add3A_1247, %mul3A_1249 : vector<16xf32>
      %mul3A_1251 = vector.broadcast %squeeze3A_36 : f32 to vector<16xf32>
      %mul3A_1252 = arith.mulf %add3A_1184, %mul3A_1251 : vector<16xf32>
      %add3A_1253 = vector.broadcast %squeeze3A_50 : f32 to vector<16xf32>
      %add3A_1254 = arith.addf %add3A_1253, %mul3A_1252 : vector<16xf32>
      %mul3A_1255 = vector.broadcast %squeeze3A_38 : f32 to vector<16xf32>
      %mul3A_1256 = arith.mulf %add3A_1193, %mul3A_1255 : vector<16xf32>
      %add3A_1257 = arith.addf %add3A_1254, %mul3A_1256 : vector<16xf32>
      %mul3A_1258 = vector.broadcast %squeeze3A_40 : f32 to vector<16xf32>
      %mul3A_1259 = arith.mulf %add3A_1202, %mul3A_1258 : vector<16xf32>
      %add3A_1260 = arith.addf %add3A_1257, %mul3A_1259 : vector<16xf32>
      %mul3A_1261 = vector.broadcast %squeeze3A_42 : f32 to vector<16xf32>
      %mul3A_1262 = arith.mulf %add3A_1211, %mul3A_1261 : vector<16xf32>
      %add3A_1263 = arith.addf %add3A_1260, %mul3A_1262 : vector<16xf32>
      %max3A_1264 = arith.maximumf %add3A_1224, %add3A_1237 : vector<16xf32>
      %max3A_1265 = arith.maximumf %add3A_1250, %add3A_1263 : vector<16xf32>
      %max3A_1266 = arith.maximumf %max3A_1264, %max3A_1265 : vector<16xf32>
      %sub3A_1267 = arith.subf %add3A_1224, %max3A_1266 : vector<16xf32>
      %exp3A_1268 = math.exp %sub3A_1267 : vector<16xf32>
      %sub3A_1269 = arith.subf %add3A_1237, %max3A_1266 : vector<16xf32>
      %exp3A_1270 = math.exp %sub3A_1269 : vector<16xf32>
      %sub3A_1271 = arith.subf %add3A_1250, %max3A_1266 : vector<16xf32>
      %exp3A_1272 = math.exp %sub3A_1271 : vector<16xf32>
      %sub3A_1273 = arith.subf %add3A_1263, %max3A_1266 : vector<16xf32>
      %exp3A_1274 = math.exp %sub3A_1273 : vector<16xf32>
      %add3A_1275 = arith.addf %exp3A_1268, %exp3A_1270 : vector<16xf32>
      %add3A_1276 = arith.addf %exp3A_1272, %exp3A_1274 : vector<16xf32>
      %add3A_1277 = arith.addf %add3A_1275, %add3A_1276 : vector<16xf32>
      %div3A_1278 = arith.constant 1.000000e+00 : f32
      %div3A_1279 = vector.broadcast %div3A_1278 : f32 to vector<16xf32>
      %div3A_1280 = arith.divf %div3A_1279, %add3A_1277 : vector<16xf32>
      %mul3A_1281 = arith.mulf %exp3A_1268, %div3A_1280 : vector<16xf32>
      %add3A_1282 = arith.constant 0 : i32
      %add3A_1283 = arith.addi %add3A_1282, %mul3A_1168 : i32
      %swap3A_1284 = arith.index_cast %add3A_1283 : i32 to index
      %swap3A_1285 = tpu.vector_load %arg12[%swap3A_1284] {strides = array<i32>} : memref<8000xf32, #tpu.memory_space<vmem>>, vector<16xf32>,
      tpu.vector_store %arg12[%swap3A_1284], %mul3A_1281 {strides = array<i32>} : memref<8000xf32, #tpu.memory_space<vmem>>, vector<16xf32>,
      %mul3A_1286 = arith.mulf %exp3A_1270, %div3A_1280 : vector<16xf32>
      %add3A_1287 = arith.constant 2000 : i32
      %add3A_1288 = arith.addi %add3A_1287, %mul3A_1168 : i32
      %swap3A_1289 = arith.index_cast %add3A_1288 : i32 to index
      %swap3A_1290 = tpu.vector_load %arg12[%swap3A_1289] {strides = array<i32>} : memref<8000xf32, #tpu.memory_space<vmem>>, vector<16xf32>,
      tpu.vector_store %arg12[%swap3A_1289], %mul3A_1286 {strides = array<i32>} : memref<8000xf32, #tpu.memory_space<vmem>>, vector<16xf32>,
      %mul3A_1291 = arith.mulf %exp3A_1272, %div3A_1280 : vector<16xf32>
      %add3A_1292 = arith.constant 4000 : i32
      %add3A_1293 = arith.addi %add3A_1292, %mul3A_1168 : i32
      %swap3A_1294 = arith.index_cast %add3A_1293 : i32 to index
      %swap3A_1295 = tpu.vector_load %arg12[%swap3A_1294] {strides = array<i32>} : memref<8000xf32, #tpu.memory_space<vmem>>, vector<16xf32>,
      tpu.vector_store %arg12[%swap3A_1294], %mul3A_1291 {strides = array<i32>} : memref<8000xf32, #tpu.memory_space<vmem>>, vector<16xf32>,
      %mul3A_1296 = arith.mulf %exp3A_1274, %div3A_1280 : vector<16xf32>
      %add3A_1297 = arith.constant 6000 : i32
      %add3A_1298 = arith.addi %add3A_1297, %mul3A_1168 : i32
      %swap3A_1299 = arith.index_cast %add3A_1298 : i32 to index
      %swap3A_1300 = tpu.vector_load %arg12[%swap3A_1299] {strides = array<i32>} : memref<8000xf32, #tpu.memory_space<vmem>>, vector<16xf32>,
      tpu.vector_store %arg12[%swap3A_1299], %mul3A_1296 {strides = array<i32>} : memref<8000xf32, #tpu.memory_space<vmem>>, vector<16xf32>,
      %scan3A_1301 = arith.constant 0 : i32
      %scan3A_1302 = arith.constant 1 : i32
      %scan3A_1303 = arith.addi %scan3A_1165, %scan3A_1302 : i32
      %mul3A_1304 = arith.constant 16 : i32
      %mul3A_1305 = arith.muli %scan3A_1303, %mul3A_1304 : i32
      %get3A_1306 = arith.index_cast %mul3A_1305 : i32 to index
      %get3A_1307 = tpu.vector_load %arg8[%get3A_1306] {strides = array<i32>} : memref<2000xi32, #tpu.memory_space<vmem>>, vector<16xi32>,
      %get3A_1308 = arith.index_cast %mul3A_1305 : i32 to index
      %get3A_1309 = tpu.vector_load %arg10[%get3A_1308] {strides = array<i32>} : memref<2000xi32, #tpu.memory_space<vmem>>, vector<16xi32>,
      %add3A_1310 = arith.constant 40000 : i32
      %add3A_1311 = vector.broadcast %add3A_1310 : i32 to vector<16xi32>
      %add3A_1312 = arith.addi %get3A_1309, %add3A_1311 : vector<16xi32>
      %add3A_1313 = arith.constant 0 : i32
      %add3A_1314 = vector.broadcast %add3A_1313 : i32 to vector<16xi32>
      %add3A_1315 = arith.addi %get3A_1307, %add3A_1314 : vector<16xi32>
      %gather3A_1316 = tpu.vector_load_idx %arg7[%add3A_1315] : memref<80000xf32, #tpu.memory_space<vmem>>[vector<16xi32>], vector<16xf32>,
      %add3A_1317 = arith.constant 0 : i32
      %add3A_1318 = vector.broadcast %add3A_1317 : i32 to vector<16xi32>
      %add3A_1319 = arith.addi %add3A_1312, %add3A_1318 : vector<16xi32>
      %gather3A_1320 = tpu.vector_load_idx %arg7[%add3A_1319] : memref<80000xf32, #tpu.memory_space<vmem>>[vector<16xi32>], vector<16xf32>,
      %add3A_1321 = arith.addf %gather3A_1316, %gather3A_1320 : vector<16xf32>
      %add3A_1322 = arith.constant 10000 : i32
      %add3A_1323 = vector.broadcast %add3A_1322 : i32 to vector<16xi32>
      %add3A_1324 = arith.addi %get3A_1307, %add3A_1323 : vector<16xi32>
      %gather3A_1325 = tpu.vector_load_idx %arg7[%add3A_1324] : memref<80000xf32, #tpu.memory_space<vmem>>[vector<16xi32>], vector<16xf32>,
      %add3A_1326 = arith.constant 10000 : i32
      %add3A_1327 = vector.broadcast %add3A_1326 : i32 to vector<16xi32>
      %add3A_1328 = arith.addi %add3A_1312, %add3A_1327 : vector<16xi32>
      %gather3A_1329 = tpu.vector_load_idx %arg7[%add3A_1328] : memref<80000xf32, #tpu.memory_space<vmem>>[vector<16xi32>], vector<16xf32>,
      %add3A_1330 = arith.addf %gather3A_1325, %gather3A_1329 : vector<16xf32>
      %add3A_1331 = arith.constant 20000 : i32
      %add3A_1332 = vector.broadcast %add3A_1331 : i32 to vector<16xi32>
      %add3A_1333 = arith.addi %get3A_1307, %add3A_1332 : vector<16xi32>
      %gather3A_1334 = tpu.vector_load_idx %arg7[%add3A_1333] : memref<80000xf32, #tpu.memory_space<vmem>>[vector<16xi32>], vector<16xf32>,
      %add3A_1335 = arith.constant 20000 : i32
      %add3A_1336 = vector.broadcast %add3A_1335 : i32 to vector<16xi32>
      %add3A_1337 = arith.addi %add3A_1312, %add3A_1336 : vector<16xi32>
      %gather3A_1338 = tpu.vector_load_idx %arg7[%add3A_1337] : memref<80000xf32, #tpu.memory_space<vmem>>[vector<16xi32>], vector<16xf32>,
      %add3A_1339 = arith.addf %gather3A_1334, %gather3A_1338 : vector<16xf32>
      %add3A_1340 = arith.constant 30000 : i32
      %add3A_1341 = vector.broadcast %add3A_1340 : i32 to vector<16xi32>
      %add3A_1342 = arith.addi %get3A_1307, %add3A_1341 : vector<16xi32>
      %gather3A_1343 = tpu.vector_load_idx %arg7[%add3A_1342] : memref<80000xf32, #tpu.memory_space<vmem>>[vector<16xi32>], vector<16xf32>,
      %add3A_1344 = arith.constant 30000 : i32
      %add3A_1345 = vector.broadcast %add3A_1344 : i32 to vector<16xi32>
      %add3A_1346 = arith.addi %add3A_1312, %add3A_1345 : vector<16xi32>
      %gather3A_1347 = tpu.vector_load_idx %arg7[%add3A_1346] : memref<80000xf32, #tpu.memory_space<vmem>>[vector<16xi32>], vector<16xf32>,
      %add3A_1348 = arith.addf %gather3A_1343, %gather3A_1347 : vector<16xf32>
      %mul3A_1349 = vector.broadcast %squeeze3A : f32 to vector<16xf32>
      %mul3A_1350 = arith.mulf %add3A_1321, %mul3A_1349 : vector<16xf32>
      %add3A_1351 = vector.broadcast %squeeze3A_44 : f32 to vector<16xf32>
      %add3A_1352 = arith.addf %add3A_1351, %mul3A_1350 : vector<16xf32>
      %mul3A_1353 = vector.broadcast %squeeze3A_14 : f32 to vector<16xf32>
      %mul3A_1354 = arith.mulf %add3A_1330, %mul3A_1353 : vector<16xf32>
      %add3A_1355 = arith.addf %add3A_1352, %mul3A_1354 : vector<16xf32>
      %mul3A_1356 = vector.broadcast %squeeze3A_16 : f32 to vector<16xf32>
      %mul3A_1357 = arith.mulf %add3A_1339, %mul3A_1356 : vector<16xf32>
      %add3A_1358 = arith.addf %add3A_1355, %mul3A_1357 : vector<16xf32>
      %mul3A_1359 = vector.broadcast %squeeze3A_18 : f32 to vector<16xf32>
      %mul3A_1360 = arith.mulf %add3A_1348, %mul3A_1359 : vector<16xf32>
      %add3A_1361 = arith.addf %add3A_1358, %mul3A_1360 : vector<16xf32>
      %mul3A_1362 = vector.broadcast %squeeze3A_20 : f32 to vector<16xf32>
      %mul3A_1363 = arith.mulf %add3A_1321, %mul3A_1362 : vector<16xf32>
      %add3A_1364 = vector.broadcast %squeeze3A_46 : f32 to vector<16xf32>
      %add3A_1365 = arith.addf %add3A_1364, %mul3A_1363 : vector<16xf32>
      %mul3A_1366 = vector.broadcast %squeeze3A_22 : f32 to vector<16xf32>
      %mul3A_1367 = arith.mulf %add3A_1330, %mul3A_1366 : vector<16xf32>
      %add3A_1368 = arith.addf %add3A_1365, %mul3A_1367 : vector<16xf32>
      %mul3A_1369 = vector.broadcast %squeeze3A_24 : f32 to vector<16xf32>
      %mul3A_1370 = arith.mulf %add3A_1339, %mul3A_1369 : vector<16xf32>
      %add3A_1371 = arith.addf %add3A_1368, %mul3A_1370 : vector<16xf32>
      %mul3A_1372 = vector.broadcast %squeeze3A_26 : f32 to vector<16xf32>
      %mul3A_1373 = arith.mulf %add3A_1348, %mul3A_1372 : vector<16xf32>
      %add3A_1374 = arith.addf %add3A_1371, %mul3A_1373 : vector<16xf32>
      %mul3A_1375 = vector.broadcast %squeeze3A_28 : f32 to vector<16xf32>
      %mul3A_1376 = arith.mulf %add3A_1321, %mul3A_1375 : vector<16xf32>
      %add3A_1377 = vector.broadcast %squeeze3A_48 : f32 to vector<16xf32>
      %add3A_1378 = arith.addf %add3A_1377, %mul3A_1376 : vector<16xf32>
      %mul3A_1379 = vector.broadcast %squeeze3A_30 : f32 to vector<16xf32>
      %mul3A_1380 = arith.mulf %add3A_1330, %mul3A_1379 : vector<16xf32>
      %add3A_1381 = arith.addf %add3A_1378, %mul3A_1380 : vector<16xf32>
      %mul3A_1382 = vector.broadcast %squeeze3A_32 : f32 to vector<16xf32>
      %mul3A_1383 = arith.mulf %add3A_1339, %mul3A_1382 : vector<16xf32>
      %add3A_1384 = arith.addf %add3A_1381, %mul3A_1383 : vector<16xf32>
      %mul3A_1385 = vector.broadcast %squeeze3A_34 : f32 to vector<16xf32>
      %mul3A_1386 = arith.mulf %add3A_1348, %mul3A_1385 : vector<16xf32>
      %add3A_1387 = arith.addf %add3A_1384, %mul3A_1386 : vector<16xf32>
      %mul3A_1388 = vector.broadcast %squeeze3A_36 : f32 to vector<16xf32>
      %mul3A_1389 = arith.mulf %add3A_1321, %mul3A_1388 : vector<16xf32>
      %add3A_1390 = vector.broadcast %squeeze3A_50 : f32 to vector<16xf32>
      %add3A_1391 = arith.addf %add3A_1390, %mul3A_1389 : vector<16xf32>
      %mul3A_1392 = vector.broadcast %squeeze3A_38 : f32 to vector<16xf32>
      %mul3A_1393 = arith.mulf %add3A_1330, %mul3A_1392 : vector<16xf32>
      %add3A_1394 = arith.addf %add3A_1391, %mul3A_1393 : vector<16xf32>
      %mul3A_1395 = vector.broadcast %squeeze3A_40 : f32 to vector<16xf32>
      %mul3A_1396 = arith.mulf %add3A_1339, %mul3A_1395 : vector<16xf32>
      %add3A_1397 = arith.addf %add3A_1394, %mul3A_1396 : vector<16xf32>
      %mul3A_1398 = vector.broadcast %squeeze3A_42 : f32 to vector<16xf32>
      %mul3A_1399 = arith.mulf %add3A_1348, %mul3A_1398 : vector<16xf32>
      %add3A_1400 = arith.addf %add3A_1397, %mul3A_1399 : vector<16xf32>
      %max3A_1401 = arith.maximumf %add3A_1361, %add3A_1374 : vector<16xf32>
      %max3A_1402 = arith.maximumf %add3A_1387, %add3A_1400 : vector<16xf32>
      %max3A_1403 = arith.maximumf %max3A_1401, %max3A_1402 : vector<16xf32>
      %sub3A_1404 = arith.subf %add3A_1361, %max3A_1403 : vector<16xf32>
      %exp3A_1405 = math.exp %sub3A_1404 : vector<16xf32>
      %sub3A_1406 = arith.subf %add3A_1374, %max3A_1403 : vector<16xf32>
      %exp3A_1407 = math.exp %sub3A_1406 : vector<16xf32>
      %sub3A_1408 = arith.subf %add3A_1387, %max3A_1403 : vector<16xf32>
      %exp3A_1409 = math.exp %sub3A_1408 : vector<16xf32>
      %sub3A_1410 = arith.subf %add3A_1400, %max3A_1403 : vector<16xf32>
      %exp3A_1411 = math.exp %sub3A_1410 : vector<16xf32>
      %add3A_1412 = arith.addf %exp3A_1405, %exp3A_1407 : vector<16xf32>
      %add3A_1413 = arith.addf %exp3A_1409, %exp3A_1411 : vector<16xf32>
      %add3A_1414 = arith.addf %add3A_1412, %add3A_1413 : vector<16xf32>
      %div3A_1415 = arith.constant 1.000000e+00 : f32
      %div3A_1416 = vector.broadcast %div3A_1415 : f32 to vector<16xf32>
      %div3A_1417 = arith.divf %div3A_1416, %add3A_1414 : vector<16xf32>
      %mul3A_1418 = arith.mulf %exp3A_1405, %div3A_1417 : vector<16xf32>
      %add3A_1419 = arith.constant 0 : i32
      %add3A_1420 = arith.addi %add3A_1419, %mul3A_1305 : i32
      %swap3A_1421 = arith.index_cast %add3A_1420 : i32 to index
      %swap3A_1422 = tpu.vector_load %arg12[%swap3A_1421] {strides = array<i32>} : memref<8000xf32, #tpu.memory_space<vmem>>, vector<16xf32>,
      tpu.vector_store %arg12[%swap3A_1421], %mul3A_1418 {strides = array<i32>} : memref<8000xf32, #tpu.memory_space<vmem>>, vector<16xf32>,
      %mul3A_1423 = arith.mulf %exp3A_1407, %div3A_1417 : vector<16xf32>
      %add3A_1424 = arith.constant 2000 : i32
      %add3A_1425 = arith.addi %add3A_1424, %mul3A_1305 : i32
      %swap3A_1426 = arith.index_cast %add3A_1425 : i32 to index
      %swap3A_1427 = tpu.vector_load %arg12[%swap3A_1426] {strides = array<i32>} : memref<8000xf32, #tpu.memory_space<vmem>>, vector<16xf32>,
      tpu.vector_store %arg12[%swap3A_1426], %mul3A_1423 {strides = array<i32>} : memref<8000xf32, #tpu.memory_space<vmem>>, vector<16xf32>,
      %mul3A_1428 = arith.mulf %exp3A_1409, %div3A_1417 : vector<16xf32>
      %add3A_1429 = arith.constant 4000 : i32
      %add3A_1430 = arith.addi %add3A_1429, %mul3A_1305 : i32
      %swap3A_1431 = arith.index_cast %add3A_1430 : i32 to index
      %swap3A_1432 = tpu.vector_load %arg12[%swap3A_1431] {strides = array<i32>} : memref<8000xf32, #tpu.memory_space<vmem>>, vector<16xf32>,
      tpu.vector_store %arg12[%swap3A_1431], %mul3A_1428 {strides = array<i32>} : memref<8000xf32, #tpu.memory_space<vmem>>, vector<16xf32>,
      %mul3A_1433 = arith.mulf %exp3A_1411, %div3A_1417 : vector<16xf32>
      %add3A_1434 = arith.constant 6000 : i32
      %add3A_1435 = arith.addi %add3A_1434, %mul3A_1305 : i32
      %swap3A_1436 = arith.index_cast %add3A_1435 : i32 to index
      %swap3A_1437 = tpu.vector_load %arg12[%swap3A_1436] {strides = array<i32>} : memref<8000xf32, #tpu.memory_space<vmem>>, vector<16xf32>,
      tpu.vector_store %arg12[%swap3A_1436], %mul3A_1433 {strides = array<i32>} : memref<8000xf32, #tpu.memory_space<vmem>>, vector<16xf32>,
      %scan3A_1438 = arith.constant 0 : i32
      scf.yield %scan3A_1438 : i32
    }
    %scan3A_485 = arith.constant 124 : i32
    %scan3A_486 = arith.addi %scan3A_480, %scan3A_485 : i32
    %mul3A_487 = arith.constant 16 : i32
    %mul3A_488 = arith.muli %scan3A_486, %mul3A_487 : i32
    %get3A_489 = arith.index_cast %mul3A_488 : i32 to index
    %get3A_490 = tpu.vector_load %arg8[%get3A_489] {strides = array<i32>} : memref<2000xi32, #tpu.memory_space<vmem>>, vector<16xi32>,
    %get3A_491 = arith.index_cast %mul3A_488 : i32 to index
    %get3A_492 = tpu.vector_load %arg10[%get3A_491] {strides = array<i32>} : memref<2000xi32, #tpu.memory_space<vmem>>, vector<16xi32>,
    %add3A_493 = arith.constant 40000 : i32
    %add3A_494 = vector.broadcast %add3A_493 : i32 to vector<16xi32>
    %add3A_495 = arith.addi %get3A_492, %add3A_494 : vector<16xi32>
    %add3A_496 = arith.constant 0 : i32
    %add3A_497 = vector.broadcast %add3A_496 : i32 to vector<16xi32>
    %add3A_498 = arith.addi %get3A_490, %add3A_497 : vector<16xi32>
    %gather3A_499 = tpu.vector_load_idx %arg7[%add3A_498] : memref<80000xf32, #tpu.memory_space<vmem>>[vector<16xi32>], vector<16xf32>,
    %add3A_500 = arith.constant 0 : i32
    %add3A_501 = vector.broadcast %add3A_500 : i32 to vector<16xi32>
    %add3A_502 = arith.addi %add3A_495, %add3A_501 : vector<16xi32>
    %gather3A_503 = tpu.vector_load_idx %arg7[%add3A_502] : memref<80000xf32, #tpu.memory_space<vmem>>[vector<16xi32>], vector<16xf32>,
    %add3A_504 = arith.addf %gather3A_499, %gather3A_503 : vector<16xf32>
    %add3A_505 = arith.constant 10000 : i32
    %add3A_506 = vector.broadcast %add3A_505 : i32 to vector<16xi32>
    %add3A_507 = arith.addi %get3A_490, %add3A_506 : vector<16xi32>
    %gather3A_508 = tpu.vector_load_idx %arg7[%add3A_507] : memref<80000xf32, #tpu.memory_space<vmem>>[vector<16xi32>], vector<16xf32>,
    %add3A_509 = arith.constant 10000 : i32
    %add3A_510 = vector.broadcast %add3A_509 : i32 to vector<16xi32>
    %add3A_511 = arith.addi %add3A_495, %add3A_510 : vector<16xi32>
    %gather3A_512 = tpu.vector_load_idx %arg7[%add3A_511] : memref<80000xf32, #tpu.memory_space<vmem>>[vector<16xi32>], vector<16xf32>,
    %add3A_513 = arith.addf %gather3A_508, %gather3A_512 : vector<16xf32>
    %add3A_514 = arith.constant 20000 : i32
    %add3A_515 = vector.broadcast %add3A_514 : i32 to vector<16xi32>
    %add3A_516 = arith.addi %get3A_490, %add3A_515 : vector<16xi32>
    %gather3A_517 = tpu.vector_load_idx %arg7[%add3A_516] : memref<80000xf32, #tpu.memory_space<vmem>>[vector<16xi32>], vector<16xf32>,
    %add3A_518 = arith.constant 20000 : i32
    %add3A_519 = vector.broadcast %add3A_518 : i32 to vector<16xi32>
    %add3A_520 = arith.addi %add3A_495, %add3A_519 : vector<16xi32>
    %gather3A_521 = tpu.vector_load_idx %arg7[%add3A_520] : memref<80000xf32, #tpu.memory_space<vmem>>[vector<16xi32>], vector<16xf32>,
    %add3A_522 = arith.addf %gather3A_517, %gather3A_521 : vector<16xf32>
    %add3A_523 = arith.constant 30000 : i32
    %add3A_524 = vector.broadcast %add3A_523 : i32 to vector<16xi32>
    %add3A_525 = arith.addi %get3A_490, %add3A_524 : vector<16xi32>
    %gather3A_526 = tpu.vector_load_idx %arg7[%add3A_525] : memref<80000xf32, #tpu.memory_space<vmem>>[vector<16xi32>], vector<16xf32>,
    %add3A_527 = arith.constant 30000 : i32
    %add3A_528 = vector.broadcast %add3A_527 : i32 to vector<16xi32>
    %add3A_529 = arith.addi %add3A_495, %add3A_528 : vector<16xi32>
    %gather3A_530 = tpu.vector_load_idx %arg7[%add3A_529] : memref<80000xf32, #tpu.memory_space<vmem>>[vector<16xi32>], vector<16xf32>,
    %add3A_531 = arith.addf %gather3A_526, %gather3A_530 : vector<16xf32>
    %mul3A_532 = vector.broadcast %squeeze3A : f32 to vector<16xf32>
    %mul3A_533 = arith.mulf %add3A_504, %mul3A_532 : vector<16xf32>
    %add3A_534 = vector.broadcast %squeeze3A_44 : f32 to vector<16xf32>
    %add3A_535 = arith.addf %add3A_534, %mul3A_533 : vector<16xf32>
    %mul3A_536 = vector.broadcast %squeeze3A_14 : f32 to vector<16xf32>
    %mul3A_537 = arith.mulf %add3A_513, %mul3A_536 : vector<16xf32>
    %add3A_538 = arith.addf %add3A_535, %mul3A_537 : vector<16xf32>
    %mul3A_539 = vector.broadcast %squeeze3A_16 : f32 to vector<16xf32>
    %mul3A_540 = arith.mulf %add3A_522, %mul3A_539 : vector<16xf32>
    %add3A_541 = arith.addf %add3A_538, %mul3A_540 : vector<16xf32>
    %mul3A_542 = vector.broadcast %squeeze3A_18 : f32 to vector<16xf32>
    %mul3A_543 = arith.mulf %add3A_531, %mul3A_542 : vector<16xf32>
    %add3A_544 = arith.addf %add3A_541, %mul3A_543 : vector<16xf32>
    %mul3A_545 = vector.broadcast %squeeze3A_20 : f32 to vector<16xf32>
    %mul3A_546 = arith.mulf %add3A_504, %mul3A_545 : vector<16xf32>
    %add3A_547 = vector.broadcast %squeeze3A_46 : f32 to vector<16xf32>
    %add3A_548 = arith.addf %add3A_547, %mul3A_546 : vector<16xf32>
    %mul3A_549 = vector.broadcast %squeeze3A_22 : f32 to vector<16xf32>
    %mul3A_550 = arith.mulf %add3A_513, %mul3A_549 : vector<16xf32>
    %add3A_551 = arith.addf %add3A_548, %mul3A_550 : vector<16xf32>
    %mul3A_552 = vector.broadcast %squeeze3A_24 : f32 to vector<16xf32>
    %mul3A_553 = arith.mulf %add3A_522, %mul3A_552 : vector<16xf32>
    %add3A_554 = arith.addf %add3A_551, %mul3A_553 : vector<16xf32>
    %mul3A_555 = vector.broadcast %squeeze3A_26 : f32 to vector<16xf32>
    %mul3A_556 = arith.mulf %add3A_531, %mul3A_555 : vector<16xf32>
    %add3A_557 = arith.addf %add3A_554, %mul3A_556 : vector<16xf32>
    %mul3A_558 = vector.broadcast %squeeze3A_28 : f32 to vector<16xf32>
    %mul3A_559 = arith.mulf %add3A_504, %mul3A_558 : vector<16xf32>
    %add3A_560 = vector.broadcast %squeeze3A_48 : f32 to vector<16xf32>
    %add3A_561 = arith.addf %add3A_560, %mul3A_559 : vector<16xf32>
    %mul3A_562 = vector.broadcast %squeeze3A_30 : f32 to vector<16xf32>
    %mul3A_563 = arith.mulf %add3A_513, %mul3A_562 : vector<16xf32>
    %add3A_564 = arith.addf %add3A_561, %mul3A_563 : vector<16xf32>
    %mul3A_565 = vector.broadcast %squeeze3A_32 : f32 to vector<16xf32>
    %mul3A_566 = arith.mulf %add3A_522, %mul3A_565 : vector<16xf32>
    %add3A_567 = arith.addf %add3A_564, %mul3A_566 : vector<16xf32>
    %mul3A_568 = vector.broadcast %squeeze3A_34 : f32 to vector<16xf32>
    %mul3A_569 = arith.mulf %add3A_531, %mul3A_568 : vector<16xf32>
    %add3A_570 = arith.addf %add3A_567, %mul3A_569 : vector<16xf32>
    %mul3A_571 = vector.broadcast %squeeze3A_36 : f32 to vector<16xf32>
    %mul3A_572 = arith.mulf %add3A_504, %mul3A_571 : vector<16xf32>
    %add3A_573 = vector.broadcast %squeeze3A_50 : f32 to vector<16xf32>
    %add3A_574 = arith.addf %add3A_573, %mul3A_572 : vector<16xf32>
    %mul3A_575 = vector.broadcast %squeeze3A_38 : f32 to vector<16xf32>
    %mul3A_576 = arith.mulf %add3A_513, %mul3A_575 : vector<16xf32>
    %add3A_577 = arith.addf %add3A_574, %mul3A_576 : vector<16xf32>
    %mul3A_578 = vector.broadcast %squeeze3A_40 : f32 to vector<16xf32>
    %mul3A_579 = arith.mulf %add3A_522, %mul3A_578 : vector<16xf32>
    %add3A_580 = arith.addf %add3A_577, %mul3A_579 : vector<16xf32>
    %mul3A_581 = vector.broadcast %squeeze3A_42 : f32 to vector<16xf32>
    %mul3A_582 = arith.mulf %add3A_531, %mul3A_581 : vector<16xf32>
    %add3A_583 = arith.addf %add3A_580, %mul3A_582 : vector<16xf32>
    %max3A_584 = arith.maximumf %add3A_544, %add3A_557 : vector<16xf32>
    %max3A_585 = arith.maximumf %add3A_570, %add3A_583 : vector<16xf32>
    %max3A_586 = arith.maximumf %max3A_584, %max3A_585 : vector<16xf32>
    %sub3A_587 = arith.subf %add3A_544, %max3A_586 : vector<16xf32>
    %exp3A_588 = math.exp %sub3A_587 : vector<16xf32>
    %sub3A_589 = arith.subf %add3A_557, %max3A_586 : vector<16xf32>
    %exp3A_590 = math.exp %sub3A_589 : vector<16xf32>
    %sub3A_591 = arith.subf %add3A_570, %max3A_586 : vector<16xf32>
    %exp3A_592 = math.exp %sub3A_591 : vector<16xf32>
    %sub3A_593 = arith.subf %add3A_583, %max3A_586 : vector<16xf32>
    %exp3A_594 = math.exp %sub3A_593 : vector<16xf32>
    %add3A_595 = arith.addf %exp3A_588, %exp3A_590 : vector<16xf32>
    %add3A_596 = arith.addf %exp3A_592, %exp3A_594 : vector<16xf32>
    %add3A_597 = arith.addf %add3A_595, %add3A_596 : vector<16xf32>
    %div3A_598 = arith.constant 1.000000e+00 : f32
    %div3A_599 = vector.broadcast %div3A_598 : f32 to vector<16xf32>
    %div3A_600 = arith.divf %div3A_599, %add3A_597 : vector<16xf32>
    %mul3A_601 = arith.mulf %exp3A_588, %div3A_600 : vector<16xf32>
    %add3A_602 = arith.constant 0 : i32
    %add3A_603 = arith.addi %add3A_602, %mul3A_488 : i32
    %swap3A_604 = arith.index_cast %add3A_603 : i32 to index
    %swap3A_605 = tpu.vector_load %arg12[%swap3A_604] {strides = array<i32>} : memref<8000xf32, #tpu.memory_space<vmem>>, vector<16xf32>,
    tpu.vector_store %arg12[%swap3A_604], %mul3A_601 {strides = array<i32>} : memref<8000xf32, #tpu.memory_space<vmem>>, vector<16xf32>,
    %mul3A_606 = arith.mulf %exp3A_590, %div3A_600 : vector<16xf32>
    %add3A_607 = arith.constant 2000 : i32
    %add3A_608 = arith.addi %add3A_607, %mul3A_488 : i32
    %swap3A_609 = arith.index_cast %add3A_608 : i32 to index
    %swap3A_610 = tpu.vector_load %arg12[%swap3A_609] {strides = array<i32>} : memref<8000xf32, #tpu.memory_space<vmem>>, vector<16xf32>,
    tpu.vector_store %arg12[%swap3A_609], %mul3A_606 {strides = array<i32>} : memref<8000xf32, #tpu.memory_space<vmem>>, vector<16xf32>,
    %mul3A_611 = arith.mulf %exp3A_592, %div3A_600 : vector<16xf32>
    %add3A_612 = arith.constant 4000 : i32
    %add3A_613 = arith.addi %add3A_612, %mul3A_488 : i32
    %swap3A_614 = arith.index_cast %add3A_613 : i32 to index
    %swap3A_615 = tpu.vector_load %arg12[%swap3A_614] {strides = array<i32>} : memref<8000xf32, #tpu.memory_space<vmem>>, vector<16xf32>,
    tpu.vector_store %arg12[%swap3A_614], %mul3A_611 {strides = array<i32>} : memref<8000xf32, #tpu.memory_space<vmem>>, vector<16xf32>,
    %mul3A_616 = arith.mulf %exp3A_594, %div3A_600 : vector<16xf32>
    %add3A_617 = arith.constant 6000 : i32
    %add3A_618 = arith.addi %add3A_617, %mul3A_488 : i32
    %swap3A_619 = arith.index_cast %add3A_618 : i32 to index
    %swap3A_620 = tpu.vector_load %arg12[%swap3A_619] {strides = array<i32>} : memref<8000xf32, #tpu.memory_space<vmem>>, vector<16xf32>,
    tpu.vector_store %arg12[%swap3A_619], %mul3A_616 {strides = array<i32>} : memref<8000xf32, #tpu.memory_space<vmem>>, vector<16xf32>,
    %scan3A_621 = arith.constant 0 : i32
    %scan3A_622 = arith.constant 125 : i32
    %add3A_623 = arith.constant 4000 : i32
    %add3A_624 = arith.addi %mul3A_2, %add3A_623 : i32
    %add3A_625 = arith.constant 0 : i32
    %add3A_626 = arith.addi %add3A_625, %add3A_624 : i32
    %dma_start3A_627 = arith.constant 0 : i32
    %dma_start3A_628 = tpu.memref_slice %arg12[%dma_start3A_627] : memref<8000xf32, #tpu.memory_space<vmem>> -> memref<2000xf32, #tpu.memory_space<vmem>>
    %dma_start3A_629 = tpu.memref_slice %arg6[%add3A_626] : memref<1280000xf32, #tpu.memory_space<hbm>> -> memref<2000xf32, #tpu.memory_space<hbm>>
    %dma_start3A_630 = tpu.memref_slice %arg6[%add3A_626] : memref<1280000xf32, #tpu.memory_space<hbm>> -> memref<2000xf32, #tpu.memory_space<hbm>>
    %dma_start3A_631 = arith.constant 0 : i32
    %dma_start3A_632 = tpu.memref_slice %arg12[%dma_start3A_631] : memref<8000xf32, #tpu.memory_space<vmem>> -> memref<2000xf32, #tpu.memory_space<vmem>>
    tpu.enqueue_dma source(%dma_start3A_632 : memref<2000xf32, #tpu.memory_space<vmem>>) target(%dma_start3A_630 : memref<2000xf32, #tpu.memory_space<hbm>>) target_semaphore(%arg18 : memref<!tpu.dma_semaphore, #tpu.memory_space<semaphore_mem>>)
    %add3A_633 = arith.constant 320000 : i32
    %add3A_634 = arith.addi %add3A_633, %add3A_624 : i32
    %dma_start3A_635 = arith.constant 2000 : i32
    %dma_start3A_636 = tpu.memref_slice %arg12[%dma_start3A_635] : memref<8000xf32, #tpu.memory_space<vmem>> -> memref<2000xf32, #tpu.memory_space<vmem>>
    %dma_start3A_637 = tpu.memref_slice %arg6[%add3A_634] : memref<1280000xf32, #tpu.memory_space<hbm>> -> memref<2000xf32, #tpu.memory_space<hbm>>
    %dma_start3A_638 = tpu.memref_slice %arg6[%add3A_634] : memref<1280000xf32, #tpu.memory_space<hbm>> -> memref<2000xf32, #tpu.memory_space<hbm>>
    %dma_start3A_639 = arith.constant 2000 : i32
    %dma_start3A_640 = tpu.memref_slice %arg12[%dma_start3A_639] : memref<8000xf32, #tpu.memory_space<vmem>> -> memref<2000xf32, #tpu.memory_space<vmem>>
    tpu.enqueue_dma source(%dma_start3A_640 : memref<2000xf32, #tpu.memory_space<vmem>>) target(%dma_start3A_638 : memref<2000xf32, #tpu.memory_space<hbm>>) target_semaphore(%arg18 : memref<!tpu.dma_semaphore, #tpu.memory_space<semaphore_mem>>)
    %add3A_641 = arith.constant 640000 : i32
    %add3A_642 = arith.addi %add3A_641, %add3A_624 : i32
    %dma_start3A_643 = arith.constant 4000 : i32
    %dma_start3A_644 = tpu.memref_slice %arg12[%dma_start3A_643] : memref<8000xf32, #tpu.memory_space<vmem>> -> memref<2000xf32, #tpu.memory_space<vmem>>
    %dma_start3A_645 = tpu.memref_slice %arg6[%add3A_642] : memref<1280000xf32, #tpu.memory_space<hbm>> -> memref<2000xf32, #tpu.memory_space<hbm>>
    %dma_start3A_646 = tpu.memref_slice %arg6[%add3A_642] : memref<1280000xf32, #tpu.memory_space<hbm>> -> memref<2000xf32, #tpu.memory_space<hbm>>
    %dma_start3A_647 = arith.constant 4000 : i32
    %dma_start3A_648 = tpu.memref_slice %arg12[%dma_start3A_647] : memref<8000xf32, #tpu.memory_space<vmem>> -> memref<2000xf32, #tpu.memory_space<vmem>>
    tpu.enqueue_dma source(%dma_start3A_648 : memref<2000xf32, #tpu.memory_space<vmem>>) target(%dma_start3A_646 : memref<2000xf32, #tpu.memory_space<hbm>>) target_semaphore(%arg18 : memref<!tpu.dma_semaphore, #tpu.memory_space<semaphore_mem>>)
    %add3A_649 = arith.constant 960000 : i32
    %add3A_650 = arith.addi %add3A_649, %add3A_624 : i32
    %dma_start3A_651 = arith.constant 6000 : i32
    %dma_start3A_652 = tpu.memref_slice %arg12[%dma_start3A_651] : memref<8000xf32, #tpu.memory_space<vmem>> -> memref<2000xf32, #tpu.memory_space<vmem>>
    %dma_start3A_653 = tpu.memref_slice %arg6[%add3A_650] : memref<1280000xf32, #tpu.memory_space<hbm>> -> memref<2000xf32, #tpu.memory_space<hbm>>
    %dma_start3A_654 = tpu.memref_slice %arg6[%add3A_650] : memref<1280000xf32, #tpu.memory_space<hbm>> -> memref<2000xf32, #tpu.memory_space<hbm>>
    %dma_start3A_655 = arith.constant 6000 : i32
    %dma_start3A_656 = tpu.memref_slice %arg12[%dma_start3A_655] : memref<8000xf32, #tpu.memory_space<vmem>> -> memref<2000xf32, #tpu.memory_space<vmem>>
    tpu.enqueue_dma source(%dma_start3A_656 : memref<2000xf32, #tpu.memory_space<vmem>>) target(%dma_start3A_654 : memref<2000xf32, #tpu.memory_space<hbm>>) target_semaphore(%arg18 : memref<!tpu.dma_semaphore, #tpu.memory_space<semaphore_mem>>)
    %add3A_657 = arith.constant 8000 : i32
    %add3A_658 = arith.addi %mul3A_2, %add3A_657 : i32
    %add3A_659 = arith.constant 320000 : i32
    %add3A_660 = arith.addi %add3A_659, %add3A_658 : i32
    %dma_start3A_661 = tpu.memref_slice %arg3[%add3A_660] : memref<640000xi32, #tpu.memory_space<hbm>> -> memref<2000xi32, #tpu.memory_space<hbm>>
    %dma_start3A_662 = tpu.memref_slice %arg3[%add3A_660] : memref<640000xi32, #tpu.memory_space<hbm>> -> memref<2000xi32, #tpu.memory_space<hbm>>
    tpu.enqueue_dma source(%dma_start3A_662 : memref<2000xi32, #tpu.memory_space<hbm>>) target(%arg8 : memref<2000xi32, #tpu.memory_space<vmem>>) target_semaphore(%arg16 : memref<!tpu.dma_semaphore, #tpu.memory_space<semaphore_mem>>)
    %dma_start3A_663 = tpu.memref_slice %arg3[%add3A_658] : memref<640000xi32, #tpu.memory_space<hbm>> -> memref<2000xi32, #tpu.memory_space<hbm>>
    %dma_start3A_664 = tpu.memref_slice %arg3[%add3A_658] : memref<640000xi32, #tpu.memory_space<hbm>> -> memref<2000xi32, #tpu.memory_space<hbm>>
    tpu.enqueue_dma source(%dma_start3A_664 : memref<2000xi32, #tpu.memory_space<hbm>>) target(%arg10 : memref<2000xi32, #tpu.memory_space<vmem>>) target_semaphore(%arg16 : memref<!tpu.dma_semaphore, #tpu.memory_space<semaphore_mem>>)
    %dma_wait3A_665 = arith.constant 0 : i32
    %dma_wait3A_666 = tpu.memref_slice %arg3[%dma_wait3A_665] : memref<640000xi32, #tpu.memory_space<hbm>> -> memref<2000xi32, #tpu.memory_space<hbm>>
    %dma_wait3A_667 = arith.constant 0 : i32
    %dma_wait3A_668 = tpu.memref_slice %arg3[%dma_wait3A_667] : memref<640000xi32, #tpu.memory_space<hbm>> -> memref<2000xi32, #tpu.memory_space<hbm>>
    tpu.wait_dma2 semaphore(%arg17 : memref<!tpu.dma_semaphore, #tpu.memory_space<semaphore_mem>>) src(%dma_wait3A_668 : memref<2000xi32, #tpu.memory_space<hbm>>) dst(%arg9 : memref<2000xi32, #tpu.memory_space<vmem>>)
    %dma_wait3A_669 = arith.constant 0 : i32
    %dma_wait3A_670 = tpu.memref_slice %arg3[%dma_wait3A_669] : memref<640000xi32, #tpu.memory_space<hbm>> -> memref<2000xi32, #tpu.memory_space<hbm>>
    %dma_wait3A_671 = arith.constant 0 : i32
    %dma_wait3A_672 = tpu.memref_slice %arg3[%dma_wait3A_671] : memref<640000xi32, #tpu.memory_space<hbm>> -> memref<2000xi32, #tpu.memory_space<hbm>>
    tpu.wait_dma2 semaphore(%arg17 : memref<!tpu.dma_semaphore, #tpu.memory_space<semaphore_mem>>) src(%dma_wait3A_672 : memref<2000xi32, #tpu.memory_space<hbm>>) dst(%arg11 : memref<2000xi32, #tpu.memory_space<vmem>>)
    %dma_wait3A_673 = arith.constant 0 : i32
    %dma_wait3A_674 = tpu.memref_slice %arg13[%dma_wait3A_673] : memref<8000xf32, #tpu.memory_space<vmem>> -> memref<2000xf32, #tpu.memory_space<vmem>>
    %dma_wait3A_675 = arith.constant 0 : i32
    %dma_wait3A_676 = tpu.memref_slice %arg6[%dma_wait3A_675] : memref<1280000xf32, #tpu.memory_space<hbm>> -> memref<2000xf32, #tpu.memory_space<hbm>>
    %dma_wait3A_677 = arith.constant 0 : i32
    %dma_wait3A_678 = tpu.memref_slice %arg6[%dma_wait3A_677] : memref<1280000xf32, #tpu.memory_space<hbm>> -> memref<2000xf32, #tpu.memory_space<hbm>>
    %dma_wait3A_679 = arith.constant 0 : i32
    %dma_wait3A_680 = tpu.memref_slice %arg13[%dma_wait3A_679] : memref<8000xf32, #tpu.memory_space<vmem>> -> memref<2000xf32, #tpu.memory_space<vmem>>
    tpu.wait_dma2 semaphore(%arg19 : memref<!tpu.dma_semaphore, #tpu.memory_space<semaphore_mem>>) src(%dma_wait3A_680 : memref<2000xf32, #tpu.memory_space<vmem>>) dst(%dma_wait3A_678 : memref<2000xf32, #tpu.memory_space<hbm>>)
    %dma_wait3A_681 = arith.constant 2000 : i32
    %dma_wait3A_682 = tpu.memref_slice %arg13[%dma_wait3A_681] : memref<8000xf32, #tpu.memory_space<vmem>> -> memref<2000xf32, #tpu.memory_space<vmem>>
    %dma_wait3A_683 = arith.constant 0 : i32
    %dma_wait3A_684 = tpu.memref_slice %arg6[%dma_wait3A_683] : memref<1280000xf32, #tpu.memory_space<hbm>> -> memref<2000xf32, #tpu.memory_space<hbm>>
    %dma_wait3A_685 = arith.constant 0 : i32
    %dma_wait3A_686 = tpu.memref_slice %arg6[%dma_wait3A_685] : memref<1280000xf32, #tpu.memory_space<hbm>> -> memref<2000xf32, #tpu.memory_space<hbm>>
    %dma_wait3A_687 = arith.constant 2000 : i32
    %dma_wait3A_688 = tpu.memref_slice %arg13[%dma_wait3A_687] : memref<8000xf32, #tpu.memory_space<vmem>> -> memref<2000xf32, #tpu.memory_space<vmem>>
    tpu.wait_dma2 semaphore(%arg19 : memref<!tpu.dma_semaphore, #tpu.memory_space<semaphore_mem>>) src(%dma_wait3A_688 : memref<2000xf32, #tpu.memory_space<vmem>>) dst(%dma_wait3A_686 : memref<2000xf32, #tpu.memory_space<hbm>>)
    %dma_wait3A_689 = arith.constant 4000 : i32
    %dma_wait3A_690 = tpu.memref_slice %arg13[%dma_wait3A_689] : memref<8000xf32, #tpu.memory_space<vmem>> -> memref<2000xf32, #tpu.memory_space<vmem>>
    %dma_wait3A_691 = arith.constant 0 : i32
    %dma_wait3A_692 = tpu.memref_slice %arg6[%dma_wait3A_691] : memref<1280000xf32, #tpu.memory_space<hbm>> -> memref<2000xf32, #tpu.memory_space<hbm>>
    %dma_wait3A_693 = arith.constant 0 : i32
    %dma_wait3A_694 = tpu.memref_slice %arg6[%dma_wait3A_693] : memref<1280000xf32, #tpu.memory_space<hbm>> -> memref<2000xf32, #tpu.memory_space<hbm>>
    %dma_wait3A_695 = arith.constant 4000 : i32
    %dma_wait3A_696 = tpu.memref_slice %arg13[%dma_wait3A_695] : memref<8000xf32, #tpu.memory_space<vmem>> -> memref<2000xf32, #tpu.memory_space<vmem>>
    tpu.wait_dma2 semaphore(%arg19 : memref<!tpu.dma_semaphore, #tpu.memory_space<semaphore_mem>>) src(%dma_wait3A_696 : memref<2000xf32, #tpu.memory_space<vmem>>) dst(%dma_wait3A_694 : memref<2000xf32, #tpu.memory_space<hbm>>)
    %dma_wait3A_697 = arith.constant 6000 : i32
    %dma_wait3A_698 = tpu.memref_slice %arg13[%dma_wait3A_697] : memref<8000xf32, #tpu.memory_space<vmem>> -> memref<2000xf32, #tpu.memory_space<vmem>>
    %dma_wait3A_699 = arith.constant 0 : i32
    %dma_wait3A_700 = tpu.memref_slice %arg6[%dma_wait3A_699] : memref<1280000xf32, #tpu.memory_space<hbm>> -> memref<2000xf32, #tpu.memory_space<hbm>>
    %dma_wait3A_701 = arith.constant 0 : i32
    %dma_wait3A_702 = tpu.memref_slice %arg6[%dma_wait3A_701] : memref<1280000xf32, #tpu.memory_space<hbm>> -> memref<2000xf32, #tpu.memory_space<hbm>>
    %dma_wait3A_703 = arith.constant 6000 : i32
    %dma_wait3A_704 = tpu.memref_slice %arg13[%dma_wait3A_703] : memref<8000xf32, #tpu.memory_space<vmem>> -> memref<2000xf32, #tpu.memory_space<vmem>>
    tpu.wait_dma2 semaphore(%arg19 : memref<!tpu.dma_semaphore, #tpu.memory_space<semaphore_mem>>) src(%dma_wait3A_704 : memref<2000xf32, #tpu.memory_space<vmem>>) dst(%dma_wait3A_702 : memref<2000xf32, #tpu.memory_space<hbm>>)
    %scan3A_705 = arith.constant 0 : i32
    %scan3A_706 = arith.constant 0 : i32
    %scan3A_707 = arith.constant 124 : i32
    %scan3A_708 = arith.addi %scan3A_706, %scan3A_707 : i32
    %scan3A_709 = arith.constant 2 : i32
    %scan3A_710 = scf.for %scan3A_1165 = %scan3A_706 to %scan3A_708 step %scan3A_709 iter_args(%scan3A_1166 = %scan3A_705) -> (i32)  : i32 {
      %mul3A_1167 = arith.constant 16 : i32
      %mul3A_1168 = arith.muli %scan3A_1165, %mul3A_1167 : i32
      %get3A_1169 = arith.index_cast %mul3A_1168 : i32 to index
      %get3A_1170 = tpu.vector_load %arg9[%get3A_1169] {strides = array<i32>} : memref<2000xi32, #tpu.memory_space<vmem>>, vector<16xi32>,
      %get3A_1171 = arith.index_cast %mul3A_1168 : i32 to index
      %get3A_1172 = tpu.vector_load %arg11[%get3A_1171] {strides = array<i32>} : memref<2000xi32, #tpu.memory_space<vmem>>, vector<16xi32>,
      %add3A_1173 = arith.constant 40000 : i32
      %add3A_1174 = vector.broadcast %add3A_1173 : i32 to vector<16xi32>
      %add3A_1175 = arith.addi %get3A_1172, %add3A_1174 : vector<16xi32>
      %add3A_1176 = arith.constant 0 : i32
      %add3A_1177 = vector.broadcast %add3A_1176 : i32 to vector<16xi32>
      %add3A_1178 = arith.addi %get3A_1170, %add3A_1177 : vector<16xi32>
      %gather3A_1179 = tpu.vector_load_idx %arg7[%add3A_1178] : memref<80000xf32, #tpu.memory_space<vmem>>[vector<16xi32>], vector<16xf32>,
      %add3A_1180 = arith.constant 0 : i32
      %add3A_1181 = vector.broadcast %add3A_1180 : i32 to vector<16xi32>
      %add3A_1182 = arith.addi %add3A_1175, %add3A_1181 : vector<16xi32>
      %gather3A_1183 = tpu.vector_load_idx %arg7[%add3A_1182] : memref<80000xf32, #tpu.memory_space<vmem>>[vector<16xi32>], vector<16xf32>,
      %add3A_1184 = arith.addf %gather3A_1179, %gather3A_1183 : vector<16xf32>
      %add3A_1185 = arith.constant 10000 : i32
      %add3A_1186 = vector.broadcast %add3A_1185 : i32 to vector<16xi32>
      %add3A_1187 = arith.addi %get3A_1170, %add3A_1186 : vector<16xi32>
      %gather3A_1188 = tpu.vector_load_idx %arg7[%add3A_1187] : memref<80000xf32, #tpu.memory_space<vmem>>[vector<16xi32>], vector<16xf32>,
      %add3A_1189 = arith.constant 10000 : i32
      %add3A_1190 = vector.broadcast %add3A_1189 : i32 to vector<16xi32>
      %add3A_1191 = arith.addi %add3A_1175, %add3A_1190 : vector<16xi32>
      %gather3A_1192 = tpu.vector_load_idx %arg7[%add3A_1191] : memref<80000xf32, #tpu.memory_space<vmem>>[vector<16xi32>], vector<16xf32>,
      %add3A_1193 = arith.addf %gather3A_1188, %gather3A_1192 : vector<16xf32>
      %add3A_1194 = arith.constant 20000 : i32
      %add3A_1195 = vector.broadcast %add3A_1194 : i32 to vector<16xi32>
      %add3A_1196 = arith.addi %get3A_1170, %add3A_1195 : vector<16xi32>
      %gather3A_1197 = tpu.vector_load_idx %arg7[%add3A_1196] : memref<80000xf32, #tpu.memory_space<vmem>>[vector<16xi32>], vector<16xf32>,
      %add3A_1198 = arith.constant 20000 : i32
      %add3A_1199 = vector.broadcast %add3A_1198 : i32 to vector<16xi32>
      %add3A_1200 = arith.addi %add3A_1175, %add3A_1199 : vector<16xi32>
      %gather3A_1201 = tpu.vector_load_idx %arg7[%add3A_1200] : memref<80000xf32, #tpu.memory_space<vmem>>[vector<16xi32>], vector<16xf32>,
      %add3A_1202 = arith.addf %gather3A_1197, %gather3A_1201 : vector<16xf32>
      %add3A_1203 = arith.constant 30000 : i32
      %add3A_1204 = vector.broadcast %add3A_1203 : i32 to vector<16xi32>
      %add3A_1205 = arith.addi %get3A_1170, %add3A_1204 : vector<16xi32>
      %gather3A_1206 = tpu.vector_load_idx %arg7[%add3A_1205] : memref<80000xf32, #tpu.memory_space<vmem>>[vector<16xi32>], vector<16xf32>,
      %add3A_1207 = arith.constant 30000 : i32
      %add3A_1208 = vector.broadcast %add3A_1207 : i32 to vector<16xi32>
      %add3A_1209 = arith.addi %add3A_1175, %add3A_1208 : vector<16xi32>
      %gather3A_1210 = tpu.vector_load_idx %arg7[%add3A_1209] : memref<80000xf32, #tpu.memory_space<vmem>>[vector<16xi32>], vector<16xf32>,
      %add3A_1211 = arith.addf %gather3A_1206, %gather3A_1210 : vector<16xf32>
      %mul3A_1212 = vector.broadcast %squeeze3A : f32 to vector<16xf32>
      %mul3A_1213 = arith.mulf %add3A_1184, %mul3A_1212 : vector<16xf32>
      %add3A_1214 = vector.broadcast %squeeze3A_44 : f32 to vector<16xf32>
      %add3A_1215 = arith.addf %add3A_1214, %mul3A_1213 : vector<16xf32>
      %mul3A_1216 = vector.broadcast %squeeze3A_14 : f32 to vector<16xf32>
      %mul3A_1217 = arith.mulf %add3A_1193, %mul3A_1216 : vector<16xf32>
      %add3A_1218 = arith.addf %add3A_1215, %mul3A_1217 : vector<16xf32>
      %mul3A_1219 = vector.broadcast %squeeze3A_16 : f32 to vector<16xf32>
      %mul3A_1220 = arith.mulf %add3A_1202, %mul3A_1219 : vector<16xf32>
      %add3A_1221 = arith.addf %add3A_1218, %mul3A_1220 : vector<16xf32>
      %mul3A_1222 = vector.broadcast %squeeze3A_18 : f32 to vector<16xf32>
      %mul3A_1223 = arith.mulf %add3A_1211, %mul3A_1222 : vector<16xf32>
      %add3A_1224 = arith.addf %add3A_1221, %mul3A_1223 : vector<16xf32>
      %mul3A_1225 = vector.broadcast %squeeze3A_20 : f32 to vector<16xf32>
      %mul3A_1226 = arith.mulf %add3A_1184, %mul3A_1225 : vector<16xf32>
      %add3A_1227 = vector.broadcast %squeeze3A_46 : f32 to vector<16xf32>
      %add3A_1228 = arith.addf %add3A_1227, %mul3A_1226 : vector<16xf32>
      %mul3A_1229 = vector.broadcast %squeeze3A_22 : f32 to vector<16xf32>
      %mul3A_1230 = arith.mulf %add3A_1193, %mul3A_1229 : vector<16xf32>
      %add3A_1231 = arith.addf %add3A_1228, %mul3A_1230 : vector<16xf32>
      %mul3A_1232 = vector.broadcast %squeeze3A_24 : f32 to vector<16xf32>
      %mul3A_1233 = arith.mulf %add3A_1202, %mul3A_1232 : vector<16xf32>
      %add3A_1234 = arith.addf %add3A_1231, %mul3A_1233 : vector<16xf32>
      %mul3A_1235 = vector.broadcast %squeeze3A_26 : f32 to vector<16xf32>
      %mul3A_1236 = arith.mulf %add3A_1211, %mul3A_1235 : vector<16xf32>
      %add3A_1237 = arith.addf %add3A_1234, %mul3A_1236 : vector<16xf32>
      %mul3A_1238 = vector.broadcast %squeeze3A_28 : f32 to vector<16xf32>
      %mul3A_1239 = arith.mulf %add3A_1184, %mul3A_1238 : vector<16xf32>
      %add3A_1240 = vector.broadcast %squeeze3A_48 : f32 to vector<16xf32>
      %add3A_1241 = arith.addf %add3A_1240, %mul3A_1239 : vector<16xf32>
      %mul3A_1242 = vector.broadcast %squeeze3A_30 : f32 to vector<16xf32>
      %mul3A_1243 = arith.mulf %add3A_1193, %mul3A_1242 : vector<16xf32>
      %add3A_1244 = arith.addf %add3A_1241, %mul3A_1243 : vector<16xf32>
      %mul3A_1245 = vector.broadcast %squeeze3A_32 : f32 to vector<16xf32>
      %mul3A_1246 = arith.mulf %add3A_1202, %mul3A_1245 : vector<16xf32>
      %add3A_1247 = arith.addf %add3A_1244, %mul3A_1246 : vector<16xf32>
      %mul3A_1248 = vector.broadcast %squeeze3A_34 : f32 to vector<16xf32>
      %mul3A_1249 = arith.mulf %add3A_1211, %mul3A_1248 : vector<16xf32>
      %add3A_1250 = arith.addf %add3A_1247, %mul3A_1249 : vector<16xf32>
      %mul3A_1251 = vector.broadcast %squeeze3A_36 : f32 to vector<16xf32>
      %mul3A_1252 = arith.mulf %add3A_1184, %mul3A_1251 : vector<16xf32>
      %add3A_1253 = vector.broadcast %squeeze3A_50 : f32 to vector<16xf32>
      %add3A_1254 = arith.addf %add3A_1253, %mul3A_1252 : vector<16xf32>
      %mul3A_1255 = vector.broadcast %squeeze3A_38 : f32 to vector<16xf32>
      %mul3A_1256 = arith.mulf %add3A_1193, %mul3A_1255 : vector<16xf32>
      %add3A_1257 = arith.addf %add3A_1254, %mul3A_1256 : vector<16xf32>
      %mul3A_1258 = vector.broadcast %squeeze3A_40 : f32 to vector<16xf32>
      %mul3A_1259 = arith.mulf %add3A_1202, %mul3A_1258 : vector<16xf32>
      %add3A_1260 = arith.addf %add3A_1257, %mul3A_1259 : vector<16xf32>
      %mul3A_1261 = vector.broadcast %squeeze3A_42 : f32 to vector<16xf32>
      %mul3A_1262 = arith.mulf %add3A_1211, %mul3A_1261 : vector<16xf32>
      %add3A_1263 = arith.addf %add3A_1260, %mul3A_1262 : vector<16xf32>
      %max3A_1264 = arith.maximumf %add3A_1224, %add3A_1237 : vector<16xf32>
      %max3A_1265 = arith.maximumf %add3A_1250, %add3A_1263 : vector<16xf32>
      %max3A_1266 = arith.maximumf %max3A_1264, %max3A_1265 : vector<16xf32>
      %sub3A_1267 = arith.subf %add3A_1224, %max3A_1266 : vector<16xf32>
      %exp3A_1268 = math.exp %sub3A_1267 : vector<16xf32>
      %sub3A_1269 = arith.subf %add3A_1237, %max3A_1266 : vector<16xf32>
      %exp3A_1270 = math.exp %sub3A_1269 : vector<16xf32>
      %sub3A_1271 = arith.subf %add3A_1250, %max3A_1266 : vector<16xf32>
      %exp3A_1272 = math.exp %sub3A_1271 : vector<16xf32>
      %sub3A_1273 = arith.subf %add3A_1263, %max3A_1266 : vector<16xf32>
      %exp3A_1274 = math.exp %sub3A_1273 : vector<16xf32>
      %add3A_1275 = arith.addf %exp3A_1268, %exp3A_1270 : vector<16xf32>
      %add3A_1276 = arith.addf %exp3A_1272, %exp3A_1274 : vector<16xf32>
      %add3A_1277 = arith.addf %add3A_1275, %add3A_1276 : vector<16xf32>
      %div3A_1278 = arith.constant 1.000000e+00 : f32
      %div3A_1279 = vector.broadcast %div3A_1278 : f32 to vector<16xf32>
      %div3A_1280 = arith.divf %div3A_1279, %add3A_1277 : vector<16xf32>
      %mul3A_1281 = arith.mulf %exp3A_1268, %div3A_1280 : vector<16xf32>
      %add3A_1282 = arith.constant 0 : i32
      %add3A_1283 = arith.addi %add3A_1282, %mul3A_1168 : i32
      %swap3A_1284 = arith.index_cast %add3A_1283 : i32 to index
      %swap3A_1285 = tpu.vector_load %arg13[%swap3A_1284] {strides = array<i32>} : memref<8000xf32, #tpu.memory_space<vmem>>, vector<16xf32>,
      tpu.vector_store %arg13[%swap3A_1284], %mul3A_1281 {strides = array<i32>} : memref<8000xf32, #tpu.memory_space<vmem>>, vector<16xf32>,
      %mul3A_1286 = arith.mulf %exp3A_1270, %div3A_1280 : vector<16xf32>
      %add3A_1287 = arith.constant 2000 : i32
      %add3A_1288 = arith.addi %add3A_1287, %mul3A_1168 : i32
      %swap3A_1289 = arith.index_cast %add3A_1288 : i32 to index
      %swap3A_1290 = tpu.vector_load %arg13[%swap3A_1289] {strides = array<i32>} : memref<8000xf32, #tpu.memory_space<vmem>>, vector<16xf32>,
      tpu.vector_store %arg13[%swap3A_1289], %mul3A_1286 {strides = array<i32>} : memref<8000xf32, #tpu.memory_space<vmem>>, vector<16xf32>,
      %mul3A_1291 = arith.mulf %exp3A_1272, %div3A_1280 : vector<16xf32>
      %add3A_1292 = arith.constant 4000 : i32
      %add3A_1293 = arith.addi %add3A_1292, %mul3A_1168 : i32
      %swap3A_1294 = arith.index_cast %add3A_1293 : i32 to index
      %swap3A_1295 = tpu.vector_load %arg13[%swap3A_1294] {strides = array<i32>} : memref<8000xf32, #tpu.memory_space<vmem>>, vector<16xf32>,
      tpu.vector_store %arg13[%swap3A_1294], %mul3A_1291 {strides = array<i32>} : memref<8000xf32, #tpu.memory_space<vmem>>, vector<16xf32>,
      %mul3A_1296 = arith.mulf %exp3A_1274, %div3A_1280 : vector<16xf32>
      %add3A_1297 = arith.constant 6000 : i32
      %add3A_1298 = arith.addi %add3A_1297, %mul3A_1168 : i32
      %swap3A_1299 = arith.index_cast %add3A_1298 : i32 to index
      %swap3A_1300 = tpu.vector_load %arg13[%swap3A_1299] {strides = array<i32>} : memref<8000xf32, #tpu.memory_space<vmem>>, vector<16xf32>,
      tpu.vector_store %arg13[%swap3A_1299], %mul3A_1296 {strides = array<i32>} : memref<8000xf32, #tpu.memory_space<vmem>>, vector<16xf32>,
      %scan3A_1301 = arith.constant 0 : i32
      %scan3A_1302 = arith.constant 1 : i32
      %scan3A_1303 = arith.addi %scan3A_1165, %scan3A_1302 : i32
      %mul3A_1304 = arith.constant 16 : i32
      %mul3A_1305 = arith.muli %scan3A_1303, %mul3A_1304 : i32
      %get3A_1306 = arith.index_cast %mul3A_1305 : i32 to index
      %get3A_1307 = tpu.vector_load %arg9[%get3A_1306] {strides = array<i32>} : memref<2000xi32, #tpu.memory_space<vmem>>, vector<16xi32>,
      %get3A_1308 = arith.index_cast %mul3A_1305 : i32 to index
      %get3A_1309 = tpu.vector_load %arg11[%get3A_1308] {strides = array<i32>} : memref<2000xi32, #tpu.memory_space<vmem>>, vector<16xi32>,
      %add3A_1310 = arith.constant 40000 : i32
      %add3A_1311 = vector.broadcast %add3A_1310 : i32 to vector<16xi32>
      %add3A_1312 = arith.addi %get3A_1309, %add3A_1311 : vector<16xi32>
      %add3A_1313 = arith.constant 0 : i32
      %add3A_1314 = vector.broadcast %add3A_1313 : i32 to vector<16xi32>
      %add3A_1315 = arith.addi %get3A_1307, %add3A_1314 : vector<16xi32>
      %gather3A_1316 = tpu.vector_load_idx %arg7[%add3A_1315] : memref<80000xf32, #tpu.memory_space<vmem>>[vector<16xi32>], vector<16xf32>,
      %add3A_1317 = arith.constant 0 : i32
      %add3A_1318 = vector.broadcast %add3A_1317 : i32 to vector<16xi32>
      %add3A_1319 = arith.addi %add3A_1312, %add3A_1318 : vector<16xi32>
      %gather3A_1320 = tpu.vector_load_idx %arg7[%add3A_1319] : memref<80000xf32, #tpu.memory_space<vmem>>[vector<16xi32>], vector<16xf32>,
      %add3A_1321 = arith.addf %gather3A_1316, %gather3A_1320 : vector<16xf32>
      %add3A_1322 = arith.constant 10000 : i32
      %add3A_1323 = vector.broadcast %add3A_1322 : i32 to vector<16xi32>
      %add3A_1324 = arith.addi %get3A_1307, %add3A_1323 : vector<16xi32>
      %gather3A_1325 = tpu.vector_load_idx %arg7[%add3A_1324] : memref<80000xf32, #tpu.memory_space<vmem>>[vector<16xi32>], vector<16xf32>,
      %add3A_1326 = arith.constant 10000 : i32
      %add3A_1327 = vector.broadcast %add3A_1326 : i32 to vector<16xi32>
      %add3A_1328 = arith.addi %add3A_1312, %add3A_1327 : vector<16xi32>
      %gather3A_1329 = tpu.vector_load_idx %arg7[%add3A_1328] : memref<80000xf32, #tpu.memory_space<vmem>>[vector<16xi32>], vector<16xf32>,
      %add3A_1330 = arith.addf %gather3A_1325, %gather3A_1329 : vector<16xf32>
      %add3A_1331 = arith.constant 20000 : i32
      %add3A_1332 = vector.broadcast %add3A_1331 : i32 to vector<16xi32>
      %add3A_1333 = arith.addi %get3A_1307, %add3A_1332 : vector<16xi32>
      %gather3A_1334 = tpu.vector_load_idx %arg7[%add3A_1333] : memref<80000xf32, #tpu.memory_space<vmem>>[vector<16xi32>], vector<16xf32>,
      %add3A_1335 = arith.constant 20000 : i32
      %add3A_1336 = vector.broadcast %add3A_1335 : i32 to vector<16xi32>
      %add3A_1337 = arith.addi %add3A_1312, %add3A_1336 : vector<16xi32>
      %gather3A_1338 = tpu.vector_load_idx %arg7[%add3A_1337] : memref<80000xf32, #tpu.memory_space<vmem>>[vector<16xi32>], vector<16xf32>,
      %add3A_1339 = arith.addf %gather3A_1334, %gather3A_1338 : vector<16xf32>
      %add3A_1340 = arith.constant 30000 : i32
      %add3A_1341 = vector.broadcast %add3A_1340 : i32 to vector<16xi32>
      %add3A_1342 = arith.addi %get3A_1307, %add3A_1341 : vector<16xi32>
      %gather3A_1343 = tpu.vector_load_idx %arg7[%add3A_1342] : memref<80000xf32, #tpu.memory_space<vmem>>[vector<16xi32>], vector<16xf32>,
      %add3A_1344 = arith.constant 30000 : i32
      %add3A_1345 = vector.broadcast %add3A_1344 : i32 to vector<16xi32>
      %add3A_1346 = arith.addi %add3A_1312, %add3A_1345 : vector<16xi32>
      %gather3A_1347 = tpu.vector_load_idx %arg7[%add3A_1346] : memref<80000xf32, #tpu.memory_space<vmem>>[vector<16xi32>], vector<16xf32>,
      %add3A_1348 = arith.addf %gather3A_1343, %gather3A_1347 : vector<16xf32>
      %mul3A_1349 = vector.broadcast %squeeze3A : f32 to vector<16xf32>
      %mul3A_1350 = arith.mulf %add3A_1321, %mul3A_1349 : vector<16xf32>
      %add3A_1351 = vector.broadcast %squeeze3A_44 : f32 to vector<16xf32>
      %add3A_1352 = arith.addf %add3A_1351, %mul3A_1350 : vector<16xf32>
      %mul3A_1353 = vector.broadcast %squeeze3A_14 : f32 to vector<16xf32>
      %mul3A_1354 = arith.mulf %add3A_1330, %mul3A_1353 : vector<16xf32>
      %add3A_1355 = arith.addf %add3A_1352, %mul3A_1354 : vector<16xf32>
      %mul3A_1356 = vector.broadcast %squeeze3A_16 : f32 to vector<16xf32>
      %mul3A_1357 = arith.mulf %add3A_1339, %mul3A_1356 : vector<16xf32>
      %add3A_1358 = arith.addf %add3A_1355, %mul3A_1357 : vector<16xf32>
      %mul3A_1359 = vector.broadcast %squeeze3A_18 : f32 to vector<16xf32>
      %mul3A_1360 = arith.mulf %add3A_1348, %mul3A_1359 : vector<16xf32>
      %add3A_1361 = arith.addf %add3A_1358, %mul3A_1360 : vector<16xf32>
      %mul3A_1362 = vector.broadcast %squeeze3A_20 : f32 to vector<16xf32>
      %mul3A_1363 = arith.mulf %add3A_1321, %mul3A_1362 : vector<16xf32>
      %add3A_1364 = vector.broadcast %squeeze3A_46 : f32 to vector<16xf32>
      %add3A_1365 = arith.addf %add3A_1364, %mul3A_1363 : vector<16xf32>
      %mul3A_1366 = vector.broadcast %squeeze3A_22 : f32 to vector<16xf32>
      %mul3A_1367 = arith.mulf %add3A_1330, %mul3A_1366 : vector<16xf32>
      %add3A_1368 = arith.addf %add3A_1365, %mul3A_1367 : vector<16xf32>
      %mul3A_1369 = vector.broadcast %squeeze3A_24 : f32 to vector<16xf32>
      %mul3A_1370 = arith.mulf %add3A_1339, %mul3A_1369 : vector<16xf32>
      %add3A_1371 = arith.addf %add3A_1368, %mul3A_1370 : vector<16xf32>
      %mul3A_1372 = vector.broadcast %squeeze3A_26 : f32 to vector<16xf32>
      %mul3A_1373 = arith.mulf %add3A_1348, %mul3A_1372 : vector<16xf32>
      %add3A_1374 = arith.addf %add3A_1371, %mul3A_1373 : vector<16xf32>
      %mul3A_1375 = vector.broadcast %squeeze3A_28 : f32 to vector<16xf32>
      %mul3A_1376 = arith.mulf %add3A_1321, %mul3A_1375 : vector<16xf32>
      %add3A_1377 = vector.broadcast %squeeze3A_48 : f32 to vector<16xf32>
      %add3A_1378 = arith.addf %add3A_1377, %mul3A_1376 : vector<16xf32>
      %mul3A_1379 = vector.broadcast %squeeze3A_30 : f32 to vector<16xf32>
      %mul3A_1380 = arith.mulf %add3A_1330, %mul3A_1379 : vector<16xf32>
      %add3A_1381 = arith.addf %add3A_1378, %mul3A_1380 : vector<16xf32>
      %mul3A_1382 = vector.broadcast %squeeze3A_32 : f32 to vector<16xf32>
      %mul3A_1383 = arith.mulf %add3A_1339, %mul3A_1382 : vector<16xf32>
      %add3A_1384 = arith.addf %add3A_1381, %mul3A_1383 : vector<16xf32>
      %mul3A_1385 = vector.broadcast %squeeze3A_34 : f32 to vector<16xf32>
      %mul3A_1386 = arith.mulf %add3A_1348, %mul3A_1385 : vector<16xf32>
      %add3A_1387 = arith.addf %add3A_1384, %mul3A_1386 : vector<16xf32>
      %mul3A_1388 = vector.broadcast %squeeze3A_36 : f32 to vector<16xf32>
      %mul3A_1389 = arith.mulf %add3A_1321, %mul3A_1388 : vector<16xf32>
      %add3A_1390 = vector.broadcast %squeeze3A_50 : f32 to vector<16xf32>
      %add3A_1391 = arith.addf %add3A_1390, %mul3A_1389 : vector<16xf32>
      %mul3A_1392 = vector.broadcast %squeeze3A_38 : f32 to vector<16xf32>
      %mul3A_1393 = arith.mulf %add3A_1330, %mul3A_1392 : vector<16xf32>
      %add3A_1394 = arith.addf %add3A_1391, %mul3A_1393 : vector<16xf32>
      %mul3A_1395 = vector.broadcast %squeeze3A_40 : f32 to vector<16xf32>
      %mul3A_1396 = arith.mulf %add3A_1339, %mul3A_1395 : vector<16xf32>
      %add3A_1397 = arith.addf %add3A_1394, %mul3A_1396 : vector<16xf32>
      %mul3A_1398 = vector.broadcast %squeeze3A_42 : f32 to vector<16xf32>
      %mul3A_1399 = arith.mulf %add3A_1348, %mul3A_1398 : vector<16xf32>
      %add3A_1400 = arith.addf %add3A_1397, %mul3A_1399 : vector<16xf32>
      %max3A_1401 = arith.maximumf %add3A_1361, %add3A_1374 : vector<16xf32>
      %max3A_1402 = arith.maximumf %add3A_1387, %add3A_1400 : vector<16xf32>
      %max3A_1403 = arith.maximumf %max3A_1401, %max3A_1402 : vector<16xf32>
      %sub3A_1404 = arith.subf %add3A_1361, %max3A_1403 : vector<16xf32>
      %exp3A_1405 = math.exp %sub3A_1404 : vector<16xf32>
      %sub3A_1406 = arith.subf %add3A_1374, %max3A_1403 : vector<16xf32>
      %exp3A_1407 = math.exp %sub3A_1406 : vector<16xf32>
      %sub3A_1408 = arith.subf %add3A_1387, %max3A_1403 : vector<16xf32>
      %exp3A_1409 = math.exp %sub3A_1408 : vector<16xf32>
      %sub3A_1410 = arith.subf %add3A_1400, %max3A_1403 : vector<16xf32>
      %exp3A_1411 = math.exp %sub3A_1410 : vector<16xf32>
      %add3A_1412 = arith.addf %exp3A_1405, %exp3A_1407 : vector<16xf32>
      %add3A_1413 = arith.addf %exp3A_1409, %exp3A_1411 : vector<16xf32>
      %add3A_1414 = arith.addf %add3A_1412, %add3A_1413 : vector<16xf32>
      %div3A_1415 = arith.constant 1.000000e+00 : f32
      %div3A_1416 = vector.broadcast %div3A_1415 : f32 to vector<16xf32>
      %div3A_1417 = arith.divf %div3A_1416, %add3A_1414 : vector<16xf32>
      %mul3A_1418 = arith.mulf %exp3A_1405, %div3A_1417 : vector<16xf32>
      %add3A_1419 = arith.constant 0 : i32
      %add3A_1420 = arith.addi %add3A_1419, %mul3A_1305 : i32
      %swap3A_1421 = arith.index_cast %add3A_1420 : i32 to index
      %swap3A_1422 = tpu.vector_load %arg13[%swap3A_1421] {strides = array<i32>} : memref<8000xf32, #tpu.memory_space<vmem>>, vector<16xf32>,
      tpu.vector_store %arg13[%swap3A_1421], %mul3A_1418 {strides = array<i32>} : memref<8000xf32, #tpu.memory_space<vmem>>, vector<16xf32>,
      %mul3A_1423 = arith.mulf %exp3A_1407, %div3A_1417 : vector<16xf32>
      %add3A_1424 = arith.constant 2000 : i32
      %add3A_1425 = arith.addi %add3A_1424, %mul3A_1305 : i32
      %swap3A_1426 = arith.index_cast %add3A_1425 : i32 to index
      %swap3A_1427 = tpu.vector_load %arg13[%swap3A_1426] {strides = array<i32>} : memref<8000xf32, #tpu.memory_space<vmem>>, vector<16xf32>,
      tpu.vector_store %arg13[%swap3A_1426], %mul3A_1423 {strides = array<i32>} : memref<8000xf32, #tpu.memory_space<vmem>>, vector<16xf32>,
      %mul3A_1428 = arith.mulf %exp3A_1409, %div3A_1417 : vector<16xf32>
      %add3A_1429 = arith.constant 4000 : i32
      %add3A_1430 = arith.addi %add3A_1429, %mul3A_1305 : i32
      %swap3A_1431 = arith.index_cast %add3A_1430 : i32 to index
      %swap3A_1432 = tpu.vector_load %arg13[%swap3A_1431] {strides = array<i32>} : memref<8000xf32, #tpu.memory_space<vmem>>, vector<16xf32>,
      tpu.vector_store %arg13[%swap3A_1431], %mul3A_1428 {strides = array<i32>} : memref<8000xf32, #tpu.memory_space<vmem>>, vector<16xf32>,
      %mul3A_1433 = arith.mulf %exp3A_1411, %div3A_1417 : vector<16xf32>
      %add3A_1434 = arith.constant 6000 : i32
      %add3A_1435 = arith.addi %add3A_1434, %mul3A_1305 : i32
      %swap3A_1436 = arith.index_cast %add3A_1435 : i32 to index
      %swap3A_1437 = tpu.vector_load %arg13[%swap3A_1436] {strides = array<i32>} : memref<8000xf32, #tpu.memory_space<vmem>>, vector<16xf32>,
      tpu.vector_store %arg13[%swap3A_1436], %mul3A_1433 {strides = array<i32>} : memref<8000xf32, #tpu.memory_space<vmem>>, vector<16xf32>,
      %scan3A_1438 = arith.constant 0 : i32
      scf.yield %scan3A_1438 : i32
    }
    %scan3A_711 = arith.constant 124 : i32
    %scan3A_712 = arith.addi %scan3A_706, %scan3A_711 : i32
    %mul3A_713 = arith.constant 16 : i32
    %mul3A_714 = arith.muli %scan3A_712, %mul3A_713 : i32
    %get3A_715 = arith.index_cast %mul3A_714 : i32 to index
    %get3A_716 = tpu.vector_load %arg9[%get3A_715] {strides = array<i32>} : memref<2000xi32, #tpu.memory_space<vmem>>, vector<16xi32>,
    %get3A_717 = arith.index_cast %mul3A_714 : i32 to index
    %get3A_718 = tpu.vector_load %arg11[%get3A_717] {strides = array<i32>} : memref<2000xi32, #tpu.memory_space<vmem>>, vector<16xi32>,
    %add3A_719 = arith.constant 40000 : i32
    %add3A_720 = vector.broadcast %add3A_719 : i32 to vector<16xi32>
    %add3A_721 = arith.addi %get3A_718, %add3A_720 : vector<16xi32>
    %add3A_722 = arith.constant 0 : i32
    %add3A_723 = vector.broadcast %add3A_722 : i32 to vector<16xi32>
    %add3A_724 = arith.addi %get3A_716, %add3A_723 : vector<16xi32>
    %gather3A_725 = tpu.vector_load_idx %arg7[%add3A_724] : memref<80000xf32, #tpu.memory_space<vmem>>[vector<16xi32>], vector<16xf32>,
    %add3A_726 = arith.constant 0 : i32
    %add3A_727 = vector.broadcast %add3A_726 : i32 to vector<16xi32>
    %add3A_728 = arith.addi %add3A_721, %add3A_727 : vector<16xi32>
    %gather3A_729 = tpu.vector_load_idx %arg7[%add3A_728] : memref<80000xf32, #tpu.memory_space<vmem>>[vector<16xi32>], vector<16xf32>,
    %add3A_730 = arith.addf %gather3A_725, %gather3A_729 : vector<16xf32>
    %add3A_731 = arith.constant 10000 : i32
    %add3A_732 = vector.broadcast %add3A_731 : i32 to vector<16xi32>
    %add3A_733 = arith.addi %get3A_716, %add3A_732 : vector<16xi32>
    %gather3A_734 = tpu.vector_load_idx %arg7[%add3A_733] : memref<80000xf32, #tpu.memory_space<vmem>>[vector<16xi32>], vector<16xf32>,
    %add3A_735 = arith.constant 10000 : i32
    %add3A_736 = vector.broadcast %add3A_735 : i32 to vector<16xi32>
    %add3A_737 = arith.addi %add3A_721, %add3A_736 : vector<16xi32>
    %gather3A_738 = tpu.vector_load_idx %arg7[%add3A_737] : memref<80000xf32, #tpu.memory_space<vmem>>[vector<16xi32>], vector<16xf32>,
    %add3A_739 = arith.addf %gather3A_734, %gather3A_738 : vector<16xf32>
    %add3A_740 = arith.constant 20000 : i32
    %add3A_741 = vector.broadcast %add3A_740 : i32 to vector<16xi32>
    %add3A_742 = arith.addi %get3A_716, %add3A_741 : vector<16xi32>
    %gather3A_743 = tpu.vector_load_idx %arg7[%add3A_742] : memref<80000xf32, #tpu.memory_space<vmem>>[vector<16xi32>], vector<16xf32>,
    %add3A_744 = arith.constant 20000 : i32
    %add3A_745 = vector.broadcast %add3A_744 : i32 to vector<16xi32>
    %add3A_746 = arith.addi %add3A_721, %add3A_745 : vector<16xi32>
    %gather3A_747 = tpu.vector_load_idx %arg7[%add3A_746] : memref<80000xf32, #tpu.memory_space<vmem>>[vector<16xi32>], vector<16xf32>,
    %add3A_748 = arith.addf %gather3A_743, %gather3A_747 : vector<16xf32>
    %add3A_749 = arith.constant 30000 : i32
    %add3A_750 = vector.broadcast %add3A_749 : i32 to vector<16xi32>
    %add3A_751 = arith.addi %get3A_716, %add3A_750 : vector<16xi32>
    %gather3A_752 = tpu.vector_load_idx %arg7[%add3A_751] : memref<80000xf32, #tpu.memory_space<vmem>>[vector<16xi32>], vector<16xf32>,
    %add3A_753 = arith.constant 30000 : i32
    %add3A_754 = vector.broadcast %add3A_753 : i32 to vector<16xi32>
    %add3A_755 = arith.addi %add3A_721, %add3A_754 : vector<16xi32>
    %gather3A_756 = tpu.vector_load_idx %arg7[%add3A_755] : memref<80000xf32, #tpu.memory_space<vmem>>[vector<16xi32>], vector<16xf32>,
    %add3A_757 = arith.addf %gather3A_752, %gather3A_756 : vector<16xf32>
    %mul3A_758 = vector.broadcast %squeeze3A : f32 to vector<16xf32>
    %mul3A_759 = arith.mulf %add3A_730, %mul3A_758 : vector<16xf32>
    %add3A_760 = vector.broadcast %squeeze3A_44 : f32 to vector<16xf32>
    %add3A_761 = arith.addf %add3A_760, %mul3A_759 : vector<16xf32>
    %mul3A_762 = vector.broadcast %squeeze3A_14 : f32 to vector<16xf32>
    %mul3A_763 = arith.mulf %add3A_739, %mul3A_762 : vector<16xf32>
    %add3A_764 = arith.addf %add3A_761, %mul3A_763 : vector<16xf32>
    %mul3A_765 = vector.broadcast %squeeze3A_16 : f32 to vector<16xf32>
    %mul3A_766 = arith.mulf %add3A_748, %mul3A_765 : vector<16xf32>
    %add3A_767 = arith.addf %add3A_764, %mul3A_766 : vector<16xf32>
    %mul3A_768 = vector.broadcast %squeeze3A_18 : f32 to vector<16xf32>
    %mul3A_769 = arith.mulf %add3A_757, %mul3A_768 : vector<16xf32>
    %add3A_770 = arith.addf %add3A_767, %mul3A_769 : vector<16xf32>
    %mul3A_771 = vector.broadcast %squeeze3A_20 : f32 to vector<16xf32>
    %mul3A_772 = arith.mulf %add3A_730, %mul3A_771 : vector<16xf32>
    %add3A_773 = vector.broadcast %squeeze3A_46 : f32 to vector<16xf32>
    %add3A_774 = arith.addf %add3A_773, %mul3A_772 : vector<16xf32>
    %mul3A_775 = vector.broadcast %squeeze3A_22 : f32 to vector<16xf32>
    %mul3A_776 = arith.mulf %add3A_739, %mul3A_775 : vector<16xf32>
    %add3A_777 = arith.addf %add3A_774, %mul3A_776 : vector<16xf32>
    %mul3A_778 = vector.broadcast %squeeze3A_24 : f32 to vector<16xf32>
    %mul3A_779 = arith.mulf %add3A_748, %mul3A_778 : vector<16xf32>
    %add3A_780 = arith.addf %add3A_777, %mul3A_779 : vector<16xf32>
    %mul3A_781 = vector.broadcast %squeeze3A_26 : f32 to vector<16xf32>
    %mul3A_782 = arith.mulf %add3A_757, %mul3A_781 : vector<16xf32>
    %add3A_783 = arith.addf %add3A_780, %mul3A_782 : vector<16xf32>
    %mul3A_784 = vector.broadcast %squeeze3A_28 : f32 to vector<16xf32>
    %mul3A_785 = arith.mulf %add3A_730, %mul3A_784 : vector<16xf32>
    %add3A_786 = vector.broadcast %squeeze3A_48 : f32 to vector<16xf32>
    %add3A_787 = arith.addf %add3A_786, %mul3A_785 : vector<16xf32>
    %mul3A_788 = vector.broadcast %squeeze3A_30 : f32 to vector<16xf32>
    %mul3A_789 = arith.mulf %add3A_739, %mul3A_788 : vector<16xf32>
    %add3A_790 = arith.addf %add3A_787, %mul3A_789 : vector<16xf32>
    %mul3A_791 = vector.broadcast %squeeze3A_32 : f32 to vector<16xf32>
    %mul3A_792 = arith.mulf %add3A_748, %mul3A_791 : vector<16xf32>
    %add3A_793 = arith.addf %add3A_790, %mul3A_792 : vector<16xf32>
    %mul3A_794 = vector.broadcast %squeeze3A_34 : f32 to vector<16xf32>
    %mul3A_795 = arith.mulf %add3A_757, %mul3A_794 : vector<16xf32>
    %add3A_796 = arith.addf %add3A_793, %mul3A_795 : vector<16xf32>
    %mul3A_797 = vector.broadcast %squeeze3A_36 : f32 to vector<16xf32>
    %mul3A_798 = arith.mulf %add3A_730, %mul3A_797 : vector<16xf32>
    %add3A_799 = vector.broadcast %squeeze3A_50 : f32 to vector<16xf32>
    %add3A_800 = arith.addf %add3A_799, %mul3A_798 : vector<16xf32>
    %mul3A_801 = vector.broadcast %squeeze3A_38 : f32 to vector<16xf32>
    %mul3A_802 = arith.mulf %add3A_739, %mul3A_801 : vector<16xf32>
    %add3A_803 = arith.addf %add3A_800, %mul3A_802 : vector<16xf32>
    %mul3A_804 = vector.broadcast %squeeze3A_40 : f32 to vector<16xf32>
    %mul3A_805 = arith.mulf %add3A_748, %mul3A_804 : vector<16xf32>
    %add3A_806 = arith.addf %add3A_803, %mul3A_805 : vector<16xf32>
    %mul3A_807 = vector.broadcast %squeeze3A_42 : f32 to vector<16xf32>
    %mul3A_808 = arith.mulf %add3A_757, %mul3A_807 : vector<16xf32>
    %add3A_809 = arith.addf %add3A_806, %mul3A_808 : vector<16xf32>
    %max3A_810 = arith.maximumf %add3A_770, %add3A_783 : vector<16xf32>
    %max3A_811 = arith.maximumf %add3A_796, %add3A_809 : vector<16xf32>
    %max3A_812 = arith.maximumf %max3A_810, %max3A_811 : vector<16xf32>
    %sub3A_813 = arith.subf %add3A_770, %max3A_812 : vector<16xf32>
    %exp3A_814 = math.exp %sub3A_813 : vector<16xf32>
    %sub3A_815 = arith.subf %add3A_783, %max3A_812 : vector<16xf32>
    %exp3A_816 = math.exp %sub3A_815 : vector<16xf32>
    %sub3A_817 = arith.subf %add3A_796, %max3A_812 : vector<16xf32>
    %exp3A_818 = math.exp %sub3A_817 : vector<16xf32>
    %sub3A_819 = arith.subf %add3A_809, %max3A_812 : vector<16xf32>
    %exp3A_820 = math.exp %sub3A_819 : vector<16xf32>
    %add3A_821 = arith.addf %exp3A_814, %exp3A_816 : vector<16xf32>
    %add3A_822 = arith.addf %exp3A_818, %exp3A_820 : vector<16xf32>
    %add3A_823 = arith.addf %add3A_821, %add3A_822 : vector<16xf32>
    %div3A_824 = arith.constant 1.000000e+00 : f32
    %div3A_825 = vector.broadcast %div3A_824 : f32 to vector<16xf32>
    %div3A_826 = arith.divf %div3A_825, %add3A_823 : vector<16xf32>
    %mul3A_827 = arith.mulf %exp3A_814, %div3A_826 : vector<16xf32>
    %add3A_828 = arith.constant 0 : i32
    %add3A_829 = arith.addi %add3A_828, %mul3A_714 : i32
    %swap3A_830 = arith.index_cast %add3A_829 : i32 to index
    %swap3A_831 = tpu.vector_load %arg13[%swap3A_830] {strides = array<i32>} : memref<8000xf32, #tpu.memory_space<vmem>>, vector<16xf32>,
    tpu.vector_store %arg13[%swap3A_830], %mul3A_827 {strides = array<i32>} : memref<8000xf32, #tpu.memory_space<vmem>>, vector<16xf32>,
    %mul3A_832 = arith.mulf %exp3A_816, %div3A_826 : vector<16xf32>
    %add3A_833 = arith.constant 2000 : i32
    %add3A_834 = arith.addi %add3A_833, %mul3A_714 : i32
    %swap3A_835 = arith.index_cast %add3A_834 : i32 to index
    %swap3A_836 = tpu.vector_load %arg13[%swap3A_835] {strides = array<i32>} : memref<8000xf32, #tpu.memory_space<vmem>>, vector<16xf32>,
    tpu.vector_store %arg13[%swap3A_835], %mul3A_832 {strides = array<i32>} : memref<8000xf32, #tpu.memory_space<vmem>>, vector<16xf32>,
    %mul3A_837 = arith.mulf %exp3A_818, %div3A_826 : vector<16xf32>
    %add3A_838 = arith.constant 4000 : i32
    %add3A_839 = arith.addi %add3A_838, %mul3A_714 : i32
    %swap3A_840 = arith.index_cast %add3A_839 : i32 to index
    %swap3A_841 = tpu.vector_load %arg13[%swap3A_840] {strides = array<i32>} : memref<8000xf32, #tpu.memory_space<vmem>>, vector<16xf32>,
    tpu.vector_store %arg13[%swap3A_840], %mul3A_837 {strides = array<i32>} : memref<8000xf32, #tpu.memory_space<vmem>>, vector<16xf32>,
    %mul3A_842 = arith.mulf %exp3A_820, %div3A_826 : vector<16xf32>
    %add3A_843 = arith.constant 6000 : i32
    %add3A_844 = arith.addi %add3A_843, %mul3A_714 : i32
    %swap3A_845 = arith.index_cast %add3A_844 : i32 to index
    %swap3A_846 = tpu.vector_load %arg13[%swap3A_845] {strides = array<i32>} : memref<8000xf32, #tpu.memory_space<vmem>>, vector<16xf32>,
    tpu.vector_store %arg13[%swap3A_845], %mul3A_842 {strides = array<i32>} : memref<8000xf32, #tpu.memory_space<vmem>>, vector<16xf32>,
    %scan3A_847 = arith.constant 0 : i32
    %scan3A_848 = arith.constant 125 : i32
    %add3A_849 = arith.constant 6000 : i32
    %add3A_850 = arith.addi %mul3A_2, %add3A_849 : i32
    %add3A_851 = arith.constant 0 : i32
    %add3A_852 = arith.addi %add3A_851, %add3A_850 : i32
    %dma_start3A_853 = arith.constant 0 : i32
    %dma_start3A_854 = tpu.memref_slice %arg13[%dma_start3A_853] : memref<8000xf32, #tpu.memory_space<vmem>> -> memref<2000xf32, #tpu.memory_space<vmem>>
    %dma_start3A_855 = tpu.memref_slice %arg6[%add3A_852] : memref<1280000xf32, #tpu.memory_space<hbm>> -> memref<2000xf32, #tpu.memory_space<hbm>>
    %dma_start3A_856 = tpu.memref_slice %arg6[%add3A_852] : memref<1280000xf32, #tpu.memory_space<hbm>> -> memref<2000xf32, #tpu.memory_space<hbm>>
    %dma_start3A_857 = arith.constant 0 : i32
    %dma_start3A_858 = tpu.memref_slice %arg13[%dma_start3A_857] : memref<8000xf32, #tpu.memory_space<vmem>> -> memref<2000xf32, #tpu.memory_space<vmem>>
    tpu.enqueue_dma source(%dma_start3A_858 : memref<2000xf32, #tpu.memory_space<vmem>>) target(%dma_start3A_856 : memref<2000xf32, #tpu.memory_space<hbm>>) target_semaphore(%arg19 : memref<!tpu.dma_semaphore, #tpu.memory_space<semaphore_mem>>)
    %add3A_859 = arith.constant 320000 : i32
    %add3A_860 = arith.addi %add3A_859, %add3A_850 : i32
    %dma_start3A_861 = arith.constant 2000 : i32
    %dma_start3A_862 = tpu.memref_slice %arg13[%dma_start3A_861] : memref<8000xf32, #tpu.memory_space<vmem>> -> memref<2000xf32, #tpu.memory_space<vmem>>
    %dma_start3A_863 = tpu.memref_slice %arg6[%add3A_860] : memref<1280000xf32, #tpu.memory_space<hbm>> -> memref<2000xf32, #tpu.memory_space<hbm>>
    %dma_start3A_864 = tpu.memref_slice %arg6[%add3A_860] : memref<1280000xf32, #tpu.memory_space<hbm>> -> memref<2000xf32, #tpu.memory_space<hbm>>
    %dma_start3A_865 = arith.constant 2000 : i32
    %dma_start3A_866 = tpu.memref_slice %arg13[%dma_start3A_865] : memref<8000xf32, #tpu.memory_space<vmem>> -> memref<2000xf32, #tpu.memory_space<vmem>>
    tpu.enqueue_dma source(%dma_start3A_866 : memref<2000xf32, #tpu.memory_space<vmem>>) target(%dma_start3A_864 : memref<2000xf32, #tpu.memory_space<hbm>>) target_semaphore(%arg19 : memref<!tpu.dma_semaphore, #tpu.memory_space<semaphore_mem>>)
    %add3A_867 = arith.constant 640000 : i32
    %add3A_868 = arith.addi %add3A_867, %add3A_850 : i32
    %dma_start3A_869 = arith.constant 4000 : i32
    %dma_start3A_870 = tpu.memref_slice %arg13[%dma_start3A_869] : memref<8000xf32, #tpu.memory_space<vmem>> -> memref<2000xf32, #tpu.memory_space<vmem>>
    %dma_start3A_871 = tpu.memref_slice %arg6[%add3A_868] : memref<1280000xf32, #tpu.memory_space<hbm>> -> memref<2000xf32, #tpu.memory_space<hbm>>
    %dma_start3A_872 = tpu.memref_slice %arg6[%add3A_868] : memref<1280000xf32, #tpu.memory_space<hbm>> -> memref<2000xf32, #tpu.memory_space<hbm>>
    %dma_start3A_873 = arith.constant 4000 : i32
    %dma_start3A_874 = tpu.memref_slice %arg13[%dma_start3A_873] : memref<8000xf32, #tpu.memory_space<vmem>> -> memref<2000xf32, #tpu.memory_space<vmem>>
    tpu.enqueue_dma source(%dma_start3A_874 : memref<2000xf32, #tpu.memory_space<vmem>>) target(%dma_start3A_872 : memref<2000xf32, #tpu.memory_space<hbm>>) target_semaphore(%arg19 : memref<!tpu.dma_semaphore, #tpu.memory_space<semaphore_mem>>)
    %add3A_875 = arith.constant 960000 : i32
    %add3A_876 = arith.addi %add3A_875, %add3A_850 : i32
    %dma_start3A_877 = arith.constant 6000 : i32
    %dma_start3A_878 = tpu.memref_slice %arg13[%dma_start3A_877] : memref<8000xf32, #tpu.memory_space<vmem>> -> memref<2000xf32, #tpu.memory_space<vmem>>
    %dma_start3A_879 = tpu.memref_slice %arg6[%add3A_876] : memref<1280000xf32, #tpu.memory_space<hbm>> -> memref<2000xf32, #tpu.memory_space<hbm>>
    %dma_start3A_880 = tpu.memref_slice %arg6[%add3A_876] : memref<1280000xf32, #tpu.memory_space<hbm>> -> memref<2000xf32, #tpu.memory_space<hbm>>
    %dma_start3A_881 = arith.constant 6000 : i32
    %dma_start3A_882 = tpu.memref_slice %arg13[%dma_start3A_881] : memref<8000xf32, #tpu.memory_space<vmem>> -> memref<2000xf32, #tpu.memory_space<vmem>>
    tpu.enqueue_dma source(%dma_start3A_882 : memref<2000xf32, #tpu.memory_space<vmem>>) target(%dma_start3A_880 : memref<2000xf32, #tpu.memory_space<hbm>>) target_semaphore(%arg19 : memref<!tpu.dma_semaphore, #tpu.memory_space<semaphore_mem>>)
    %dma_wait3A_883 = arith.constant 0 : i32
    %dma_wait3A_884 = tpu.memref_slice %arg3[%dma_wait3A_883] : memref<640000xi32, #tpu.memory_space<hbm>> -> memref<2000xi32, #tpu.memory_space<hbm>>
    %dma_wait3A_885 = arith.constant 0 : i32
    %dma_wait3A_886 = tpu.memref_slice %arg3[%dma_wait3A_885] : memref<640000xi32, #tpu.memory_space<hbm>> -> memref<2000xi32, #tpu.memory_space<hbm>>
    tpu.wait_dma2 semaphore(%arg16 : memref<!tpu.dma_semaphore, #tpu.memory_space<semaphore_mem>>) src(%dma_wait3A_886 : memref<2000xi32, #tpu.memory_space<hbm>>) dst(%arg8 : memref<2000xi32, #tpu.memory_space<vmem>>)
    %dma_wait3A_887 = arith.constant 0 : i32
    %dma_wait3A_888 = tpu.memref_slice %arg3[%dma_wait3A_887] : memref<640000xi32, #tpu.memory_space<hbm>> -> memref<2000xi32, #tpu.memory_space<hbm>>
    %dma_wait3A_889 = arith.constant 0 : i32
    %dma_wait3A_890 = tpu.memref_slice %arg3[%dma_wait3A_889] : memref<640000xi32, #tpu.memory_space<hbm>> -> memref<2000xi32, #tpu.memory_space<hbm>>
    tpu.wait_dma2 semaphore(%arg16 : memref<!tpu.dma_semaphore, #tpu.memory_space<semaphore_mem>>) src(%dma_wait3A_890 : memref<2000xi32, #tpu.memory_space<hbm>>) dst(%arg10 : memref<2000xi32, #tpu.memory_space<vmem>>)
    %dma_wait3A_891 = arith.constant 0 : i32
    %dma_wait3A_892 = tpu.memref_slice %arg12[%dma_wait3A_891] : memref<8000xf32, #tpu.memory_space<vmem>> -> memref<2000xf32, #tpu.memory_space<vmem>>
    %dma_wait3A_893 = arith.constant 0 : i32
    %dma_wait3A_894 = tpu.memref_slice %arg6[%dma_wait3A_893] : memref<1280000xf32, #tpu.memory_space<hbm>> -> memref<2000xf32, #tpu.memory_space<hbm>>
    %dma_wait3A_895 = arith.constant 0 : i32
    %dma_wait3A_896 = tpu.memref_slice %arg6[%dma_wait3A_895] : memref<1280000xf32, #tpu.memory_space<hbm>> -> memref<2000xf32, #tpu.memory_space<hbm>>
    %dma_wait3A_897 = arith.constant 0 : i32
    %dma_wait3A_898 = tpu.memref_slice %arg12[%dma_wait3A_897] : memref<8000xf32, #tpu.memory_space<vmem>> -> memref<2000xf32, #tpu.memory_space<vmem>>
    tpu.wait_dma2 semaphore(%arg18 : memref<!tpu.dma_semaphore, #tpu.memory_space<semaphore_mem>>) src(%dma_wait3A_898 : memref<2000xf32, #tpu.memory_space<vmem>>) dst(%dma_wait3A_896 : memref<2000xf32, #tpu.memory_space<hbm>>)
    %dma_wait3A_899 = arith.constant 2000 : i32
    %dma_wait3A_900 = tpu.memref_slice %arg12[%dma_wait3A_899] : memref<8000xf32, #tpu.memory_space<vmem>> -> memref<2000xf32, #tpu.memory_space<vmem>>
    %dma_wait3A_901 = arith.constant 0 : i32
    %dma_wait3A_902 = tpu.memref_slice %arg6[%dma_wait3A_901] : memref<1280000xf32, #tpu.memory_space<hbm>> -> memref<2000xf32, #tpu.memory_space<hbm>>
    %dma_wait3A_903 = arith.constant 0 : i32
    %dma_wait3A_904 = tpu.memref_slice %arg6[%dma_wait3A_903] : memref<1280000xf32, #tpu.memory_space<hbm>> -> memref<2000xf32, #tpu.memory_space<hbm>>
    %dma_wait3A_905 = arith.constant 2000 : i32
    %dma_wait3A_906 = tpu.memref_slice %arg12[%dma_wait3A_905] : memref<8000xf32, #tpu.memory_space<vmem>> -> memref<2000xf32, #tpu.memory_space<vmem>>
    tpu.wait_dma2 semaphore(%arg18 : memref<!tpu.dma_semaphore, #tpu.memory_space<semaphore_mem>>) src(%dma_wait3A_906 : memref<2000xf32, #tpu.memory_space<vmem>>) dst(%dma_wait3A_904 : memref<2000xf32, #tpu.memory_space<hbm>>)
    %dma_wait3A_907 = arith.constant 4000 : i32
    %dma_wait3A_908 = tpu.memref_slice %arg12[%dma_wait3A_907] : memref<8000xf32, #tpu.memory_space<vmem>> -> memref<2000xf32, #tpu.memory_space<vmem>>
    %dma_wait3A_909 = arith.constant 0 : i32
    %dma_wait3A_910 = tpu.memref_slice %arg6[%dma_wait3A_909] : memref<1280000xf32, #tpu.memory_space<hbm>> -> memref<2000xf32, #tpu.memory_space<hbm>>
    %dma_wait3A_911 = arith.constant 0 : i32
    %dma_wait3A_912 = tpu.memref_slice %arg6[%dma_wait3A_911] : memref<1280000xf32, #tpu.memory_space<hbm>> -> memref<2000xf32, #tpu.memory_space<hbm>>
    %dma_wait3A_913 = arith.constant 4000 : i32
    %dma_wait3A_914 = tpu.memref_slice %arg12[%dma_wait3A_913] : memref<8000xf32, #tpu.memory_space<vmem>> -> memref<2000xf32, #tpu.memory_space<vmem>>
    tpu.wait_dma2 semaphore(%arg18 : memref<!tpu.dma_semaphore, #tpu.memory_space<semaphore_mem>>) src(%dma_wait3A_914 : memref<2000xf32, #tpu.memory_space<vmem>>) dst(%dma_wait3A_912 : memref<2000xf32, #tpu.memory_space<hbm>>)
    %dma_wait3A_915 = arith.constant 6000 : i32
    %dma_wait3A_916 = tpu.memref_slice %arg12[%dma_wait3A_915] : memref<8000xf32, #tpu.memory_space<vmem>> -> memref<2000xf32, #tpu.memory_space<vmem>>
    %dma_wait3A_917 = arith.constant 0 : i32
    %dma_wait3A_918 = tpu.memref_slice %arg6[%dma_wait3A_917] : memref<1280000xf32, #tpu.memory_space<hbm>> -> memref<2000xf32, #tpu.memory_space<hbm>>
    %dma_wait3A_919 = arith.constant 0 : i32
    %dma_wait3A_920 = tpu.memref_slice %arg6[%dma_wait3A_919] : memref<1280000xf32, #tpu.memory_space<hbm>> -> memref<2000xf32, #tpu.memory_space<hbm>>
    %dma_wait3A_921 = arith.constant 6000 : i32
    %dma_wait3A_922 = tpu.memref_slice %arg12[%dma_wait3A_921] : memref<8000xf32, #tpu.memory_space<vmem>> -> memref<2000xf32, #tpu.memory_space<vmem>>
    tpu.wait_dma2 semaphore(%arg18 : memref<!tpu.dma_semaphore, #tpu.memory_space<semaphore_mem>>) src(%dma_wait3A_922 : memref<2000xf32, #tpu.memory_space<vmem>>) dst(%dma_wait3A_920 : memref<2000xf32, #tpu.memory_space<hbm>>)
    %scan3A_923 = arith.constant 0 : i32
    %scan3A_924 = arith.constant 0 : i32
    %scan3A_925 = arith.constant 124 : i32
    %scan3A_926 = arith.addi %scan3A_924, %scan3A_925 : i32
    %scan3A_927 = arith.constant 2 : i32
    %scan3A_928 = scf.for %scan3A_1165 = %scan3A_924 to %scan3A_926 step %scan3A_927 iter_args(%scan3A_1166 = %scan3A_923) -> (i32)  : i32 {
      %mul3A_1167 = arith.constant 16 : i32
      %mul3A_1168 = arith.muli %scan3A_1165, %mul3A_1167 : i32
      %get3A_1169 = arith.index_cast %mul3A_1168 : i32 to index
      %get3A_1170 = tpu.vector_load %arg8[%get3A_1169] {strides = array<i32>} : memref<2000xi32, #tpu.memory_space<vmem>>, vector<16xi32>,
      %get3A_1171 = arith.index_cast %mul3A_1168 : i32 to index
      %get3A_1172 = tpu.vector_load %arg10[%get3A_1171] {strides = array<i32>} : memref<2000xi32, #tpu.memory_space<vmem>>, vector<16xi32>,
      %add3A_1173 = arith.constant 40000 : i32
      %add3A_1174 = vector.broadcast %add3A_1173 : i32 to vector<16xi32>
      %add3A_1175 = arith.addi %get3A_1172, %add3A_1174 : vector<16xi32>
      %add3A_1176 = arith.constant 0 : i32
      %add3A_1177 = vector.broadcast %add3A_1176 : i32 to vector<16xi32>
      %add3A_1178 = arith.addi %get3A_1170, %add3A_1177 : vector<16xi32>
      %gather3A_1179 = tpu.vector_load_idx %arg7[%add3A_1178] : memref<80000xf32, #tpu.memory_space<vmem>>[vector<16xi32>], vector<16xf32>,
      %add3A_1180 = arith.constant 0 : i32
      %add3A_1181 = vector.broadcast %add3A_1180 : i32 to vector<16xi32>
      %add3A_1182 = arith.addi %add3A_1175, %add3A_1181 : vector<16xi32>
      %gather3A_1183 = tpu.vector_load_idx %arg7[%add3A_1182] : memref<80000xf32, #tpu.memory_space<vmem>>[vector<16xi32>], vector<16xf32>,
      %add3A_1184 = arith.addf %gather3A_1179, %gather3A_1183 : vector<16xf32>
      %add3A_1185 = arith.constant 10000 : i32
      %add3A_1186 = vector.broadcast %add3A_1185 : i32 to vector<16xi32>
      %add3A_1187 = arith.addi %get3A_1170, %add3A_1186 : vector<16xi32>
      %gather3A_1188 = tpu.vector_load_idx %arg7[%add3A_1187] : memref<80000xf32, #tpu.memory_space<vmem>>[vector<16xi32>], vector<16xf32>,
      %add3A_1189 = arith.constant 10000 : i32
      %add3A_1190 = vector.broadcast %add3A_1189 : i32 to vector<16xi32>
      %add3A_1191 = arith.addi %add3A_1175, %add3A_1190 : vector<16xi32>
      %gather3A_1192 = tpu.vector_load_idx %arg7[%add3A_1191] : memref<80000xf32, #tpu.memory_space<vmem>>[vector<16xi32>], vector<16xf32>,
      %add3A_1193 = arith.addf %gather3A_1188, %gather3A_1192 : vector<16xf32>
      %add3A_1194 = arith.constant 20000 : i32
      %add3A_1195 = vector.broadcast %add3A_1194 : i32 to vector<16xi32>
      %add3A_1196 = arith.addi %get3A_1170, %add3A_1195 : vector<16xi32>
      %gather3A_1197 = tpu.vector_load_idx %arg7[%add3A_1196] : memref<80000xf32, #tpu.memory_space<vmem>>[vector<16xi32>], vector<16xf32>,
      %add3A_1198 = arith.constant 20000 : i32
      %add3A_1199 = vector.broadcast %add3A_1198 : i32 to vector<16xi32>
      %add3A_1200 = arith.addi %add3A_1175, %add3A_1199 : vector<16xi32>
      %gather3A_1201 = tpu.vector_load_idx %arg7[%add3A_1200] : memref<80000xf32, #tpu.memory_space<vmem>>[vector<16xi32>], vector<16xf32>,
      %add3A_1202 = arith.addf %gather3A_1197, %gather3A_1201 : vector<16xf32>
      %add3A_1203 = arith.constant 30000 : i32
      %add3A_1204 = vector.broadcast %add3A_1203 : i32 to vector<16xi32>
      %add3A_1205 = arith.addi %get3A_1170, %add3A_1204 : vector<16xi32>
      %gather3A_1206 = tpu.vector_load_idx %arg7[%add3A_1205] : memref<80000xf32, #tpu.memory_space<vmem>>[vector<16xi32>], vector<16xf32>,
      %add3A_1207 = arith.constant 30000 : i32
      %add3A_1208 = vector.broadcast %add3A_1207 : i32 to vector<16xi32>
      %add3A_1209 = arith.addi %add3A_1175, %add3A_1208 : vector<16xi32>
      %gather3A_1210 = tpu.vector_load_idx %arg7[%add3A_1209] : memref<80000xf32, #tpu.memory_space<vmem>>[vector<16xi32>], vector<16xf32>,
      %add3A_1211 = arith.addf %gather3A_1206, %gather3A_1210 : vector<16xf32>
      %mul3A_1212 = vector.broadcast %squeeze3A : f32 to vector<16xf32>
      %mul3A_1213 = arith.mulf %add3A_1184, %mul3A_1212 : vector<16xf32>
      %add3A_1214 = vector.broadcast %squeeze3A_44 : f32 to vector<16xf32>
      %add3A_1215 = arith.addf %add3A_1214, %mul3A_1213 : vector<16xf32>
      %mul3A_1216 = vector.broadcast %squeeze3A_14 : f32 to vector<16xf32>
      %mul3A_1217 = arith.mulf %add3A_1193, %mul3A_1216 : vector<16xf32>
      %add3A_1218 = arith.addf %add3A_1215, %mul3A_1217 : vector<16xf32>
      %mul3A_1219 = vector.broadcast %squeeze3A_16 : f32 to vector<16xf32>
      %mul3A_1220 = arith.mulf %add3A_1202, %mul3A_1219 : vector<16xf32>
      %add3A_1221 = arith.addf %add3A_1218, %mul3A_1220 : vector<16xf32>
      %mul3A_1222 = vector.broadcast %squeeze3A_18 : f32 to vector<16xf32>
      %mul3A_1223 = arith.mulf %add3A_1211, %mul3A_1222 : vector<16xf32>
      %add3A_1224 = arith.addf %add3A_1221, %mul3A_1223 : vector<16xf32>
      %mul3A_1225 = vector.broadcast %squeeze3A_20 : f32 to vector<16xf32>
      %mul3A_1226 = arith.mulf %add3A_1184, %mul3A_1225 : vector<16xf32>
      %add3A_1227 = vector.broadcast %squeeze3A_46 : f32 to vector<16xf32>
      %add3A_1228 = arith.addf %add3A_1227, %mul3A_1226 : vector<16xf32>
      %mul3A_1229 = vector.broadcast %squeeze3A_22 : f32 to vector<16xf32>
      %mul3A_1230 = arith.mulf %add3A_1193, %mul3A_1229 : vector<16xf32>
      %add3A_1231 = arith.addf %add3A_1228, %mul3A_1230 : vector<16xf32>
      %mul3A_1232 = vector.broadcast %squeeze3A_24 : f32 to vector<16xf32>
      %mul3A_1233 = arith.mulf %add3A_1202, %mul3A_1232 : vector<16xf32>
      %add3A_1234 = arith.addf %add3A_1231, %mul3A_1233 : vector<16xf32>
      %mul3A_1235 = vector.broadcast %squeeze3A_26 : f32 to vector<16xf32>
      %mul3A_1236 = arith.mulf %add3A_1211, %mul3A_1235 : vector<16xf32>
      %add3A_1237 = arith.addf %add3A_1234, %mul3A_1236 : vector<16xf32>
      %mul3A_1238 = vector.broadcast %squeeze3A_28 : f32 to vector<16xf32>
      %mul3A_1239 = arith.mulf %add3A_1184, %mul3A_1238 : vector<16xf32>
      %add3A_1240 = vector.broadcast %squeeze3A_48 : f32 to vector<16xf32>
      %add3A_1241 = arith.addf %add3A_1240, %mul3A_1239 : vector<16xf32>
      %mul3A_1242 = vector.broadcast %squeeze3A_30 : f32 to vector<16xf32>
      %mul3A_1243 = arith.mulf %add3A_1193, %mul3A_1242 : vector<16xf32>
      %add3A_1244 = arith.addf %add3A_1241, %mul3A_1243 : vector<16xf32>
      %mul3A_1245 = vector.broadcast %squeeze3A_32 : f32 to vector<16xf32>
      %mul3A_1246 = arith.mulf %add3A_1202, %mul3A_1245 : vector<16xf32>
      %add3A_1247 = arith.addf %add3A_1244, %mul3A_1246 : vector<16xf32>
      %mul3A_1248 = vector.broadcast %squeeze3A_34 : f32 to vector<16xf32>
      %mul3A_1249 = arith.mulf %add3A_1211, %mul3A_1248 : vector<16xf32>
      %add3A_1250 = arith.addf %add3A_1247, %mul3A_1249 : vector<16xf32>
      %mul3A_1251 = vector.broadcast %squeeze3A_36 : f32 to vector<16xf32>
      %mul3A_1252 = arith.mulf %add3A_1184, %mul3A_1251 : vector<16xf32>
      %add3A_1253 = vector.broadcast %squeeze3A_50 : f32 to vector<16xf32>
      %add3A_1254 = arith.addf %add3A_1253, %mul3A_1252 : vector<16xf32>
      %mul3A_1255 = vector.broadcast %squeeze3A_38 : f32 to vector<16xf32>
      %mul3A_1256 = arith.mulf %add3A_1193, %mul3A_1255 : vector<16xf32>
      %add3A_1257 = arith.addf %add3A_1254, %mul3A_1256 : vector<16xf32>
      %mul3A_1258 = vector.broadcast %squeeze3A_40 : f32 to vector<16xf32>
      %mul3A_1259 = arith.mulf %add3A_1202, %mul3A_1258 : vector<16xf32>
      %add3A_1260 = arith.addf %add3A_1257, %mul3A_1259 : vector<16xf32>
      %mul3A_1261 = vector.broadcast %squeeze3A_42 : f32 to vector<16xf32>
      %mul3A_1262 = arith.mulf %add3A_1211, %mul3A_1261 : vector<16xf32>
      %add3A_1263 = arith.addf %add3A_1260, %mul3A_1262 : vector<16xf32>
      %max3A_1264 = arith.maximumf %add3A_1224, %add3A_1237 : vector<16xf32>
      %max3A_1265 = arith.maximumf %add3A_1250, %add3A_1263 : vector<16xf32>
      %max3A_1266 = arith.maximumf %max3A_1264, %max3A_1265 : vector<16xf32>
      %sub3A_1267 = arith.subf %add3A_1224, %max3A_1266 : vector<16xf32>
      %exp3A_1268 = math.exp %sub3A_1267 : vector<16xf32>
      %sub3A_1269 = arith.subf %add3A_1237, %max3A_1266 : vector<16xf32>
      %exp3A_1270 = math.exp %sub3A_1269 : vector<16xf32>
      %sub3A_1271 = arith.subf %add3A_1250, %max3A_1266 : vector<16xf32>
      %exp3A_1272 = math.exp %sub3A_1271 : vector<16xf32>
      %sub3A_1273 = arith.subf %add3A_1263, %max3A_1266 : vector<16xf32>
      %exp3A_1274 = math.exp %sub3A_1273 : vector<16xf32>
      %add3A_1275 = arith.addf %exp3A_1268, %exp3A_1270 : vector<16xf32>
      %add3A_1276 = arith.addf %exp3A_1272, %exp3A_1274 : vector<16xf32>
      %add3A_1277 = arith.addf %add3A_1275, %add3A_1276 : vector<16xf32>
      %div3A_1278 = arith.constant 1.000000e+00 : f32
      %div3A_1279 = vector.broadcast %div3A_1278 : f32 to vector<16xf32>
      %div3A_1280 = arith.divf %div3A_1279, %add3A_1277 : vector<16xf32>
      %mul3A_1281 = arith.mulf %exp3A_1268, %div3A_1280 : vector<16xf32>
      %add3A_1282 = arith.constant 0 : i32
      %add3A_1283 = arith.addi %add3A_1282, %mul3A_1168 : i32
      %swap3A_1284 = arith.index_cast %add3A_1283 : i32 to index
      %swap3A_1285 = tpu.vector_load %arg12[%swap3A_1284] {strides = array<i32>} : memref<8000xf32, #tpu.memory_space<vmem>>, vector<16xf32>,
      tpu.vector_store %arg12[%swap3A_1284], %mul3A_1281 {strides = array<i32>} : memref<8000xf32, #tpu.memory_space<vmem>>, vector<16xf32>,
      %mul3A_1286 = arith.mulf %exp3A_1270, %div3A_1280 : vector<16xf32>
      %add3A_1287 = arith.constant 2000 : i32
      %add3A_1288 = arith.addi %add3A_1287, %mul3A_1168 : i32
      %swap3A_1289 = arith.index_cast %add3A_1288 : i32 to index
      %swap3A_1290 = tpu.vector_load %arg12[%swap3A_1289] {strides = array<i32>} : memref<8000xf32, #tpu.memory_space<vmem>>, vector<16xf32>,
      tpu.vector_store %arg12[%swap3A_1289], %mul3A_1286 {strides = array<i32>} : memref<8000xf32, #tpu.memory_space<vmem>>, vector<16xf32>,
      %mul3A_1291 = arith.mulf %exp3A_1272, %div3A_1280 : vector<16xf32>
      %add3A_1292 = arith.constant 4000 : i32
      %add3A_1293 = arith.addi %add3A_1292, %mul3A_1168 : i32
      %swap3A_1294 = arith.index_cast %add3A_1293 : i32 to index
      %swap3A_1295 = tpu.vector_load %arg12[%swap3A_1294] {strides = array<i32>} : memref<8000xf32, #tpu.memory_space<vmem>>, vector<16xf32>,
      tpu.vector_store %arg12[%swap3A_1294], %mul3A_1291 {strides = array<i32>} : memref<8000xf32, #tpu.memory_space<vmem>>, vector<16xf32>,
      %mul3A_1296 = arith.mulf %exp3A_1274, %div3A_1280 : vector<16xf32>
      %add3A_1297 = arith.constant 6000 : i32
      %add3A_1298 = arith.addi %add3A_1297, %mul3A_1168 : i32
      %swap3A_1299 = arith.index_cast %add3A_1298 : i32 to index
      %swap3A_1300 = tpu.vector_load %arg12[%swap3A_1299] {strides = array<i32>} : memref<8000xf32, #tpu.memory_space<vmem>>, vector<16xf32>,
      tpu.vector_store %arg12[%swap3A_1299], %mul3A_1296 {strides = array<i32>} : memref<8000xf32, #tpu.memory_space<vmem>>, vector<16xf32>,
      %scan3A_1301 = arith.constant 0 : i32
      %scan3A_1302 = arith.constant 1 : i32
      %scan3A_1303 = arith.addi %scan3A_1165, %scan3A_1302 : i32
      %mul3A_1304 = arith.constant 16 : i32
      %mul3A_1305 = arith.muli %scan3A_1303, %mul3A_1304 : i32
      %get3A_1306 = arith.index_cast %mul3A_1305 : i32 to index
      %get3A_1307 = tpu.vector_load %arg8[%get3A_1306] {strides = array<i32>} : memref<2000xi32, #tpu.memory_space<vmem>>, vector<16xi32>,
      %get3A_1308 = arith.index_cast %mul3A_1305 : i32 to index
      %get3A_1309 = tpu.vector_load %arg10[%get3A_1308] {strides = array<i32>} : memref<2000xi32, #tpu.memory_space<vmem>>, vector<16xi32>,
      %add3A_1310 = arith.constant 40000 : i32
      %add3A_1311 = vector.broadcast %add3A_1310 : i32 to vector<16xi32>
      %add3A_1312 = arith.addi %get3A_1309, %add3A_1311 : vector<16xi32>
      %add3A_1313 = arith.constant 0 : i32
      %add3A_1314 = vector.broadcast %add3A_1313 : i32 to vector<16xi32>
      %add3A_1315 = arith.addi %get3A_1307, %add3A_1314 : vector<16xi32>
      %gather3A_1316 = tpu.vector_load_idx %arg7[%add3A_1315] : memref<80000xf32, #tpu.memory_space<vmem>>[vector<16xi32>], vector<16xf32>,
      %add3A_1317 = arith.constant 0 : i32
      %add3A_1318 = vector.broadcast %add3A_1317 : i32 to vector<16xi32>
      %add3A_1319 = arith.addi %add3A_1312, %add3A_1318 : vector<16xi32>
      %gather3A_1320 = tpu.vector_load_idx %arg7[%add3A_1319] : memref<80000xf32, #tpu.memory_space<vmem>>[vector<16xi32>], vector<16xf32>,
      %add3A_1321 = arith.addf %gather3A_1316, %gather3A_1320 : vector<16xf32>
      %add3A_1322 = arith.constant 10000 : i32
      %add3A_1323 = vector.broadcast %add3A_1322 : i32 to vector<16xi32>
      %add3A_1324 = arith.addi %get3A_1307, %add3A_1323 : vector<16xi32>
      %gather3A_1325 = tpu.vector_load_idx %arg7[%add3A_1324] : memref<80000xf32, #tpu.memory_space<vmem>>[vector<16xi32>], vector<16xf32>,
      %add3A_1326 = arith.constant 10000 : i32
      %add3A_1327 = vector.broadcast %add3A_1326 : i32 to vector<16xi32>
      %add3A_1328 = arith.addi %add3A_1312, %add3A_1327 : vector<16xi32>
      %gather3A_1329 = tpu.vector_load_idx %arg7[%add3A_1328] : memref<80000xf32, #tpu.memory_space<vmem>>[vector<16xi32>], vector<16xf32>,
      %add3A_1330 = arith.addf %gather3A_1325, %gather3A_1329 : vector<16xf32>
      %add3A_1331 = arith.constant 20000 : i32
      %add3A_1332 = vector.broadcast %add3A_1331 : i32 to vector<16xi32>
      %add3A_1333 = arith.addi %get3A_1307, %add3A_1332 : vector<16xi32>
      %gather3A_1334 = tpu.vector_load_idx %arg7[%add3A_1333] : memref<80000xf32, #tpu.memory_space<vmem>>[vector<16xi32>], vector<16xf32>,
      %add3A_1335 = arith.constant 20000 : i32
      %add3A_1336 = vector.broadcast %add3A_1335 : i32 to vector<16xi32>
      %add3A_1337 = arith.addi %add3A_1312, %add3A_1336 : vector<16xi32>
      %gather3A_1338 = tpu.vector_load_idx %arg7[%add3A_1337] : memref<80000xf32, #tpu.memory_space<vmem>>[vector<16xi32>], vector<16xf32>,
      %add3A_1339 = arith.addf %gather3A_1334, %gather3A_1338 : vector<16xf32>
      %add3A_1340 = arith.constant 30000 : i32
      %add3A_1341 = vector.broadcast %add3A_1340 : i32 to vector<16xi32>
      %add3A_1342 = arith.addi %get3A_1307, %add3A_1341 : vector<16xi32>
      %gather3A_1343 = tpu.vector_load_idx %arg7[%add3A_1342] : memref<80000xf32, #tpu.memory_space<vmem>>[vector<16xi32>], vector<16xf32>,
      %add3A_1344 = arith.constant 30000 : i32
      %add3A_1345 = vector.broadcast %add3A_1344 : i32 to vector<16xi32>
      %add3A_1346 = arith.addi %add3A_1312, %add3A_1345 : vector<16xi32>
      %gather3A_1347 = tpu.vector_load_idx %arg7[%add3A_1346] : memref<80000xf32, #tpu.memory_space<vmem>>[vector<16xi32>], vector<16xf32>,
      %add3A_1348 = arith.addf %gather3A_1343, %gather3A_1347 : vector<16xf32>
      %mul3A_1349 = vector.broadcast %squeeze3A : f32 to vector<16xf32>
      %mul3A_1350 = arith.mulf %add3A_1321, %mul3A_1349 : vector<16xf32>
      %add3A_1351 = vector.broadcast %squeeze3A_44 : f32 to vector<16xf32>
      %add3A_1352 = arith.addf %add3A_1351, %mul3A_1350 : vector<16xf32>
      %mul3A_1353 = vector.broadcast %squeeze3A_14 : f32 to vector<16xf32>
      %mul3A_1354 = arith.mulf %add3A_1330, %mul3A_1353 : vector<16xf32>
      %add3A_1355 = arith.addf %add3A_1352, %mul3A_1354 : vector<16xf32>
      %mul3A_1356 = vector.broadcast %squeeze3A_16 : f32 to vector<16xf32>
      %mul3A_1357 = arith.mulf %add3A_1339, %mul3A_1356 : vector<16xf32>
      %add3A_1358 = arith.addf %add3A_1355, %mul3A_1357 : vector<16xf32>
      %mul3A_1359 = vector.broadcast %squeeze3A_18 : f32 to vector<16xf32>
      %mul3A_1360 = arith.mulf %add3A_1348, %mul3A_1359 : vector<16xf32>
      %add3A_1361 = arith.addf %add3A_1358, %mul3A_1360 : vector<16xf32>
      %mul3A_1362 = vector.broadcast %squeeze3A_20 : f32 to vector<16xf32>
      %mul3A_1363 = arith.mulf %add3A_1321, %mul3A_1362 : vector<16xf32>
      %add3A_1364 = vector.broadcast %squeeze3A_46 : f32 to vector<16xf32>
      %add3A_1365 = arith.addf %add3A_1364, %mul3A_1363 : vector<16xf32>
      %mul3A_1366 = vector.broadcast %squeeze3A_22 : f32 to vector<16xf32>
      %mul3A_1367 = arith.mulf %add3A_1330, %mul3A_1366 : vector<16xf32>
      %add3A_1368 = arith.addf %add3A_1365, %mul3A_1367 : vector<16xf32>
      %mul3A_1369 = vector.broadcast %squeeze3A_24 : f32 to vector<16xf32>
      %mul3A_1370 = arith.mulf %add3A_1339, %mul3A_1369 : vector<16xf32>
      %add3A_1371 = arith.addf %add3A_1368, %mul3A_1370 : vector<16xf32>
      %mul3A_1372 = vector.broadcast %squeeze3A_26 : f32 to vector<16xf32>
      %mul3A_1373 = arith.mulf %add3A_1348, %mul3A_1372 : vector<16xf32>
      %add3A_1374 = arith.addf %add3A_1371, %mul3A_1373 : vector<16xf32>
      %mul3A_1375 = vector.broadcast %squeeze3A_28 : f32 to vector<16xf32>
      %mul3A_1376 = arith.mulf %add3A_1321, %mul3A_1375 : vector<16xf32>
      %add3A_1377 = vector.broadcast %squeeze3A_48 : f32 to vector<16xf32>
      %add3A_1378 = arith.addf %add3A_1377, %mul3A_1376 : vector<16xf32>
      %mul3A_1379 = vector.broadcast %squeeze3A_30 : f32 to vector<16xf32>
      %mul3A_1380 = arith.mulf %add3A_1330, %mul3A_1379 : vector<16xf32>
      %add3A_1381 = arith.addf %add3A_1378, %mul3A_1380 : vector<16xf32>
      %mul3A_1382 = vector.broadcast %squeeze3A_32 : f32 to vector<16xf32>
      %mul3A_1383 = arith.mulf %add3A_1339, %mul3A_1382 : vector<16xf32>
      %add3A_1384 = arith.addf %add3A_1381, %mul3A_1383 : vector<16xf32>
      %mul3A_1385 = vector.broadcast %squeeze3A_34 : f32 to vector<16xf32>
      %mul3A_1386 = arith.mulf %add3A_1348, %mul3A_1385 : vector<16xf32>
      %add3A_1387 = arith.addf %add3A_1384, %mul3A_1386 : vector<16xf32>
      %mul3A_1388 = vector.broadcast %squeeze3A_36 : f32 to vector<16xf32>
      %mul3A_1389 = arith.mulf %add3A_1321, %mul3A_1388 : vector<16xf32>
      %add3A_1390 = vector.broadcast %squeeze3A_50 : f32 to vector<16xf32>
      %add3A_1391 = arith.addf %add3A_1390, %mul3A_1389 : vector<16xf32>
      %mul3A_1392 = vector.broadcast %squeeze3A_38 : f32 to vector<16xf32>
      %mul3A_1393 = arith.mulf %add3A_1330, %mul3A_1392 : vector<16xf32>
      %add3A_1394 = arith.addf %add3A_1391, %mul3A_1393 : vector<16xf32>
      %mul3A_1395 = vector.broadcast %squeeze3A_40 : f32 to vector<16xf32>
      %mul3A_1396 = arith.mulf %add3A_1339, %mul3A_1395 : vector<16xf32>
      %add3A_1397 = arith.addf %add3A_1394, %mul3A_1396 : vector<16xf32>
      %mul3A_1398 = vector.broadcast %squeeze3A_42 : f32 to vector<16xf32>
      %mul3A_1399 = arith.mulf %add3A_1348, %mul3A_1398 : vector<16xf32>
      %add3A_1400 = arith.addf %add3A_1397, %mul3A_1399 : vector<16xf32>
      %max3A_1401 = arith.maximumf %add3A_1361, %add3A_1374 : vector<16xf32>
      %max3A_1402 = arith.maximumf %add3A_1387, %add3A_1400 : vector<16xf32>
      %max3A_1403 = arith.maximumf %max3A_1401, %max3A_1402 : vector<16xf32>
      %sub3A_1404 = arith.subf %add3A_1361, %max3A_1403 : vector<16xf32>
      %exp3A_1405 = math.exp %sub3A_1404 : vector<16xf32>
      %sub3A_1406 = arith.subf %add3A_1374, %max3A_1403 : vector<16xf32>
      %exp3A_1407 = math.exp %sub3A_1406 : vector<16xf32>
      %sub3A_1408 = arith.subf %add3A_1387, %max3A_1403 : vector<16xf32>
      %exp3A_1409 = math.exp %sub3A_1408 : vector<16xf32>
      %sub3A_1410 = arith.subf %add3A_1400, %max3A_1403 : vector<16xf32>
      %exp3A_1411 = math.exp %sub3A_1410 : vector<16xf32>
      %add3A_1412 = arith.addf %exp3A_1405, %exp3A_1407 : vector<16xf32>
      %add3A_1413 = arith.addf %exp3A_1409, %exp3A_1411 : vector<16xf32>
      %add3A_1414 = arith.addf %add3A_1412, %add3A_1413 : vector<16xf32>
      %div3A_1415 = arith.constant 1.000000e+00 : f32
      %div3A_1416 = vector.broadcast %div3A_1415 : f32 to vector<16xf32>
      %div3A_1417 = arith.divf %div3A_1416, %add3A_1414 : vector<16xf32>
      %mul3A_1418 = arith.mulf %exp3A_1405, %div3A_1417 : vector<16xf32>
      %add3A_1419 = arith.constant 0 : i32
      %add3A_1420 = arith.addi %add3A_1419, %mul3A_1305 : i32
      %swap3A_1421 = arith.index_cast %add3A_1420 : i32 to index
      %swap3A_1422 = tpu.vector_load %arg12[%swap3A_1421] {strides = array<i32>} : memref<8000xf32, #tpu.memory_space<vmem>>, vector<16xf32>,
      tpu.vector_store %arg12[%swap3A_1421], %mul3A_1418 {strides = array<i32>} : memref<8000xf32, #tpu.memory_space<vmem>>, vector<16xf32>,
      %mul3A_1423 = arith.mulf %exp3A_1407, %div3A_1417 : vector<16xf32>
      %add3A_1424 = arith.constant 2000 : i32
      %add3A_1425 = arith.addi %add3A_1424, %mul3A_1305 : i32
      %swap3A_1426 = arith.index_cast %add3A_1425 : i32 to index
      %swap3A_1427 = tpu.vector_load %arg12[%swap3A_1426] {strides = array<i32>} : memref<8000xf32, #tpu.memory_space<vmem>>, vector<16xf32>,
      tpu.vector_store %arg12[%swap3A_1426], %mul3A_1423 {strides = array<i32>} : memref<8000xf32, #tpu.memory_space<vmem>>, vector<16xf32>,
      %mul3A_1428 = arith.mulf %exp3A_1409, %div3A_1417 : vector<16xf32>
      %add3A_1429 = arith.constant 4000 : i32
      %add3A_1430 = arith.addi %add3A_1429, %mul3A_1305 : i32
      %swap3A_1431 = arith.index_cast %add3A_1430 : i32 to index
      %swap3A_1432 = tpu.vector_load %arg12[%swap3A_1431] {strides = array<i32>} : memref<8000xf32, #tpu.memory_space<vmem>>, vector<16xf32>,
      tpu.vector_store %arg12[%swap3A_1431], %mul3A_1428 {strides = array<i32>} : memref<8000xf32, #tpu.memory_space<vmem>>, vector<16xf32>,
      %mul3A_1433 = arith.mulf %exp3A_1411, %div3A_1417 : vector<16xf32>
      %add3A_1434 = arith.constant 6000 : i32
      %add3A_1435 = arith.addi %add3A_1434, %mul3A_1305 : i32
      %swap3A_1436 = arith.index_cast %add3A_1435 : i32 to index
      %swap3A_1437 = tpu.vector_load %arg12[%swap3A_1436] {strides = array<i32>} : memref<8000xf32, #tpu.memory_space<vmem>>, vector<16xf32>,
      tpu.vector_store %arg12[%swap3A_1436], %mul3A_1433 {strides = array<i32>} : memref<8000xf32, #tpu.memory_space<vmem>>, vector<16xf32>,
      %scan3A_1438 = arith.constant 0 : i32
      scf.yield %scan3A_1438 : i32
    }
    %scan3A_929 = arith.constant 124 : i32
    %scan3A_930 = arith.addi %scan3A_924, %scan3A_929 : i32
    %mul3A_931 = arith.constant 16 : i32
    %mul3A_932 = arith.muli %scan3A_930, %mul3A_931 : i32
    %get3A_933 = arith.index_cast %mul3A_932 : i32 to index
    %get3A_934 = tpu.vector_load %arg8[%get3A_933] {strides = array<i32>} : memref<2000xi32, #tpu.memory_space<vmem>>, vector<16xi32>,
    %get3A_935 = arith.index_cast %mul3A_932 : i32 to index
    %get3A_936 = tpu.vector_load %arg10[%get3A_935] {strides = array<i32>} : memref<2000xi32, #tpu.memory_space<vmem>>, vector<16xi32>,
    %add3A_937 = arith.constant 40000 : i32
    %add3A_938 = vector.broadcast %add3A_937 : i32 to vector<16xi32>
    %add3A_939 = arith.addi %get3A_936, %add3A_938 : vector<16xi32>
    %add3A_940 = arith.constant 0 : i32
    %add3A_941 = vector.broadcast %add3A_940 : i32 to vector<16xi32>
    %add3A_942 = arith.addi %get3A_934, %add3A_941 : vector<16xi32>
    %gather3A_943 = tpu.vector_load_idx %arg7[%add3A_942] : memref<80000xf32, #tpu.memory_space<vmem>>[vector<16xi32>], vector<16xf32>,
    %add3A_944 = arith.constant 0 : i32
    %add3A_945 = vector.broadcast %add3A_944 : i32 to vector<16xi32>
    %add3A_946 = arith.addi %add3A_939, %add3A_945 : vector<16xi32>
    %gather3A_947 = tpu.vector_load_idx %arg7[%add3A_946] : memref<80000xf32, #tpu.memory_space<vmem>>[vector<16xi32>], vector<16xf32>,
    %add3A_948 = arith.addf %gather3A_943, %gather3A_947 : vector<16xf32>
    %add3A_949 = arith.constant 10000 : i32
    %add3A_950 = vector.broadcast %add3A_949 : i32 to vector<16xi32>
    %add3A_951 = arith.addi %get3A_934, %add3A_950 : vector<16xi32>
    %gather3A_952 = tpu.vector_load_idx %arg7[%add3A_951] : memref<80000xf32, #tpu.memory_space<vmem>>[vector<16xi32>], vector<16xf32>,
    %add3A_953 = arith.constant 10000 : i32
    %add3A_954 = vector.broadcast %add3A_953 : i32 to vector<16xi32>
    %add3A_955 = arith.addi %add3A_939, %add3A_954 : vector<16xi32>
    %gather3A_956 = tpu.vector_load_idx %arg7[%add3A_955] : memref<80000xf32, #tpu.memory_space<vmem>>[vector<16xi32>], vector<16xf32>,
    %add3A_957 = arith.addf %gather3A_952, %gather3A_956 : vector<16xf32>
    %add3A_958 = arith.constant 20000 : i32
    %add3A_959 = vector.broadcast %add3A_958 : i32 to vector<16xi32>
    %add3A_960 = arith.addi %get3A_934, %add3A_959 : vector<16xi32>
    %gather3A_961 = tpu.vector_load_idx %arg7[%add3A_960] : memref<80000xf32, #tpu.memory_space<vmem>>[vector<16xi32>], vector<16xf32>,
    %add3A_962 = arith.constant 20000 : i32
    %add3A_963 = vector.broadcast %add3A_962 : i32 to vector<16xi32>
    %add3A_964 = arith.addi %add3A_939, %add3A_963 : vector<16xi32>
    %gather3A_965 = tpu.vector_load_idx %arg7[%add3A_964] : memref<80000xf32, #tpu.memory_space<vmem>>[vector<16xi32>], vector<16xf32>,
    %add3A_966 = arith.addf %gather3A_961, %gather3A_965 : vector<16xf32>
    %add3A_967 = arith.constant 30000 : i32
    %add3A_968 = vector.broadcast %add3A_967 : i32 to vector<16xi32>
    %add3A_969 = arith.addi %get3A_934, %add3A_968 : vector<16xi32>
    %gather3A_970 = tpu.vector_load_idx %arg7[%add3A_969] : memref<80000xf32, #tpu.memory_space<vmem>>[vector<16xi32>], vector<16xf32>,
    %add3A_971 = arith.constant 30000 : i32
    %add3A_972 = vector.broadcast %add3A_971 : i32 to vector<16xi32>
    %add3A_973 = arith.addi %add3A_939, %add3A_972 : vector<16xi32>
    %gather3A_974 = tpu.vector_load_idx %arg7[%add3A_973] : memref<80000xf32, #tpu.memory_space<vmem>>[vector<16xi32>], vector<16xf32>,
    %add3A_975 = arith.addf %gather3A_970, %gather3A_974 : vector<16xf32>
    %mul3A_976 = vector.broadcast %squeeze3A : f32 to vector<16xf32>
    %mul3A_977 = arith.mulf %add3A_948, %mul3A_976 : vector<16xf32>
    %add3A_978 = vector.broadcast %squeeze3A_44 : f32 to vector<16xf32>
    %add3A_979 = arith.addf %add3A_978, %mul3A_977 : vector<16xf32>
    %mul3A_980 = vector.broadcast %squeeze3A_14 : f32 to vector<16xf32>
    %mul3A_981 = arith.mulf %add3A_957, %mul3A_980 : vector<16xf32>
    %add3A_982 = arith.addf %add3A_979, %mul3A_981 : vector<16xf32>
    %mul3A_983 = vector.broadcast %squeeze3A_16 : f32 to vector<16xf32>
    %mul3A_984 = arith.mulf %add3A_966, %mul3A_983 : vector<16xf32>
    %add3A_985 = arith.addf %add3A_982, %mul3A_984 : vector<16xf32>
    %mul3A_986 = vector.broadcast %squeeze3A_18 : f32 to vector<16xf32>
    %mul3A_987 = arith.mulf %add3A_975, %mul3A_986 : vector<16xf32>
    %add3A_988 = arith.addf %add3A_985, %mul3A_987 : vector<16xf32>
    %mul3A_989 = vector.broadcast %squeeze3A_20 : f32 to vector<16xf32>
    %mul3A_990 = arith.mulf %add3A_948, %mul3A_989 : vector<16xf32>
    %add3A_991 = vector.broadcast %squeeze3A_46 : f32 to vector<16xf32>
    %add3A_992 = arith.addf %add3A_991, %mul3A_990 : vector<16xf32>
    %mul3A_993 = vector.broadcast %squeeze3A_22 : f32 to vector<16xf32>
    %mul3A_994 = arith.mulf %add3A_957, %mul3A_993 : vector<16xf32>
    %add3A_995 = arith.addf %add3A_992, %mul3A_994 : vector<16xf32>
    %mul3A_996 = vector.broadcast %squeeze3A_24 : f32 to vector<16xf32>
    %mul3A_997 = arith.mulf %add3A_966, %mul3A_996 : vector<16xf32>
    %add3A_998 = arith.addf %add3A_995, %mul3A_997 : vector<16xf32>
    %mul3A_999 = vector.broadcast %squeeze3A_26 : f32 to vector<16xf32>
    %mul3A_1000 = arith.mulf %add3A_975, %mul3A_999 : vector<16xf32>
    %add3A_1001 = arith.addf %add3A_998, %mul3A_1000 : vector<16xf32>
    %mul3A_1002 = vector.broadcast %squeeze3A_28 : f32 to vector<16xf32>
    %mul3A_1003 = arith.mulf %add3A_948, %mul3A_1002 : vector<16xf32>
    %add3A_1004 = vector.broadcast %squeeze3A_48 : f32 to vector<16xf32>
    %add3A_1005 = arith.addf %add3A_1004, %mul3A_1003 : vector<16xf32>
    %mul3A_1006 = vector.broadcast %squeeze3A_30 : f32 to vector<16xf32>
    %mul3A_1007 = arith.mulf %add3A_957, %mul3A_1006 : vector<16xf32>
    %add3A_1008 = arith.addf %add3A_1005, %mul3A_1007 : vector<16xf32>
    %mul3A_1009 = vector.broadcast %squeeze3A_32 : f32 to vector<16xf32>
    %mul3A_1010 = arith.mulf %add3A_966, %mul3A_1009 : vector<16xf32>
    %add3A_1011 = arith.addf %add3A_1008, %mul3A_1010 : vector<16xf32>
    %mul3A_1012 = vector.broadcast %squeeze3A_34 : f32 to vector<16xf32>
    %mul3A_1013 = arith.mulf %add3A_975, %mul3A_1012 : vector<16xf32>
    %add3A_1014 = arith.addf %add3A_1011, %mul3A_1013 : vector<16xf32>
    %mul3A_1015 = vector.broadcast %squeeze3A_36 : f32 to vector<16xf32>
    %mul3A_1016 = arith.mulf %add3A_948, %mul3A_1015 : vector<16xf32>
    %add3A_1017 = vector.broadcast %squeeze3A_50 : f32 to vector<16xf32>
    %add3A_1018 = arith.addf %add3A_1017, %mul3A_1016 : vector<16xf32>
    %mul3A_1019 = vector.broadcast %squeeze3A_38 : f32 to vector<16xf32>
    %mul3A_1020 = arith.mulf %add3A_957, %mul3A_1019 : vector<16xf32>
    %add3A_1021 = arith.addf %add3A_1018, %mul3A_1020 : vector<16xf32>
    %mul3A_1022 = vector.broadcast %squeeze3A_40 : f32 to vector<16xf32>
    %mul3A_1023 = arith.mulf %add3A_966, %mul3A_1022 : vector<16xf32>
    %add3A_1024 = arith.addf %add3A_1021, %mul3A_1023 : vector<16xf32>
    %mul3A_1025 = vector.broadcast %squeeze3A_42 : f32 to vector<16xf32>
    %mul3A_1026 = arith.mulf %add3A_975, %mul3A_1025 : vector<16xf32>
    %add3A_1027 = arith.addf %add3A_1024, %mul3A_1026 : vector<16xf32>
    %max3A_1028 = arith.maximumf %add3A_988, %add3A_1001 : vector<16xf32>
    %max3A_1029 = arith.maximumf %add3A_1014, %add3A_1027 : vector<16xf32>
    %max3A_1030 = arith.maximumf %max3A_1028, %max3A_1029 : vector<16xf32>
    %sub3A_1031 = arith.subf %add3A_988, %max3A_1030 : vector<16xf32>
    %exp3A_1032 = math.exp %sub3A_1031 : vector<16xf32>
    %sub3A_1033 = arith.subf %add3A_1001, %max3A_1030 : vector<16xf32>
    %exp3A_1034 = math.exp %sub3A_1033 : vector<16xf32>
    %sub3A_1035 = arith.subf %add3A_1014, %max3A_1030 : vector<16xf32>
    %exp3A_1036 = math.exp %sub3A_1035 : vector<16xf32>
    %sub3A_1037 = arith.subf %add3A_1027, %max3A_1030 : vector<16xf32>
    %exp3A_1038 = math.exp %sub3A_1037 : vector<16xf32>
    %add3A_1039 = arith.addf %exp3A_1032, %exp3A_1034 : vector<16xf32>
    %add3A_1040 = arith.addf %exp3A_1036, %exp3A_1038 : vector<16xf32>
    %add3A_1041 = arith.addf %add3A_1039, %add3A_1040 : vector<16xf32>
    %div3A_1042 = arith.constant 1.000000e+00 : f32
    %div3A_1043 = vector.broadcast %div3A_1042 : f32 to vector<16xf32>
    %div3A_1044 = arith.divf %div3A_1043, %add3A_1041 : vector<16xf32>
    %mul3A_1045 = arith.mulf %exp3A_1032, %div3A_1044 : vector<16xf32>
    %add3A_1046 = arith.constant 0 : i32
    %add3A_1047 = arith.addi %add3A_1046, %mul3A_932 : i32
    %swap3A_1048 = arith.index_cast %add3A_1047 : i32 to index
    %swap3A_1049 = tpu.vector_load %arg12[%swap3A_1048] {strides = array<i32>} : memref<8000xf32, #tpu.memory_space<vmem>>, vector<16xf32>,
    tpu.vector_store %arg12[%swap3A_1048], %mul3A_1045 {strides = array<i32>} : memref<8000xf32, #tpu.memory_space<vmem>>, vector<16xf32>,
    %mul3A_1050 = arith.mulf %exp3A_1034, %div3A_1044 : vector<16xf32>
    %add3A_1051 = arith.constant 2000 : i32
    %add3A_1052 = arith.addi %add3A_1051, %mul3A_932 : i32
    %swap3A_1053 = arith.index_cast %add3A_1052 : i32 to index
    %swap3A_1054 = tpu.vector_load %arg12[%swap3A_1053] {strides = array<i32>} : memref<8000xf32, #tpu.memory_space<vmem>>, vector<16xf32>,
    tpu.vector_store %arg12[%swap3A_1053], %mul3A_1050 {strides = array<i32>} : memref<8000xf32, #tpu.memory_space<vmem>>, vector<16xf32>,
    %mul3A_1055 = arith.mulf %exp3A_1036, %div3A_1044 : vector<16xf32>
    %add3A_1056 = arith.constant 4000 : i32
    %add3A_1057 = arith.addi %add3A_1056, %mul3A_932 : i32
    %swap3A_1058 = arith.index_cast %add3A_1057 : i32 to index
    %swap3A_1059 = tpu.vector_load %arg12[%swap3A_1058] {strides = array<i32>} : memref<8000xf32, #tpu.memory_space<vmem>>, vector<16xf32>,
    tpu.vector_store %arg12[%swap3A_1058], %mul3A_1055 {strides = array<i32>} : memref<8000xf32, #tpu.memory_space<vmem>>, vector<16xf32>,
    %mul3A_1060 = arith.mulf %exp3A_1038, %div3A_1044 : vector<16xf32>
    %add3A_1061 = arith.constant 6000 : i32
    %add3A_1062 = arith.addi %add3A_1061, %mul3A_932 : i32
    %swap3A_1063 = arith.index_cast %add3A_1062 : i32 to index
    %swap3A_1064 = tpu.vector_load %arg12[%swap3A_1063] {strides = array<i32>} : memref<8000xf32, #tpu.memory_space<vmem>>, vector<16xf32>,
    tpu.vector_store %arg12[%swap3A_1063], %mul3A_1060 {strides = array<i32>} : memref<8000xf32, #tpu.memory_space<vmem>>, vector<16xf32>,
    %scan3A_1065 = arith.constant 0 : i32
    %scan3A_1066 = arith.constant 125 : i32
    %add3A_1067 = arith.constant 8000 : i32
    %add3A_1068 = arith.addi %mul3A_2, %add3A_1067 : i32
    %add3A_1069 = arith.constant 0 : i32
    %add3A_1070 = arith.addi %add3A_1069, %add3A_1068 : i32
    %dma_start3A_1071 = arith.constant 0 : i32
    %dma_start3A_1072 = tpu.memref_slice %arg12[%dma_start3A_1071] : memref<8000xf32, #tpu.memory_space<vmem>> -> memref<2000xf32, #tpu.memory_space<vmem>>
    %dma_start3A_1073 = tpu.memref_slice %arg6[%add3A_1070] : memref<1280000xf32, #tpu.memory_space<hbm>> -> memref<2000xf32, #tpu.memory_space<hbm>>
    %dma_start3A_1074 = tpu.memref_slice %arg6[%add3A_1070] : memref<1280000xf32, #tpu.memory_space<hbm>> -> memref<2000xf32, #tpu.memory_space<hbm>>
    %dma_start3A_1075 = arith.constant 0 : i32
    %dma_start3A_1076 = tpu.memref_slice %arg12[%dma_start3A_1075] : memref<8000xf32, #tpu.memory_space<vmem>> -> memref<2000xf32, #tpu.memory_space<vmem>>
    tpu.enqueue_dma source(%dma_start3A_1076 : memref<2000xf32, #tpu.memory_space<vmem>>) target(%dma_start3A_1074 : memref<2000xf32, #tpu.memory_space<hbm>>) target_semaphore(%arg18 : memref<!tpu.dma_semaphore, #tpu.memory_space<semaphore_mem>>)
    %add3A_1077 = arith.constant 320000 : i32
    %add3A_1078 = arith.addi %add3A_1077, %add3A_1068 : i32
    %dma_start3A_1079 = arith.constant 2000 : i32
    %dma_start3A_1080 = tpu.memref_slice %arg12[%dma_start3A_1079] : memref<8000xf32, #tpu.memory_space<vmem>> -> memref<2000xf32, #tpu.memory_space<vmem>>
    %dma_start3A_1081 = tpu.memref_slice %arg6[%add3A_1078] : memref<1280000xf32, #tpu.memory_space<hbm>> -> memref<2000xf32, #tpu.memory_space<hbm>>
    %dma_start3A_1082 = tpu.memref_slice %arg6[%add3A_1078] : memref<1280000xf32, #tpu.memory_space<hbm>> -> memref<2000xf32, #tpu.memory_space<hbm>>
    %dma_start3A_1083 = arith.constant 2000 : i32
    %dma_start3A_1084 = tpu.memref_slice %arg12[%dma_start3A_1083] : memref<8000xf32, #tpu.memory_space<vmem>> -> memref<2000xf32, #tpu.memory_space<vmem>>
    tpu.enqueue_dma source(%dma_start3A_1084 : memref<2000xf32, #tpu.memory_space<vmem>>) target(%dma_start3A_1082 : memref<2000xf32, #tpu.memory_space<hbm>>) target_semaphore(%arg18 : memref<!tpu.dma_semaphore, #tpu.memory_space<semaphore_mem>>)
    %add3A_1085 = arith.constant 640000 : i32
    %add3A_1086 = arith.addi %add3A_1085, %add3A_1068 : i32
    %dma_start3A_1087 = arith.constant 4000 : i32
    %dma_start3A_1088 = tpu.memref_slice %arg12[%dma_start3A_1087] : memref<8000xf32, #tpu.memory_space<vmem>> -> memref<2000xf32, #tpu.memory_space<vmem>>
    %dma_start3A_1089 = tpu.memref_slice %arg6[%add3A_1086] : memref<1280000xf32, #tpu.memory_space<hbm>> -> memref<2000xf32, #tpu.memory_space<hbm>>
    %dma_start3A_1090 = tpu.memref_slice %arg6[%add3A_1086] : memref<1280000xf32, #tpu.memory_space<hbm>> -> memref<2000xf32, #tpu.memory_space<hbm>>
    %dma_start3A_1091 = arith.constant 4000 : i32
    %dma_start3A_1092 = tpu.memref_slice %arg12[%dma_start3A_1091] : memref<8000xf32, #tpu.memory_space<vmem>> -> memref<2000xf32, #tpu.memory_space<vmem>>
    tpu.enqueue_dma source(%dma_start3A_1092 : memref<2000xf32, #tpu.memory_space<vmem>>) target(%dma_start3A_1090 : memref<2000xf32, #tpu.memory_space<hbm>>) target_semaphore(%arg18 : memref<!tpu.dma_semaphore, #tpu.memory_space<semaphore_mem>>)
    %add3A_1093 = arith.constant 960000 : i32
    %add3A_1094 = arith.addi %add3A_1093, %add3A_1068 : i32
    %dma_start3A_1095 = arith.constant 6000 : i32
    %dma_start3A_1096 = tpu.memref_slice %arg12[%dma_start3A_1095] : memref<8000xf32, #tpu.memory_space<vmem>> -> memref<2000xf32, #tpu.memory_space<vmem>>
    %dma_start3A_1097 = tpu.memref_slice %arg6[%add3A_1094] : memref<1280000xf32, #tpu.memory_space<hbm>> -> memref<2000xf32, #tpu.memory_space<hbm>>
    %dma_start3A_1098 = tpu.memref_slice %arg6[%add3A_1094] : memref<1280000xf32, #tpu.memory_space<hbm>> -> memref<2000xf32, #tpu.memory_space<hbm>>
    %dma_start3A_1099 = arith.constant 6000 : i32
    %dma_start3A_1100 = tpu.memref_slice %arg12[%dma_start3A_1099] : memref<8000xf32, #tpu.memory_space<vmem>> -> memref<2000xf32, #tpu.memory_space<vmem>>
    tpu.enqueue_dma source(%dma_start3A_1100 : memref<2000xf32, #tpu.memory_space<vmem>>) target(%dma_start3A_1098 : memref<2000xf32, #tpu.memory_space<hbm>>) target_semaphore(%arg18 : memref<!tpu.dma_semaphore, #tpu.memory_space<semaphore_mem>>)
    %dma_wait3A_1101 = arith.constant 0 : i32
    %dma_wait3A_1102 = tpu.memref_slice %arg13[%dma_wait3A_1101] : memref<8000xf32, #tpu.memory_space<vmem>> -> memref<2000xf32, #tpu.memory_space<vmem>>
    %dma_wait3A_1103 = arith.constant 0 : i32
    %dma_wait3A_1104 = tpu.memref_slice %arg6[%dma_wait3A_1103] : memref<1280000xf32, #tpu.memory_space<hbm>> -> memref<2000xf32, #tpu.memory_space<hbm>>
    %dma_wait3A_1105 = arith.constant 0 : i32
    %dma_wait3A_1106 = tpu.memref_slice %arg6[%dma_wait3A_1105] : memref<1280000xf32, #tpu.memory_space<hbm>> -> memref<2000xf32, #tpu.memory_space<hbm>>
    %dma_wait3A_1107 = arith.constant 0 : i32
    %dma_wait3A_1108 = tpu.memref_slice %arg13[%dma_wait3A_1107] : memref<8000xf32, #tpu.memory_space<vmem>> -> memref<2000xf32, #tpu.memory_space<vmem>>
    tpu.wait_dma2 semaphore(%arg19 : memref<!tpu.dma_semaphore, #tpu.memory_space<semaphore_mem>>) src(%dma_wait3A_1108 : memref<2000xf32, #tpu.memory_space<vmem>>) dst(%dma_wait3A_1106 : memref<2000xf32, #tpu.memory_space<hbm>>)
    %dma_wait3A_1109 = arith.constant 2000 : i32
    %dma_wait3A_1110 = tpu.memref_slice %arg13[%dma_wait3A_1109] : memref<8000xf32, #tpu.memory_space<vmem>> -> memref<2000xf32, #tpu.memory_space<vmem>>
    %dma_wait3A_1111 = arith.constant 0 : i32
    %dma_wait3A_1112 = tpu.memref_slice %arg6[%dma_wait3A_1111] : memref<1280000xf32, #tpu.memory_space<hbm>> -> memref<2000xf32, #tpu.memory_space<hbm>>
    %dma_wait3A_1113 = arith.constant 0 : i32
    %dma_wait3A_1114 = tpu.memref_slice %arg6[%dma_wait3A_1113] : memref<1280000xf32, #tpu.memory_space<hbm>> -> memref<2000xf32, #tpu.memory_space<hbm>>
    %dma_wait3A_1115 = arith.constant 2000 : i32
    %dma_wait3A_1116 = tpu.memref_slice %arg13[%dma_wait3A_1115] : memref<8000xf32, #tpu.memory_space<vmem>> -> memref<2000xf32, #tpu.memory_space<vmem>>
    tpu.wait_dma2 semaphore(%arg19 : memref<!tpu.dma_semaphore, #tpu.memory_space<semaphore_mem>>) src(%dma_wait3A_1116 : memref<2000xf32, #tpu.memory_space<vmem>>) dst(%dma_wait3A_1114 : memref<2000xf32, #tpu.memory_space<hbm>>)
    %dma_wait3A_1117 = arith.constant 4000 : i32
    %dma_wait3A_1118 = tpu.memref_slice %arg13[%dma_wait3A_1117] : memref<8000xf32, #tpu.memory_space<vmem>> -> memref<2000xf32, #tpu.memory_space<vmem>>
    %dma_wait3A_1119 = arith.constant 0 : i32
    %dma_wait3A_1120 = tpu.memref_slice %arg6[%dma_wait3A_1119] : memref<1280000xf32, #tpu.memory_space<hbm>> -> memref<2000xf32, #tpu.memory_space<hbm>>
    %dma_wait3A_1121 = arith.constant 0 : i32
    %dma_wait3A_1122 = tpu.memref_slice %arg6[%dma_wait3A_1121] : memref<1280000xf32, #tpu.memory_space<hbm>> -> memref<2000xf32, #tpu.memory_space<hbm>>
    %dma_wait3A_1123 = arith.constant 4000 : i32
    %dma_wait3A_1124 = tpu.memref_slice %arg13[%dma_wait3A_1123] : memref<8000xf32, #tpu.memory_space<vmem>> -> memref<2000xf32, #tpu.memory_space<vmem>>
    tpu.wait_dma2 semaphore(%arg19 : memref<!tpu.dma_semaphore, #tpu.memory_space<semaphore_mem>>) src(%dma_wait3A_1124 : memref<2000xf32, #tpu.memory_space<vmem>>) dst(%dma_wait3A_1122 : memref<2000xf32, #tpu.memory_space<hbm>>)
    %dma_wait3A_1125 = arith.constant 6000 : i32
    %dma_wait3A_1126 = tpu.memref_slice %arg13[%dma_wait3A_1125] : memref<8000xf32, #tpu.memory_space<vmem>> -> memref<2000xf32, #tpu.memory_space<vmem>>
    %dma_wait3A_1127 = arith.constant 0 : i32
    %dma_wait3A_1128 = tpu.memref_slice %arg6[%dma_wait3A_1127] : memref<1280000xf32, #tpu.memory_space<hbm>> -> memref<2000xf32, #tpu.memory_space<hbm>>
    %dma_wait3A_1129 = arith.constant 0 : i32
    %dma_wait3A_1130 = tpu.memref_slice %arg6[%dma_wait3A_1129] : memref<1280000xf32, #tpu.memory_space<hbm>> -> memref<2000xf32, #tpu.memory_space<hbm>>
    %dma_wait3A_1131 = arith.constant 6000 : i32
    %dma_wait3A_1132 = tpu.memref_slice %arg13[%dma_wait3A_1131] : memref<8000xf32, #tpu.memory_space<vmem>> -> memref<2000xf32, #tpu.memory_space<vmem>>
    tpu.wait_dma2 semaphore(%arg19 : memref<!tpu.dma_semaphore, #tpu.memory_space<semaphore_mem>>) src(%dma_wait3A_1132 : memref<2000xf32, #tpu.memory_space<vmem>>) dst(%dma_wait3A_1130 : memref<2000xf32, #tpu.memory_space<hbm>>)
    %dma_wait3A_1133 = arith.constant 0 : i32
    %dma_wait3A_1134 = tpu.memref_slice %arg12[%dma_wait3A_1133] : memref<8000xf32, #tpu.memory_space<vmem>> -> memref<2000xf32, #tpu.memory_space<vmem>>
    %dma_wait3A_1135 = arith.constant 0 : i32
    %dma_wait3A_1136 = tpu.memref_slice %arg6[%dma_wait3A_1135] : memref<1280000xf32, #tpu.memory_space<hbm>> -> memref<2000xf32, #tpu.memory_space<hbm>>
    %dma_wait3A_1137 = arith.constant 0 : i32
    %dma_wait3A_1138 = tpu.memref_slice %arg6[%dma_wait3A_1137] : memref<1280000xf32, #tpu.memory_space<hbm>> -> memref<2000xf32, #tpu.memory_space<hbm>>
    %dma_wait3A_1139 = arith.constant 0 : i32
    %dma_wait3A_1140 = tpu.memref_slice %arg12[%dma_wait3A_1139] : memref<8000xf32, #tpu.memory_space<vmem>> -> memref<2000xf32, #tpu.memory_space<vmem>>
    tpu.wait_dma2 semaphore(%arg18 : memref<!tpu.dma_semaphore, #tpu.memory_space<semaphore_mem>>) src(%dma_wait3A_1140 : memref<2000xf32, #tpu.memory_space<vmem>>) dst(%dma_wait3A_1138 : memref<2000xf32, #tpu.memory_space<hbm>>)
    %dma_wait3A_1141 = arith.constant 2000 : i32
    %dma_wait3A_1142 = tpu.memref_slice %arg12[%dma_wait3A_1141] : memref<8000xf32, #tpu.memory_space<vmem>> -> memref<2000xf32, #tpu.memory_space<vmem>>
    %dma_wait3A_1143 = arith.constant 0 : i32
    %dma_wait3A_1144 = tpu.memref_slice %arg6[%dma_wait3A_1143] : memref<1280000xf32, #tpu.memory_space<hbm>> -> memref<2000xf32, #tpu.memory_space<hbm>>
    %dma_wait3A_1145 = arith.constant 0 : i32
    %dma_wait3A_1146 = tpu.memref_slice %arg6[%dma_wait3A_1145] : memref<1280000xf32, #tpu.memory_space<hbm>> -> memref<2000xf32, #tpu.memory_space<hbm>>
    %dma_wait3A_1147 = arith.constant 2000 : i32
    %dma_wait3A_1148 = tpu.memref_slice %arg12[%dma_wait3A_1147] : memref<8000xf32, #tpu.memory_space<vmem>> -> memref<2000xf32, #tpu.memory_space<vmem>>
    tpu.wait_dma2 semaphore(%arg18 : memref<!tpu.dma_semaphore, #tpu.memory_space<semaphore_mem>>) src(%dma_wait3A_1148 : memref<2000xf32, #tpu.memory_space<vmem>>) dst(%dma_wait3A_1146 : memref<2000xf32, #tpu.memory_space<hbm>>)
    %dma_wait3A_1149 = arith.constant 4000 : i32
    %dma_wait3A_1150 = tpu.memref_slice %arg12[%dma_wait3A_1149] : memref<8000xf32, #tpu.memory_space<vmem>> -> memref<2000xf32, #tpu.memory_space<vmem>>
    %dma_wait3A_1151 = arith.constant 0 : i32
    %dma_wait3A_1152 = tpu.memref_slice %arg6[%dma_wait3A_1151] : memref<1280000xf32, #tpu.memory_space<hbm>> -> memref<2000xf32, #tpu.memory_space<hbm>>
    %dma_wait3A_1153 = arith.constant 0 : i32
    %dma_wait3A_1154 = tpu.memref_slice %arg6[%dma_wait3A_1153] : memref<1280000xf32, #tpu.memory_space<hbm>> -> memref<2000xf32, #tpu.memory_space<hbm>>
    %dma_wait3A_1155 = arith.constant 4000 : i32
    %dma_wait3A_1156 = tpu.memref_slice %arg12[%dma_wait3A_1155] : memref<8000xf32, #tpu.memory_space<vmem>> -> memref<2000xf32, #tpu.memory_space<vmem>>
    tpu.wait_dma2 semaphore(%arg18 : memref<!tpu.dma_semaphore, #tpu.memory_space<semaphore_mem>>) src(%dma_wait3A_1156 : memref<2000xf32, #tpu.memory_space<vmem>>) dst(%dma_wait3A_1154 : memref<2000xf32, #tpu.memory_space<hbm>>)
    %dma_wait3A_1157 = arith.constant 6000 : i32
    %dma_wait3A_1158 = tpu.memref_slice %arg12[%dma_wait3A_1157] : memref<8000xf32, #tpu.memory_space<vmem>> -> memref<2000xf32, #tpu.memory_space<vmem>>
    %dma_wait3A_1159 = arith.constant 0 : i32
    %dma_wait3A_1160 = tpu.memref_slice %arg6[%dma_wait3A_1159] : memref<1280000xf32, #tpu.memory_space<hbm>> -> memref<2000xf32, #tpu.memory_space<hbm>>
    %dma_wait3A_1161 = arith.constant 0 : i32
    %dma_wait3A_1162 = tpu.memref_slice %arg6[%dma_wait3A_1161] : memref<1280000xf32, #tpu.memory_space<hbm>> -> memref<2000xf32, #tpu.memory_space<hbm>>
    %dma_wait3A_1163 = arith.constant 6000 : i32
    %dma_wait3A_1164 = tpu.memref_slice %arg12[%dma_wait3A_1163] : memref<8000xf32, #tpu.memory_space<vmem>> -> memref<2000xf32, #tpu.memory_space<vmem>>
    tpu.wait_dma2 semaphore(%arg18 : memref<!tpu.dma_semaphore, #tpu.memory_space<semaphore_mem>>) src(%dma_wait3A_1164 : memref<2000xf32, #tpu.memory_space<vmem>>) dst(%dma_wait3A_1162 : memref<2000xf32, #tpu.memory_space<hbm>>)
    return
  }
}

module attributes {stable_mosaic.version = 14 : i64} {
  func.func @_pre_body(%arg0: memref<4x32x32xf32, #tpu.memory_space<vmem>>, %arg1: memref<4x32x128xf32, #tpu.memory_space<vmem>>, %arg2: memref<4x32xf32, #tpu.memory_space<vmem>>, %arg3: memref<4x256xf32, #tpu.memory_space<vmem>>, %arg4: memref<4xf32, #tpu.memory_space<vmem>>, %arg5: memref<10000x128xf32, #tpu.memory_space<vmem>>, %arg6: memref<136x10000xf32, #tpu.memory_space<vmem>>) attributes {dimension_semantics = [], scalar_prefetch = 0 : i64, scratch_operands = 0 : i64, tpu.core_type = #tpu.core_type<tc>} {
    %get3A = arith.constant 0 : index
    %get3A_0 = arith.constant 0 : index
    %get3A_1 = arith.constant 0 : index
    %get3A_2 = vector.load %arg0[%get3A, %get3A_0, %get3A_1] : memref<4x32x32xf32, #tpu.memory_space<vmem>>, vector<1x32x32xf32>
    %get3A_3 = vector.shape_cast %get3A_2 : vector<1x32x32xf32> to vector<32x32xf32>
    %get3A_4 = arith.constant 0 : index
    %get3A_5 = arith.constant 0 : index
    %get3A_6 = arith.constant 0 : index
    %get3A_7 = vector.load %arg1[%get3A_4, %get3A_5, %get3A_6] : memref<4x32x128xf32, #tpu.memory_space<vmem>>, vector<1x32x128xf32>
    %get3A_8 = vector.shape_cast %get3A_7 : vector<1x32x128xf32> to vector<32x128xf32>
    %dot_general3A = arith.constant dense<0.000000e+00> : vector<32x128xf32>
    %dot_general3A_9 = tpu.matmul %get3A_3, %get3A_8, %dot_general3A {dimension_numbers = #tpu.dot_dimension_numbers<[1], [0], [0], [1], [0, 0, 1, 1], [], []>, transpose_lhs_hint = false} : vector<32x32xf32>, vector<32x128xf32>, vector<32x128xf32> -> vector<32x128xf32>
    %get3A_10 = arith.constant 1 : index
    %get3A_11 = arith.constant 0 : index
    %get3A_12 = arith.constant 0 : index
    %get3A_13 = vector.load %arg0[%get3A_10, %get3A_11, %get3A_12] : memref<4x32x32xf32, #tpu.memory_space<vmem>>, vector<1x32x32xf32>
    %get3A_14 = vector.shape_cast %get3A_13 : vector<1x32x32xf32> to vector<32x32xf32>
    %get3A_15 = arith.constant 1 : index
    %get3A_16 = arith.constant 0 : index
    %get3A_17 = arith.constant 0 : index
    %get3A_18 = vector.load %arg1[%get3A_15, %get3A_16, %get3A_17] : memref<4x32x128xf32, #tpu.memory_space<vmem>>, vector<1x32x128xf32>
    %get3A_19 = vector.shape_cast %get3A_18 : vector<1x32x128xf32> to vector<32x128xf32>
    %dot_general3A_20 = arith.constant dense<0.000000e+00> : vector<32x128xf32>
    %dot_general3A_21 = tpu.matmul %get3A_14, %get3A_19, %dot_general3A_20 {dimension_numbers = #tpu.dot_dimension_numbers<[1], [0], [0], [1], [0, 0, 1, 1], [], []>, transpose_lhs_hint = false} : vector<32x32xf32>, vector<32x128xf32>, vector<32x128xf32> -> vector<32x128xf32>
    %get3A_22 = arith.constant 2 : index
    %get3A_23 = arith.constant 0 : index
    %get3A_24 = arith.constant 0 : index
    %get3A_25 = vector.load %arg0[%get3A_22, %get3A_23, %get3A_24] : memref<4x32x32xf32, #tpu.memory_space<vmem>>, vector<1x32x32xf32>
    %get3A_26 = vector.shape_cast %get3A_25 : vector<1x32x32xf32> to vector<32x32xf32>
    %get3A_27 = arith.constant 2 : index
    %get3A_28 = arith.constant 0 : index
    %get3A_29 = arith.constant 0 : index
    %get3A_30 = vector.load %arg1[%get3A_27, %get3A_28, %get3A_29] : memref<4x32x128xf32, #tpu.memory_space<vmem>>, vector<1x32x128xf32>
    %get3A_31 = vector.shape_cast %get3A_30 : vector<1x32x128xf32> to vector<32x128xf32>
    %dot_general3A_32 = arith.constant dense<0.000000e+00> : vector<32x128xf32>
    %dot_general3A_33 = tpu.matmul %get3A_26, %get3A_31, %dot_general3A_32 {dimension_numbers = #tpu.dot_dimension_numbers<[1], [0], [0], [1], [0, 0, 1, 1], [], []>, transpose_lhs_hint = false} : vector<32x32xf32>, vector<32x128xf32>, vector<32x128xf32> -> vector<32x128xf32>
    %get3A_34 = arith.constant 3 : index
    %get3A_35 = arith.constant 0 : index
    %get3A_36 = arith.constant 0 : index
    %get3A_37 = vector.load %arg0[%get3A_34, %get3A_35, %get3A_36] : memref<4x32x32xf32, #tpu.memory_space<vmem>>, vector<1x32x32xf32>
    %get3A_38 = vector.shape_cast %get3A_37 : vector<1x32x32xf32> to vector<32x32xf32>
    %get3A_39 = arith.constant 3 : index
    %get3A_40 = arith.constant 0 : index
    %get3A_41 = arith.constant 0 : index
    %get3A_42 = vector.load %arg1[%get3A_39, %get3A_40, %get3A_41] : memref<4x32x128xf32, #tpu.memory_space<vmem>>, vector<1x32x128xf32>
    %get3A_43 = vector.shape_cast %get3A_42 : vector<1x32x128xf32> to vector<32x128xf32>
    %dot_general3A_44 = arith.constant dense<0.000000e+00> : vector<32x128xf32>
    %dot_general3A_45 = tpu.matmul %get3A_38, %get3A_43, %dot_general3A_44 {dimension_numbers = #tpu.dot_dimension_numbers<[1], [0], [0], [1], [0, 0, 1, 1], [], []>, transpose_lhs_hint = false} : vector<32x32xf32>, vector<32x128xf32>, vector<32x128xf32> -> vector<32x128xf32>
    %get3A_46 = arith.constant 0 : index
    %get3A_47 = arith.constant 0 : index
    %get3A_48 = vector.load %arg3[%get3A_46, %get3A_47] : memref<4x256xf32, #tpu.memory_space<vmem>>, vector<4x128xf32>
    %get3A_49 = arith.constant 0 : index
    %get3A_50 = arith.constant 128 : index
    %get3A_51 = vector.load %arg3[%get3A_49, %get3A_50] : memref<4x256xf32, #tpu.memory_space<vmem>>, vector<4x128xf32>
    %concatenate3A = tpu.concatenate %dot_general3A_9, %dot_general3A_21, %dot_general3A_33, %dot_general3A_45, %get3A_48, %get3A_51 in 0 : vector<32x128xf32>, vector<32x128xf32>, vector<32x128xf32>, vector<32x128xf32>, vector<4x128xf32>, vector<4x128xf32> -> vector<136x128xf32>
    %get3A_52 = arith.constant 0 : index
    %get3A_53 = arith.constant 0 : index
    %get3A_54 = vector.load %arg5[%get3A_52, %get3A_53] : memref<10000x128xf32, #tpu.memory_space<vmem>>, vector<10000x128xf32>
    %dot_general3A_55 = arith.constant dense<0.000000e+00> : vector<136x10000xf32>
    %dot_general3A_56 = tpu.matmul %concatenate3A, %get3A_54, %dot_general3A_55 {dimension_numbers = #tpu.dot_dimension_numbers<[1], [1], [0], [0], [0, 0, 1, 0], [], []>, transpose_lhs_hint = false} : vector<136x128xf32>, vector<10000x128xf32>, vector<136x10000xf32> -> vector<136x10000xf32>
    %get3A_57 = arith.constant 0 : index
    %get3A_58 = arith.constant 0 : index
    %get3A_59 = arith.constant 0 : index
    %get3A_60 = vector.load %arg0[%get3A_57, %get3A_58, %get3A_59] : memref<4x32x32xf32, #tpu.memory_space<vmem>>, vector<1x32x32xf32>
    %get3A_61 = vector.shape_cast %get3A_60 : vector<1x32x32xf32> to vector<32x32xf32>
    %get3A_62 = arith.constant 0 : index
    %get3A_63 = arith.constant 0 : index
    %get3A_64 = vector.load %arg2[%get3A_62, %get3A_63] : memref<4x32xf32, #tpu.memory_space<vmem>>, vector<4x32xf32>
    %slice3A = vector.extract_strided_slice %get3A_64 {offsets = [0, 0], sizes = [1, 32], strides = [1, 1]} : vector<4x32xf32> to vector<1x32xf32>
    %squeeze3A = vector.shape_cast %slice3A : vector<1x32xf32> to vector<32xf32>
    %broadcast_in_dim3A = vector.shape_cast %squeeze3A : vector<32xf32> to vector<32x1xf32>
    %dot_general3A_65 = arith.constant dense<0.000000e+00> : vector<32x1xf32>
    %dot_general3A_66 = tpu.matmul %get3A_61, %broadcast_in_dim3A, %dot_general3A_65 {dimension_numbers = #tpu.dot_dimension_numbers<[1], [0], [0], [1], [0, 0, 1, 1], [], []>, transpose_lhs_hint = false} : vector<32x32xf32>, vector<32x1xf32>, vector<32x1xf32> -> vector<32x1xf32>
    %get3A_67 = arith.constant 1 : index
    %get3A_68 = arith.constant 0 : index
    %get3A_69 = arith.constant 0 : index
    %get3A_70 = vector.load %arg0[%get3A_67, %get3A_68, %get3A_69] : memref<4x32x32xf32, #tpu.memory_space<vmem>>, vector<1x32x32xf32>
    %get3A_71 = vector.shape_cast %get3A_70 : vector<1x32x32xf32> to vector<32x32xf32>
    %get3A_72 = arith.constant 0 : index
    %get3A_73 = arith.constant 0 : index
    %get3A_74 = vector.load %arg2[%get3A_72, %get3A_73] : memref<4x32xf32, #tpu.memory_space<vmem>>, vector<4x32xf32>
    %slice3A_75 = vector.extract_strided_slice %get3A_74 {offsets = [1, 0], sizes = [1, 32], strides = [1, 1]} : vector<4x32xf32> to vector<1x32xf32>
    %squeeze3A_76 = vector.shape_cast %slice3A_75 : vector<1x32xf32> to vector<32xf32>
    %broadcast_in_dim3A_77 = vector.shape_cast %squeeze3A_76 : vector<32xf32> to vector<32x1xf32>
    %dot_general3A_78 = arith.constant dense<0.000000e+00> : vector<32x1xf32>
    %dot_general3A_79 = tpu.matmul %get3A_71, %broadcast_in_dim3A_77, %dot_general3A_78 {dimension_numbers = #tpu.dot_dimension_numbers<[1], [0], [0], [1], [0, 0, 1, 1], [], []>, transpose_lhs_hint = false} : vector<32x32xf32>, vector<32x1xf32>, vector<32x1xf32> -> vector<32x1xf32>
    %get3A_80 = arith.constant 2 : index
    %get3A_81 = arith.constant 0 : index
    %get3A_82 = arith.constant 0 : index
    %get3A_83 = vector.load %arg0[%get3A_80, %get3A_81, %get3A_82] : memref<4x32x32xf32, #tpu.memory_space<vmem>>, vector<1x32x32xf32>
    %get3A_84 = vector.shape_cast %get3A_83 : vector<1x32x32xf32> to vector<32x32xf32>
    %get3A_85 = arith.constant 0 : index
    %get3A_86 = arith.constant 0 : index
    %get3A_87 = vector.load %arg2[%get3A_85, %get3A_86] : memref<4x32xf32, #tpu.memory_space<vmem>>, vector<4x32xf32>
    %slice3A_88 = vector.extract_strided_slice %get3A_87 {offsets = [2, 0], sizes = [1, 32], strides = [1, 1]} : vector<4x32xf32> to vector<1x32xf32>
    %squeeze3A_89 = vector.shape_cast %slice3A_88 : vector<1x32xf32> to vector<32xf32>
    %broadcast_in_dim3A_90 = vector.shape_cast %squeeze3A_89 : vector<32xf32> to vector<32x1xf32>
    %dot_general3A_91 = arith.constant dense<0.000000e+00> : vector<32x1xf32>
    %dot_general3A_92 = tpu.matmul %get3A_84, %broadcast_in_dim3A_90, %dot_general3A_91 {dimension_numbers = #tpu.dot_dimension_numbers<[1], [0], [0], [1], [0, 0, 1, 1], [], []>, transpose_lhs_hint = false} : vector<32x32xf32>, vector<32x1xf32>, vector<32x1xf32> -> vector<32x1xf32>
    %get3A_93 = arith.constant 3 : index
    %get3A_94 = arith.constant 0 : index
    %get3A_95 = arith.constant 0 : index
    %get3A_96 = vector.load %arg0[%get3A_93, %get3A_94, %get3A_95] : memref<4x32x32xf32, #tpu.memory_space<vmem>>, vector<1x32x32xf32>
    %get3A_97 = vector.shape_cast %get3A_96 : vector<1x32x32xf32> to vector<32x32xf32>
    %get3A_98 = arith.constant 0 : index
    %get3A_99 = arith.constant 0 : index
    %get3A_100 = vector.load %arg2[%get3A_98, %get3A_99] : memref<4x32xf32, #tpu.memory_space<vmem>>, vector<4x32xf32>
    %slice3A_101 = vector.extract_strided_slice %get3A_100 {offsets = [3, 0], sizes = [1, 32], strides = [1, 1]} : vector<4x32xf32> to vector<1x32xf32>
    %squeeze3A_102 = vector.shape_cast %slice3A_101 : vector<1x32xf32> to vector<32xf32>
    %broadcast_in_dim3A_103 = vector.shape_cast %squeeze3A_102 : vector<32xf32> to vector<32x1xf32>
    %dot_general3A_104 = arith.constant dense<0.000000e+00> : vector<32x1xf32>
    %dot_general3A_105 = tpu.matmul %get3A_97, %broadcast_in_dim3A_103, %dot_general3A_104 {dimension_numbers = #tpu.dot_dimension_numbers<[1], [0], [0], [1], [0, 0, 1, 1], [], []>, transpose_lhs_hint = false} : vector<32x32xf32>, vector<32x1xf32>, vector<32x1xf32> -> vector<32x1xf32>
    %broadcast_in_dim3A_106 = arith.constant 0.000000e+00 : f32
    %broadcast_in_dim3A_107 = vector.broadcast %broadcast_in_dim3A_106 : f32 to vector<4x1xf32>
    %get3A_108 = arith.constant 0 : index
    %get3A_109 = vector.load %arg4[%get3A_108] : memref<4xf32, #tpu.memory_space<vmem>>, vector<4xf32>
    %reshape3A = vector.shape_cast %get3A_109 : vector<4xf32> to vector<4x1xf32>
    %concatenate3A_110 = tpu.concatenate %dot_general3A_66, %dot_general3A_79, %dot_general3A_92, %dot_general3A_105, %broadcast_in_dim3A_107, %reshape3A in 0 : vector<32x1xf32>, vector<32x1xf32>, vector<32x1xf32>, vector<32x1xf32>, vector<4x1xf32>, vector<4x1xf32> -> vector<136x1xf32>
    %broadcast_in_dim3A_111 = vector.shape_cast %concatenate3A_110 : vector<136x1xf32> to vector<136x1xf32>
    %broadcast_in_dim3A_112 = vector.broadcast %broadcast_in_dim3A_111 : vector<136x1xf32> to vector<136x10000xf32>
    %add3A = arith.addf %dot_general3A_56, %broadcast_in_dim3A_112 : vector<136x10000xf32>
    %swap3A = arith.constant 0 : index
    %swap3A_113 = arith.constant 0 : index
    %swap3A_114 = vector.load %arg6[%swap3A, %swap3A_113] : memref<136x10000xf32, #tpu.memory_space<vmem>>, vector<136x10000xf32>
    tpu.vector_store %arg6[%swap3A, %swap3A_113], %add3A {strides = array<i32>} : memref<136x10000xf32, #tpu.memory_space<vmem>>, vector<136x10000xf32>,
    return
  }
}

module attributes {stable_mosaic.version = 14 : i64} {
  func.func @_post_body(%arg0: memref<128x10000xf32, #tpu.memory_space<vmem>>, %arg1: memref<128x1xf32, #tpu.memory_space<vmem>>, %arg2: memref<2x128xf32, #tpu.memory_space<vmem>>, %arg3: memref<1x2xf32, #tpu.memory_space<vmem>>, %arg4: memref<10000x128xf32, #tpu.memory_space<vmem>>, %arg5: memref<10000x2xf32, #tpu.memory_space<vmem>>) attributes {dimension_semantics = [], scalar_prefetch = 0 : i64, scratch_operands = 0 : i64, tpu.core_type = #tpu.core_type<tc>} {
    %get3A = arith.constant 0 : index
    %get3A_0 = arith.constant 0 : index
    %get3A_1 = vector.load %arg0[%get3A, %get3A_0] : memref<128x10000xf32, #tpu.memory_space<vmem>>, vector<128x10000xf32>
    %get3A_2 = arith.constant 0 : index
    %get3A_3 = arith.constant 0 : index
    %get3A_4 = vector.load %arg1[%get3A_2, %get3A_3] : memref<128x1xf32, #tpu.memory_space<vmem>>, vector<128x1xf32>
    %broadcast_in_dim3A = vector.shape_cast %get3A_4 : vector<128x1xf32> to vector<128x1xf32>
    %broadcast_in_dim3A_5 = vector.broadcast %broadcast_in_dim3A : vector<128x1xf32> to vector<128x10000xf32>
    %add3A = arith.addf %get3A_1, %broadcast_in_dim3A_5 : vector<128x10000xf32>
    %iota3A = tpu.iota {dimensions = array<i32: 0>} : vector<128x128xi32>
    %jit3A = arith.constant 32 : i32
    %div3A = vector.broadcast %jit3A : i32 to vector<128x128xi32>
    %div3A_6 = arith.divsi %iota3A, %div3A : vector<128x128xi32>
    %sign3A = arith.constant 0 : i32
    %sign3A_7 = vector.broadcast %sign3A : i32 to vector<128x128xi32>
    %sign3A_8 = arith.cmpi sgt, %iota3A, %sign3A_7 : vector<128x128xi32>
    %sign3A_9 = arith.extui %sign3A_8 : vector<128x128xi1> to vector<128x128xi32>
    %sign3A_10 = arith.constant 0 : i32
    %sign3A_11 = vector.broadcast %sign3A_10 : i32 to vector<128x128xi32>
    %sign3A_12 = arith.cmpi slt, %iota3A, %sign3A_11 : vector<128x128xi32>
    %sign3A_13 = arith.extui %sign3A_12 : vector<128x128xi1> to vector<128x128xi32>
    %sign3A_14 = arith.subi %sign3A_9, %sign3A_13 : vector<128x128xi32>
    %sign3A_15 = arith.constant 0 : i32
    %sign3A_16 = arith.cmpi sgt, %jit3A, %sign3A_15 : i32
    %sign3A_17 = arith.extui %sign3A_16 : i1 to i32
    %sign3A_18 = arith.constant 0 : i32
    %sign3A_19 = arith.cmpi slt, %jit3A, %sign3A_18 : i32
    %sign3A_20 = arith.extui %sign3A_19 : i1 to i32
    %sign3A_21 = arith.subi %sign3A_17, %sign3A_20 : i32
    %ne3A = vector.broadcast %sign3A_21 : i32 to vector<128x128xi32>
    %ne3A_22 = arith.cmpi ne, %sign3A_14, %ne3A : vector<128x128xi32>
    %rem3A = vector.broadcast %jit3A : i32 to vector<128x128xi32>
    %rem3A_23 = arith.remsi %iota3A, %rem3A : vector<128x128xi32>
    %ne3A_24 = arith.constant 0 : i32
    %ne3A_25 = vector.broadcast %ne3A_24 : i32 to vector<128x128xi32>
    %ne3A_26 = arith.cmpi ne, %rem3A_23, %ne3A_25 : vector<128x128xi32>
    %and3A = arith.andi %ne3A_22, %ne3A_26 : vector<128x128xi1>
    %sub3A = arith.constant 1 : i32
    %sub3A_27 = vector.broadcast %sub3A : i32 to vector<128x128xi32>
    %sub3A_28 = arith.subi %div3A_6, %sub3A_27 : vector<128x128xi32>
    %select_n3A = arith.select %and3A, %sub3A_28, %div3A_6 : vector<128x128xi1>, vector<128x128xi32>
    %iota3A_29 = tpu.iota {dimensions = array<i32: 1>} : vector<128x128xi32>
    %jit3A_30 = arith.constant 32 : i32
    %div3A_31 = vector.broadcast %jit3A_30 : i32 to vector<128x128xi32>
    %div3A_32 = arith.divsi %iota3A_29, %div3A_31 : vector<128x128xi32>
    %sign3A_33 = arith.constant 0 : i32
    %sign3A_34 = vector.broadcast %sign3A_33 : i32 to vector<128x128xi32>
    %sign3A_35 = arith.cmpi sgt, %iota3A_29, %sign3A_34 : vector<128x128xi32>
    %sign3A_36 = arith.extui %sign3A_35 : vector<128x128xi1> to vector<128x128xi32>
    %sign3A_37 = arith.constant 0 : i32
    %sign3A_38 = vector.broadcast %sign3A_37 : i32 to vector<128x128xi32>
    %sign3A_39 = arith.cmpi slt, %iota3A_29, %sign3A_38 : vector<128x128xi32>
    %sign3A_40 = arith.extui %sign3A_39 : vector<128x128xi1> to vector<128x128xi32>
    %sign3A_41 = arith.subi %sign3A_36, %sign3A_40 : vector<128x128xi32>
    %sign3A_42 = arith.constant 0 : i32
    %sign3A_43 = arith.cmpi sgt, %jit3A_30, %sign3A_42 : i32
    %sign3A_44 = arith.extui %sign3A_43 : i1 to i32
    %sign3A_45 = arith.constant 0 : i32
    %sign3A_46 = arith.cmpi slt, %jit3A_30, %sign3A_45 : i32
    %sign3A_47 = arith.extui %sign3A_46 : i1 to i32
    %sign3A_48 = arith.subi %sign3A_44, %sign3A_47 : i32
    %ne3A_49 = vector.broadcast %sign3A_48 : i32 to vector<128x128xi32>
    %ne3A_50 = arith.cmpi ne, %sign3A_41, %ne3A_49 : vector<128x128xi32>
    %rem3A_51 = vector.broadcast %jit3A_30 : i32 to vector<128x128xi32>
    %rem3A_52 = arith.remsi %iota3A_29, %rem3A_51 : vector<128x128xi32>
    %ne3A_53 = arith.constant 0 : i32
    %ne3A_54 = vector.broadcast %ne3A_53 : i32 to vector<128x128xi32>
    %ne3A_55 = arith.cmpi ne, %rem3A_52, %ne3A_54 : vector<128x128xi32>
    %and3A_56 = arith.andi %ne3A_50, %ne3A_55 : vector<128x128xi1>
    %sub3A_57 = arith.constant 1 : i32
    %sub3A_58 = vector.broadcast %sub3A_57 : i32 to vector<128x128xi32>
    %sub3A_59 = arith.subi %div3A_32, %sub3A_58 : vector<128x128xi32>
    %select_n3A_60 = arith.select %and3A_56, %sub3A_59, %div3A_32 : vector<128x128xi1>, vector<128x128xi32>
    %eq3A = arith.cmpi eq, %select_n3A, %select_n3A_60 : vector<128x128xi32>
    %jit3A_61 = arith.constant 1.000000e+00 : f32
    %jit3A_62 = arith.constant 0.000000e+00 : f32
    %broadcast_in_dim3A_63 = vector.broadcast %jit3A_61 : f32 to vector<128x128xf32>
    %broadcast_in_dim3A_64 = vector.broadcast %jit3A_62 : f32 to vector<128x128xf32>
    %select_n3A_65 = arith.select %eq3A, %broadcast_in_dim3A_63, %broadcast_in_dim3A_64 : vector<128x128xi1>, vector<128x128xf32>
    %mul3A = arith.mulf %add3A, %add3A : vector<128x10000xf32>
    %dot_general3A = arith.constant dense<0.000000e+00> : vector<128x10000xf32>
    %dot_general3A_66 = tpu.matmul %select_n3A_65, %mul3A, %dot_general3A {dimension_numbers = #tpu.dot_dimension_numbers<[1], [0], [0], [1], [0, 0, 1, 1], [], []>, transpose_lhs_hint = false} : vector<128x128xf32>, vector<128x10000xf32>, vector<128x10000xf32> -> vector<128x10000xf32>
    %sqrt3A = math.sqrt %dot_general3A_66 : vector<128x10000xf32>
    %max3A = arith.constant 9.99999996E-13 : f32
    %max3A_67 = vector.broadcast %max3A : f32 to vector<128x10000xf32>
    %max3A_68 = arith.maximumf %sqrt3A, %max3A_67 : vector<128x10000xf32>
    %div3A_69 = arith.divf %add3A, %max3A_68 : vector<128x10000xf32>
    %transpose3A = tpu.transpose %div3A_69, [1, 0] : vector<128x10000xf32> -> vector<10000x128xf32>
    %swap3A = arith.constant 0 : index
    %swap3A_70 = arith.constant 0 : index
    %swap3A_71 = vector.load %arg4[%swap3A, %swap3A_70] : memref<10000x128xf32, #tpu.memory_space<vmem>>, vector<10000x128xf32>
    tpu.vector_store %arg4[%swap3A, %swap3A_70], %transpose3A {strides = array<i32>} : memref<10000x128xf32, #tpu.memory_space<vmem>>, vector<10000x128xf32>,
    %get3A_72 = arith.constant 0 : index
    %get3A_73 = arith.constant 0 : index
    %get3A_74 = vector.load %arg2[%get3A_72, %get3A_73] : memref<2x128xf32, #tpu.memory_space<vmem>>, vector<2x128xf32>
    %dot_general3A_75 = arith.constant dense<0.000000e+00> : vector<10000x2xf32>
    %dot_general3A_76 = tpu.matmul %transpose3A, %get3A_74, %dot_general3A_75 {dimension_numbers = #tpu.dot_dimension_numbers<[1], [1], [0], [0], [0, 0, 1, 0], [], []>, transpose_lhs_hint = false} : vector<10000x128xf32>, vector<2x128xf32>, vector<10000x2xf32> -> vector<10000x2xf32>
    %get3A_77 = arith.constant 0 : index
    %get3A_78 = arith.constant 0 : index
    %get3A_79 = vector.load %arg3[%get3A_77, %get3A_78] : memref<1x2xf32, #tpu.memory_space<vmem>>, vector<1x2xf32>
    %broadcast_in_dim3A_80 = vector.shape_cast %get3A_79 : vector<1x2xf32> to vector<1x2xf32>
    %broadcast_in_dim3A_81 = vector.broadcast %broadcast_in_dim3A_80 : vector<1x2xf32> to vector<10000x2xf32>
    %add3A_82 = arith.addf %dot_general3A_76, %broadcast_in_dim3A_81 : vector<10000x2xf32>
    %swap3A_83 = arith.constant 0 : index
    %swap3A_84 = arith.constant 0 : index
    %swap3A_85 = vector.load %arg5[%swap3A_83, %swap3A_84] : memref<10000x2xf32, #tpu.memory_space<vmem>>, vector<10000x2xf32>
    tpu.vector_store %arg5[%swap3A_83, %swap3A_84], %add3A_82 {strides = array<i32>} : memref<10000x2xf32, #tpu.memory_space<vmem>>, vector<10000x2xf32>,
    return
  }
}

</mosaic_0001>

<sc_bundles>
// kernel: kernel.6.cloned.1.call-start
scs
__scs_entry_jumppad:
0x0: {  	(pc) =	sbr.rel $0x88, $3  }
0x1: {  	(tag) =	ssettag $0x0;
	lr =	simm.s32 $0x1  }
0x2: {  	[smem:$0x3F95] =	sst lr;
	_ =	strace $0xD0000000  }
0x3: {  	_ = 	snop  }
0x4: {  	_ = 	snop  }
0x5: {  	_ = 	snop  }
0x6: {  	_ = 	snop  }
0x7: {  	_ = 	snop  }
__scs_overlays_trampoline_lowered:
0x8: {  	[smem:$0x3FA4] =	sst s0  }
0x9: {  	[smem:$0x3FA5] =	sst s1  }
0xa: {  	[smem:$0x3FA6] =	sst s2  }
0xb: {  	[smem:$0x3FA7] =	sst s3  }
0xc: {  	[smem:$0x3FA8] =	sst s4  }
0xd: {  	[smem:$0x3FA9] =	sst s5  }
0xe: {  	[smem:$0x3FAA] =	sst s6  }
0xf: {  	[smem:$0x3FAB] =	sst s7  }
0x10: {  	[smem:$0x3FAC] =	sst s8  }
0x11: {  	[smem:$0x3FAD] =	sst s9;
	s0 =	simm.s32 @!p0 $0x0  }
0x12: {  	s1 =	sld [smem:$0x3F93];
	s0 =	simm.s32 @p0 $0x1  }
0x13: {  	[smem:$0x3FAE] =	sst s0;
	s0 =	simm.s32 @!p1 $0x0  }
0x14: {  	s2 =	sld [smem:$0x3F92];
	s0 =	simm.s32 @p1 $0x1  }
0x15: {  	[smem:$0x3FAF] =	sst s0;
	s0 =	simm.s32 @!p2 $0x0  }
0x16: {  	s3 =	sld [smem:$0x3FDB];
	s0 =	simm.s32 @p2 $0x1  }
0x17: {  	s4 =	simm.s32 $0x1BF5;
	[smem:$0x3FB1] =	sst s0  }
0x18: {  	s0 =	sld [smem:$0x3F94];
	_ =	swait.ge [sflag:s4], $0x0  }
0x19: {  	s7 =	sld [smem:$0x3F95]  }
0x1a: {  	s8 =	sadd.s32 $0xFFFFE003, lr  }
0x1b: {  	s9 =	sadd.s32 $0xFFFFFEF7, lr;
	s5 =	simm.s32 $0xFFFFFFFF;
	p2 =	slt.u32 s8, $0xFFFFF086  }
0x1c: {  	p1 =	slt.u32 s9, $0xF7A;
	s5 =	simm.s32 @!p2 $0x0  }
0x1d: {  	s5 =	simm.s32 @p1 $0x1;
	p0 =	seq.s32 s7, s2  }
0x1e: {  	s7 =	smul.u32 @!p0 $0xF7A, s2;
	p2 =	seq.s32 @!p0 s5, $0x0  }
0x1f: {  	s9 =	smul.u32 $0xF7A, s1;
	s8 =	simm.s32 @!p0 $0x1BF5;
	p2 =	por !p2, p0  }
0x20: {  	[sflag:s8] =	ssyncset.s32 @!p0 $0xFFFFF086;
	s6 =	sadd.s32 @!p0 s3, s7;
	s7 =	simm.s32 @!p0 $0x108  }
0x21: {  	s3 =	sadd.s32 s3, s9;
	s6 =	sadd.s32 @!p0 $0x88, s6;
	s7 =	simm.s32 @p2 $0x1082  }
0x22: {  	[simem:s7], [sflag:s8] =	dma.local @!p0 [hbm:s6], $0xF7A  }
0x23: {  	s9 =	sor.u32 $0xD0000000, s2;
	s6 =	simm.s32 $0x108;
	_ =	swait.ge @!p0 [sflag:s8], $0x0  }
0x24: {  	s3 =	sadd.s32 $0x88, s3;
	s6 =	simm.s32 @!p1 $0x1082;
	[sflag:s4] =	ssyncset.s32 $0xFFFFF086  }
0x25: {  	[simem:s6], [sflag:s4] =	dma.local [hbm:s3], $0xF7A  }
0x26: {  	[smem:$0x3F95] =	sst s1;
	(tag) =	ssettag s2;
	_ =	strace s9  }
0x27: {  	s1 =	sld [smem:$0x3FA5]  }
0x28: {  	s2 =	sld [smem:$0x3FA6]  }
0x29: {  	s4 =	sld [smem:$0x3FA8]  }
0x2a: {  	p0 =	seq.s32 s5, $0x0;
	s5 =	sld [smem:$0x3FA9]  }
0x2b: {  	s6 =	sld [smem:$0x3FAA]  }
0x2c: {  	s7 =	sld [smem:$0x3FAB]  }
0x2d: {  	s3 =	simm.s32 $0x108;
	s8 =	sld [smem:$0x3FAC]  }
0x2e: {  	s3 =	simm.s32 @!p0 $0x1082;
	s9 =	sld [smem:$0x3FAD]  }
0x2f: {  	lr =	sadd.s32 s0, s3;
	s0 =	sld [smem:$0x3FA4]  }
0x30: {  	s3 =	sld [smem:$0x3FA7]  }
0x31: {  	[smem:$0x3FB0] =	sst s10  }
0x32: {  	s10 =	sld [smem:$0x3FAE];
	_ =	sdelay $0x3  }
0x33: {  	p0 =	seq.s32 s10, $0x1;
	s10 =	sld [smem:$0x3FB0];
	_ =	sdelay $0x3  }
0x34: {  	[smem:$0x3FB0] =	sst s10  }
0x35: {  	s10 =	sld [smem:$0x3FAF];
	_ =	sdelay $0x3  }
0x36: {  	p1 =	seq.s32 s10, $0x1;
	s10 =	sld [smem:$0x3FB0];
	_ =	sdelay $0x3  }
0x37: {  	[smem:$0x3FB0] =	sst s10  }
0x38: {  	s10 =	sld [smem:$0x3FB1]  }
0x39: {  	_ = 	snop;
	(pc) =	sbr.ind lr, $3  }
0x3a: {  	_ = 	snop  }
0x3b: {  	_ = 	snop  }
0x3c: {  	p2 =	seq.s32 s10, $0x1;
	s10 =	sld [smem:$0x3FB0]  }
0x3d: {  	_ =	shalt  }
0x3e: {  	_ =	shalt  }
0x3f: {  	_ =	shalt  }
0x40: {  	_ =	shalt  }
0x41: {  	_ =	shalt  }
0x42: {  	_ =	shalt  }
0x43: {  	_ =	shalt  }
0x44: {  	_ =	shalt  }
0x45: {  	_ =	shalt  }
0x46: {  	_ =	shalt  }
0x47: {  	_ =	shalt  }
0x48: {  	_ =	shalt  }
0x49: {  	_ =	shalt  }
0x4a: {  	_ =	shalt  }
0x4b: {  	_ =	shalt  }
0x4c: {  	_ =	shalt  }
0x4d: {  	_ =	shalt  }
0x4e: {  	_ =	shalt  }
0x4f: {  	_ =	shalt  }
0x50: {  	_ =	shalt  }
0x51: {  	_ =	shalt  }
0x52: {  	_ =	shalt  }
0x53: {  	_ =	shalt  }
0x54: {  	_ =	shalt  }
0x55: {  	_ =	shalt  }
0x56: {  	_ =	shalt  }
0x57: {  	_ =	shalt  }
0x58: {  	_ =	shalt  }
0x59: {  	_ =	shalt  }
0x5a: {  	_ =	shalt  }
0x5b: {  	_ =	shalt  }
0x5c: {  	_ =	shalt  }
0x5d: {  	_ =	shalt  }
0x5e: {  	_ =	shalt  }
0x5f: {  	_ =	shalt  }
0x60: {  	_ =	shalt  }
0x61: {  	_ =	shalt  }
0x62: {  	_ =	shalt  }
0x63: {  	_ =	shalt  }
0x64: {  	_ =	shalt  }
0x65: {  	_ =	shalt  }
0x66: {  	_ =	shalt  }
0x67: {  	_ =	shalt  }
0x68: {  	_ =	shalt  }
0x69: {  	_ =	shalt  }
0x6a: {  	_ =	shalt  }
0x6b: {  	_ =	shalt  }
0x6c: {  	_ =	shalt  }
0x6d: {  	_ =	shalt  }
0x6e: {  	_ =	shalt  }
0x6f: {  	_ =	shalt  }
0x70: {  	_ =	shalt  }
0x71: {  	_ =	shalt  }
0x72: {  	_ =	shalt  }
0x73: {  	_ =	shalt  }
0x74: {  	_ =	shalt  }
0x75: {  	_ =	shalt  }
0x76: {  	_ =	shalt  }
0x77: {  	_ =	shalt  }
0x78: {  	_ =	shalt  }
0x79: {  	_ =	shalt  }
0x7a: {  	_ =	shalt  }
0x7b: {  	_ =	shalt  }
0x7c: {  	_ =	shalt  }
0x7d: {  	_ =	shalt  }
0x7e: {  	_ =	shalt  }
0x7f: {  	_ =	shalt  }
0x80: {  	_ =	shalt  }
0x81: {  	_ =	shalt  }
0x82: {  	_ =	shalt  }
0x83: {  	_ =	shalt  }
0x84: {  	_ =	shalt  }
0x85: {  	_ =	shalt  }
0x86: {  	_ =	shalt  }
0x87: {  	_ =	shalt  }
.Lfunc_end0:
.L_simem_size_0:
called_computation_lowered:
.L_overlay_start_0:
0x88: {  	s2 =	sld [smem:$0x3FD9]  }
0x89: {  	s3 =	sld [smem:$0x3FFE];
	_ =	sdelay $0x1  }
0x8a: {  	s1 =	srdreg.scid  }
0x8b: {  	s0 =	sand.u32 $0x1, s1  }
0x8c: {  	s14 =	sshll.u32 s0, $0xA;
	s2 =	sadd.s32 s3, s2  }
0x8d: {  	s2 =	sadd.s32 s2, s14  }
0x8e: {  	[smem:$0x3FBC] =	sst s2  }
0x8f: {  	_ = 	snop  }
0x90: {  	s2 =	sld [smem:$0x3FD0];
	_ =	sdelay $0x2  }
0x91: {  	s15 =	simm.s32 $0xA;
	s4 =	simm.s32 $0x10  }
0x92: {  	[smem:s4], [sflag:s15] =	dma.local [hbm:s2], $0x1  }
0x93: {  	_ =	swait.eq [sflag:s15], $0x1  }
0x94: {  	[sflag:s15] =	ssyncset.done $0x0  }
0x95: {  	s16 =	sld [smem:$0x10];
	[sflag:s15] =	ssyncadd.s32 $0xFFFFFFFF  }
0x96: {  	s17 =	sld [smem:$0x11];
	(tm) =	ssettm $0x1  }
0x97: {  	s18 =	sld [smem:$0x3FFB];
	_ =	sdelay $0x3  }
0x98: {  	_ =	strace s18  }
0x99: {  	s4 =	sld [smem:$0x3FFC];
	_ =	sdelay $0x3  }
0x9a: {  	_ =	strace s4  }
0x9b: {  	s4 =	sld [smem:$0x3FFD];
	_ =	sdelay $0x3  }
0x9c: {  	_ =	strace s4  }
0x9d: {  	_ =	strace $0x8FFFFFFF  }
0x9e: {  	s19 =	sld [smem:$0x3FDB];
	_ =	sdelay $0x1  }
0x9f: {  	s5 =	simm.s32 $_scs_section_size  }
0xa0: {  	s6 =	simm.s32 $_size__tile_overlayer_lowered;
	s7 =	simm.s32 $_tile_overlayer_lowered  }
0xa1: {  	s22 =	simm.s32 $0x1BFF;
	s21 =	sshll.u32 s7, $0x1;
	s4 =	sadd.s32 s5, s19  }
0xa2: {  	s8 =	simm.s32 $0x0;
	s20 =	sshll.u32 s6, $0x1;
	s6 =	sadd.s32 s21, s4  }
0xa3: {  	[timem:s8], [sflag:s22] =	dma.local [hbm:s6], s20  }
0xa4: {  	_ =	swait.ge [sflag:s22], s20  }
0xa5: {  	s5 =	ssub.s32 $0x0, s20;
	[sflag:s22] =	ssyncset.done $0x0  }
0xa6: {  	[sflag:s22] =	ssyncadd.s32 s5;
	_ =	sdelay $0x1  }
0xa7: {  	s23 =	simm.s32 $0x1B8B  }
0xa8: {  	_ =	swait.ge [sflag:s23], $0x1  }
0xa9: {  	[sflag:s23] =	ssyncset.done $0x0  }
0xaa: {  	s25 =	simm.s32 $0x1B8E;
	s24 =	sld [smem:$0x3FFE];
	[sflag:s23] =	ssyncadd.s32 $0xFFFFFFFF  }
0xab: {  	s26 =	simm.s32 $execute0_lowered;
	[smem:$0x3FD2] =	sst s25  }
0xac: {  	s6 =	sshll.u32 s26, $0x1;
	_ =	strace $0x80000046;
	[dreg:$0x1] =	wrdreg $0xFFFFFFFF  }
0xad: {  	s28 =	simm.s32 $_size_execute0_lowered;
	s4 =	sadd.s32 s4, s6;
	[dreg:$0x0] =	wrdreg $0x0  }
0xae: {  	s6 =	sshll.u32 s28, $0x1;
	[dreg:$0x2] =	wrdreg s4  }
0xaf: {  	[dreg:$0x3] =	wrdreg s6  }
0xb0: {  	[dreg:$0x4] =	wrdreg $0xC0  }
0xb1: {  	_ =	task [dreg:s8], $0x5FFFF  }
0xb2: {  	[dreg:$0x1] =	wrdreg $0xFFFFFFFF  }
0xb3: {  	[dreg:$0x0] =	wrdreg $0x60  }
0xb4: {  	[dreg:$0x2] =	wrdreg s24  }
0xb5: {  	[dreg:$0x3] =	wrdreg s17  }
0xb6: {  	[dreg:$0x4] =	wrdreg s16  }
0xb7: {  	[dreg:$0x5] =	wrdreg $0x9  }
0xb8: {  	_ =	task.clear_ibuf [dreg:s8], $0x6FFFF;
	_ =	strace $0x90000046  }
0xb9: {  	s29 =	simm.s32 $0x9;
	_ =	strace $0x80000048  }
0xba: {  	_ =	swait.ge [sflag:s29], $0x1  }
0xbb: {  	[sflag:s29] =	ssyncadd.s32 $0xFFFFFFFF  }
0xbc: {  	_ =	strace $0x90000048  }
0xbd: {  	_ =	sfence  }
0xbe: {  	s30 =	sld [smem:$0x0];
	_ =	sdelay $0x2  }
0xbf: {  	s31 =	sshll.u32 s1, $0xD;
	s1 =	sshrl.u32 s1, $0x2  }
0xc0: {  	s3 =	sand.u32 $0x4000, s31;
	s1 =	sadd.s32 s1, s30  }
0xc1: {  	s0 =	sor.u32 s3, s0;
	s1 =	sshll.u32 s1, $0x11  }
0xc2: {  	s0 =	sor.u32 s1, s0  }
0xc3: {  	s0 =	sadd.s32 $0x8F2B, s0  }
0xc4: {  	[sflag:s0] =	ssyncadd.remote.s32 $0x1  }
0xc5: {  	_ =	sfence.sel $0xFFFF  }
0xc6: {  	[dreg:$0x0] =	wrdreg $0xFFFFFFFF;
	(pc) =	sbr.abs _section_cstart, $3  }
0xc7: {  	[dreg:$0x1] =	wrdreg $0xFFFFFFFF  }
0xc8: {  	_ =	task.clear_ibuf [dreg:s8], $0x2FFFF;
	_ =	strace $0x9FFFFFFF  }
0xc9: {  	(tm) =	ssettm $0x7FFFFFFF  }
tec
execute0_lowered:
.L_overlay_start_1:
0x0: {  	(tag) =	ssettag $0x1  }
0x1: {  	s0 =	srdreg.scid;
	s1 =	stileid.u32  }
0x2: {  	s0 =	sand.u32 $0x1, s0;
	s1 =	sshll.u32 s1, $0x1  }
0x3: {  	s3 =	rddreg [dreg:$0x0];
	s2 =	simm.s32 $0x0;
	s1 =	sor.u32 s0, s1  }
0x4: {  	[smem:$0x7FF] =	sst s2;
	s0 =	ssub.s32 $0x2, s0;
	s1 =	smul.u32 $0x2710, s1  }
0x5: {  	s4 =	sadd.s32 $0x2BC00, s3;
	s6 =	sadd.s32 $0x3F600, s3;
	s5 =	sshrl.u32 s0, $0x1  }
0x6: {  	s26 =	sadd.s32 $0x29300, s3;
	s0 =	ssub.s32 s0, s5;
	s1 =	sshrl.u32 s1, $0x3  }
0x7: {  	s0 =	smax.u32 s0, $0x1;
	s28 =	sadd.s32 $0x9C40, s1;
	s10 =	sadd.s32 s4, s1  }
0x8: {  	s8 =	sadd.s32 $0x9D3A, s1;
	s7 =	sadd.s32 s4, s28;
	[dreg:$0x5] =	wrdreg s10  }
0x9: {  	s9 =	sadd.s32 $0xFA, s1;
	s11 =	sadd.s32 s4, s8;
	[dreg:$0x4] =	wrdreg s7  }
0xa: {  	s16 =	sadd.s32 $0x9F2E, s1;
	s12 =	sadd.s32 s4, s9;
	[dreg:$0x6] =	wrdreg s11  }
0xb: {  	s17 =	sadd.s32 $0x2EE, s1;
	s5 =	sadd.s32 s6, s28;
	[dreg:$0x7] =	wrdreg s12  }
0xc: {  	s21 =	sadd.s32 $0xA028, s1;
	s15 =	sadd.s32 s6, s9;
	[dreg:$0x8] =	wrdreg s5  }
0xd: {  	s10 =	sadd.s32 $0x9E34, s1;
	s8 =	sadd.s32 s6, s8;
	[dreg:$0xb] =	wrdreg s15  }
0xe: {  	s18 =	sadd.s32 s4, s16;
	s19 =	sadd.s32 s4, s17;
	[dreg:$0xc] =	wrdreg s8  }
0xf: {  	s22 =	sadd.s32 s4, s21;
	s23 =	sadd.s32 s6, s17;
	[dreg:$0xd] =	wrdreg s18  }
0x10: {  	s24 =	sadd.s32 s6, s16;
	s25 =	sadd.s32 s6, s21;
	[dreg:$0xe] =	wrdreg s19  }
0x11: {  	s9 =	simm.s32 $0x1;
	s16 =	simm.s32 $0x4;
	[dreg:$0x11] =	wrdreg s22  }
0x12: {  	s17 =	simm.s32 $0x0;
	s7 =	sadd.s32 s6, s1;
	[dreg:$0x13] =	wrdreg s23  }
0x13: {  	s11 =	sadd.s32 $0x1F4, s1;
	s13 =	sadd.s32 s4, s10;
	[dreg:$0x14] =	wrdreg s24  }
0x14: {  	s1 =	sadd.s32 $0x3E8, s1;
	s10 =	sadd.s32 s6, s10;
	[dreg:$0x16] =	wrdreg s25  }
0x15: {  	s5 =	simm.s32 $0x13880;
	s8 =	simm.s32 $0x5;
	s12 =	simm.s32 $0x16820  }
0x16: {  	s15 =	simm.s32 $0x3;
	[dreg:$0x9] =	wrdreg s13;
	s14 =	sadd.s32 s4, s11  }
0x17: {  	s20 =	sadd.s32 s6, s11;
	[dreg:$0x10] =	wrdreg s10;
	s4 =	sadd.s32 s4, s1  }
0x18: {  	s1 =	sadd.s32 s6, s1;
	s28 =	sadd.s32 $0x13880, s7;
	s29 =	sadd.s32 $0x1D4C0, s7  }
0x19: {  	s30 =	sadd.s32 $0x1397A, s7;
	s31 =	sadd.s32 $0x1D5BA, s7;
	[dreg:$0xa] =	wrdreg s14  }
0x1a: {  	s18 =	sadd.s32 $0x13A74, s7;
	s22 =	sadd.s32 $0x1D7AE, s7;
	[dreg:$0xf] =	wrdreg s20  }
0x1b: {  	s3 =	sadd.s32 $0x13C68, s7;
	s6 =	simm.s32 $0x14880;
	[dreg:$0x12] =	wrdreg s4  }
0x1c: {  	s10 =	simm.s32 $0x15880;
	s11 =	simm.s32 $0x16050;
	[dreg:$0x15] =	wrdreg s1  }
0x1d: {  	s13 =	simm.s32 $0x16FF0;
	_ =	strace $0x80000047;
	[dreg:$0x17] =	wrdreg s26  }
0x1e: {  	s1 =	sadd.s32 $0x13B6E, s7;
	s4 =	sadd.s32 $0x1D8A8, s7;
	[dreg:$0x18] =	wrdreg s0  }
0x1f: {  	s14 =	simm.s32 $0x2;
	[dreg:$0x19] =	wrdreg s28;
	s0 =	sadd.s32 $0x1D6B4, s7  }
.LBB2_1:
0x20: {  	s19 =	rddreg [dreg:$0x4]  }
0x21: {  	[tilespmem:s5], [sflag:$0x1] =	stream.linear.gather [hbm4b:s19+s2], $0x7D0, $0x38;
	[tilespmem:$0x19880] =	vst v63  }
0x22: {  	s25 =	rddreg [dreg:$0x5]  }
0x23: {  	[tilespmem:s6], [sflag:$0x1] =	stream.linear.gather [hbm4b:s25+s2], $0x7D0, $0x38;
	[tilespmem:$0x19880] =	vst v63  }
0x24: {  	s26 =	rddreg [dreg:$0x17]  }
0x25: {  	[tilespmem:s2], [sflag:$0x5] =	stream.linear.gather [hbm4b:s26+s2], $0x13880, $0x38;
	[tilespmem:$0x19880] =	vst v63  }
0x26: {  	_ =	swait.ge [sflag:s8], $0x13880  }
0x27: {  	[sflag:s8] =	ssyncset.done $0x0  }
0x28: {  	[sflag:s8] =	ssyncadd.s32 $0xFFFEC780  }
0x29: {  	s20 =	simm.s32 $0x19780;
	s28 =	rddreg [dreg:$0x1]  }
0x2a: {  	[tilespmem:s20], [sflag:$0x5] =	stream.linear.gather [hbm4b:s28+s2], $0x80, $0x38;
	[tilespmem:$0x19880] =	vst v63  }
0x2b: {  	_ =	swait.ge [sflag:s8], $0x80  }
0x2c: {  	[sflag:s8] =	ssyncset.done $0x0  }
0x2d: {  	[sflag:s8] =	ssyncadd.s32 $0xFFFFFF80  }
0x2e: {  	s21 =	simm.s32 $0x19800;
	s20 =	rddreg [dreg:$0x2]  }
0x2f: {  	[tilespmem:s21], [sflag:$0x5] =	stream.linear.gather [hbm4b:s20+s2], $0x80, $0x38;
	[tilespmem:$0x19880] =	vst v63  }
0x30: {  	_ =	swait.ge [sflag:s8], $0x80  }
0x31: {  	[sflag:s8] =	ssyncset.done $0x0  }
0x32: {  	[sflag:s8] =	ssyncadd.s32 $0xFFFFFF80  }
0x33: {  	s24 =	simm.s32 $0x14080;
	s23 =	rddreg [dreg:$0x6];
	v7 =	vld [tilespmem:$0x19780]  }
0x34: {  	v14 =	vld [tilespmem:$0x19800];
	[tilespmem:s24], [sflag:$0x2] =	stream.linear.gather [hbm4b:s23+s2], $0x7D0, $0x38  }
0x35: {  	s26 =	simm.s32 $0x15080;
	s25 =	rddreg [dreg:$0x7]  }
0x36: {  	[tilespmem:s26], [sflag:$0x2] =	stream.linear.gather [hbm4b:s25+s2], $0x7D0, $0x38;
	[tilespmem:$0x19880] =	vst v63  }
0x37: {  	_ =	swait.ge [sflag:s9], $0x7D0  }
0x38: {  	[sflag:s9] =	ssyncset.done $0x0  }
0x39: {  	[sflag:s9] =	ssyncadd.s32 $0xFFFFF830  }
0x3a: {  	_ =	swait.ge [sflag:s9], $0x7D0  }
0x3b: {  	[sflag:s9] =	ssyncset.done $0x0  }
0x3c: {  	s19 =	simm.s32 $0x14890;
	[sflag:s9] =	ssyncadd.s32 $0xFFFFF830  }
0x3d: {  	s28 =	simm.s32 $0x13890;
	v0 =	vld [tilespmem:s19+$0xFFFFFFF0]  }
0x3e: {  	v1 =	vld [tilespmem:s28+$0xFFFFFFF0];
	_ =	sdelay $0x3  }
0x3f: {  	v2 =	vadd.s32 $0xC350, v0  }
0x40: {  	v9 =	vadd.s32 $0xEA60, v0  }
0x41: {  	v13 =	vadd.s32 $0x9C40, v0  }
0x42: {  	v15 =	vadd.s32 $0x2710, v1  }
0x43: {  	v6 =	vbroadcast v7, $0x0;
	v5 =	vbroadcast v14, $0x0;
	v17 =	vadd.s32 $0x4E20, v1;
	v20 =	vld.idx.msk [tilespmem:v1+s2+$0x0], $0xffff  }
0x44: {  	v8 =	vbroadcast v7, $0x1;
	v4 =	vbroadcast v7, $0x2;
	v21 =	vld.idx.msk [tilespmem:v2+s2+$0x0], $0xffff  }
0x45: {  	v12 =	vbroadcast v7, $0x4;
	v10 =	vbroadcast v14, $0x1;
	v3 =	vadd.s32 $0x11170, v0;
	v23 =	vld.idx.msk [tilespmem:v9+s2+$0x0], $0xffff  }
0x46: {  	v11 =	vbroadcast v7, $0x5;
	v16 =	vbroadcast v7, $0x8;
	v18 =	vadd.s32 $0x7530, v1;
	v24 =	vld.idx.msk [tilespmem:v13+s2+$0x0], $0xffff  }
0x47: {  	v19 =	vbroadcast v7, $0xC;
	v0 =	vbroadcast v7, $0x3;
	v25 =	vld.idx.msk [tilespmem:v15+s2+$0x0], $0xffff  }
0x48: {  	v1 =	vbroadcast v7, $0x7;
	v2 =	vbroadcast v7, $0x6;
	v26 =	vld.idx.msk [tilespmem:v17+s2+$0x0], $0xffff  }
0x49: {  	v13 =	vbroadcast v14, $0x2;
	v15 =	vbroadcast v7, $0x9  }
0x4a: {  	v22 =	vld.idx.msk [tilespmem:v3+s2+$0x0], $0xffff;
	v9 =	vbroadcast v7, $0xA;
	v3 =	vbroadcast v7, $0xB  }
0x4b: {  	v27 =	vld.idx.msk [tilespmem:v18+s2+$0x0], $0xffff;
	v17 =	vbroadcast v14, $0x3;
	v18 =	vbroadcast v7, $0xD;
	v20 =	vadd.f32 v24, v20  }
0x4c: {  	v14 =	vbroadcast v7, $0xE;
	v7 =	vbroadcast v7, $0xF;
	v21 =	vadd.f32 v21, v25  }
0x4d: {  	v23 =	vadd.f32 v23, v26;
	v24 =	vmul.f32 v20, v6;
	v38 =	vmul.f32 v20, v16  }
0x4e: {  	v39 =	vmul.f32 v20, v12;
	v40 =	vmul.f32 v21, v15  }
0x4f: {  	v28 =	vmul.f32 v21, v8;
	v29 =	vmul.f32 v23, v4  }
0x50: {  	v20 =	vmul.f32 v20, v19;
	v30 =	vmul.f32 v21, v11  }
0x51: {  	v22 =	vadd.f32 v22, v27;
	v41 =	vmul.f32 v23, v9;
	v21 =	vmul.f32 v21, v18  }
0x52: {  	v42 =	vmul.f32 v23, v2;
	v24 =	vadd.f32 v24, v5;
	v25 =	vadd.f32 v38, v13  }
0x53: {  	v43 =	vmul.f32 v22, v0;
	v26 =	vadd.f32 v39, v10;
	v20 =	vadd.f32 v20, v17  }
0x54: {  	v44 =	vmul.f32 v22, v3;
	v24 =	vadd.f32 v28, v24;
	v25 =	vadd.f32 v40, v25  }
0x55: {  	v26 =	vadd.f32 v30, v26;
	v20 =	vadd.f32 v21, v20;
	v21 =	vmul.f32 v23, v14  }
0x56: {  	v45 =	vmul.f32 v22, v1;
	v24 =	vadd.f32 v29, v24;
	v25 =	vadd.f32 v41, v25  }
0x57: {  	v23 =	vadd.f32 v42, v26;
	v20 =	vadd.f32 v21, v20;
	v21 =	vmul.f32 v22, v7  }
0x58: {  	v22 =	vadd.f32 v43, v24;
	v46 =	vadd.f32 v44, v25  }
0x59: {  	v23 =	vadd.f32 v45, v23;
	v20 =	vadd.f32 v21, v20;
	_ =	sdelay $0x1  }
0x5a: {  	v21 =	vmax.f32 v22, v23;
	v25 =	vmax.f32 v46, v20  }
0x5b: {  	v21 =	vmax.f32 v21, v25  }
0x5c: {  	v22 =	vsub.f32 v22, v21  }
0x5d: {  	v20 =	vsub.f32 v20, v21  }
0x5e: {  	v24 =	vsub.f32 v46, v21;
	v22 =	vmul.f32 $1.442695020e+00, v22  }
0x5f: {  	v21 =	vsub.f32 v23, v21;
	v20 =	vmul.f32 $1.442695020e+00, v20  }
0x60: {  	v23 =	vmul.f32 $1.442695020e+00, v24;
	(erf) = vpow2.f32 v22  }
0x61: {  	v21 =	vmul.f32 $1.442695020e+00, v21;
	(erf) = vpow2.f32 v20  }
0x62: {  	(erf) = vpow2.f32 v23  }
0x63: {  	(erf) = vpow2.f32 v21;
	_ =	sdelay $0x5  }
0x64: {  	v20 =	vpop (erf)  }
0x65: {  	v21 =	vpop (erf)  }
0x66: {  	v22 =	vpop (erf)  }
0x67: {  	v23 =	vpop (erf)  }
0x68: {  	v47 =	vadd.f32 v21, v22;
	v48 =	vadd.f32 v23, v20;
	_ =	sdelay $0x1  }
0x69: {  	v24 =	vadd.f32 v47, v48;
	_ =	sdelay $0x1  }
0x6a: {  	(erf) = vrcp.f32 v24;
	_ =	sdelay $0x8  }
0x6b: {  	v24 =	vpop (erf)  }
0x6c: {  	v20 =	vmul.f32 v24, v20  }
0x6d: {  	v22 =	vmul.f32 v24, v22  }
0x6e: {  	v23 =	vmul.f32 v24, v23;
	[tilespmem:s12+$0xFFFFF060] =	vst v20  }
0x6f: {  	v20 =	vmul.f32 v24, v21;
	[tilespmem:s12+$0x0] =	vst v22  }
0x70: {  	[tilespmem:s12+$0xFFFFF830] =	vst v23  }
0x71: {  	[tilespmem:s12+$0x7D0] =	vst v20  }
0x72: {  	v20 =	vld [tilespmem:s19+$0x0]  }
0x73: {  	v21 =	vld [tilespmem:s28+$0x0];
	_ =	sdelay $0x3  }
0x74: {  	v22 =	vadd.s32 $0x9C40, v20  }
0x75: {  	v23 =	vadd.s32 $0xC350, v20  }
0x76: {  	v49 =	vadd.s32 $0x4E20, v21  }
0x77: {  	v50 =	vadd.s32 $0x2710, v21  }
0x78: {  	v51 =	vadd.s32 $0xEA60, v20;
	v52 =	vld.idx.msk [tilespmem:v21+s2+$0x0], $0xffff  }
0x79: {  	v22 =	vld.idx.msk [tilespmem:v22+s2+$0x0], $0xffff  }
0x7a: {  	v20 =	vadd.s32 $0x11170, v20;
	v23 =	vld.idx.msk [tilespmem:v23+s2+$0x0], $0xffff  }
0x7b: {  	v21 =	vadd.s32 $0x7530, v21;
	v24 =	vld.idx.msk [tilespmem:v49+s2+$0x0], $0xffff  }
0x7c: {  	v25 =	vld.idx.msk [tilespmem:v50+s2+$0x0], $0xffff  }
0x7d: {  	v26 =	vld.idx.msk [tilespmem:v51+s2+$0x0], $0xffff;
	_ =	sdelay $0x1  }
0x7e: {  	v20 =	vld.idx.msk [tilespmem:v20+s2+$0x0], $0xffff;
	v22 =	vadd.f32 v22, v52  }
0x7f: {  	v21 =	vld.idx.msk [tilespmem:v21+s2+$0x0], $0xffff  }
0x80: {  	v23 =	vadd.f32 v23, v25;
	v27 =	vmul.f32 v22, v6;
	v53 =	vmul.f32 v22, v12  }
0x81: {  	v24 =	vadd.f32 v26, v24;
	v54 =	vmul.f32 v22, v16;
	v22 =	vmul.f32 v22, v19  }
0x82: {  	v55 =	vmul.f32 v23, v8;
	v56 =	vmul.f32 v23, v15  }
0x83: {  	v58 =	vmul.f32 v24, v4;
	v59 =	vmul.f32 v24, v9  }
0x84: {  	v20 =	vadd.f32 v20, v21;
	v21 =	vmul.f32 v23, v11;
	v27 =	vadd.f32 v27, v5  }
0x85: {  	v23 =	vmul.f32 v23, v18;
	v25 =	vadd.f32 v54, v13;
	v22 =	vadd.f32 v22, v17  }
0x86: {  	v28 =	vadd.f32 v53, v10;
	v57 =	vmul.f32 v20, v3;
	v60 =	vmul.f32 v20, v0  }
0x87: {  	v25 =	vadd.f32 v56, v25;
	v22 =	vadd.f32 v23, v22;
	v23 =	vmul.f32 v24, v14  }
0x88: {  	v26 =	vadd.f32 v55, v27;
	v21 =	vadd.f32 v21, v28;
	v24 =	vmul.f32 v24, v2  }
0x89: {  	v22 =	vadd.f32 v23, v22;
	v23 =	vmul.f32 v20, v7;
	v25 =	vadd.f32 v59, v25  }
0x8a: {  	v26 =	vadd.f32 v58, v26;
	v21 =	vadd.f32 v24, v21;
	v20 =	vmul.f32 v20, v1  }
0x8b: {  	v22 =	vadd.f32 v23, v22;
	v23 =	vadd.f32 v57, v25  }
0x8c: {  	v61 =	vadd.f32 v60, v26;
	v20 =	vadd.f32 v20, v21;
	_ =	sdelay $0x1  }
0x8d: {  	v21 =	vmax.f32 v23, v22;
	v62 =	vmax.f32 v61, v20  }
0x8e: {  	v21 =	vmax.f32 v62, v21  }
0x8f: {  	v20 =	vsub.f32 v20, v21  }
0x90: {  	v23 =	vsub.f32 v23, v21  }
0x91: {  	v24 =	vsub.f32 v61, v21;
	v21 =	vsub.f32 v22, v21;
	v63 =	vmul.f32 $1.442695020e+00, v20  }
0x92: {  	v22 =	vmul.f32 $1.442695020e+00, v23  }
0x93: {  	s20 =	simm.s32 $0x16820;
	s21 =	simm.s32 $0x0;
	s23 =	simm.s32 $0x0;
	v21 =	vmul.f32 $1.442695020e+00, v21;
	(erf) = vpow2.f32 v63  }
0x94: {  	s24 =	simm.s32 $0x138B0;
	s25 =	simm.s32 $0x20;
	s26 =	simm.s32 $0x16820;
	v20 =	vmul.f32 $1.442695020e+00, v24;
	(erf) = vpow2.f32 v22  }
.LBB2_2:
0x95: {  	s23 =	sadd.s32 $0x2, s23;
	s26 =	sadd.s32 $0x20, s26;
	s19 =	sadd.s32 $0x20, s19;
	(erf) = vpow2.f32 v21  }
0x96: {  	p0 =	slt.u32 s23, $0x7A;
	(erf) = vpow2.f32 v20;
	_ =	sdelay $0x5  }
0x97: {  	v20 =	vpop (erf)  }
0x98: {  	v21 =	vpop (erf)  }
0x99: {  	v22 =	vpop (erf)  }
0x9a: {  	v23 =	vadd.f32 v22, v21;
	v24 =	vpop (erf)  }
0x9b: {  	v25 =	vadd.f32 v20, v24;
	_ =	sdelay $0x1  }
0x9c: {  	v23 =	vadd.f32 v23, v25;
	_ =	sdelay $0x1  }
0x9d: {  	(erf) = vrcp.f32 v23;
	_ =	sdelay $0x8  }
0x9e: {  	v23 =	vpop (erf)  }
0x9f: {  	v24 =	vmul.f32 v23, v24;
	v20 =	vmul.f32 v23, v20  }
0xa0: {  	v21 =	vmul.f32 v23, v21;
	v22 =	vmul.f32 v23, v22  }
0xa1: {  	[tilespmem:s20+$0xFFFFF070] =	vst v24  }
0xa2: {  	[tilespmem:s20+$0xFFFFF840] =	vst v20;
	_ =	sdelay $0x1  }
0xa3: {  	s28 =	sand.u32 $0x7E0, s21;
	s21 =	smov.u32 s25;
	[tilespmem:s20+$0x10] =	vst v21;
	s20 =	smov.u32 s26  }
0xa4: {  	[tilespmem:s28+$0x17000] =	vst v22  }
0xa5: {  	v20 =	vld [tilespmem:s19+$0xFFFFFFF0]  }
0xa6: {  	v21 =	vld [tilespmem:s24+$0xFFFFFFF0];
	_ =	sdelay $0x3  }
0xa7: {  	v22 =	vadd.s32 $0xC350, v20;
	v23 =	vadd.s32 $0xEA60, v20;
	v24 =	vadd.s32 $0x11170, v20  }
0xa8: {  	v20 =	vadd.s32 $0x9C40, v20;
	v25 =	vadd.s32 $0x2710, v21;
	v26 =	vadd.s32 $0x7530, v21;
	_ =	sdelay $0x2  }
0xa9: {  	v27 =	vld.idx.msk [tilespmem:v21+s2+$0x0], $0xffff  }
0xaa: {  	v21 =	vadd.s32 $0x4E20, v21;
	v22 =	vld.idx.msk [tilespmem:v22+s2+$0x0], $0xffff  }
0xab: {  	v24 =	vld.idx.msk [tilespmem:v24+s2+$0x0], $0xffff  }
0xac: {  	v23 =	vld.idx.msk [tilespmem:v23+s2+$0x0], $0xffff  }
0xad: {  	v20 =	vld.idx.msk [tilespmem:v20+s2+$0x0], $0xffff  }
0xae: {  	v25 =	vld.idx.msk [tilespmem:v25+s2+$0x0], $0xffff  }
0xaf: {  	v21 =	vld.idx.msk [tilespmem:v21+s2+$0x0], $0xffff  }
0xb0: {  	v26 =	vld.idx.msk [tilespmem:v26+s2+$0x0], $0xffff;
	_ =	sdelay $0x2  }
0xb1: {  	v20 =	vadd.f32 v20, v27  }
0xb2: {  	v22 =	vadd.f32 v22, v25  }
0xb3: {  	v21 =	vadd.f32 v23, v21;
	v23 =	vmul.f32 v20, v6;
	v25 =	vmul.f32 v20, v16  }
0xb4: {  	v24 =	vadd.f32 v24, v26;
	v26 =	vmul.f32 v20, v12;
	v27 =	vmul.f32 v22, v15  }
0xb5: {  	v28 =	vmul.f32 v22, v8;
	v23 =	vadd.f32 v23, v5;
	v25 =	vadd.f32 v25, v13  }
0xb6: {  	v30 =	vmul.f32 v22, v11;
	v29 =	vmul.f32 v21, v4;
	v26 =	vadd.f32 v26, v10  }
0xb7: {  	v23 =	vadd.f32 v28, v23;
	v25 =	vadd.f32 v27, v25;
	v27 =	vmul.f32 v21, v9  }
0xb8: {  	v20 =	vmul.f32 v20, v19;
	v28 =	vmul.f32 v21, v2;
	v26 =	vadd.f32 v30, v26  }
0xb9: {  	v23 =	vadd.f32 v29, v23;
	v25 =	vadd.f32 v27, v25  }
0xba: {  	v22 =	vmul.f32 v22, v18;
	v20 =	vadd.f32 v20, v17;
	v26 =	vadd.f32 v28, v26;
	_ =	sdelay $0x1  }
0xbb: {  	v21 =	vmul.f32 v21, v14;
	v20 =	vadd.f32 v22, v20  }
0xbc: {  	v22 =	vmul.f32 v24, v0;
	v27 =	vmul.f32 v24, v3  }
0xbd: {  	v28 =	vmul.f32 v24, v1;
	v20 =	vadd.f32 v21, v20;
	v21 =	vmul.f32 v24, v7  }
0xbe: {  	v22 =	vadd.f32 v22, v23;
	v23 =	vadd.f32 v27, v25  }
0xbf: {  	v24 =	vadd.f32 v28, v26;
	v20 =	vadd.f32 v21, v20;
	_ =	sdelay $0x1  }
0xc0: {  	v21 =	vmax.f32 v22, v24;
	v25 =	vmax.f32 v23, v20  }
0xc1: {  	v21 =	vmax.f32 v21, v25  }
0xc2: {  	v22 =	vsub.f32 v22, v21;
	v24 =	vsub.f32 v24, v21  }
0xc3: {  	v23 =	vsub.f32 v23, v21;
	v20 =	vsub.f32 v20, v21  }
0xc4: {  	v21 =	vmul.f32 $1.442695020e+00, v22;
	v22 =	vmul.f32 $1.442695020e+00, v24  }
0xc5: {  	v23 =	vmul.f32 $1.442695020e+00, v23;
	v20 =	vmul.f32 $1.442695020e+00, v20  }
0xc6: {  	(erf) = vpow2.f32 v21  }
0xc7: {  	(erf) = vpow2.f32 v20  }
0xc8: {  	(erf) = vpow2.f32 v23;
	_ =	sdelay $0x3  }
0xc9: {  	(erf) = vpow2.f32 v22;
	_ =	sdelay $0x2  }
0xca: {  	v20 =	vpop (erf)  }
0xcb: {  	v21 =	vpop (erf)  }
0xcc: {  	v22 =	vpop (erf)  }
0xcd: {  	v23 =	vadd.f32 v21, v22;
	_ =	sdelay $0x2  }
0xce: {  	v24 =	vpop (erf)  }
0xcf: {  	v25 =	vadd.f32 v24, v20;
	_ =	sdelay $0x1  }
0xd0: {  	v23 =	vadd.f32 v23, v25;
	_ =	sdelay $0x1  }
0xd1: {  	(erf) = vrcp.f32 v23;
	_ =	sdelay $0x8  }
0xd2: {  	v23 =	vpop (erf)  }
0xd3: {  	v20 =	vmul.f32 v23, v20;
	v24 =	vmul.f32 v23, v24  }
0xd4: {  	v22 =	vmul.f32 v23, v22;
	v21 =	vmul.f32 v23, v21  }
0xd5: {  	[tilespmem:s26+$0xFFFFF060] =	vst v20  }
0xd6: {  	[tilespmem:s26+$0x0] =	vst v22  }
0xd7: {  	[tilespmem:s26+$0xFFFFF830] =	vst v24  }
0xd8: {  	[tilespmem:s26+$0x7D0] =	vst v21  }
0xd9: {  	v20 =	vld [tilespmem:s19+$0x0]  }
0xda: {  	v21 =	vld [tilespmem:s24+$0x0];
	_ =	sdelay $0x3  }
0xdb: {  	v22 =	vadd.s32 $0x9C40, v20;
	v23 =	vadd.s32 $0xC350, v20;
	v24 =	vadd.s32 $0xEA60, v20  }
0xdc: {  	v20 =	vadd.s32 $0x11170, v20;
	v25 =	vadd.s32 $0x4E20, v21;
	_ =	sdelay $0x1  }
0xdd: {  	v26 =	vadd.s32 $0x2710, v21  }
0xde: {  	v27 =	vld.idx.msk [tilespmem:v21+s2+$0x0], $0xffff  }
0xdf: {  	v21 =	vadd.s32 $0x7530, v21;
	v22 =	vld.idx.msk [tilespmem:v22+s2+$0x0], $0xffff  }
0xe0: {  	v23 =	vld.idx.msk [tilespmem:v23+s2+$0x0], $0xffff  }
0xe1: {  	v25 =	vld.idx.msk [tilespmem:v25+s2+$0x0], $0xffff  }
0xe2: {  	v26 =	vld.idx.msk [tilespmem:v26+s2+$0x0], $0xffff  }
0xe3: {  	v24 =	vld.idx.msk [tilespmem:v24+s2+$0x0], $0xffff  }
0xe4: {  	v21 =	vld.idx.msk [tilespmem:v21+s2+$0x0], $0xffff  }
0xe5: {  	v22 =	vadd.f32 v22, v27;
	v20 =	vld.idx.msk [tilespmem:v20+s2+$0x0], $0xffff;
	_ =	sdelay $0x1  }
0xe6: {  	v27 =	vmul.f32 v22, v6;
	v28 =	vmul.f32 v22, v12  }
0xe7: {  	v23 =	vadd.f32 v23, v26;
	v26 =	vmul.f32 v22, v16;
	v22 =	vmul.f32 v22, v19  }
0xe8: {  	v27 =	vadd.f32 v27, v5;
	v28 =	vadd.f32 v28, v10  }
0xe9: {  	v24 =	vadd.f32 v24, v25;
	v25 =	vmul.f32 v23, v8;
	v26 =	vadd.f32 v26, v13  }
0xea: {  	v29 =	vmul.f32 v23, v15;
	v20 =	vadd.f32 v20, v21;
	v21 =	vmul.f32 v23, v11  }
0xeb: {  	v22 =	vadd.f32 v22, v17;
	v23 =	vmul.f32 v23, v18;
	v25 =	vadd.f32 v25, v27  }
0xec: {  	v26 =	vadd.f32 v29, v26;
	v21 =	vadd.f32 v21, v28;
	v27 =	vmul.f32 v20, v3  }
0xed: {  	v28 =	vmul.f32 v24, v4;
	v22 =	vadd.f32 v23, v22;
	v23 =	vmul.f32 v24, v14  }
0xee: {  	v30 =	vmul.f32 v24, v9;
	v29 =	vmul.f32 v20, v0  }
0xef: {  	v24 =	vmul.f32 v24, v2;
	v22 =	vadd.f32 v23, v22;
	v23 =	vmul.f32 v20, v7  }
0xf0: {  	v26 =	vadd.f32 v30, v26;
	v25 =	vadd.f32 v28, v25  }
0xf1: {  	v21 =	vadd.f32 v24, v21;
	v20 =	vmul.f32 v20, v1;
	v22 =	vadd.f32 v23, v22  }
0xf2: {  	v23 =	vadd.f32 v27, v26  }
0xf3: {  	v24 =	vadd.f32 v29, v25;
	v20 =	vadd.f32 v20, v21  }
0xf4: {  	v21 =	vmax.f32 v23, v22  }
0xf5: {  	v25 =	vmax.f32 v24, v20  }
0xf6: {  	v21 =	vmax.f32 v25, v21  }
0xf7: {  	v24 =	vsub.f32 v24, v21;
	v25 =	vsub.f32 v20, v21  }
.Ltmp0:
0xf8: {  	v23 =	vsub.f32 v23, v21;
	v21 =	vsub.f32 v22, v21;
	(pc) =	sbr.rel @p0 .LBB2_2-.Ltmp0, $4  }
0xf9: {  	v20 =	vmul.f32 $1.442695020e+00, v24;
	v22 =	vmul.f32 $1.442695020e+00, v25  }
0xfa: {  	v23 =	vmul.f32 $1.442695020e+00, v23;
	v21 =	vmul.f32 $1.442695020e+00, v21  }
0xfb: {  	(erf) = vpow2.f32 v22  }
0xfc: {  	s25 =	sadd.s32 $0x20, s25;
	s24 =	sadd.s32 $0x20, s24;
	(erf) = vpow2.f32 v23  }
0xfd: {  	(erf) = vpow2.f32 v21  }
0xfe: {  	(erf) = vpow2.f32 v20;
	_ =	sdelay $0x5  }
0xff: {  	v20 =	vpop (erf)  }
0x100: {  	v21 =	vpop (erf)  }
0x101: {  	v22 =	vpop (erf)  }
0x102: {  	v23 =	vpop (erf)  }
0x103: {  	v24 =	vadd.f32 v22, v21;
	v25 =	vadd.f32 v20, v23;
	_ =	sdelay $0x1  }
0x104: {  	v24 =	vadd.f32 v24, v25;
	_ =	sdelay $0x1  }
0x105: {  	(erf) = vrcp.f32 v24;
	_ =	sdelay $0x8  }
0x106: {  	v24 =	vpop (erf)  }
0x107: {  	v23 =	vmul.f32 v24, v23  }
0x108: {  	v20 =	vmul.f32 v24, v20  }
0x109: {  	v21 =	vmul.f32 v24, v21;
	[tilespmem:s20+$0xFFFFF070] =	vst v23  }
0x10a: {  	v22 =	vmul.f32 v24, v22;
	[tilespmem:s20+$0xFFFFF840] =	vst v20  }
0x10b: {  	s19 =	sand.u32 $0x7E0, s21;
	[tilespmem:s20+$0x10] =	vst v21  }
0x10c: {  	[tilespmem:s19+$0x17000] =	vst v22  }
0x10d: {  	v20 =	vld [tilespmem:$0x15040]  }
0x10e: {  	v21 =	vld [tilespmem:$0x14040];
	_ =	sdelay $0x3  }
0x10f: {  	v22 =	vadd.s32 $0x9C40, v20  }
0x110: {  	v23 =	vadd.s32 $0x2710, v21  }
0x111: {  	v52 =	vadd.s32 $0xC350, v20  }
0x112: {  	s19 =	simm.s32 $0x0;
	v53 =	vadd.s32 $0x4E20, v21  }
0x113: {  	v27 =	vadd.s32 $0xEA60, v20;
	v26 =	vld.idx.msk [tilespmem:v21+s19+$0x0], $0xffff  }
0x114: {  	v22 =	vld.idx.msk [tilespmem:v22+s19+$0x0], $0xffff  }
0x115: {  	v23 =	vld.idx.msk [tilespmem:v23+s19+$0x0], $0xffff  }
0x116: {  	v24 =	vld.idx.msk [tilespmem:v52+s19+$0x0], $0xffff  }
0x117: {  	v20 =	vadd.s32 $0x11170, v20;
	v25 =	vld.idx.msk [tilespmem:v53+s19+$0x0], $0xffff  }
0x118: {  	v21 =	vadd.s32 $0x7530, v21;
	v27 =	vld.idx.msk [tilespmem:v27+s19+$0x0], $0xffff;
	_ =	sdelay $0x3  }
0x119: {  	v20 =	vld.idx.msk [tilespmem:v20+s19+$0x0], $0xffff;
	v22 =	vadd.f32 v22, v26;
	v23 =	vadd.f32 v24, v23  }
0x11a: {  	v21 =	vld.idx.msk [tilespmem:v21+s19+$0x0], $0xffff;
	v25 =	vadd.f32 v27, v25  }
0x11b: {  	v54 =	vmul.f32 v22, v6;
	v55 =	vmul.f32 v23, v8  }
0x11c: {  	v56 =	vmul.f32 v25, v4;
	v57 =	vmul.f32 v22, v16  }
0x11d: {  	v28 =	vmul.f32 v23, v11;
	v59 =	vmul.f32 v23, v15  }
0x11e: {  	v23 =	vmul.f32 v23, v18;
	v60 =	vmul.f32 v25, v2  }
0x11f: {  	v20 =	vadd.f32 v20, v21;
	v21 =	vmul.f32 v22, v12;
	v22 =	vmul.f32 v22, v19  }
0x120: {  	v61 =	vmul.f32 v25, v9;
	v24 =	vadd.f32 v54, v5;
	v58 =	vadd.f32 v57, v13  }
0x121: {  	v21 =	vadd.f32 v21, v10;
	v22 =	vadd.f32 v22, v17;
	v29 =	vmul.f32 v20, v0  }
0x122: {  	v62 =	vmul.f32 v20, v1;
	v24 =	vadd.f32 v55, v24;
	v26 =	vadd.f32 v59, v58  }
0x123: {  	v21 =	vadd.f32 v28, v21;
	v22 =	vadd.f32 v23, v22;
	v23 =	vmul.f32 v25, v14  }
0x124: {  	v63 =	vmul.f32 v20, v3;
	v24 =	vadd.f32 v56, v24;
	v26 =	vadd.f32 v61, v26  }
0x125: {  	v20 =	vmul.f32 v20, v7;
	v21 =	vadd.f32 v60, v21;
	v22 =	vadd.f32 v23, v22  }
0x126: {  	v23 =	vadd.f32 v29, v24;
	v28 =	vadd.f32 v63, v26  }
0x127: {  	v21 =	vadd.f32 v62, v21;
	v20 =	vadd.f32 v20, v22;
	_ =	sdelay $0x1  }
0x128: {  	v22 =	vmax.f32 v23, v21;
	v29 =	vmax.f32 v28, v20  }
0x129: {  	v22 =	vmax.f32 v22, v29  }
0x12a: {  	v23 =	vsub.f32 v23, v22  }
0x12b: {  	v21 =	vsub.f32 v21, v22  }
0x12c: {  	v24 =	vsub.f32 v28, v22;
	v23 =	vmul.f32 $1.442695020e+00, v23  }
0x12d: {  	v20 =	vsub.f32 v20, v22;
	v21 =	vmul.f32 $1.442695020e+00, v21  }
0x12e: {  	v22 =	vmul.f32 $1.442695020e+00, v24;
	(erf) = vpow2.f32 v23  }
0x12f: {  	v20 =	vmul.f32 $1.442695020e+00, v20;
	(erf) = vpow2.f32 v21  }
0x130: {  	(erf) = vpow2.f32 v22  }
0x131: {  	(erf) = vpow2.f32 v20;
	_ =	sdelay $0x5  }
0x132: {  	v20 =	vpop (erf)  }
0x133: {  	v21 =	vpop (erf)  }
0x134: {  	v22 =	vpop (erf)  }
0x135: {  	v23 =	vpop (erf)  }
0x136: {  	v30 =	vadd.f32 v21, v20;
	v31 =	vadd.f32 v23, v22;
	_ =	sdelay $0x1  }
0x137: {  	v24 =	vadd.f32 v31, v30;
	_ =	sdelay $0x1  }
0x138: {  	(erf) = vrcp.f32 v24;
	_ =	sdelay $0x8  }
0x139: {  	v24 =	vpop (erf)  }
0x13a: {  	v20 =	vmul.f32 v24, v20  }
0x13b: {  	v21 =	vmul.f32 v24, v21  }
0x13c: {  	[tilespmem:$0x16040] =	vst v20;
	v20 =	vmul.f32 v24, v22  }
0x13d: {  	[tilespmem:$0x16810] =	vst v21;
	v21 =	vmul.f32 v24, v23  }
0x13e: {  	[tilespmem:$0x16FE0] =	vst v20  }
0x13f: {  	[tilespmem:$0x177B0] =	vst v21  }
0x140: {  	[hbm4b:s7+s19] =	stream.linear.scatter [tilespmem:s10], [sflag:$0x3], $0x7D0, $0x38;
	[tilespmem:$0x19880] =	vst v63  }
0x141: {  	s24 =	rddreg [dreg:$0x8]  }
0x142: {  	[hbm4b:s24+s19] =	stream.linear.scatter [tilespmem:s11], [sflag:$0x3], $0x7D0, $0x38;
	[tilespmem:$0x19880] =	vst v63  }
0x143: {  	s25 =	rddreg [dreg:$0x19]  }
0x144: {  	[hbm4b:s25+s19] =	stream.linear.scatter [tilespmem:s12], [sflag:$0x3], $0x7D0, $0x38;
	[tilespmem:$0x19880] =	vst v63  }
0x145: {  	_ = 	snop  }
0x146: {  	[hbm4b:s29+s19] =	stream.linear.scatter [tilespmem:s13], [sflag:$0x3], $0x7D0, $0x38;
	[tilespmem:$0x19880] =	vst v63  }
0x147: {  	s26 =	rddreg [dreg:$0x9]  }
0x148: {  	[tilespmem:s5], [sflag:$0x1] =	stream.linear.gather [hbm4b:s26+s19], $0x7D0, $0x38;
	[tilespmem:$0x19880] =	vst v63  }
0x149: {  	s28 =	rddreg [dreg:$0xa]  }
0x14a: {  	[tilespmem:s6], [sflag:$0x1] =	stream.linear.gather [hbm4b:s28+s19], $0x7D0, $0x38;
	[tilespmem:$0x19880] =	vst v63  }
0x14b: {  	_ =	swait.ge [sflag:s14], $0x7D0  }
0x14c: {  	[sflag:s14] =	ssyncset.done $0x0  }
0x14d: {  	[sflag:s14] =	ssyncadd.s32 $0xFFFFF830  }
0x14e: {  	_ =	swait.ge [sflag:s14], $0x7D0  }
0x14f: {  	[sflag:s14] =	ssyncset.done $0x0  }
0x150: {  	s20 =	simm.s32 $0x15090;
	[sflag:s14] =	ssyncadd.s32 $0xFFFFF830  }
0x151: {  	s23 =	simm.s32 $0x14090;
	v20 =	vld [tilespmem:s20+$0xFFFFFFF0]  }
0x152: {  	v21 =	vld [tilespmem:s23+$0xFFFFFFF0];
	_ =	sdelay $0x3  }
0x153: {  	v22 =	vadd.s32 $0xC350, v20  }
0x154: {  	v32 =	vadd.s32 $0xEA60, v20  }
0x155: {  	v23 =	vadd.s32 $0x11170, v20;
	v20 =	vadd.s32 $0x9C40, v20  }
0x156: {  	v33 =	vadd.s32 $0x2710, v21  }
0x157: {  	v35 =	vadd.s32 $0x4E20, v21;
	v34 =	vld.idx.msk [tilespmem:v21+s2+$0x0], $0xffff  }
0x158: {  	v22 =	vld.idx.msk [tilespmem:v22+s2+$0x0], $0xffff  }
0x159: {  	v24 =	vld.idx.msk [tilespmem:v32+s2+$0x0], $0xffff  }
0x15a: {  	v20 =	vld.idx.msk [tilespmem:v20+s2+$0x0], $0xffff  }
0x15b: {  	v21 =	vadd.s32 $0x7530, v21;
	v25 =	vld.idx.msk [tilespmem:v33+s2+$0x0], $0xffff  }
0x15c: {  	v27 =	vld.idx.msk [tilespmem:v35+s2+$0x0], $0xffff;
	_ =	sdelay $0x2  }
0x15d: {  	v23 =	vld.idx.msk [tilespmem:v23+s2+$0x0], $0xffff;
	v20 =	vadd.f32 v20, v34  }
0x15e: {  	v21 =	vld.idx.msk [tilespmem:v21+s2+$0x0], $0xffff;
	v22 =	vadd.f32 v22, v25  }
0x15f: {  	v24 =	vadd.f32 v24, v27;
	v36 =	vmul.f32 v20, v6;
	v26 =	vmul.f32 v20, v16  }
0x160: {  	v37 =	vmul.f32 v22, v15;
	v38 =	vmul.f32 v22, v8  }
0x161: {  	v39 =	vmul.f32 v24, v4;
	v30 =	vmul.f32 v22, v11  }
0x162: {  	v40 =	vmul.f32 v24, v9;
	v22 =	vmul.f32 v22, v18  }
0x163: {  	v21 =	vadd.f32 v23, v21;
	v23 =	vmul.f32 v20, v12;
	v20 =	vmul.f32 v20, v19  }
0x164: {  	v41 =	vmul.f32 v24, v2;
	v25 =	vadd.f32 v36, v5;
	v26 =	vadd.f32 v26, v13  }
0x165: {  	v23 =	vadd.f32 v23, v10;
	v20 =	vadd.f32 v20, v17;
	v42 =	vmul.f32 v21, v0  }
0x166: {  	v43 =	vmul.f32 v21, v3;
	v25 =	vadd.f32 v38, v25;
	v26 =	vadd.f32 v37, v26  }
0x167: {  	v23 =	vadd.f32 v30, v23;
	v20 =	vadd.f32 v22, v20;
	v22 =	vmul.f32 v24, v14  }
0x168: {  	v44 =	vmul.f32 v21, v1;
	v25 =	vadd.f32 v39, v25;
	v26 =	vadd.f32 v40, v26  }
0x169: {  	v21 =	vmul.f32 v21, v7;
	v23 =	vadd.f32 v41, v23;
	v20 =	vadd.f32 v22, v20  }
0x16a: {  	v22 =	vadd.f32 v42, v25;
	v45 =	vadd.f32 v43, v26  }
0x16b: {  	v23 =	vadd.f32 v44, v23;
	v20 =	vadd.f32 v21, v20;
	_ =	sdelay $0x1  }
0x16c: {  	v21 =	vmax.f32 v22, v23;
	v46 =	vmax.f32 v45, v20  }
0x16d: {  	v21 =	vmax.f32 v21, v46  }
0x16e: {  	v22 =	vsub.f32 v22, v21  }
0x16f: {  	v20 =	vsub.f32 v20, v21  }
0x170: {  	v24 =	vsub.f32 v45, v21;
	v22 =	vmul.f32 $1.442695020e+00, v22  }
0x171: {  	v21 =	vsub.f32 v23, v21;
	v20 =	vmul.f32 $1.442695020e+00, v20  }
0x172: {  	v23 =	vmul.f32 $1.442695020e+00, v24;
	(erf) = vpow2.f32 v22  }
0x173: {  	v21 =	vmul.f32 $1.442695020e+00, v21;
	(erf) = vpow2.f32 v20  }
0x174: {  	(erf) = vpow2.f32 v23  }
0x175: {  	(erf) = vpow2.f32 v21;
	_ =	sdelay $0x5  }
0x176: {  	v20 =	vpop (erf)  }
0x177: {  	v21 =	vpop (erf)  }
0x178: {  	v22 =	vpop (erf)  }
0x179: {  	v23 =	vpop (erf)  }
0x17a: {  	v47 =	vadd.f32 v21, v22;
	v48 =	vadd.f32 v23, v20;
	_ =	sdelay $0x1  }
0x17b: {  	v24 =	vadd.f32 v47, v48;
	_ =	sdelay $0x1  }
0x17c: {  	(erf) = vrcp.f32 v24;
	_ =	sdelay $0x8  }
0x17d: {  	v24 =	vpop (erf)  }
0x17e: {  	v20 =	vmul.f32 v24, v20  }
0x17f: {  	s21 =	simm.s32 $0x187A0;
	v22 =	vmul.f32 v24, v22  }
0x180: {  	v23 =	vmul.f32 v24, v23;
	[tilespmem:s21+$0xFFFFF060] =	vst v20  }
0x181: {  	v20 =	vmul.f32 v24, v21;
	[tilespmem:s21+$0x0] =	vst v22  }
0x182: {  	[tilespmem:s21+$0xFFFFF830] =	vst v23  }
0x183: {  	[tilespmem:s21+$0x7D0] =	vst v20  }
0x184: {  	v20 =	vld [tilespmem:s20+$0x0]  }
0x185: {  	v21 =	vld [tilespmem:s23+$0x0];
	_ =	sdelay $0x3  }
0x186: {  	v22 =	vadd.s32 $0x9C40, v20  }
0x187: {  	v23 =	vadd.s32 $0xC350, v20  }
0x188: {  	v49 =	vadd.s32 $0x4E20, v21  }
0x189: {  	v50 =	vadd.s32 $0x2710, v21  }
0x18a: {  	v51 =	vadd.s32 $0xEA60, v20;
	v52 =	vld.idx.msk [tilespmem:v21+s2+$0x0], $0xffff  }
0x18b: {  	v22 =	vld.idx.msk [tilespmem:v22+s2+$0x0], $0xffff  }
0x18c: {  	v20 =	vadd.s32 $0x11170, v20;
	v23 =	vld.idx.msk [tilespmem:v23+s2+$0x0], $0xffff  }
0x18d: {  	v21 =	vadd.s32 $0x7530, v21;
	v24 =	vld.idx.msk [tilespmem:v49+s2+$0x0], $0xffff  }
0x18e: {  	v25 =	vld.idx.msk [tilespmem:v50+s2+$0x0], $0xffff  }
0x18f: {  	v26 =	vld.idx.msk [tilespmem:v51+s2+$0x0], $0xffff;
	_ =	sdelay $0x1  }
0x190: {  	v20 =	vld.idx.msk [tilespmem:v20+s2+$0x0], $0xffff;
	v22 =	vadd.f32 v22, v52  }
0x191: {  	v21 =	vld.idx.msk [tilespmem:v21+s2+$0x0], $0xffff  }
0x192: {  	v23 =	vadd.f32 v23, v25;
	v27 =	vmul.f32 v22, v6;
	v53 =	vmul.f32 v22, v12  }
0x193: {  	v24 =	vadd.f32 v26, v24;
	v54 =	vmul.f32 v22, v16;
	v22 =	vmul.f32 v22, v19  }
0x194: {  	v55 =	vmul.f32 v23, v8;
	v56 =	vmul.f32 v23, v15  }
0x195: {  	v58 =	vmul.f32 v24, v4;
	v59 =	vmul.f32 v24, v9  }
0x196: {  	v20 =	vadd.f32 v20, v21;
	v21 =	vmul.f32 v23, v11;
	v27 =	vadd.f32 v27, v5  }
0x197: {  	v23 =	vmul.f32 v23, v18;
	v25 =	vadd.f32 v54, v13;
	v22 =	vadd.f32 v22, v17  }
0x198: {  	v28 =	vadd.f32 v53, v10;
	v57 =	vmul.f32 v20, v3;
	v60 =	vmul.f32 v20, v0  }
0x199: {  	v25 =	vadd.f32 v56, v25;
	v22 =	vadd.f32 v23, v22;
	v23 =	vmul.f32 v24, v14  }
0x19a: {  	v26 =	vadd.f32 v55, v27;
	v21 =	vadd.f32 v21, v28;
	v24 =	vmul.f32 v24, v2  }
0x19b: {  	v22 =	vadd.f32 v23, v22;
	v23 =	vmul.f32 v20, v7;
	v25 =	vadd.f32 v59, v25  }
0x19c: {  	v26 =	vadd.f32 v58, v26;
	v21 =	vadd.f32 v24, v21;
	v20 =	vmul.f32 v20, v1  }
0x19d: {  	v22 =	vadd.f32 v23, v22;
	v23 =	vadd.f32 v57, v25  }
0x19e: {  	v61 =	vadd.f32 v60, v26;
	v20 =	vadd.f32 v20, v21;
	_ =	sdelay $0x1  }
0x19f: {  	v21 =	vmax.f32 v23, v22;
	v62 =	vmax.f32 v61, v20  }
0x1a0: {  	v21 =	vmax.f32 v62, v21  }
0x1a1: {  	v20 =	vsub.f32 v20, v21  }
0x1a2: {  	v23 =	vsub.f32 v23, v21  }
0x1a3: {  	v24 =	vsub.f32 v61, v21;
	v21 =	vsub.f32 v22, v21;
	v63 =	vmul.f32 $1.442695020e+00, v20  }
0x1a4: {  	v22 =	vmul.f32 $1.442695020e+00, v23  }
0x1a5: {  	s24 =	simm.s32 $0x0;
	v21 =	vmul.f32 $1.442695020e+00, v21;
	(erf) = vpow2.f32 v63  }
0x1a6: {  	s25 =	simm.s32 $0x140B0;
	s26 =	simm.s32 $0x20;
	s23 =	simm.s32 $0x187A0;
	v20 =	vmul.f32 $1.442695020e+00, v24;
	(erf) = vpow2.f32 v22  }
.LBB2_4:
0x1a7: {  	s24 =	sadd.s32 $0x2, s24;
	s21 =	sadd.s32 $0x20, s21;
	s20 =	sadd.s32 $0x20, s20;
	(erf) = vpow2.f32 v21  }
0x1a8: {  	p0 =	slt.u32 s24, $0x7A;
	(erf) = vpow2.f32 v20;
	_ =	sdelay $0x5  }
0x1a9: {  	v20 =	vpop (erf)  }
0x1aa: {  	v21 =	vpop (erf)  }
0x1ab: {  	v22 =	vpop (erf)  }
0x1ac: {  	v23 =	vadd.f32 v22, v21;
	v24 =	vpop (erf)  }
0x1ad: {  	v25 =	vadd.f32 v20, v24;
	_ =	sdelay $0x1  }
0x1ae: {  	v23 =	vadd.f32 v23, v25;
	_ =	sdelay $0x1  }
0x1af: {  	(erf) = vrcp.f32 v23;
	_ =	sdelay $0x8  }
0x1b0: {  	v23 =	vpop (erf)  }
0x1b1: {  	v24 =	vmul.f32 v23, v24;
	v20 =	vmul.f32 v23, v20  }
0x1b2: {  	v21 =	vmul.f32 v23, v21;
	v22 =	vmul.f32 v23, v22  }
0x1b3: {  	[tilespmem:s23+$0xFFFFF070] =	vst v24  }
0x1b4: {  	[tilespmem:s23+$0xFFFFF840] =	vst v20;
	_ =	sdelay $0x1  }
0x1b5: {  	s28 =	sand.u32 $0x7E0, s19;
	s19 =	smov.u32 s26;
	[tilespmem:s23+$0x10] =	vst v21;
	s23 =	smov.u32 s21  }
0x1b6: {  	[tilespmem:s28+$0x18F80] =	vst v22  }
0x1b7: {  	v20 =	vld [tilespmem:s20+$0xFFFFFFF0]  }
0x1b8: {  	v21 =	vld [tilespmem:s25+$0xFFFFFFF0];
	_ =	sdelay $0x3  }
0x1b9: {  	v22 =	vadd.s32 $0xC350, v20;
	v23 =	vadd.s32 $0xEA60, v20;
	v24 =	vadd.s32 $0x11170, v20  }
0x1ba: {  	v20 =	vadd.s32 $0x9C40, v20;
	v25 =	vadd.s32 $0x2710, v21;
	v26 =	vadd.s32 $0x7530, v21;
	_ =	sdelay $0x2  }
0x1bb: {  	v27 =	vld.idx.msk [tilespmem:v21+s2+$0x0], $0xffff  }
0x1bc: {  	v21 =	vadd.s32 $0x4E20, v21;
	v22 =	vld.idx.msk [tilespmem:v22+s2+$0x0], $0xffff  }
0x1bd: {  	v24 =	vld.idx.msk [tilespmem:v24+s2+$0x0], $0xffff  }
0x1be: {  	v23 =	vld.idx.msk [tilespmem:v23+s2+$0x0], $0xffff  }
0x1bf: {  	v20 =	vld.idx.msk [tilespmem:v20+s2+$0x0], $0xffff  }
0x1c0: {  	v25 =	vld.idx.msk [tilespmem:v25+s2+$0x0], $0xffff  }
0x1c1: {  	v21 =	vld.idx.msk [tilespmem:v21+s2+$0x0], $0xffff  }
0x1c2: {  	v26 =	vld.idx.msk [tilespmem:v26+s2+$0x0], $0xffff;
	_ =	sdelay $0x2  }
0x1c3: {  	v20 =	vadd.f32 v20, v27  }
0x1c4: {  	v22 =	vadd.f32 v22, v25  }
0x1c5: {  	v21 =	vadd.f32 v23, v21;
	v23 =	vmul.f32 v20, v6;
	v25 =	vmul.f32 v20, v16  }
0x1c6: {  	v24 =	vadd.f32 v24, v26;
	v26 =	vmul.f32 v20, v12;
	v27 =	vmul.f32 v22, v15  }
0x1c7: {  	v28 =	vmul.f32 v22, v8;
	v23 =	vadd.f32 v23, v5;
	v25 =	vadd.f32 v25, v13  }
0x1c8: {  	v30 =	vmul.f32 v22, v11;
	v29 =	vmul.f32 v21, v4;
	v26 =	vadd.f32 v26, v10  }
0x1c9: {  	v23 =	vadd.f32 v28, v23;
	v25 =	vadd.f32 v27, v25;
	v27 =	vmul.f32 v21, v9  }
0x1ca: {  	v20 =	vmul.f32 v20, v19;
	v28 =	vmul.f32 v21, v2;
	v26 =	vadd.f32 v30, v26  }
0x1cb: {  	v23 =	vadd.f32 v29, v23;
	v25 =	vadd.f32 v27, v25  }
0x1cc: {  	v22 =	vmul.f32 v22, v18;
	v20 =	vadd.f32 v20, v17;
	v26 =	vadd.f32 v28, v26;
	_ =	sdelay $0x1  }
0x1cd: {  	v21 =	vmul.f32 v21, v14;
	v20 =	vadd.f32 v22, v20  }
0x1ce: {  	v22 =	vmul.f32 v24, v0;
	v27 =	vmul.f32 v24, v3  }
0x1cf: {  	v28 =	vmul.f32 v24, v1;
	v20 =	vadd.f32 v21, v20;
	v21 =	vmul.f32 v24, v7  }
0x1d0: {  	v22 =	vadd.f32 v22, v23;
	v23 =	vadd.f32 v27, v25  }
0x1d1: {  	v24 =	vadd.f32 v28, v26;
	v20 =	vadd.f32 v21, v20;
	_ =	sdelay $0x1  }
0x1d2: {  	v21 =	vmax.f32 v22, v24;
	v25 =	vmax.f32 v23, v20  }
0x1d3: {  	v21 =	vmax.f32 v21, v25  }
0x1d4: {  	v22 =	vsub.f32 v22, v21;
	v24 =	vsub.f32 v24, v21  }
0x1d5: {  	v23 =	vsub.f32 v23, v21;
	v20 =	vsub.f32 v20, v21  }
0x1d6: {  	v21 =	vmul.f32 $1.442695020e+00, v22;
	v22 =	vmul.f32 $1.442695020e+00, v24  }
0x1d7: {  	v23 =	vmul.f32 $1.442695020e+00, v23;
	v20 =	vmul.f32 $1.442695020e+00, v20  }
0x1d8: {  	(erf) = vpow2.f32 v21  }
0x1d9: {  	(erf) = vpow2.f32 v20  }
0x1da: {  	(erf) = vpow2.f32 v23;
	_ =	sdelay $0x3  }
0x1db: {  	(erf) = vpow2.f32 v22;
	_ =	sdelay $0x2  }
0x1dc: {  	v20 =	vpop (erf)  }
0x1dd: {  	v21 =	vpop (erf)  }
0x1de: {  	v22 =	vpop (erf)  }
0x1df: {  	v23 =	vadd.f32 v21, v22;
	_ =	sdelay $0x2  }
0x1e0: {  	v24 =	vpop (erf)  }
0x1e1: {  	v25 =	vadd.f32 v24, v20;
	_ =	sdelay $0x1  }
0x1e2: {  	v23 =	vadd.f32 v23, v25;
	_ =	sdelay $0x1  }
0x1e3: {  	(erf) = vrcp.f32 v23;
	_ =	sdelay $0x8  }
0x1e4: {  	v23 =	vpop (erf)  }
0x1e5: {  	v20 =	vmul.f32 v23, v20;
	v24 =	vmul.f32 v23, v24  }
0x1e6: {  	v22 =	vmul.f32 v23, v22;
	v21 =	vmul.f32 v23, v21  }
0x1e7: {  	[tilespmem:s21+$0xFFFFF060] =	vst v20  }
0x1e8: {  	[tilespmem:s21+$0x0] =	vst v22  }
0x1e9: {  	[tilespmem:s21+$0xFFFFF830] =	vst v24  }
0x1ea: {  	[tilespmem:s21+$0x7D0] =	vst v21  }
0x1eb: {  	v20 =	vld [tilespmem:s20+$0x0]  }
0x1ec: {  	v21 =	vld [tilespmem:s25+$0x0];
	_ =	sdelay $0x3  }
0x1ed: {  	v22 =	vadd.s32 $0x9C40, v20;
	v23 =	vadd.s32 $0xC350, v20;
	v24 =	vadd.s32 $0xEA60, v20  }
0x1ee: {  	v20 =	vadd.s32 $0x11170, v20;
	v25 =	vadd.s32 $0x4E20, v21;
	_ =	sdelay $0x1  }
0x1ef: {  	v26 =	vadd.s32 $0x2710, v21  }
0x1f0: {  	v27 =	vld.idx.msk [tilespmem:v21+s2+$0x0], $0xffff  }
0x1f1: {  	v21 =	vadd.s32 $0x7530, v21;
	v22 =	vld.idx.msk [tilespmem:v22+s2+$0x0], $0xffff  }
0x1f2: {  	v23 =	vld.idx.msk [tilespmem:v23+s2+$0x0], $0xffff  }
0x1f3: {  	v25 =	vld.idx.msk [tilespmem:v25+s2+$0x0], $0xffff  }
0x1f4: {  	v26 =	vld.idx.msk [tilespmem:v26+s2+$0x0], $0xffff  }
0x1f5: {  	v24 =	vld.idx.msk [tilespmem:v24+s2+$0x0], $0xffff  }
0x1f6: {  	v21 =	vld.idx.msk [tilespmem:v21+s2+$0x0], $0xffff  }
0x1f7: {  	v22 =	vadd.f32 v22, v27;
	v20 =	vld.idx.msk [tilespmem:v20+s2+$0x0], $0xffff;
	_ =	sdelay $0x1  }
0x1f8: {  	v27 =	vmul.f32 v22, v6;
	v28 =	vmul.f32 v22, v12  }
0x1f9: {  	v23 =	vadd.f32 v23, v26;
	v26 =	vmul.f32 v22, v16;
	v22 =	vmul.f32 v22, v19  }
0x1fa: {  	v27 =	vadd.f32 v27, v5;
	v28 =	vadd.f32 v28, v10  }
0x1fb: {  	v24 =	vadd.f32 v24, v25;
	v25 =	vmul.f32 v23, v8;
	v26 =	vadd.f32 v26, v13  }
0x1fc: {  	v29 =	vmul.f32 v23, v15;
	v20 =	vadd.f32 v20, v21;
	v21 =	vmul.f32 v23, v11  }
0x1fd: {  	v22 =	vadd.f32 v22, v17;
	v23 =	vmul.f32 v23, v18;
	v25 =	vadd.f32 v25, v27  }
0x1fe: {  	v26 =	vadd.f32 v29, v26;
	v21 =	vadd.f32 v21, v28;
	v27 =	vmul.f32 v20, v3  }
0x1ff: {  	v28 =	vmul.f32 v24, v4;
	v22 =	vadd.f32 v23, v22;
	v23 =	vmul.f32 v24, v14  }
0x200: {  	v30 =	vmul.f32 v24, v9;
	v29 =	vmul.f32 v20, v0  }
0x201: {  	v24 =	vmul.f32 v24, v2;
	v22 =	vadd.f32 v23, v22;
	v23 =	vmul.f32 v20, v7  }
0x202: {  	v26 =	vadd.f32 v30, v26;
	v25 =	vadd.f32 v28, v25  }
0x203: {  	v21 =	vadd.f32 v24, v21;
	v20 =	vmul.f32 v20, v1;
	v22 =	vadd.f32 v23, v22  }
0x204: {  	v23 =	vadd.f32 v27, v26  }
0x205: {  	v24 =	vadd.f32 v29, v25;
	v20 =	vadd.f32 v20, v21  }
0x206: {  	v21 =	vmax.f32 v23, v22  }
0x207: {  	v25 =	vmax.f32 v24, v20  }
0x208: {  	v21 =	vmax.f32 v25, v21  }
0x209: {  	v24 =	vsub.f32 v24, v21;
	v25 =	vsub.f32 v20, v21  }
.Ltmp1:
0x20a: {  	v23 =	vsub.f32 v23, v21;
	v21 =	vsub.f32 v22, v21;
	(pc) =	sbr.rel @p0 .LBB2_4-.Ltmp1, $4  }
0x20b: {  	v20 =	vmul.f32 $1.442695020e+00, v24;
	v22 =	vmul.f32 $1.442695020e+00, v25  }
0x20c: {  	v23 =	vmul.f32 $1.442695020e+00, v23;
	v21 =	vmul.f32 $1.442695020e+00, v21  }
0x20d: {  	(erf) = vpow2.f32 v22  }
0x20e: {  	s26 =	sadd.s32 $0x20, s26;
	s25 =	sadd.s32 $0x20, s25;
	(erf) = vpow2.f32 v23  }
0x20f: {  	(erf) = vpow2.f32 v21  }
0x210: {  	(erf) = vpow2.f32 v20;
	_ =	sdelay $0x5  }
0x211: {  	v20 =	vpop (erf)  }
0x212: {  	v21 =	vpop (erf)  }
0x213: {  	v22 =	vpop (erf)  }
0x214: {  	v23 =	vpop (erf)  }
0x215: {  	v24 =	vadd.f32 v22, v21;
	v25 =	vadd.f32 v20, v23;
	_ =	sdelay $0x1  }
0x216: {  	v24 =	vadd.f32 v24, v25;
	_ =	sdelay $0x1  }
0x217: {  	(erf) = vrcp.f32 v24;
	_ =	sdelay $0x8  }
0x218: {  	v24 =	vpop (erf)  }
0x219: {  	v23 =	vmul.f32 v24, v23  }
0x21a: {  	v20 =	vmul.f32 v24, v20  }
0x21b: {  	v21 =	vmul.f32 v24, v21;
	[tilespmem:s23+$0xFFFFF070] =	vst v23  }
0x21c: {  	v22 =	vmul.f32 v24, v22;
	[tilespmem:s23+$0xFFFFF840] =	vst v20  }
0x21d: {  	s19 =	sand.u32 $0x7E0, s19;
	[tilespmem:s23+$0x10] =	vst v21  }
0x21e: {  	[tilespmem:s19+$0x18F80] =	vst v22  }
0x21f: {  	v20 =	vld [tilespmem:$0x15840]  }
0x220: {  	v21 =	vld [tilespmem:$0x14840];
	_ =	sdelay $0x3  }
0x221: {  	v22 =	vadd.s32 $0x9C40, v20  }
0x222: {  	v23 =	vadd.s32 $0x2710, v21  }
0x223: {  	v52 =	vadd.s32 $0xC350, v20  }
0x224: {  	s19 =	simm.s32 $0x0;
	v53 =	vadd.s32 $0x4E20, v21  }
0x225: {  	v27 =	vadd.s32 $0xEA60, v20;
	v26 =	vld.idx.msk [tilespmem:v21+s19+$0x0], $0xffff  }
0x226: {  	v22 =	vld.idx.msk [tilespmem:v22+s19+$0x0], $0xffff  }
0x227: {  	v23 =	vld.idx.msk [tilespmem:v23+s19+$0x0], $0xffff  }
0x228: {  	v24 =	vld.idx.msk [tilespmem:v52+s19+$0x0], $0xffff  }
0x229: {  	v20 =	vadd.s32 $0x11170, v20;
	v25 =	vld.idx.msk [tilespmem:v53+s19+$0x0], $0xffff  }
0x22a: {  	v21 =	vadd.s32 $0x7530, v21;
	v27 =	vld.idx.msk [tilespmem:v27+s19+$0x0], $0xffff;
	_ =	sdelay $0x3  }
0x22b: {  	v20 =	vld.idx.msk [tilespmem:v20+s19+$0x0], $0xffff;
	v22 =	vadd.f32 v22, v26;
	v23 =	vadd.f32 v24, v23  }
0x22c: {  	v21 =	vld.idx.msk [tilespmem:v21+s19+$0x0], $0xffff;
	v25 =	vadd.f32 v27, v25  }
0x22d: {  	v54 =	vmul.f32 v22, v6;
	v55 =	vmul.f32 v23, v8  }
0x22e: {  	v56 =	vmul.f32 v25, v4;
	v57 =	vmul.f32 v22, v16  }
0x22f: {  	v28 =	vmul.f32 v23, v11;
	v59 =	vmul.f32 v23, v15  }
0x230: {  	v23 =	vmul.f32 v23, v18;
	v60 =	vmul.f32 v25, v2  }
0x231: {  	v20 =	vadd.f32 v20, v21;
	v21 =	vmul.f32 v22, v12;
	v22 =	vmul.f32 v22, v19  }
0x232: {  	v61 =	vmul.f32 v25, v9;
	v24 =	vadd.f32 v54, v5;
	v58 =	vadd.f32 v57, v13  }
0x233: {  	v21 =	vadd.f32 v21, v10;
	v22 =	vadd.f32 v22, v17;
	v29 =	vmul.f32 v20, v0  }
0x234: {  	v62 =	vmul.f32 v20, v1;
	v24 =	vadd.f32 v55, v24;
	v26 =	vadd.f32 v59, v58  }
0x235: {  	v21 =	vadd.f32 v28, v21;
	v22 =	vadd.f32 v23, v22;
	v23 =	vmul.f32 v25, v14  }
0x236: {  	v63 =	vmul.f32 v20, v3;
	v24 =	vadd.f32 v56, v24;
	v26 =	vadd.f32 v61, v26  }
0x237: {  	v20 =	vmul.f32 v20, v7;
	v21 =	vadd.f32 v60, v21;
	v22 =	vadd.f32 v23, v22  }
0x238: {  	v23 =	vadd.f32 v29, v24;
	v28 =	vadd.f32 v63, v26  }
0x239: {  	v21 =	vadd.f32 v62, v21;
	v20 =	vadd.f32 v20, v22;
	_ =	sdelay $0x1  }
0x23a: {  	v22 =	vmax.f32 v23, v21;
	v29 =	vmax.f32 v28, v20  }
0x23b: {  	v22 =	vmax.f32 v22, v29  }
0x23c: {  	v23 =	vsub.f32 v23, v22  }
0x23d: {  	v21 =	vsub.f32 v21, v22  }
0x23e: {  	v24 =	vsub.f32 v28, v22;
	v23 =	vmul.f32 $1.442695020e+00, v23  }
0x23f: {  	v20 =	vsub.f32 v20, v22;
	v21 =	vmul.f32 $1.442695020e+00, v21  }
0x240: {  	v22 =	vmul.f32 $1.442695020e+00, v24;
	(erf) = vpow2.f32 v23  }
0x241: {  	v20 =	vmul.f32 $1.442695020e+00, v20;
	(erf) = vpow2.f32 v21  }
0x242: {  	(erf) = vpow2.f32 v22  }
0x243: {  	(erf) = vpow2.f32 v20;
	_ =	sdelay $0x5  }
0x244: {  	v20 =	vpop (erf)  }
0x245: {  	v21 =	vpop (erf)  }
0x246: {  	v22 =	vpop (erf)  }
0x247: {  	v23 =	vpop (erf)  }
0x248: {  	v30 =	vadd.f32 v21, v20;
	v31 =	vadd.f32 v23, v22;
	_ =	sdelay $0x1  }
0x249: {  	v24 =	vadd.f32 v31, v30;
	_ =	sdelay $0x1  }
0x24a: {  	(erf) = vrcp.f32 v24;
	_ =	sdelay $0x8  }
0x24b: {  	v24 =	vpop (erf)  }
0x24c: {  	v20 =	vmul.f32 v24, v20  }
0x24d: {  	v21 =	vmul.f32 v24, v21  }
0x24e: {  	[tilespmem:$0x17FC0] =	vst v20;
	v20 =	vmul.f32 v24, v22  }
0x24f: {  	[tilespmem:$0x18790] =	vst v21;
	v21 =	vmul.f32 v24, v23  }
0x250: {  	[tilespmem:$0x18F60] =	vst v20  }
0x251: {  	s20 =	rddreg [dreg:$0xb];
	s21 =	simm.s32 $0x17800;
	[tilespmem:$0x19730] =	vst v21  }
0x252: {  	[hbm4b:s20+s19] =	stream.linear.scatter [tilespmem:s21], [sflag:$0x4], $0x7D0, $0x38;
	[tilespmem:$0x19880] =	vst v63  }
0x253: {  	s25 =	rddreg [dreg:$0xc];
	s26 =	simm.s32 $0x17FD0  }
0x254: {  	[hbm4b:s25+s19] =	stream.linear.scatter [tilespmem:s26], [sflag:$0x4], $0x7D0, $0x38;
	[tilespmem:$0x19880] =	vst v63  }
0x255: {  	s28 =	simm.s32 $0x187A0  }
0x256: {  	[hbm4b:s30+s19] =	stream.linear.scatter [tilespmem:s28], [sflag:$0x4], $0x7D0, $0x38;
	[tilespmem:$0x19880] =	vst v63  }
0x257: {  	s21 =	simm.s32 $0x18F70  }
0x258: {  	[hbm4b:s31+s19] =	stream.linear.scatter [tilespmem:s21], [sflag:$0x4], $0x7D0, $0x38;
	[tilespmem:$0x19880] =	vst v63  }
0x259: {  	s24 =	simm.s32 $0x14080;
	s23 =	rddreg [dreg:$0xd]  }
0x25a: {  	[tilespmem:s24], [sflag:$0x2] =	stream.linear.gather [hbm4b:s23+s19], $0x7D0, $0x38;
	[tilespmem:$0x19880] =	vst v63  }
0x25b: {  	s25 =	rddreg [dreg:$0xe];
	s26 =	simm.s32 $0x15080  }
0x25c: {  	[tilespmem:s26], [sflag:$0x2] =	stream.linear.gather [hbm4b:s25+s19], $0x7D0, $0x38;
	[tilespmem:$0x19880] =	vst v63  }
0x25d: {  	_ =	swait.ge [sflag:s9], $0x7D0  }
0x25e: {  	[sflag:s9] =	ssyncset.done $0x0  }
0x25f: {  	[sflag:s9] =	ssyncadd.s32 $0xFFFFF830  }
0x260: {  	_ =	swait.ge [sflag:s9], $0x7D0  }
0x261: {  	[sflag:s9] =	ssyncset.done $0x0  }
0x262: {  	[sflag:s9] =	ssyncadd.s32 $0xFFFFF830  }
0x263: {  	_ =	swait.ge [sflag:s15], $0x7D0  }
0x264: {  	[sflag:s15] =	ssyncset.done $0x0  }
0x265: {  	[sflag:s15] =	ssyncadd.s32 $0xFFFFF830  }
0x266: {  	_ =	swait.ge [sflag:s15], $0x7D0  }
0x267: {  	[sflag:s15] =	ssyncset.done $0x0  }
0x268: {  	[sflag:s15] =	ssyncadd.s32 $0xFFFFF830  }
0x269: {  	_ =	swait.ge [sflag:s15], $0x7D0  }
0x26a: {  	[sflag:s15] =	ssyncset.done $0x0  }
0x26b: {  	[sflag:s15] =	ssyncadd.s32 $0xFFFFF830  }
0x26c: {  	_ =	swait.ge [sflag:s15], $0x7D0  }
0x26d: {  	[sflag:s15] =	ssyncset.done $0x0  }
0x26e: {  	s20 =	simm.s32 $0x14890;
	[sflag:s15] =	ssyncadd.s32 $0xFFFFF830  }
0x26f: {  	s28 =	simm.s32 $0x13890;
	v20 =	vld [tilespmem:s20+$0xFFFFFFF0]  }
0x270: {  	v21 =	vld [tilespmem:s28+$0xFFFFFFF0];
	_ =	sdelay $0x3  }
0x271: {  	v22 =	vadd.s32 $0xC350, v20  }
0x272: {  	v32 =	vadd.s32 $0xEA60, v20  }
0x273: {  	v23 =	vadd.s32 $0x11170, v20;
	v20 =	vadd.s32 $0x9C40, v20  }
0x274: {  	v33 =	vadd.s32 $0x2710, v21  }
0x275: {  	v35 =	vadd.s32 $0x4E20, v21;
	v34 =	vld.idx.msk [tilespmem:v21+s2+$0x0], $0xffff  }
0x276: {  	v22 =	vld.idx.msk [tilespmem:v22+s2+$0x0], $0xffff  }
0x277: {  	v24 =	vld.idx.msk [tilespmem:v32+s2+$0x0], $0xffff  }
0x278: {  	v20 =	vld.idx.msk [tilespmem:v20+s2+$0x0], $0xffff  }
0x279: {  	v21 =	vadd.s32 $0x7530, v21;
	v25 =	vld.idx.msk [tilespmem:v33+s2+$0x0], $0xffff  }
0x27a: {  	v27 =	vld.idx.msk [tilespmem:v35+s2+$0x0], $0xffff;
	_ =	sdelay $0x2  }
0x27b: {  	v23 =	vld.idx.msk [tilespmem:v23+s2+$0x0], $0xffff;
	v20 =	vadd.f32 v20, v34  }
0x27c: {  	v21 =	vld.idx.msk [tilespmem:v21+s2+$0x0], $0xffff;
	v22 =	vadd.f32 v22, v25  }
0x27d: {  	v24 =	vadd.f32 v24, v27;
	v36 =	vmul.f32 v20, v6;
	v26 =	vmul.f32 v20, v16  }
0x27e: {  	v37 =	vmul.f32 v22, v15;
	v38 =	vmul.f32 v22, v8  }
0x27f: {  	v39 =	vmul.f32 v24, v4;
	v30 =	vmul.f32 v22, v11  }
0x280: {  	v40 =	vmul.f32 v24, v9;
	v22 =	vmul.f32 v22, v18  }
0x281: {  	v21 =	vadd.f32 v23, v21;
	v23 =	vmul.f32 v20, v12;
	v20 =	vmul.f32 v20, v19  }
0x282: {  	v41 =	vmul.f32 v24, v2;
	v25 =	vadd.f32 v36, v5;
	v26 =	vadd.f32 v26, v13  }
0x283: {  	v23 =	vadd.f32 v23, v10;
	v20 =	vadd.f32 v20, v17;
	v42 =	vmul.f32 v21, v0  }
0x284: {  	v43 =	vmul.f32 v21, v3;
	v25 =	vadd.f32 v38, v25;
	v26 =	vadd.f32 v37, v26  }
0x285: {  	v23 =	vadd.f32 v30, v23;
	v20 =	vadd.f32 v22, v20;
	v22 =	vmul.f32 v24, v14  }
0x286: {  	v44 =	vmul.f32 v21, v1;
	v25 =	vadd.f32 v39, v25;
	v26 =	vadd.f32 v40, v26  }
0x287: {  	v21 =	vmul.f32 v21, v7;
	v23 =	vadd.f32 v41, v23;
	v20 =	vadd.f32 v22, v20  }
0x288: {  	v22 =	vadd.f32 v42, v25;
	v45 =	vadd.f32 v43, v26  }
0x289: {  	v23 =	vadd.f32 v44, v23;
	v20 =	vadd.f32 v21, v20;
	_ =	sdelay $0x1  }
0x28a: {  	v21 =	vmax.f32 v22, v23;
	v46 =	vmax.f32 v45, v20  }
0x28b: {  	v21 =	vmax.f32 v21, v46  }
0x28c: {  	v22 =	vsub.f32 v22, v21  }
0x28d: {  	v20 =	vsub.f32 v20, v21  }
0x28e: {  	v24 =	vsub.f32 v45, v21;
	v22 =	vmul.f32 $1.442695020e+00, v22  }
0x28f: {  	v21 =	vsub.f32 v23, v21;
	v20 =	vmul.f32 $1.442695020e+00, v20  }
0x290: {  	v23 =	vmul.f32 $1.442695020e+00, v24;
	(erf) = vpow2.f32 v22  }
0x291: {  	v21 =	vmul.f32 $1.442695020e+00, v21;
	(erf) = vpow2.f32 v20  }
0x292: {  	(erf) = vpow2.f32 v23  }
0x293: {  	(erf) = vpow2.f32 v21;
	_ =	sdelay $0x5  }
0x294: {  	v20 =	vpop (erf)  }
0x295: {  	v21 =	vpop (erf)  }
0x296: {  	v22 =	vpop (erf)  }
0x297: {  	v23 =	vpop (erf)  }
0x298: {  	v47 =	vadd.f32 v21, v22;
	v48 =	vadd.f32 v23, v20;
	_ =	sdelay $0x1  }
0x299: {  	v24 =	vadd.f32 v47, v48;
	_ =	sdelay $0x1  }
0x29a: {  	(erf) = vrcp.f32 v24;
	_ =	sdelay $0x8  }
0x29b: {  	v24 =	vpop (erf)  }
0x29c: {  	v20 =	vmul.f32 v24, v20  }
0x29d: {  	s21 =	simm.s32 $0x16820;
	v22 =	vmul.f32 v24, v22  }
0x29e: {  	v23 =	vmul.f32 v24, v23;
	[tilespmem:s21+$0xFFFFF060] =	vst v20  }
0x29f: {  	v20 =	vmul.f32 v24, v21;
	[tilespmem:s21+$0x0] =	vst v22  }
0x2a0: {  	[tilespmem:s21+$0xFFFFF830] =	vst v23  }
0x2a1: {  	[tilespmem:s21+$0x7D0] =	vst v20  }
0x2a2: {  	v20 =	vld [tilespmem:s20+$0x0]  }
0x2a3: {  	v21 =	vld [tilespmem:s28+$0x0];
	_ =	sdelay $0x3  }
0x2a4: {  	v22 =	vadd.s32 $0x9C40, v20  }
0x2a5: {  	v23 =	vadd.s32 $0xC350, v20  }
0x2a6: {  	v49 =	vadd.s32 $0x4E20, v21  }
0x2a7: {  	v50 =	vadd.s32 $0x2710, v21  }
0x2a8: {  	v51 =	vadd.s32 $0xEA60, v20;
	v52 =	vld.idx.msk [tilespmem:v21+s2+$0x0], $0xffff  }
0x2a9: {  	v22 =	vld.idx.msk [tilespmem:v22+s2+$0x0], $0xffff  }
0x2aa: {  	v20 =	vadd.s32 $0x11170, v20;
	v23 =	vld.idx.msk [tilespmem:v23+s2+$0x0], $0xffff  }
0x2ab: {  	v21 =	vadd.s32 $0x7530, v21;
	v24 =	vld.idx.msk [tilespmem:v49+s2+$0x0], $0xffff  }
0x2ac: {  	v25 =	vld.idx.msk [tilespmem:v50+s2+$0x0], $0xffff  }
0x2ad: {  	v26 =	vld.idx.msk [tilespmem:v51+s2+$0x0], $0xffff;
	_ =	sdelay $0x1  }
0x2ae: {  	v20 =	vld.idx.msk [tilespmem:v20+s2+$0x0], $0xffff;
	v22 =	vadd.f32 v22, v52  }
0x2af: {  	v21 =	vld.idx.msk [tilespmem:v21+s2+$0x0], $0xffff  }
0x2b0: {  	v23 =	vadd.f32 v23, v25;
	v27 =	vmul.f32 v22, v6;
	v53 =	vmul.f32 v22, v12  }
0x2b1: {  	v24 =	vadd.f32 v26, v24;
	v54 =	vmul.f32 v22, v16;
	v22 =	vmul.f32 v22, v19  }
0x2b2: {  	v55 =	vmul.f32 v23, v8;
	v56 =	vmul.f32 v23, v15  }
0x2b3: {  	v58 =	vmul.f32 v24, v4;
	v59 =	vmul.f32 v24, v9  }
0x2b4: {  	v20 =	vadd.f32 v20, v21;
	v21 =	vmul.f32 v23, v11;
	v27 =	vadd.f32 v27, v5  }
0x2b5: {  	v23 =	vmul.f32 v23, v18;
	v25 =	vadd.f32 v54, v13;
	v22 =	vadd.f32 v22, v17  }
0x2b6: {  	v28 =	vadd.f32 v53, v10;
	v57 =	vmul.f32 v20, v3;
	v60 =	vmul.f32 v20, v0  }
0x2b7: {  	v25 =	vadd.f32 v56, v25;
	v22 =	vadd.f32 v23, v22;
	v23 =	vmul.f32 v24, v14  }
0x2b8: {  	v26 =	vadd.f32 v55, v27;
	v21 =	vadd.f32 v21, v28;
	v24 =	vmul.f32 v24, v2  }
0x2b9: {  	v22 =	vadd.f32 v23, v22;
	v23 =	vmul.f32 v20, v7;
	v25 =	vadd.f32 v59, v25  }
0x2ba: {  	v26 =	vadd.f32 v58, v26;
	v21 =	vadd.f32 v24, v21;
	v20 =	vmul.f32 v20, v1  }
0x2bb: {  	v22 =	vadd.f32 v23, v22;
	v23 =	vadd.f32 v57, v25  }
0x2bc: {  	v61 =	vadd.f32 v60, v26;
	v20 =	vadd.f32 v20, v21;
	_ =	sdelay $0x1  }
0x2bd: {  	v21 =	vmax.f32 v23, v22;
	v62 =	vmax.f32 v61, v20  }
0x2be: {  	v21 =	vmax.f32 v62, v21  }
0x2bf: {  	v20 =	vsub.f32 v20, v21  }
0x2c0: {  	v23 =	vsub.f32 v23, v21  }
0x2c1: {  	v24 =	vsub.f32 v61, v21;
	v21 =	vsub.f32 v22, v21;
	v63 =	vmul.f32 $1.442695020e+00, v20  }
0x2c2: {  	v22 =	vmul.f32 $1.442695020e+00, v23  }
0x2c3: {  	s24 =	simm.s32 $0x0;
	v21 =	vmul.f32 $1.442695020e+00, v21;
	(erf) = vpow2.f32 v63  }
0x2c4: {  	s23 =	simm.s32 $0x16820;
	s25 =	simm.s32 $0x138B0;
	s26 =	simm.s32 $0x20;
	v20 =	vmul.f32 $1.442695020e+00, v24;
	(erf) = vpow2.f32 v22  }
.LBB2_6:
0x2c5: {  	s24 =	sadd.s32 $0x2, s24;
	s21 =	sadd.s32 $0x20, s21;
	s20 =	sadd.s32 $0x20, s20;
	(erf) = vpow2.f32 v21  }
0x2c6: {  	p0 =	slt.u32 s24, $0x7A;
	(erf) = vpow2.f32 v20;
	_ =	sdelay $0x5  }
0x2c7: {  	v20 =	vpop (erf)  }
0x2c8: {  	v21 =	vpop (erf)  }
0x2c9: {  	v22 =	vpop (erf)  }
0x2ca: {  	v23 =	vadd.f32 v22, v21;
	v24 =	vpop (erf)  }
0x2cb: {  	v25 =	vadd.f32 v20, v24;
	_ =	sdelay $0x1  }
0x2cc: {  	v23 =	vadd.f32 v23, v25;
	_ =	sdelay $0x1  }
0x2cd: {  	(erf) = vrcp.f32 v23;
	_ =	sdelay $0x8  }
0x2ce: {  	v23 =	vpop (erf)  }
0x2cf: {  	v24 =	vmul.f32 v23, v24;
	v20 =	vmul.f32 v23, v20  }
0x2d0: {  	v21 =	vmul.f32 v23, v21;
	v22 =	vmul.f32 v23, v22  }
0x2d1: {  	[tilespmem:s23+$0xFFFFF070] =	vst v24  }
0x2d2: {  	[tilespmem:s23+$0xFFFFF840] =	vst v20;
	_ =	sdelay $0x1  }
0x2d3: {  	s28 =	sand.u32 $0x7E0, s19;
	s19 =	smov.u32 s26;
	[tilespmem:s23+$0x10] =	vst v21;
	s23 =	smov.u32 s21  }
0x2d4: {  	[tilespmem:s28+$0x17000] =	vst v22  }
0x2d5: {  	v20 =	vld [tilespmem:s20+$0xFFFFFFF0]  }
0x2d6: {  	v21 =	vld [tilespmem:s25+$0xFFFFFFF0];
	_ =	sdelay $0x3  }
0x2d7: {  	v22 =	vadd.s32 $0xC350, v20;
	v23 =	vadd.s32 $0xEA60, v20;
	v24 =	vadd.s32 $0x11170, v20  }
0x2d8: {  	v20 =	vadd.s32 $0x9C40, v20;
	v25 =	vadd.s32 $0x2710, v21;
	v26 =	vadd.s32 $0x7530, v21;
	_ =	sdelay $0x2  }
0x2d9: {  	v27 =	vld.idx.msk [tilespmem:v21+s2+$0x0], $0xffff  }
0x2da: {  	v21 =	vadd.s32 $0x4E20, v21;
	v22 =	vld.idx.msk [tilespmem:v22+s2+$0x0], $0xffff  }
0x2db: {  	v24 =	vld.idx.msk [tilespmem:v24+s2+$0x0], $0xffff  }
0x2dc: {  	v23 =	vld.idx.msk [tilespmem:v23+s2+$0x0], $0xffff  }
0x2dd: {  	v20 =	vld.idx.msk [tilespmem:v20+s2+$0x0], $0xffff  }
0x2de: {  	v25 =	vld.idx.msk [tilespmem:v25+s2+$0x0], $0xffff  }
0x2df: {  	v21 =	vld.idx.msk [tilespmem:v21+s2+$0x0], $0xffff  }
0x2e0: {  	v26 =	vld.idx.msk [tilespmem:v26+s2+$0x0], $0xffff;
	_ =	sdelay $0x2  }
0x2e1: {  	v20 =	vadd.f32 v20, v27  }
0x2e2: {  	v22 =	vadd.f32 v22, v25  }
0x2e3: {  	v21 =	vadd.f32 v23, v21;
	v23 =	vmul.f32 v20, v6;
	v25 =	vmul.f32 v20, v16  }
0x2e4: {  	v24 =	vadd.f32 v24, v26;
	v26 =	vmul.f32 v20, v12;
	v27 =	vmul.f32 v22, v15  }
0x2e5: {  	v28 =	vmul.f32 v22, v8;
	v23 =	vadd.f32 v23, v5;
	v25 =	vadd.f32 v25, v13  }
0x2e6: {  	v30 =	vmul.f32 v22, v11;
	v29 =	vmul.f32 v21, v4;
	v26 =	vadd.f32 v26, v10  }
0x2e7: {  	v23 =	vadd.f32 v28, v23;
	v25 =	vadd.f32 v27, v25;
	v27 =	vmul.f32 v21, v9  }
0x2e8: {  	v20 =	vmul.f32 v20, v19;
	v28 =	vmul.f32 v21, v2;
	v26 =	vadd.f32 v30, v26  }
0x2e9: {  	v23 =	vadd.f32 v29, v23;
	v25 =	vadd.f32 v27, v25  }
0x2ea: {  	v22 =	vmul.f32 v22, v18;
	v20 =	vadd.f32 v20, v17;
	v26 =	vadd.f32 v28, v26;
	_ =	sdelay $0x1  }
0x2eb: {  	v21 =	vmul.f32 v21, v14;
	v20 =	vadd.f32 v22, v20  }
0x2ec: {  	v22 =	vmul.f32 v24, v0;
	v27 =	vmul.f32 v24, v3  }
0x2ed: {  	v28 =	vmul.f32 v24, v1;
	v20 =	vadd.f32 v21, v20;
	v21 =	vmul.f32 v24, v7  }
0x2ee: {  	v22 =	vadd.f32 v22, v23;
	v23 =	vadd.f32 v27, v25  }
0x2ef: {  	v24 =	vadd.f32 v28, v26;
	v20 =	vadd.f32 v21, v20;
	_ =	sdelay $0x1  }
0x2f0: {  	v21 =	vmax.f32 v22, v24;
	v25 =	vmax.f32 v23, v20  }
0x2f1: {  	v21 =	vmax.f32 v21, v25  }
0x2f2: {  	v22 =	vsub.f32 v22, v21;
	v24 =	vsub.f32 v24, v21  }
0x2f3: {  	v23 =	vsub.f32 v23, v21;
	v20 =	vsub.f32 v20, v21  }
0x2f4: {  	v21 =	vmul.f32 $1.442695020e+00, v22;
	v22 =	vmul.f32 $1.442695020e+00, v24  }
0x2f5: {  	v23 =	vmul.f32 $1.442695020e+00, v23;
	v20 =	vmul.f32 $1.442695020e+00, v20  }
0x2f6: {  	(erf) = vpow2.f32 v21  }
0x2f7: {  	(erf) = vpow2.f32 v20  }
0x2f8: {  	(erf) = vpow2.f32 v23;
	_ =	sdelay $0x3  }
0x2f9: {  	(erf) = vpow2.f32 v22;
	_ =	sdelay $0x2  }
0x2fa: {  	v20 =	vpop (erf)  }
0x2fb: {  	v21 =	vpop (erf)  }
0x2fc: {  	v22 =	vpop (erf)  }
0x2fd: {  	v23 =	vadd.f32 v21, v22;
	_ =	sdelay $0x2  }
0x2fe: {  	v24 =	vpop (erf)  }
0x2ff: {  	v25 =	vadd.f32 v24, v20;
	_ =	sdelay $0x1  }
0x300: {  	v23 =	vadd.f32 v23, v25;
	_ =	sdelay $0x1  }
0x301: {  	(erf) = vrcp.f32 v23;
	_ =	sdelay $0x8  }
0x302: {  	v23 =	vpop (erf)  }
0x303: {  	v20 =	vmul.f32 v23, v20;
	v24 =	vmul.f32 v23, v24  }
0x304: {  	v22 =	vmul.f32 v23, v22;
	v21 =	vmul.f32 v23, v21  }
0x305: {  	[tilespmem:s21+$0xFFFFF060] =	vst v20  }
0x306: {  	[tilespmem:s21+$0x0] =	vst v22  }
0x307: {  	[tilespmem:s21+$0xFFFFF830] =	vst v24  }
0x308: {  	[tilespmem:s21+$0x7D0] =	vst v21  }
0x309: {  	v20 =	vld [tilespmem:s20+$0x0]  }
0x30a: {  	v21 =	vld [tilespmem:s25+$0x0];
	_ =	sdelay $0x3  }
0x30b: {  	v22 =	vadd.s32 $0x9C40, v20;
	v23 =	vadd.s32 $0xC350, v20;
	v24 =	vadd.s32 $0xEA60, v20  }
0x30c: {  	v20 =	vadd.s32 $0x11170, v20;
	v25 =	vadd.s32 $0x4E20, v21;
	_ =	sdelay $0x1  }
0x30d: {  	v26 =	vadd.s32 $0x2710, v21  }
0x30e: {  	v27 =	vld.idx.msk [tilespmem:v21+s2+$0x0], $0xffff  }
0x30f: {  	v21 =	vadd.s32 $0x7530, v21;
	v22 =	vld.idx.msk [tilespmem:v22+s2+$0x0], $0xffff  }
0x310: {  	v23 =	vld.idx.msk [tilespmem:v23+s2+$0x0], $0xffff  }
0x311: {  	v25 =	vld.idx.msk [tilespmem:v25+s2+$0x0], $0xffff  }
0x312: {  	v26 =	vld.idx.msk [tilespmem:v26+s2+$0x0], $0xffff  }
0x313: {  	v24 =	vld.idx.msk [tilespmem:v24+s2+$0x0], $0xffff  }
0x314: {  	v21 =	vld.idx.msk [tilespmem:v21+s2+$0x0], $0xffff  }
0x315: {  	v22 =	vadd.f32 v22, v27;
	v20 =	vld.idx.msk [tilespmem:v20+s2+$0x0], $0xffff;
	_ =	sdelay $0x1  }
0x316: {  	v27 =	vmul.f32 v22, v6;
	v28 =	vmul.f32 v22, v12  }
0x317: {  	v23 =	vadd.f32 v23, v26;
	v26 =	vmul.f32 v22, v16;
	v22 =	vmul.f32 v22, v19  }
0x318: {  	v27 =	vadd.f32 v27, v5;
	v28 =	vadd.f32 v28, v10  }
0x319: {  	v24 =	vadd.f32 v24, v25;
	v25 =	vmul.f32 v23, v8;
	v26 =	vadd.f32 v26, v13  }
0x31a: {  	v29 =	vmul.f32 v23, v15;
	v20 =	vadd.f32 v20, v21;
	v21 =	vmul.f32 v23, v11  }
0x31b: {  	v22 =	vadd.f32 v22, v17;
	v23 =	vmul.f32 v23, v18;
	v25 =	vadd.f32 v25, v27  }
0x31c: {  	v26 =	vadd.f32 v29, v26;
	v21 =	vadd.f32 v21, v28;
	v27 =	vmul.f32 v20, v3  }
0x31d: {  	v28 =	vmul.f32 v24, v4;
	v22 =	vadd.f32 v23, v22;
	v23 =	vmul.f32 v24, v14  }
0x31e: {  	v30 =	vmul.f32 v24, v9;
	v29 =	vmul.f32 v20, v0  }
0x31f: {  	v24 =	vmul.f32 v24, v2;
	v22 =	vadd.f32 v23, v22;
	v23 =	vmul.f32 v20, v7  }
0x320: {  	v26 =	vadd.f32 v30, v26;
	v25 =	vadd.f32 v28, v25  }
0x321: {  	v21 =	vadd.f32 v24, v21;
	v20 =	vmul.f32 v20, v1;
	v22 =	vadd.f32 v23, v22  }
0x322: {  	v23 =	vadd.f32 v27, v26  }
0x323: {  	v24 =	vadd.f32 v29, v25;
	v20 =	vadd.f32 v20, v21  }
0x324: {  	v21 =	vmax.f32 v23, v22  }
0x325: {  	v25 =	vmax.f32 v24, v20  }
0x326: {  	v21 =	vmax.f32 v25, v21  }
0x327: {  	v24 =	vsub.f32 v24, v21;
	v25 =	vsub.f32 v20, v21  }
.Ltmp2:
0x328: {  	v23 =	vsub.f32 v23, v21;
	v21 =	vsub.f32 v22, v21;
	(pc) =	sbr.rel @p0 .LBB2_6-.Ltmp2, $4  }
0x329: {  	v20 =	vmul.f32 $1.442695020e+00, v24;
	v22 =	vmul.f32 $1.442695020e+00, v25  }
0x32a: {  	v23 =	vmul.f32 $1.442695020e+00, v23;
	v21 =	vmul.f32 $1.442695020e+00, v21  }
0x32b: {  	(erf) = vpow2.f32 v22  }
0x32c: {  	s26 =	sadd.s32 $0x20, s26;
	s25 =	sadd.s32 $0x20, s25;
	(erf) = vpow2.f32 v23  }
0x32d: {  	(erf) = vpow2.f32 v21  }
0x32e: {  	(erf) = vpow2.f32 v20;
	_ =	sdelay $0x5  }
0x32f: {  	v20 =	vpop (erf)  }
0x330: {  	v21 =	vpop (erf)  }
0x331: {  	v22 =	vpop (erf)  }
0x332: {  	v23 =	vpop (erf)  }
0x333: {  	v24 =	vadd.f32 v22, v21;
	v25 =	vadd.f32 v20, v23;
	_ =	sdelay $0x1  }
0x334: {  	v24 =	vadd.f32 v24, v25;
	_ =	sdelay $0x1  }
0x335: {  	(erf) = vrcp.f32 v24;
	_ =	sdelay $0x8  }
0x336: {  	v24 =	vpop (erf)  }
0x337: {  	v23 =	vmul.f32 v24, v23  }
0x338: {  	v20 =	vmul.f32 v24, v20  }
0x339: {  	v21 =	vmul.f32 v24, v21;
	[tilespmem:s23+$0xFFFFF070] =	vst v23  }
0x33a: {  	v22 =	vmul.f32 v24, v22;
	[tilespmem:s23+$0xFFFFF840] =	vst v20  }
0x33b: {  	s19 =	sand.u32 $0x7E0, s19;
	[tilespmem:s23+$0x10] =	vst v21  }
0x33c: {  	[tilespmem:s19+$0x17000] =	vst v22  }
0x33d: {  	v20 =	vld [tilespmem:$0x15040]  }
0x33e: {  	v21 =	vld [tilespmem:$0x14040];
	_ =	sdelay $0x3  }
0x33f: {  	v22 =	vadd.s32 $0x9C40, v20  }
0x340: {  	v23 =	vadd.s32 $0x2710, v21  }
0x341: {  	v52 =	vadd.s32 $0xC350, v20  }
0x342: {  	s19 =	simm.s32 $0x0;
	v53 =	vadd.s32 $0x4E20, v21  }
0x343: {  	v27 =	vadd.s32 $0xEA60, v20;
	v26 =	vld.idx.msk [tilespmem:v21+s19+$0x0], $0xffff  }
0x344: {  	v22 =	vld.idx.msk [tilespmem:v22+s19+$0x0], $0xffff  }
0x345: {  	v23 =	vld.idx.msk [tilespmem:v23+s19+$0x0], $0xffff  }
0x346: {  	v24 =	vld.idx.msk [tilespmem:v52+s19+$0x0], $0xffff  }
0x347: {  	v20 =	vadd.s32 $0x11170, v20;
	v25 =	vld.idx.msk [tilespmem:v53+s19+$0x0], $0xffff  }
0x348: {  	v21 =	vadd.s32 $0x7530, v21;
	v27 =	vld.idx.msk [tilespmem:v27+s19+$0x0], $0xffff;
	_ =	sdelay $0x3  }
0x349: {  	v20 =	vld.idx.msk [tilespmem:v20+s19+$0x0], $0xffff;
	v22 =	vadd.f32 v22, v26;
	v23 =	vadd.f32 v24, v23  }
0x34a: {  	v21 =	vld.idx.msk [tilespmem:v21+s19+$0x0], $0xffff;
	v25 =	vadd.f32 v27, v25  }
0x34b: {  	v54 =	vmul.f32 v22, v6;
	v55 =	vmul.f32 v23, v8  }
0x34c: {  	v56 =	vmul.f32 v25, v4;
	v57 =	vmul.f32 v22, v16  }
0x34d: {  	v28 =	vmul.f32 v23, v11;
	v59 =	vmul.f32 v23, v15  }
0x34e: {  	v23 =	vmul.f32 v23, v18;
	v60 =	vmul.f32 v25, v2  }
0x34f: {  	v20 =	vadd.f32 v20, v21;
	v21 =	vmul.f32 v22, v12;
	v22 =	vmul.f32 v22, v19  }
0x350: {  	v61 =	vmul.f32 v25, v9;
	v24 =	vadd.f32 v54, v5;
	v58 =	vadd.f32 v57, v13  }
0x351: {  	v21 =	vadd.f32 v21, v10;
	v22 =	vadd.f32 v22, v17;
	v29 =	vmul.f32 v20, v0  }
0x352: {  	v62 =	vmul.f32 v20, v1;
	v24 =	vadd.f32 v55, v24;
	v26 =	vadd.f32 v59, v58  }
0x353: {  	v21 =	vadd.f32 v28, v21;
	v22 =	vadd.f32 v23, v22;
	v23 =	vmul.f32 v25, v14  }
0x354: {  	v63 =	vmul.f32 v20, v3;
	v24 =	vadd.f32 v56, v24;
	v26 =	vadd.f32 v61, v26  }
0x355: {  	v20 =	vmul.f32 v20, v7;
	v21 =	vadd.f32 v60, v21;
	v22 =	vadd.f32 v23, v22  }
0x356: {  	v23 =	vadd.f32 v29, v24;
	v28 =	vadd.f32 v63, v26  }
0x357: {  	v21 =	vadd.f32 v62, v21;
	v20 =	vadd.f32 v20, v22;
	_ =	sdelay $0x1  }
0x358: {  	v22 =	vmax.f32 v23, v21;
	v29 =	vmax.f32 v28, v20  }
0x359: {  	v22 =	vmax.f32 v22, v29  }
0x35a: {  	v23 =	vsub.f32 v23, v22  }
0x35b: {  	v21 =	vsub.f32 v21, v22  }
0x35c: {  	v24 =	vsub.f32 v28, v22;
	v23 =	vmul.f32 $1.442695020e+00, v23  }
0x35d: {  	v20 =	vsub.f32 v20, v22;
	v21 =	vmul.f32 $1.442695020e+00, v21  }
0x35e: {  	v22 =	vmul.f32 $1.442695020e+00, v24;
	(erf) = vpow2.f32 v23  }
0x35f: {  	v20 =	vmul.f32 $1.442695020e+00, v20;
	(erf) = vpow2.f32 v21  }
0x360: {  	(erf) = vpow2.f32 v22  }
0x361: {  	(erf) = vpow2.f32 v20;
	_ =	sdelay $0x5  }
0x362: {  	v20 =	vpop (erf)  }
0x363: {  	v21 =	vpop (erf)  }
0x364: {  	v22 =	vpop (erf)  }
0x365: {  	v23 =	vpop (erf)  }
0x366: {  	v30 =	vadd.f32 v21, v20;
	v31 =	vadd.f32 v23, v22;
	_ =	sdelay $0x1  }
0x367: {  	v24 =	vadd.f32 v31, v30;
	_ =	sdelay $0x1  }
0x368: {  	(erf) = vrcp.f32 v24;
	_ =	sdelay $0x8  }
0x369: {  	v24 =	vpop (erf)  }
0x36a: {  	v20 =	vmul.f32 v24, v20  }
0x36b: {  	v21 =	vmul.f32 v24, v21  }
0x36c: {  	[tilespmem:$0x16040] =	vst v20;
	v20 =	vmul.f32 v24, v22  }
0x36d: {  	[tilespmem:$0x16810] =	vst v21;
	v21 =	vmul.f32 v24, v23  }
0x36e: {  	[tilespmem:$0x16FE0] =	vst v20  }
0x36f: {  	s20 =	rddreg [dreg:$0xf];
	[tilespmem:$0x177B0] =	vst v21  }
0x370: {  	[hbm4b:s20+s19] =	stream.linear.scatter [tilespmem:s10], [sflag:$0x3], $0x7D0, $0x38;
	[tilespmem:$0x19880] =	vst v63  }
0x371: {  	s24 =	rddreg [dreg:$0x10]  }
0x372: {  	[hbm4b:s24+s19] =	stream.linear.scatter [tilespmem:s11], [sflag:$0x3], $0x7D0, $0x38;
	[tilespmem:$0x19880] =	vst v63  }
0x373: {  	_ = 	snop  }
0x374: {  	[hbm4b:s18+s19] =	stream.linear.scatter [tilespmem:s12], [sflag:$0x3], $0x7D0, $0x38;
	[tilespmem:$0x19880] =	vst v63  }
0x375: {  	_ = 	snop  }
0x376: {  	[hbm4b:s0+s19] =	stream.linear.scatter [tilespmem:s13], [sflag:$0x3], $0x7D0, $0x38;
	[tilespmem:$0x19880] =	vst v63  }
0x377: {  	s25 =	rddreg [dreg:$0x11]  }
0x378: {  	[tilespmem:s5], [sflag:$0x1] =	stream.linear.gather [hbm4b:s25+s19], $0x7D0, $0x38;
	[tilespmem:$0x19880] =	vst v63  }
0x379: {  	s26 =	rddreg [dreg:$0x12]  }
0x37a: {  	[tilespmem:s6], [sflag:$0x1] =	stream.linear.gather [hbm4b:s26+s19], $0x7D0, $0x38;
	[tilespmem:$0x19880] =	vst v63  }
0x37b: {  	_ =	swait.ge [sflag:s14], $0x7D0  }
0x37c: {  	[sflag:s14] =	ssyncset.done $0x0  }
0x37d: {  	[sflag:s14] =	ssyncadd.s32 $0xFFFFF830  }
0x37e: {  	_ =	swait.ge [sflag:s14], $0x7D0  }
0x37f: {  	[sflag:s14] =	ssyncset.done $0x0  }
0x380: {  	[sflag:s14] =	ssyncadd.s32 $0xFFFFF830  }
0x381: {  	_ =	swait.ge [sflag:s16], $0x7D0  }
0x382: {  	[sflag:s16] =	ssyncset.done $0x0  }
0x383: {  	[sflag:s16] =	ssyncadd.s32 $0xFFFFF830  }
0x384: {  	_ =	swait.ge [sflag:s16], $0x7D0  }
0x385: {  	[sflag:s16] =	ssyncset.done $0x0  }
0x386: {  	[sflag:s16] =	ssyncadd.s32 $0xFFFFF830  }
0x387: {  	_ =	swait.ge [sflag:s16], $0x7D0  }
0x388: {  	[sflag:s16] =	ssyncset.done $0x0  }
0x389: {  	[sflag:s16] =	ssyncadd.s32 $0xFFFFF830  }
0x38a: {  	_ =	swait.ge [sflag:s16], $0x7D0  }
0x38b: {  	[sflag:s16] =	ssyncset.done $0x0  }
0x38c: {  	s20 =	simm.s32 $0x15090;
	[sflag:s16] =	ssyncadd.s32 $0xFFFFF830  }
0x38d: {  	s28 =	simm.s32 $0x14090;
	v20 =	vld [tilespmem:s20+$0xFFFFFFF0]  }
0x38e: {  	v21 =	vld [tilespmem:s28+$0xFFFFFFF0];
	_ =	sdelay $0x3  }
0x38f: {  	v22 =	vadd.s32 $0xC350, v20  }
0x390: {  	v32 =	vadd.s32 $0xEA60, v20  }
0x391: {  	v23 =	vadd.s32 $0x11170, v20;
	v20 =	vadd.s32 $0x9C40, v20  }
0x392: {  	v33 =	vadd.s32 $0x2710, v21  }
0x393: {  	v35 =	vadd.s32 $0x4E20, v21;
	v34 =	vld.idx.msk [tilespmem:v21+s2+$0x0], $0xffff  }
0x394: {  	v22 =	vld.idx.msk [tilespmem:v22+s2+$0x0], $0xffff  }
0x395: {  	v24 =	vld.idx.msk [tilespmem:v32+s2+$0x0], $0xffff  }
0x396: {  	v20 =	vld.idx.msk [tilespmem:v20+s2+$0x0], $0xffff  }
0x397: {  	v21 =	vadd.s32 $0x7530, v21;
	v25 =	vld.idx.msk [tilespmem:v33+s2+$0x0], $0xffff  }
0x398: {  	v27 =	vld.idx.msk [tilespmem:v35+s2+$0x0], $0xffff;
	_ =	sdelay $0x2  }
0x399: {  	v23 =	vld.idx.msk [tilespmem:v23+s2+$0x0], $0xffff;
	v20 =	vadd.f32 v20, v34  }
0x39a: {  	v21 =	vld.idx.msk [tilespmem:v21+s2+$0x0], $0xffff;
	v22 =	vadd.f32 v22, v25  }
0x39b: {  	v24 =	vadd.f32 v24, v27;
	v36 =	vmul.f32 v20, v6;
	v26 =	vmul.f32 v20, v16  }
0x39c: {  	v37 =	vmul.f32 v22, v15;
	v38 =	vmul.f32 v22, v8  }
0x39d: {  	v39 =	vmul.f32 v24, v4;
	v30 =	vmul.f32 v22, v11  }
0x39e: {  	v40 =	vmul.f32 v24, v9;
	v22 =	vmul.f32 v22, v18  }
0x39f: {  	v21 =	vadd.f32 v23, v21;
	v23 =	vmul.f32 v20, v12;
	v20 =	vmul.f32 v20, v19  }
0x3a0: {  	v41 =	vmul.f32 v24, v2;
	v25 =	vadd.f32 v36, v5;
	v26 =	vadd.f32 v26, v13  }
0x3a1: {  	v23 =	vadd.f32 v23, v10;
	v20 =	vadd.f32 v20, v17;
	v42 =	vmul.f32 v21, v0  }
0x3a2: {  	v43 =	vmul.f32 v21, v3;
	v25 =	vadd.f32 v38, v25;
	v26 =	vadd.f32 v37, v26  }
0x3a3: {  	v23 =	vadd.f32 v30, v23;
	v20 =	vadd.f32 v22, v20;
	v22 =	vmul.f32 v24, v14  }
0x3a4: {  	v44 =	vmul.f32 v21, v1;
	v25 =	vadd.f32 v39, v25;
	v26 =	vadd.f32 v40, v26  }
0x3a5: {  	v21 =	vmul.f32 v21, v7;
	v23 =	vadd.f32 v41, v23;
	v20 =	vadd.f32 v22, v20  }
0x3a6: {  	v22 =	vadd.f32 v42, v25;
	v45 =	vadd.f32 v43, v26  }
0x3a7: {  	v23 =	vadd.f32 v44, v23;
	v20 =	vadd.f32 v21, v20;
	_ =	sdelay $0x1  }
0x3a8: {  	v21 =	vmax.f32 v22, v23;
	v46 =	vmax.f32 v45, v20  }
0x3a9: {  	v21 =	vmax.f32 v21, v46  }
0x3aa: {  	v22 =	vsub.f32 v22, v21  }
0x3ab: {  	v20 =	vsub.f32 v20, v21  }
0x3ac: {  	v24 =	vsub.f32 v45, v21;
	v22 =	vmul.f32 $1.442695020e+00, v22  }
0x3ad: {  	v21 =	vsub.f32 v23, v21;
	v20 =	vmul.f32 $1.442695020e+00, v20  }
0x3ae: {  	v23 =	vmul.f32 $1.442695020e+00, v24;
	(erf) = vpow2.f32 v22  }
0x3af: {  	v21 =	vmul.f32 $1.442695020e+00, v21;
	(erf) = vpow2.f32 v20  }
0x3b0: {  	(erf) = vpow2.f32 v23  }
0x3b1: {  	(erf) = vpow2.f32 v21;
	_ =	sdelay $0x5  }
0x3b2: {  	v20 =	vpop (erf)  }
0x3b3: {  	v21 =	vpop (erf)  }
0x3b4: {  	v22 =	vpop (erf)  }
0x3b5: {  	v23 =	vpop (erf)  }
0x3b6: {  	v47 =	vadd.f32 v21, v22;
	v48 =	vadd.f32 v23, v20;
	_ =	sdelay $0x1  }
0x3b7: {  	v24 =	vadd.f32 v47, v48;
	_ =	sdelay $0x1  }
0x3b8: {  	(erf) = vrcp.f32 v24;
	_ =	sdelay $0x8  }
0x3b9: {  	v24 =	vpop (erf)  }
0x3ba: {  	v20 =	vmul.f32 v24, v20  }
0x3bb: {  	s21 =	simm.s32 $0x187A0;
	v22 =	vmul.f32 v24, v22  }
0x3bc: {  	v23 =	vmul.f32 v24, v23;
	[tilespmem:s21+$0xFFFFF060] =	vst v20  }
0x3bd: {  	v20 =	vmul.f32 v24, v21;
	[tilespmem:s21+$0x0] =	vst v22  }
0x3be: {  	[tilespmem:s21+$0xFFFFF830] =	vst v23  }
0x3bf: {  	[tilespmem:s21+$0x7D0] =	vst v20  }
0x3c0: {  	v20 =	vld [tilespmem:s20+$0x0]  }
0x3c1: {  	v21 =	vld [tilespmem:s28+$0x0];
	_ =	sdelay $0x3  }
0x3c2: {  	v22 =	vadd.s32 $0x9C40, v20  }
0x3c3: {  	v23 =	vadd.s32 $0xC350, v20  }
0x3c4: {  	v49 =	vadd.s32 $0x4E20, v21  }
0x3c5: {  	v50 =	vadd.s32 $0x2710, v21  }
0x3c6: {  	v51 =	vadd.s32 $0xEA60, v20;
	v52 =	vld.idx.msk [tilespmem:v21+s2+$0x0], $0xffff  }
0x3c7: {  	v22 =	vld.idx.msk [tilespmem:v22+s2+$0x0], $0xffff  }
0x3c8: {  	v20 =	vadd.s32 $0x11170, v20;
	v23 =	vld.idx.msk [tilespmem:v23+s2+$0x0], $0xffff  }
0x3c9: {  	v21 =	vadd.s32 $0x7530, v21;
	v24 =	vld.idx.msk [tilespmem:v49+s2+$0x0], $0xffff  }
0x3ca: {  	v25 =	vld.idx.msk [tilespmem:v50+s2+$0x0], $0xffff  }
0x3cb: {  	v26 =	vld.idx.msk [tilespmem:v51+s2+$0x0], $0xffff;
	_ =	sdelay $0x1  }
0x3cc: {  	v20 =	vld.idx.msk [tilespmem:v20+s2+$0x0], $0xffff;
	v22 =	vadd.f32 v22, v52  }
0x3cd: {  	v21 =	vld.idx.msk [tilespmem:v21+s2+$0x0], $0xffff  }
0x3ce: {  	v23 =	vadd.f32 v23, v25;
	v27 =	vmul.f32 v22, v6;
	v53 =	vmul.f32 v22, v12  }
0x3cf: {  	v24 =	vadd.f32 v26, v24;
	v54 =	vmul.f32 v22, v16;
	v22 =	vmul.f32 v22, v19  }
0x3d0: {  	v55 =	vmul.f32 v23, v8;
	v56 =	vmul.f32 v23, v15  }
0x3d1: {  	v58 =	vmul.f32 v24, v4;
	v59 =	vmul.f32 v24, v9  }
0x3d2: {  	v20 =	vadd.f32 v20, v21;
	v21 =	vmul.f32 v23, v11;
	v27 =	vadd.f32 v27, v5  }
0x3d3: {  	v23 =	vmul.f32 v23, v18;
	v25 =	vadd.f32 v54, v13;
	v22 =	vadd.f32 v22, v17  }
0x3d4: {  	v28 =	vadd.f32 v53, v10;
	v57 =	vmul.f32 v20, v3;
	v60 =	vmul.f32 v20, v0  }
0x3d5: {  	v25 =	vadd.f32 v56, v25;
	v22 =	vadd.f32 v23, v22;
	v23 =	vmul.f32 v24, v14  }
0x3d6: {  	v26 =	vadd.f32 v55, v27;
	v21 =	vadd.f32 v21, v28;
	v24 =	vmul.f32 v24, v2  }
0x3d7: {  	v22 =	vadd.f32 v23, v22;
	v23 =	vmul.f32 v20, v7;
	v25 =	vadd.f32 v59, v25  }
0x3d8: {  	v26 =	vadd.f32 v58, v26;
	v21 =	vadd.f32 v24, v21;
	v20 =	vmul.f32 v20, v1  }
0x3d9: {  	v22 =	vadd.f32 v23, v22;
	v23 =	vadd.f32 v57, v25  }
0x3da: {  	v61 =	vadd.f32 v60, v26;
	v20 =	vadd.f32 v20, v21;
	_ =	sdelay $0x1  }
0x3db: {  	v21 =	vmax.f32 v23, v22;
	v62 =	vmax.f32 v61, v20  }
0x3dc: {  	v21 =	vmax.f32 v62, v21  }
0x3dd: {  	v20 =	vsub.f32 v20, v21  }
0x3de: {  	v23 =	vsub.f32 v23, v21  }
0x3df: {  	v24 =	vsub.f32 v61, v21;
	v21 =	vsub.f32 v22, v21;
	v63 =	vmul.f32 $1.442695020e+00, v20  }
0x3e0: {  	v22 =	vmul.f32 $1.442695020e+00, v23  }
0x3e1: {  	s23 =	simm.s32 $0x187A0;
	v21 =	vmul.f32 $1.442695020e+00, v21;
	(erf) = vpow2.f32 v63  }
0x3e2: {  	s24 =	simm.s32 $0x0;
	s25 =	simm.s32 $0x140B0;
	s26 =	simm.s32 $0x20;
	v20 =	vmul.f32 $1.442695020e+00, v24;
	(erf) = vpow2.f32 v22  }
.LBB2_8:
0x3e3: {  	s24 =	sadd.s32 $0x2, s24;
	s21 =	sadd.s32 $0x20, s21;
	s20 =	sadd.s32 $0x20, s20;
	(erf) = vpow2.f32 v21  }
0x3e4: {  	p0 =	slt.u32 s24, $0x7A;
	(erf) = vpow2.f32 v20;
	_ =	sdelay $0x5  }
0x3e5: {  	v20 =	vpop (erf)  }
0x3e6: {  	v21 =	vpop (erf)  }
0x3e7: {  	v22 =	vpop (erf)  }
0x3e8: {  	v23 =	vadd.f32 v22, v21;
	v24 =	vpop (erf)  }
0x3e9: {  	v25 =	vadd.f32 v20, v24;
	_ =	sdelay $0x1  }
0x3ea: {  	v23 =	vadd.f32 v23, v25;
	_ =	sdelay $0x1  }
0x3eb: {  	(erf) = vrcp.f32 v23;
	_ =	sdelay $0x8  }
0x3ec: {  	v23 =	vpop (erf)  }
0x3ed: {  	v24 =	vmul.f32 v23, v24;
	v20 =	vmul.f32 v23, v20  }
0x3ee: {  	v21 =	vmul.f32 v23, v21;
	v22 =	vmul.f32 v23, v22  }
0x3ef: {  	[tilespmem:s23+$0xFFFFF070] =	vst v24  }
0x3f0: {  	[tilespmem:s23+$0xFFFFF840] =	vst v20;
	_ =	sdelay $0x1  }
0x3f1: {  	s28 =	sand.u32 $0x7E0, s19;
	s19 =	smov.u32 s26;
	[tilespmem:s23+$0x10] =	vst v21;
	s23 =	smov.u32 s21  }
0x3f2: {  	[tilespmem:s28+$0x18F80] =	vst v22  }
0x3f3: {  	v20 =	vld [tilespmem:s20+$0xFFFFFFF0]  }
0x3f4: {  	v21 =	vld [tilespmem:s25+$0xFFFFFFF0];
	_ =	sdelay $0x3  }
0x3f5: {  	v22 =	vadd.s32 $0xC350, v20;
	v23 =	vadd.s32 $0xEA60, v20;
	v24 =	vadd.s32 $0x11170, v20  }
0x3f6: {  	v20 =	vadd.s32 $0x9C40, v20;
	v25 =	vadd.s32 $0x2710, v21;
	v26 =	vadd.s32 $0x7530, v21;
	_ =	sdelay $0x2  }
0x3f7: {  	v27 =	vld.idx.msk [tilespmem:v21+s2+$0x0], $0xffff  }
0x3f8: {  	v21 =	vadd.s32 $0x4E20, v21;
	v22 =	vld.idx.msk [tilespmem:v22+s2+$0x0], $0xffff  }
0x3f9: {  	v24 =	vld.idx.msk [tilespmem:v24+s2+$0x0], $0xffff  }
0x3fa: {  	v23 =	vld.idx.msk [tilespmem:v23+s2+$0x0], $0xffff  }
0x3fb: {  	v20 =	vld.idx.msk [tilespmem:v20+s2+$0x0], $0xffff  }
0x3fc: {  	v25 =	vld.idx.msk [tilespmem:v25+s2+$0x0], $0xffff  }
0x3fd: {  	v21 =	vld.idx.msk [tilespmem:v21+s2+$0x0], $0xffff  }
0x3fe: {  	v26 =	vld.idx.msk [tilespmem:v26+s2+$0x0], $0xffff;
	_ =	sdelay $0x2  }
0x3ff: {  	v20 =	vadd.f32 v20, v27  }
0x400: {  	v22 =	vadd.f32 v22, v25  }
0x401: {  	v21 =	vadd.f32 v23, v21;
	v23 =	vmul.f32 v20, v6;
	v25 =	vmul.f32 v20, v16  }
0x402: {  	v24 =	vadd.f32 v24, v26;
	v26 =	vmul.f32 v20, v12;
	v27 =	vmul.f32 v22, v15  }
0x403: {  	v28 =	vmul.f32 v22, v8;
	v23 =	vadd.f32 v23, v5;
	v25 =	vadd.f32 v25, v13  }
0x404: {  	v30 =	vmul.f32 v22, v11;
	v29 =	vmul.f32 v21, v4;
	v26 =	vadd.f32 v26, v10  }
0x405: {  	v23 =	vadd.f32 v28, v23;
	v25 =	vadd.f32 v27, v25;
	v27 =	vmul.f32 v21, v9  }
0x406: {  	v20 =	vmul.f32 v20, v19;
	v28 =	vmul.f32 v21, v2;
	v26 =	vadd.f32 v30, v26  }
0x407: {  	v23 =	vadd.f32 v29, v23;
	v25 =	vadd.f32 v27, v25  }
0x408: {  	v22 =	vmul.f32 v22, v18;
	v20 =	vadd.f32 v20, v17;
	v26 =	vadd.f32 v28, v26;
	_ =	sdelay $0x1  }
0x409: {  	v21 =	vmul.f32 v21, v14;
	v20 =	vadd.f32 v22, v20  }
0x40a: {  	v22 =	vmul.f32 v24, v0;
	v27 =	vmul.f32 v24, v3  }
0x40b: {  	v28 =	vmul.f32 v24, v1;
	v20 =	vadd.f32 v21, v20;
	v21 =	vmul.f32 v24, v7  }
0x40c: {  	v22 =	vadd.f32 v22, v23;
	v23 =	vadd.f32 v27, v25  }
0x40d: {  	v24 =	vadd.f32 v28, v26;
	v20 =	vadd.f32 v21, v20;
	_ =	sdelay $0x1  }
0x40e: {  	v21 =	vmax.f32 v22, v24;
	v25 =	vmax.f32 v23, v20  }
0x40f: {  	v21 =	vmax.f32 v21, v25  }
0x410: {  	v22 =	vsub.f32 v22, v21;
	v24 =	vsub.f32 v24, v21  }
0x411: {  	v23 =	vsub.f32 v23, v21;
	v20 =	vsub.f32 v20, v21  }
0x412: {  	v21 =	vmul.f32 $1.442695020e+00, v22;
	v22 =	vmul.f32 $1.442695020e+00, v24  }
0x413: {  	v23 =	vmul.f32 $1.442695020e+00, v23;
	v20 =	vmul.f32 $1.442695020e+00, v20  }
0x414: {  	(erf) = vpow2.f32 v21  }
0x415: {  	(erf) = vpow2.f32 v20  }
0x416: {  	(erf) = vpow2.f32 v23;
	_ =	sdelay $0x3  }
0x417: {  	(erf) = vpow2.f32 v22;
	_ =	sdelay $0x2  }
0x418: {  	v20 =	vpop (erf)  }
0x419: {  	v21 =	vpop (erf)  }
0x41a: {  	v22 =	vpop (erf)  }
0x41b: {  	v23 =	vadd.f32 v21, v22;
	_ =	sdelay $0x2  }
0x41c: {  	v24 =	vpop (erf)  }
0x41d: {  	v25 =	vadd.f32 v24, v20;
	_ =	sdelay $0x1  }
0x41e: {  	v23 =	vadd.f32 v23, v25;
	_ =	sdelay $0x1  }
0x41f: {  	(erf) = vrcp.f32 v23;
	_ =	sdelay $0x8  }
0x420: {  	v23 =	vpop (erf)  }
0x421: {  	v20 =	vmul.f32 v23, v20;
	v24 =	vmul.f32 v23, v24  }
0x422: {  	v22 =	vmul.f32 v23, v22;
	v21 =	vmul.f32 v23, v21  }
0x423: {  	[tilespmem:s21+$0xFFFFF060] =	vst v20  }
0x424: {  	[tilespmem:s21+$0x0] =	vst v22  }
0x425: {  	[tilespmem:s21+$0xFFFFF830] =	vst v24  }
0x426: {  	[tilespmem:s21+$0x7D0] =	vst v21  }
0x427: {  	v20 =	vld [tilespmem:s20+$0x0]  }
0x428: {  	v21 =	vld [tilespmem:s25+$0x0];
	_ =	sdelay $0x3  }
0x429: {  	v22 =	vadd.s32 $0x9C40, v20;
	v23 =	vadd.s32 $0xC350, v20;
	v24 =	vadd.s32 $0xEA60, v20  }
0x42a: {  	v20 =	vadd.s32 $0x11170, v20;
	v25 =	vadd.s32 $0x4E20, v21;
	_ =	sdelay $0x1  }
0x42b: {  	v26 =	vadd.s32 $0x2710, v21  }
0x42c: {  	v27 =	vld.idx.msk [tilespmem:v21+s2+$0x0], $0xffff  }
0x42d: {  	v21 =	vadd.s32 $0x7530, v21;
	v22 =	vld.idx.msk [tilespmem:v22+s2+$0x0], $0xffff  }
0x42e: {  	v23 =	vld.idx.msk [tilespmem:v23+s2+$0x0], $0xffff  }
0x42f: {  	v25 =	vld.idx.msk [tilespmem:v25+s2+$0x0], $0xffff  }
0x430: {  	v26 =	vld.idx.msk [tilespmem:v26+s2+$0x0], $0xffff  }
0x431: {  	v24 =	vld.idx.msk [tilespmem:v24+s2+$0x0], $0xffff  }
0x432: {  	v21 =	vld.idx.msk [tilespmem:v21+s2+$0x0], $0xffff  }
0x433: {  	v22 =	vadd.f32 v22, v27;
	v20 =	vld.idx.msk [tilespmem:v20+s2+$0x0], $0xffff;
	_ =	sdelay $0x1  }
0x434: {  	v27 =	vmul.f32 v22, v6;
	v28 =	vmul.f32 v22, v12  }
0x435: {  	v23 =	vadd.f32 v23, v26;
	v26 =	vmul.f32 v22, v16;
	v22 =	vmul.f32 v22, v19  }
0x436: {  	v27 =	vadd.f32 v27, v5;
	v28 =	vadd.f32 v28, v10  }
0x437: {  	v24 =	vadd.f32 v24, v25;
	v25 =	vmul.f32 v23, v8;
	v26 =	vadd.f32 v26, v13  }
0x438: {  	v29 =	vmul.f32 v23, v15;
	v20 =	vadd.f32 v20, v21;
	v21 =	vmul.f32 v23, v11  }
0x439: {  	v22 =	vadd.f32 v22, v17;
	v23 =	vmul.f32 v23, v18;
	v25 =	vadd.f32 v25, v27  }
0x43a: {  	v26 =	vadd.f32 v29, v26;
	v21 =	vadd.f32 v21, v28;
	v27 =	vmul.f32 v20, v3  }
0x43b: {  	v28 =	vmul.f32 v24, v4;
	v22 =	vadd.f32 v23, v22;
	v23 =	vmul.f32 v24, v14  }
0x43c: {  	v30 =	vmul.f32 v24, v9;
	v29 =	vmul.f32 v20, v0  }
0x43d: {  	v24 =	vmul.f32 v24, v2;
	v22 =	vadd.f32 v23, v22;
	v23 =	vmul.f32 v20, v7  }
0x43e: {  	v26 =	vadd.f32 v30, v26;
	v25 =	vadd.f32 v28, v25  }
0x43f: {  	v21 =	vadd.f32 v24, v21;
	v20 =	vmul.f32 v20, v1;
	v22 =	vadd.f32 v23, v22  }
0x440: {  	v23 =	vadd.f32 v27, v26  }
0x441: {  	v24 =	vadd.f32 v29, v25;
	v20 =	vadd.f32 v20, v21  }
0x442: {  	v21 =	vmax.f32 v23, v22  }
0x443: {  	v25 =	vmax.f32 v24, v20  }
0x444: {  	v21 =	vmax.f32 v25, v21  }
0x445: {  	v24 =	vsub.f32 v24, v21;
	v25 =	vsub.f32 v20, v21  }
.Ltmp3:
0x446: {  	v23 =	vsub.f32 v23, v21;
	v21 =	vsub.f32 v22, v21;
	(pc) =	sbr.rel @p0 .LBB2_8-.Ltmp3, $4  }
0x447: {  	v20 =	vmul.f32 $1.442695020e+00, v24;
	v22 =	vmul.f32 $1.442695020e+00, v25  }
0x448: {  	v23 =	vmul.f32 $1.442695020e+00, v23;
	v21 =	vmul.f32 $1.442695020e+00, v21  }
0x449: {  	(erf) = vpow2.f32 v22  }
0x44a: {  	s26 =	sadd.s32 $0x20, s26;
	s25 =	sadd.s32 $0x20, s25;
	(erf) = vpow2.f32 v23  }
0x44b: {  	(erf) = vpow2.f32 v21  }
0x44c: {  	(erf) = vpow2.f32 v20;
	_ =	sdelay $0x5  }
0x44d: {  	v20 =	vpop (erf)  }
0x44e: {  	v21 =	vpop (erf)  }
0x44f: {  	v22 =	vpop (erf)  }
0x450: {  	v23 =	vpop (erf)  }
0x451: {  	v24 =	vadd.f32 v22, v21;
	v25 =	vadd.f32 v20, v23;
	_ =	sdelay $0x1  }
0x452: {  	v24 =	vadd.f32 v24, v25;
	_ =	sdelay $0x1  }
0x453: {  	(erf) = vrcp.f32 v24;
	_ =	sdelay $0x8  }
0x454: {  	v24 =	vpop (erf)  }
0x455: {  	v23 =	vmul.f32 v24, v23  }
0x456: {  	v20 =	vmul.f32 v24, v20  }
0x457: {  	v21 =	vmul.f32 v24, v21;
	[tilespmem:s23+$0xFFFFF070] =	vst v23  }
0x458: {  	v22 =	vmul.f32 v24, v22;
	[tilespmem:s23+$0xFFFFF840] =	vst v20  }
0x459: {  	s19 =	sand.u32 $0x7E0, s19;
	[tilespmem:s23+$0x10] =	vst v21  }
0x45a: {  	[tilespmem:s19+$0x18F80] =	vst v22  }
0x45b: {  	v20 =	vld [tilespmem:$0x15840]  }
0x45c: {  	v21 =	vld [tilespmem:$0x14840];
	_ =	sdelay $0x3  }
0x45d: {  	v22 =	vadd.s32 $0x9C40, v20  }
0x45e: {  	v23 =	vadd.s32 $0x2710, v21  }
0x45f: {  	v52 =	vadd.s32 $0xC350, v20  }
0x460: {  	s19 =	simm.s32 $0x0;
	v53 =	vadd.s32 $0x4E20, v21  }
0x461: {  	v27 =	vadd.s32 $0xEA60, v20;
	v26 =	vld.idx.msk [tilespmem:v21+s19+$0x0], $0xffff  }
0x462: {  	v22 =	vld.idx.msk [tilespmem:v22+s19+$0x0], $0xffff  }
0x463: {  	v23 =	vld.idx.msk [tilespmem:v23+s19+$0x0], $0xffff  }
0x464: {  	v24 =	vld.idx.msk [tilespmem:v52+s19+$0x0], $0xffff  }
0x465: {  	v20 =	vadd.s32 $0x11170, v20;
	v25 =	vld.idx.msk [tilespmem:v53+s19+$0x0], $0xffff  }
0x466: {  	v21 =	vadd.s32 $0x7530, v21;
	v27 =	vld.idx.msk [tilespmem:v27+s19+$0x0], $0xffff;
	_ =	sdelay $0x3  }
0x467: {  	v20 =	vld.idx.msk [tilespmem:v20+s19+$0x0], $0xffff;
	v22 =	vadd.f32 v22, v26;
	v23 =	vadd.f32 v24, v23  }
0x468: {  	v21 =	vld.idx.msk [tilespmem:v21+s19+$0x0], $0xffff;
	v25 =	vadd.f32 v27, v25  }
0x469: {  	v54 =	vmul.f32 v22, v6;
	v55 =	vmul.f32 v23, v8  }
0x46a: {  	v56 =	vmul.f32 v25, v4;
	v57 =	vmul.f32 v22, v16  }
0x46b: {  	v28 =	vmul.f32 v23, v11;
	v59 =	vmul.f32 v23, v15  }
0x46c: {  	v23 =	vmul.f32 v23, v18;
	v60 =	vmul.f32 v25, v2  }
0x46d: {  	v20 =	vadd.f32 v20, v21;
	v21 =	vmul.f32 v22, v12;
	v22 =	vmul.f32 v22, v19  }
0x46e: {  	v61 =	vmul.f32 v25, v9;
	v24 =	vadd.f32 v54, v5;
	v58 =	vadd.f32 v57, v13  }
0x46f: {  	v21 =	vadd.f32 v21, v10;
	v22 =	vadd.f32 v22, v17;
	v29 =	vmul.f32 v20, v0  }
0x470: {  	v62 =	vmul.f32 v20, v1;
	v24 =	vadd.f32 v55, v24;
	v26 =	vadd.f32 v59, v58  }
0x471: {  	v21 =	vadd.f32 v28, v21;
	v22 =	vadd.f32 v23, v22;
	v23 =	vmul.f32 v25, v14  }
0x472: {  	v63 =	vmul.f32 v20, v3;
	v24 =	vadd.f32 v56, v24;
	v26 =	vadd.f32 v61, v26  }
0x473: {  	v20 =	vmul.f32 v20, v7;
	v21 =	vadd.f32 v60, v21;
	v22 =	vadd.f32 v23, v22  }
0x474: {  	v23 =	vadd.f32 v29, v24;
	v28 =	vadd.f32 v63, v26  }
0x475: {  	v21 =	vadd.f32 v62, v21;
	v20 =	vadd.f32 v20, v22;
	_ =	sdelay $0x1  }
0x476: {  	v22 =	vmax.f32 v23, v21;
	v29 =	vmax.f32 v28, v20  }
0x477: {  	v22 =	vmax.f32 v22, v29  }
0x478: {  	v23 =	vsub.f32 v23, v22  }
0x479: {  	v21 =	vsub.f32 v21, v22  }
0x47a: {  	v24 =	vsub.f32 v28, v22;
	v23 =	vmul.f32 $1.442695020e+00, v23  }
0x47b: {  	v20 =	vsub.f32 v20, v22;
	v21 =	vmul.f32 $1.442695020e+00, v21  }
0x47c: {  	v22 =	vmul.f32 $1.442695020e+00, v24;
	(erf) = vpow2.f32 v23  }
0x47d: {  	v20 =	vmul.f32 $1.442695020e+00, v20;
	(erf) = vpow2.f32 v21  }
0x47e: {  	(erf) = vpow2.f32 v22  }
0x47f: {  	(erf) = vpow2.f32 v20;
	_ =	sdelay $0x5  }
0x480: {  	v20 =	vpop (erf)  }
0x481: {  	v21 =	vpop (erf)  }
0x482: {  	v22 =	vpop (erf)  }
0x483: {  	v23 =	vpop (erf)  }
0x484: {  	v30 =	vadd.f32 v21, v20;
	v31 =	vadd.f32 v23, v22;
	_ =	sdelay $0x1  }
0x485: {  	v24 =	vadd.f32 v31, v30;
	_ =	sdelay $0x1  }
0x486: {  	(erf) = vrcp.f32 v24;
	_ =	sdelay $0x8  }
0x487: {  	v24 =	vpop (erf)  }
0x488: {  	v20 =	vmul.f32 v24, v20  }
0x489: {  	v21 =	vmul.f32 v24, v21  }
0x48a: {  	[tilespmem:$0x17FC0] =	vst v20;
	v20 =	vmul.f32 v24, v22  }
0x48b: {  	[tilespmem:$0x18790] =	vst v21;
	v21 =	vmul.f32 v24, v23  }
0x48c: {  	[tilespmem:$0x18F60] =	vst v20  }
0x48d: {  	s20 =	rddreg [dreg:$0x13];
	s21 =	simm.s32 $0x17800;
	[tilespmem:$0x19730] =	vst v21  }
0x48e: {  	[hbm4b:s20+s19] =	stream.linear.scatter [tilespmem:s21], [sflag:$0x4], $0x7D0, $0x38;
	[tilespmem:$0x19880] =	vst v63  }
0x48f: {  	s24 =	simm.s32 $0x17FD0;
	s23 =	rddreg [dreg:$0x14]  }
0x490: {  	[hbm4b:s23+s19] =	stream.linear.scatter [tilespmem:s24], [sflag:$0x4], $0x7D0, $0x38;
	[tilespmem:$0x19880] =	vst v63  }
0x491: {  	s25 =	simm.s32 $0x187A0  }
0x492: {  	[hbm4b:s1+s19] =	stream.linear.scatter [tilespmem:s25], [sflag:$0x4], $0x7D0, $0x38;
	[tilespmem:$0x19880] =	vst v63  }
0x493: {  	s26 =	simm.s32 $0x18F70  }
0x494: {  	[hbm4b:s22+s19] =	stream.linear.scatter [tilespmem:s26], [sflag:$0x4], $0x7D0, $0x38;
	[tilespmem:$0x19880] =	vst v63  }
0x495: {  	_ =	swait.ge [sflag:s9], $0x7D0  }
0x496: {  	[sflag:s9] =	ssyncset.done $0x0  }
0x497: {  	[sflag:s9] =	ssyncadd.s32 $0xFFFFF830  }
0x498: {  	_ =	swait.ge [sflag:s9], $0x7D0  }
0x499: {  	[sflag:s9] =	ssyncset.done $0x0  }
0x49a: {  	[sflag:s9] =	ssyncadd.s32 $0xFFFFF830  }
0x49b: {  	_ =	swait.ge [sflag:s15], $0x7D0  }
0x49c: {  	[sflag:s15] =	ssyncset.done $0x0  }
0x49d: {  	[sflag:s15] =	ssyncadd.s32 $0xFFFFF830  }
0x49e: {  	_ =	swait.ge [sflag:s15], $0x7D0  }
0x49f: {  	[sflag:s15] =	ssyncset.done $0x0  }
0x4a0: {  	[sflag:s15] =	ssyncadd.s32 $0xFFFFF830  }
0x4a1: {  	_ =	swait.ge [sflag:s15], $0x7D0  }
0x4a2: {  	[sflag:s15] =	ssyncset.done $0x0  }
0x4a3: {  	[sflag:s15] =	ssyncadd.s32 $0xFFFFF830  }
0x4a4: {  	_ =	swait.ge [sflag:s15], $0x7D0  }
0x4a5: {  	[sflag:s15] =	ssyncset.done $0x0  }
0x4a6: {  	s20 =	simm.s32 $0x14890;
	[sflag:s15] =	ssyncadd.s32 $0xFFFFF830  }
0x4a7: {  	s28 =	simm.s32 $0x13890;
	v20 =	vld [tilespmem:s20+$0xFFFFFFF0]  }
0x4a8: {  	v21 =	vld [tilespmem:s28+$0xFFFFFFF0];
	_ =	sdelay $0x3  }
0x4a9: {  	v22 =	vadd.s32 $0xC350, v20  }
0x4aa: {  	v32 =	vadd.s32 $0xEA60, v20  }
0x4ab: {  	v23 =	vadd.s32 $0x11170, v20;
	v20 =	vadd.s32 $0x9C40, v20  }
0x4ac: {  	v33 =	vadd.s32 $0x2710, v21  }
0x4ad: {  	v35 =	vadd.s32 $0x4E20, v21;
	v34 =	vld.idx.msk [tilespmem:v21+s2+$0x0], $0xffff  }
0x4ae: {  	v22 =	vld.idx.msk [tilespmem:v22+s2+$0x0], $0xffff  }
0x4af: {  	v24 =	vld.idx.msk [tilespmem:v32+s2+$0x0], $0xffff  }
0x4b0: {  	v20 =	vld.idx.msk [tilespmem:v20+s2+$0x0], $0xffff  }
0x4b1: {  	v21 =	vadd.s32 $0x7530, v21;
	v25 =	vld.idx.msk [tilespmem:v33+s2+$0x0], $0xffff  }
0x4b2: {  	v27 =	vld.idx.msk [tilespmem:v35+s2+$0x0], $0xffff;
	_ =	sdelay $0x2  }
0x4b3: {  	v23 =	vld.idx.msk [tilespmem:v23+s2+$0x0], $0xffff;
	v20 =	vadd.f32 v20, v34  }
0x4b4: {  	v21 =	vld.idx.msk [tilespmem:v21+s2+$0x0], $0xffff;
	v22 =	vadd.f32 v22, v25  }
0x4b5: {  	v24 =	vadd.f32 v24, v27;
	v36 =	vmul.f32 v20, v6;
	v26 =	vmul.f32 v20, v16  }
0x4b6: {  	v37 =	vmul.f32 v22, v15;
	v38 =	vmul.f32 v22, v8  }
0x4b7: {  	v39 =	vmul.f32 v24, v4;
	v30 =	vmul.f32 v22, v11  }
0x4b8: {  	v40 =	vmul.f32 v24, v9;
	v22 =	vmul.f32 v22, v18  }
0x4b9: {  	v21 =	vadd.f32 v23, v21;
	v23 =	vmul.f32 v20, v12;
	v20 =	vmul.f32 v20, v19  }
0x4ba: {  	v41 =	vmul.f32 v24, v2;
	v25 =	vadd.f32 v36, v5;
	v26 =	vadd.f32 v26, v13  }
0x4bb: {  	v23 =	vadd.f32 v23, v10;
	v20 =	vadd.f32 v20, v17;
	v42 =	vmul.f32 v21, v0  }
0x4bc: {  	v43 =	vmul.f32 v21, v3;
	v25 =	vadd.f32 v38, v25;
	v26 =	vadd.f32 v37, v26  }
0x4bd: {  	v23 =	vadd.f32 v30, v23;
	v20 =	vadd.f32 v22, v20;
	v22 =	vmul.f32 v24, v14  }
0x4be: {  	v44 =	vmul.f32 v21, v1;
	v25 =	vadd.f32 v39, v25;
	v26 =	vadd.f32 v40, v26  }
0x4bf: {  	v21 =	vmul.f32 v21, v7;
	v23 =	vadd.f32 v41, v23;
	v20 =	vadd.f32 v22, v20  }
0x4c0: {  	v22 =	vadd.f32 v42, v25;
	v45 =	vadd.f32 v43, v26  }
0x4c1: {  	v23 =	vadd.f32 v44, v23;
	v20 =	vadd.f32 v21, v20;
	_ =	sdelay $0x1  }
0x4c2: {  	v21 =	vmax.f32 v22, v23;
	v46 =	vmax.f32 v45, v20  }
0x4c3: {  	v21 =	vmax.f32 v21, v46  }
0x4c4: {  	v22 =	vsub.f32 v22, v21  }
0x4c5: {  	v20 =	vsub.f32 v20, v21  }
0x4c6: {  	v24 =	vsub.f32 v45, v21;
	v22 =	vmul.f32 $1.442695020e+00, v22  }
0x4c7: {  	v21 =	vsub.f32 v23, v21;
	v20 =	vmul.f32 $1.442695020e+00, v20  }
0x4c8: {  	v23 =	vmul.f32 $1.442695020e+00, v24;
	(erf) = vpow2.f32 v22  }
0x4c9: {  	v21 =	vmul.f32 $1.442695020e+00, v21;
	(erf) = vpow2.f32 v20  }
0x4ca: {  	(erf) = vpow2.f32 v23  }
0x4cb: {  	(erf) = vpow2.f32 v21;
	_ =	sdelay $0x5  }
0x4cc: {  	v20 =	vpop (erf)  }
0x4cd: {  	v21 =	vpop (erf)  }
0x4ce: {  	v22 =	vpop (erf)  }
0x4cf: {  	v23 =	vpop (erf)  }
0x4d0: {  	v47 =	vadd.f32 v21, v22;
	v48 =	vadd.f32 v23, v20;
	_ =	sdelay $0x1  }
0x4d1: {  	v24 =	vadd.f32 v47, v48;
	_ =	sdelay $0x1  }
0x4d2: {  	(erf) = vrcp.f32 v24;
	_ =	sdelay $0x8  }
0x4d3: {  	v24 =	vpop (erf)  }
0x4d4: {  	v20 =	vmul.f32 v24, v20  }
0x4d5: {  	s21 =	simm.s32 $0x16820;
	v22 =	vmul.f32 v24, v22  }
0x4d6: {  	v23 =	vmul.f32 v24, v23;
	[tilespmem:s21+$0xFFFFF060] =	vst v20  }
0x4d7: {  	v20 =	vmul.f32 v24, v21;
	[tilespmem:s21+$0x0] =	vst v22  }
0x4d8: {  	[tilespmem:s21+$0xFFFFF830] =	vst v23  }
0x4d9: {  	[tilespmem:s21+$0x7D0] =	vst v20  }
0x4da: {  	v20 =	vld [tilespmem:s20+$0x0]  }
0x4db: {  	v21 =	vld [tilespmem:s28+$0x0];
	_ =	sdelay $0x3  }
0x4dc: {  	v22 =	vadd.s32 $0x9C40, v20  }
0x4dd: {  	v23 =	vadd.s32 $0xC350, v20  }
0x4de: {  	v49 =	vadd.s32 $0x4E20, v21  }
0x4df: {  	v50 =	vadd.s32 $0x2710, v21  }
0x4e0: {  	v51 =	vadd.s32 $0xEA60, v20;
	v52 =	vld.idx.msk [tilespmem:v21+s2+$0x0], $0xffff  }
0x4e1: {  	v22 =	vld.idx.msk [tilespmem:v22+s2+$0x0], $0xffff  }
0x4e2: {  	v20 =	vadd.s32 $0x11170, v20;
	v23 =	vld.idx.msk [tilespmem:v23+s2+$0x0], $0xffff  }
0x4e3: {  	v21 =	vadd.s32 $0x7530, v21;
	v24 =	vld.idx.msk [tilespmem:v49+s2+$0x0], $0xffff  }
0x4e4: {  	v25 =	vld.idx.msk [tilespmem:v50+s2+$0x0], $0xffff  }
0x4e5: {  	v26 =	vld.idx.msk [tilespmem:v51+s2+$0x0], $0xffff;
	_ =	sdelay $0x1  }
0x4e6: {  	v20 =	vld.idx.msk [tilespmem:v20+s2+$0x0], $0xffff;
	v22 =	vadd.f32 v22, v52  }
0x4e7: {  	v21 =	vld.idx.msk [tilespmem:v21+s2+$0x0], $0xffff  }
0x4e8: {  	v23 =	vadd.f32 v23, v25;
	v27 =	vmul.f32 v22, v6;
	v53 =	vmul.f32 v22, v12  }
0x4e9: {  	v24 =	vadd.f32 v26, v24;
	v54 =	vmul.f32 v22, v16;
	v22 =	vmul.f32 v22, v19  }
0x4ea: {  	v55 =	vmul.f32 v23, v8;
	v56 =	vmul.f32 v23, v15  }
0x4eb: {  	v58 =	vmul.f32 v24, v4;
	v59 =	vmul.f32 v24, v9  }
0x4ec: {  	v20 =	vadd.f32 v20, v21;
	v21 =	vmul.f32 v23, v11;
	v27 =	vadd.f32 v27, v5  }
0x4ed: {  	v23 =	vmul.f32 v23, v18;
	v25 =	vadd.f32 v54, v13;
	v22 =	vadd.f32 v22, v17  }
0x4ee: {  	v28 =	vadd.f32 v53, v10;
	v57 =	vmul.f32 v20, v3;
	v60 =	vmul.f32 v20, v0  }
0x4ef: {  	v25 =	vadd.f32 v56, v25;
	v22 =	vadd.f32 v23, v22;
	v23 =	vmul.f32 v24, v14  }
0x4f0: {  	v26 =	vadd.f32 v55, v27;
	v21 =	vadd.f32 v21, v28;
	v24 =	vmul.f32 v24, v2  }
0x4f1: {  	v22 =	vadd.f32 v23, v22;
	v23 =	vmul.f32 v20, v7;
	v25 =	vadd.f32 v59, v25  }
0x4f2: {  	v26 =	vadd.f32 v58, v26;
	v21 =	vadd.f32 v24, v21;
	v20 =	vmul.f32 v20, v1  }
0x4f3: {  	v22 =	vadd.f32 v23, v22;
	v23 =	vadd.f32 v57, v25  }
0x4f4: {  	v61 =	vadd.f32 v60, v26;
	v20 =	vadd.f32 v20, v21;
	_ =	sdelay $0x1  }
0x4f5: {  	v21 =	vmax.f32 v23, v22;
	v62 =	vmax.f32 v61, v20  }
0x4f6: {  	v21 =	vmax.f32 v62, v21  }
0x4f7: {  	v20 =	vsub.f32 v20, v21  }
0x4f8: {  	v23 =	vsub.f32 v23, v21  }
0x4f9: {  	v24 =	vsub.f32 v61, v21;
	v21 =	vsub.f32 v22, v21;
	v63 =	vmul.f32 $1.442695020e+00, v20  }
0x4fa: {  	v22 =	vmul.f32 $1.442695020e+00, v23  }
0x4fb: {  	s24 =	simm.s32 $0x0;
	v21 =	vmul.f32 $1.442695020e+00, v21;
	(erf) = vpow2.f32 v63  }
0x4fc: {  	s23 =	simm.s32 $0x16820;
	s25 =	simm.s32 $0x138B0;
	s26 =	simm.s32 $0x20;
	v20 =	vmul.f32 $1.442695020e+00, v24;
	(erf) = vpow2.f32 v22  }
.LBB2_10:
0x4fd: {  	s24 =	sadd.s32 $0x2, s24;
	s21 =	sadd.s32 $0x20, s21;
	s20 =	sadd.s32 $0x20, s20;
	(erf) = vpow2.f32 v21  }
0x4fe: {  	p0 =	slt.u32 s24, $0x7A;
	(erf) = vpow2.f32 v20;
	_ =	sdelay $0x5  }
0x4ff: {  	v20 =	vpop (erf)  }
0x500: {  	v21 =	vpop (erf)  }
0x501: {  	v22 =	vpop (erf)  }
0x502: {  	v23 =	vadd.f32 v22, v21;
	v24 =	vpop (erf)  }
0x503: {  	v25 =	vadd.f32 v20, v24;
	_ =	sdelay $0x1  }
0x504: {  	v23 =	vadd.f32 v23, v25;
	_ =	sdelay $0x1  }
0x505: {  	(erf) = vrcp.f32 v23;
	_ =	sdelay $0x8  }
0x506: {  	v23 =	vpop (erf)  }
0x507: {  	v24 =	vmul.f32 v23, v24;
	v20 =	vmul.f32 v23, v20  }
0x508: {  	v21 =	vmul.f32 v23, v21;
	v22 =	vmul.f32 v23, v22  }
0x509: {  	[tilespmem:s23+$0xFFFFF070] =	vst v24  }
0x50a: {  	[tilespmem:s23+$0xFFFFF840] =	vst v20;
	_ =	sdelay $0x1  }
0x50b: {  	s28 =	sand.u32 $0x7E0, s19;
	s19 =	smov.u32 s26;
	[tilespmem:s23+$0x10] =	vst v21;
	s23 =	smov.u32 s21  }
0x50c: {  	[tilespmem:s28+$0x17000] =	vst v22  }
0x50d: {  	v20 =	vld [tilespmem:s20+$0xFFFFFFF0]  }
0x50e: {  	v21 =	vld [tilespmem:s25+$0xFFFFFFF0];
	_ =	sdelay $0x3  }
0x50f: {  	v22 =	vadd.s32 $0xC350, v20;
	v23 =	vadd.s32 $0xEA60, v20;
	v24 =	vadd.s32 $0x11170, v20  }
0x510: {  	v20 =	vadd.s32 $0x9C40, v20;
	v25 =	vadd.s32 $0x2710, v21;
	v26 =	vadd.s32 $0x7530, v21;
	_ =	sdelay $0x2  }
0x511: {  	v27 =	vld.idx.msk [tilespmem:v21+s2+$0x0], $0xffff  }
0x512: {  	v21 =	vadd.s32 $0x4E20, v21;
	v22 =	vld.idx.msk [tilespmem:v22+s2+$0x0], $0xffff  }
0x513: {  	v24 =	vld.idx.msk [tilespmem:v24+s2+$0x0], $0xffff  }
0x514: {  	v23 =	vld.idx.msk [tilespmem:v23+s2+$0x0], $0xffff  }
0x515: {  	v20 =	vld.idx.msk [tilespmem:v20+s2+$0x0], $0xffff  }
0x516: {  	v25 =	vld.idx.msk [tilespmem:v25+s2+$0x0], $0xffff  }
0x517: {  	v21 =	vld.idx.msk [tilespmem:v21+s2+$0x0], $0xffff  }
0x518: {  	v26 =	vld.idx.msk [tilespmem:v26+s2+$0x0], $0xffff;
	_ =	sdelay $0x2  }
0x519: {  	v20 =	vadd.f32 v20, v27  }
0x51a: {  	v22 =	vadd.f32 v22, v25  }
0x51b: {  	v21 =	vadd.f32 v23, v21;
	v23 =	vmul.f32 v20, v6;
	v25 =	vmul.f32 v20, v16  }
0x51c: {  	v24 =	vadd.f32 v24, v26;
	v26 =	vmul.f32 v20, v12;
	v27 =	vmul.f32 v22, v15  }
0x51d: {  	v28 =	vmul.f32 v22, v8;
	v23 =	vadd.f32 v23, v5;
	v25 =	vadd.f32 v25, v13  }
0x51e: {  	v30 =	vmul.f32 v22, v11;
	v29 =	vmul.f32 v21, v4;
	v26 =	vadd.f32 v26, v10  }
0x51f: {  	v23 =	vadd.f32 v28, v23;
	v25 =	vadd.f32 v27, v25;
	v27 =	vmul.f32 v21, v9  }
0x520: {  	v20 =	vmul.f32 v20, v19;
	v28 =	vmul.f32 v21, v2;
	v26 =	vadd.f32 v30, v26  }
0x521: {  	v23 =	vadd.f32 v29, v23;
	v25 =	vadd.f32 v27, v25  }
0x522: {  	v22 =	vmul.f32 v22, v18;
	v20 =	vadd.f32 v20, v17;
	v26 =	vadd.f32 v28, v26;
	_ =	sdelay $0x1  }
0x523: {  	v21 =	vmul.f32 v21, v14;
	v20 =	vadd.f32 v22, v20  }
0x524: {  	v22 =	vmul.f32 v24, v0;
	v27 =	vmul.f32 v24, v3  }
0x525: {  	v28 =	vmul.f32 v24, v1;
	v20 =	vadd.f32 v21, v20;
	v21 =	vmul.f32 v24, v7  }
0x526: {  	v22 =	vadd.f32 v22, v23;
	v23 =	vadd.f32 v27, v25  }
0x527: {  	v24 =	vadd.f32 v28, v26;
	v20 =	vadd.f32 v21, v20;
	_ =	sdelay $0x1  }
0x528: {  	v21 =	vmax.f32 v22, v24;
	v25 =	vmax.f32 v23, v20  }
0x529: {  	v21 =	vmax.f32 v21, v25  }
0x52a: {  	v22 =	vsub.f32 v22, v21;
	v24 =	vsub.f32 v24, v21  }
0x52b: {  	v23 =	vsub.f32 v23, v21;
	v20 =	vsub.f32 v20, v21  }
0x52c: {  	v21 =	vmul.f32 $1.442695020e+00, v22;
	v22 =	vmul.f32 $1.442695020e+00, v24  }
0x52d: {  	v23 =	vmul.f32 $1.442695020e+00, v23;
	v20 =	vmul.f32 $1.442695020e+00, v20  }
0x52e: {  	(erf) = vpow2.f32 v21  }
0x52f: {  	(erf) = vpow2.f32 v20  }
0x530: {  	(erf) = vpow2.f32 v23;
	_ =	sdelay $0x3  }
0x531: {  	(erf) = vpow2.f32 v22;
	_ =	sdelay $0x2  }
0x532: {  	v20 =	vpop (erf)  }
0x533: {  	v21 =	vpop (erf)  }
0x534: {  	v22 =	vpop (erf)  }
0x535: {  	v23 =	vadd.f32 v21, v22;
	_ =	sdelay $0x2  }
0x536: {  	v24 =	vpop (erf)  }
0x537: {  	v25 =	vadd.f32 v24, v20;
	_ =	sdelay $0x1  }
0x538: {  	v23 =	vadd.f32 v23, v25;
	_ =	sdelay $0x1  }
0x539: {  	(erf) = vrcp.f32 v23;
	_ =	sdelay $0x8  }
0x53a: {  	v23 =	vpop (erf)  }
0x53b: {  	v20 =	vmul.f32 v23, v20;
	v24 =	vmul.f32 v23, v24  }
0x53c: {  	v22 =	vmul.f32 v23, v22;
	v21 =	vmul.f32 v23, v21  }
0x53d: {  	[tilespmem:s21+$0xFFFFF060] =	vst v20  }
0x53e: {  	[tilespmem:s21+$0x0] =	vst v22  }
0x53f: {  	[tilespmem:s21+$0xFFFFF830] =	vst v24  }
0x540: {  	[tilespmem:s21+$0x7D0] =	vst v21  }
0x541: {  	v20 =	vld [tilespmem:s20+$0x0]  }
0x542: {  	v21 =	vld [tilespmem:s25+$0x0];
	_ =	sdelay $0x3  }
0x543: {  	v22 =	vadd.s32 $0x9C40, v20;
	v23 =	vadd.s32 $0xC350, v20;
	v24 =	vadd.s32 $0xEA60, v20  }
0x544: {  	v20 =	vadd.s32 $0x11170, v20;
	v25 =	vadd.s32 $0x4E20, v21;
	_ =	sdelay $0x1  }
0x545: {  	v26 =	vadd.s32 $0x2710, v21  }
0x546: {  	v27 =	vld.idx.msk [tilespmem:v21+s2+$0x0], $0xffff  }
0x547: {  	v21 =	vadd.s32 $0x7530, v21;
	v22 =	vld.idx.msk [tilespmem:v22+s2+$0x0], $0xffff  }
0x548: {  	v23 =	vld.idx.msk [tilespmem:v23+s2+$0x0], $0xffff  }
0x549: {  	v25 =	vld.idx.msk [tilespmem:v25+s2+$0x0], $0xffff  }
0x54a: {  	v26 =	vld.idx.msk [tilespmem:v26+s2+$0x0], $0xffff  }
0x54b: {  	v24 =	vld.idx.msk [tilespmem:v24+s2+$0x0], $0xffff  }
0x54c: {  	v21 =	vld.idx.msk [tilespmem:v21+s2+$0x0], $0xffff  }
0x54d: {  	v22 =	vadd.f32 v22, v27;
	v20 =	vld.idx.msk [tilespmem:v20+s2+$0x0], $0xffff;
	_ =	sdelay $0x1  }
0x54e: {  	v27 =	vmul.f32 v22, v6;
	v28 =	vmul.f32 v22, v12  }
0x54f: {  	v23 =	vadd.f32 v23, v26;
	v26 =	vmul.f32 v22, v16;
	v22 =	vmul.f32 v22, v19  }
0x550: {  	v27 =	vadd.f32 v27, v5;
	v28 =	vadd.f32 v28, v10  }
0x551: {  	v24 =	vadd.f32 v24, v25;
	v25 =	vmul.f32 v23, v8;
	v26 =	vadd.f32 v26, v13  }
0x552: {  	v29 =	vmul.f32 v23, v15;
	v20 =	vadd.f32 v20, v21;
	v21 =	vmul.f32 v23, v11  }
0x553: {  	v22 =	vadd.f32 v22, v17;
	v23 =	vmul.f32 v23, v18;
	v25 =	vadd.f32 v25, v27  }
0x554: {  	v26 =	vadd.f32 v29, v26;
	v21 =	vadd.f32 v21, v28;
	v27 =	vmul.f32 v20, v3  }
0x555: {  	v28 =	vmul.f32 v24, v4;
	v22 =	vadd.f32 v23, v22;
	v23 =	vmul.f32 v24, v14  }
0x556: {  	v30 =	vmul.f32 v24, v9;
	v29 =	vmul.f32 v20, v0  }
0x557: {  	v24 =	vmul.f32 v24, v2;
	v22 =	vadd.f32 v23, v22;
	v23 =	vmul.f32 v20, v7  }
0x558: {  	v26 =	vadd.f32 v30, v26;
	v25 =	vadd.f32 v28, v25  }
0x559: {  	v21 =	vadd.f32 v24, v21;
	v20 =	vmul.f32 v20, v1;
	v22 =	vadd.f32 v23, v22  }
0x55a: {  	v23 =	vadd.f32 v27, v26  }
0x55b: {  	v24 =	vadd.f32 v29, v25;
	v20 =	vadd.f32 v20, v21  }
0x55c: {  	v21 =	vmax.f32 v23, v22  }
0x55d: {  	v25 =	vmax.f32 v24, v20  }
0x55e: {  	v21 =	vmax.f32 v25, v21  }
0x55f: {  	v24 =	vsub.f32 v24, v21;
	v25 =	vsub.f32 v20, v21  }
.Ltmp4:
0x560: {  	v23 =	vsub.f32 v23, v21;
	v21 =	vsub.f32 v22, v21;
	(pc) =	sbr.rel @p0 .LBB2_10-.Ltmp4, $4  }
0x561: {  	v20 =	vmul.f32 $1.442695020e+00, v24;
	v22 =	vmul.f32 $1.442695020e+00, v25  }
0x562: {  	v23 =	vmul.f32 $1.442695020e+00, v23;
	v21 =	vmul.f32 $1.442695020e+00, v21  }
0x563: {  	(erf) = vpow2.f32 v22  }
0x564: {  	s26 =	sadd.s32 $0x20, s26;
	s25 =	sadd.s32 $0x20, s25;
	(erf) = vpow2.f32 v23  }
0x565: {  	(erf) = vpow2.f32 v21  }
0x566: {  	(erf) = vpow2.f32 v20;
	_ =	sdelay $0x5  }
0x567: {  	v33 =	vpop (erf)  }
0x568: {  	v34 =	vpop (erf)  }
0x569: {  	v22 =	vpop (erf)  }
0x56a: {  	v23 =	vpop (erf)  }
0x56b: {  	v24 =	vadd.f32 v22, v34;
	v25 =	vadd.f32 v33, v23;
	_ =	sdelay $0x1  }
0x56c: {  	v24 =	vadd.f32 v24, v25;
	_ =	sdelay $0x1  }
0x56d: {  	(erf) = vrcp.f32 v24;
	_ =	sdelay $0x8  }
0x56e: {  	v24 =	vpop (erf)  }
0x56f: {  	v23 =	vmul.f32 v24, v23  }
0x570: {  	v20 =	vmul.f32 v24, v33  }
0x571: {  	v21 =	vmul.f32 v24, v34;
	[tilespmem:s23+$0xFFFFF070] =	vst v23  }
0x572: {  	v22 =	vmul.f32 v24, v22;
	[tilespmem:s23+$0xFFFFF840] =	vst v20  }
0x573: {  	s19 =	sand.u32 $0x7E0, s19;
	[tilespmem:s23+$0x10] =	vst v21  }
0x574: {  	[tilespmem:s19+$0x17000] =	vst v22  }
0x575: {  	v20 =	vld [tilespmem:$0x15040]  }
0x576: {  	v21 =	vld [tilespmem:$0x14040];
	_ =	sdelay $0x3  }
0x577: {  	v35 =	vadd.s32 $0x9C40, v20  }
0x578: {  	v36 =	vadd.s32 $0x2710, v21  }
0x579: {  	v37 =	vadd.s32 $0xC350, v20  }
0x57a: {  	v38 =	vadd.s32 $0x4E20, v21  }
0x57b: {  	v27 =	vadd.s32 $0xEA60, v20;
	v26 =	vld.idx.msk [tilespmem:v21+s2+$0x0], $0xffff  }
0x57c: {  	v22 =	vld.idx.msk [tilespmem:v35+s2+$0x0], $0xffff  }
0x57d: {  	v23 =	vld.idx.msk [tilespmem:v36+s2+$0x0], $0xffff  }
0x57e: {  	v24 =	vld.idx.msk [tilespmem:v37+s2+$0x0], $0xffff  }
0x57f: {  	v20 =	vadd.s32 $0x11170, v20;
	v25 =	vld.idx.msk [tilespmem:v38+s2+$0x0], $0xffff  }
0x580: {  	v21 =	vadd.s32 $0x7530, v21;
	v27 =	vld.idx.msk [tilespmem:v27+s2+$0x0], $0xffff;
	_ =	sdelay $0x3  }
0x581: {  	v20 =	vld.idx.msk [tilespmem:v20+s2+$0x0], $0xffff;
	v22 =	vadd.f32 v22, v26;
	v23 =	vadd.f32 v24, v23  }
0x582: {  	v21 =	vld.idx.msk [tilespmem:v21+s2+$0x0], $0xffff;
	v39 =	vadd.f32 v27, v25  }
0x583: {  	v6 =	vmul.f32 v22, v6;
	v40 =	vmul.f32 v23, v8  }
0x584: {  	v12 =	vmul.f32 v22, v12;
	v4 =	vmul.f32 v39, v4  }
0x585: {  	v42 =	vmul.f32 v22, v16;
	v11 =	vmul.f32 v23, v11  }
0x586: {  	v43 =	vmul.f32 v22, v19;
	v45 =	vmul.f32 v23, v15  }
0x587: {  	v47 =	vmul.f32 v23, v18;
	v41 =	vadd.f32 v20, v21;
	v5 =	vadd.f32 v6, v5  }
0x588: {  	v2 =	vmul.f32 v39, v2;
	v10 =	vadd.f32 v12, v10;
	v46 =	vadd.f32 v43, v17  }
0x589: {  	v48 =	vmul.f32 v39, v9;
	v44 =	vadd.f32 v42, v13;
	v5 =	vadd.f32 v40, v5  }
0x58a: {  	v50 =	vmul.f32 v39, v14;
	v10 =	vadd.f32 v11, v10;
	v49 =	vadd.f32 v47, v46  }
0x58b: {  	v0 =	vmul.f32 v41, v0;
	v4 =	vadd.f32 v4, v5;
	v5 =	vadd.f32 v45, v44  }
0x58c: {  	v1 =	vmul.f32 v41, v1;
	v3 =	vmul.f32 v41, v3;
	v2 =	vadd.f32 v2, v10  }
0x58d: {  	v7 =	vmul.f32 v41, v7;
	v51 =	vadd.f32 v50, v49;
	v5 =	vadd.f32 v48, v5  }
0x58e: {  	v0 =	vadd.f32 v0, v4;
	v1 =	vadd.f32 v1, v2  }
0x58f: {  	v53 =	vadd.f32 v7, v51;
	v52 =	vadd.f32 v3, v5;
	_ =	sdelay $0x1  }
0x590: {  	v4 =	vmax.f32 v0, v1;
	v5 =	vmax.f32 v52, v53  }
0x591: {  	v4 =	vmax.f32 v4, v5  }
0x592: {  	v0 =	vsub.f32 v0, v4  }
0x593: {  	v1 =	vsub.f32 v1, v4  }
0x594: {  	v2 =	vsub.f32 v52, v4;
	v0 =	vmul.f32 $1.442695020e+00, v0  }
0x595: {  	v3 =	vsub.f32 v53, v4;
	v1 =	vmul.f32 $1.442695020e+00, v1  }
0x596: {  	v54 =	vmul.f32 $1.442695020e+00, v2;
	(erf) = vpow2.f32 v0  }
0x597: {  	v55 =	vmul.f32 $1.442695020e+00, v3;
	(erf) = vpow2.f32 v1  }
0x598: {  	(erf) = vpow2.f32 v54  }
0x599: {  	(erf) = vpow2.f32 v55;
	_ =	sdelay $0x5  }
0x59a: {  	v56 =	vpop (erf)  }
0x59b: {  	v57 =	vpop (erf)  }
0x59c: {  	v58 =	vpop (erf)  }
0x59d: {  	v59 =	vpop (erf)  }
0x59e: {  	v60 =	vadd.f32 v57, v56;
	v61 =	vadd.f32 v59, v58;
	_ =	sdelay $0x1  }
0x59f: {  	v4 =	vadd.f32 v61, v60;
	_ =	sdelay $0x1  }
0x5a0: {  	(erf) = vrcp.f32 v4;
	_ =	sdelay $0x8  }
0x5a1: {  	v4 =	vpop (erf)  }
0x5a2: {  	v0 =	vmul.f32 v4, v56  }
0x5a3: {  	v1 =	vmul.f32 v4, v57  }
0x5a4: {  	v62 =	vmul.f32 v4, v58;
	[tilespmem:$0x16040] =	vst v0  }
0x5a5: {  	v63 =	vmul.f32 v4, v59;
	[tilespmem:$0x16810] =	vst v1  }
0x5a6: {  	[tilespmem:$0x16FE0] =	vst v62  }
0x5a7: {  	s25 =	rddreg [dreg:$0x15];
	[tilespmem:$0x177B0] =	vst v63  }
0x5a8: {  	[hbm4b:s25+s2] =	stream.linear.scatter [tilespmem:s10], [sflag:$0x3], $0x7D0, $0x38;
	[tilespmem:$0x19880] =	vst v63  }
0x5a9: {  	s26 =	rddreg [dreg:$0x16]  }
0x5aa: {  	[hbm4b:s26+s2] =	stream.linear.scatter [tilespmem:s11], [sflag:$0x3], $0x7D0, $0x38;
	[tilespmem:$0x19880] =	vst v63  }
0x5ab: {  	_ = 	snop  }
0x5ac: {  	[hbm4b:s3+s2] =	stream.linear.scatter [tilespmem:s12], [sflag:$0x3], $0x7D0, $0x38;
	[tilespmem:$0x19880] =	vst v63  }
0x5ad: {  	_ = 	snop  }
0x5ae: {  	[hbm4b:s4+s2] =	stream.linear.scatter [tilespmem:s13], [sflag:$0x3], $0x7D0, $0x38;
	[tilespmem:$0x19880] =	vst v63  }
0x5af: {  	_ =	swait.ge [sflag:s16], $0x7D0  }
0x5b0: {  	[sflag:s16] =	ssyncset.done $0x0  }
0x5b1: {  	[sflag:s16] =	ssyncadd.s32 $0xFFFFF830  }
0x5b2: {  	_ =	swait.ge [sflag:s16], $0x7D0  }
0x5b3: {  	[sflag:s16] =	ssyncset.done $0x0  }
0x5b4: {  	[sflag:s16] =	ssyncadd.s32 $0xFFFFF830  }
0x5b5: {  	_ =	swait.ge [sflag:s16], $0x7D0  }
0x5b6: {  	[sflag:s16] =	ssyncset.done $0x0  }
0x5b7: {  	[sflag:s16] =	ssyncadd.s32 $0xFFFFF830  }
0x5b8: {  	_ =	swait.ge [sflag:s16], $0x7D0  }
0x5b9: {  	[sflag:s16] =	ssyncset.done $0x0  }
0x5ba: {  	[sflag:s16] =	ssyncadd.s32 $0xFFFFF830  }
0x5bb: {  	_ =	swait.ge [sflag:s15], $0x7D0  }
0x5bc: {  	[sflag:s15] =	ssyncset.done $0x0  }
0x5bd: {  	[sflag:s15] =	ssyncadd.s32 $0xFFFFF830  }
0x5be: {  	_ =	swait.ge [sflag:s15], $0x7D0  }
0x5bf: {  	[sflag:s15] =	ssyncset.done $0x0  }
0x5c0: {  	[sflag:s15] =	ssyncadd.s32 $0xFFFFF830  }
0x5c1: {  	_ =	swait.ge [sflag:s15], $0x7D0  }
0x5c2: {  	[sflag:s15] =	ssyncset.done $0x0  }
0x5c3: {  	[sflag:s15] =	ssyncadd.s32 $0xFFFFF830  }
0x5c4: {  	_ =	swait.ge [sflag:s15], $0x7D0  }
0x5c5: {  	s17 =	sadd.s32 $0x1, s17;
	s28 =	rddreg [dreg:$0x18]  }
0x5c6: {  	p0 =	sne.s32 s17, s28  }
.Ltmp5:
0x5c7: {  	_ = 	snop;
	(pc) =	sbr.rel @p0 .LBB2_1-.Ltmp5, $3  }
0x5c8: {  	_ =	sdelay $0x1  }
0x5c9: {  	[sflag:s15] =	ssyncset.done $0x0  }
0x5ca: {  	[sflag:s15] =	ssyncadd.s32 $0xFFFFF830  }
0x5cb: {  	_ =	sfence.sel $0x180000  }
0x5cc: {  	[bflag:$0x0] =	sbarrier.arrive $0xFFFF  }
0x5cd: {  	_ =	strace $0x90000047  }
0x5ce: {  	s0 =	stileid.u32;
	[bflag:$0x2] =	sbarrier.arrive $0xFFFF  }
0x5cf: {  	p0 =	sne.s32 s0, $0x0;
	s0 =	rddreg [dreg:$0x3]  }
0x5d0: {  	s0 =	sadd.s32 @!p0 $0x100000, s0  }
0x5d1: {  	[sflag:s0] =	ssyncadd.tile.s32 @!p0 $0x1;
	_ =	shalt  }
.Lfunc_end2:
_tile_overlayer_lowered:
.L_overlay_start_2:
0x5d2: {  	(tag) =	ssettag $0x2  }
0x5d3: {  	s0 =	rddreg [dreg:$0x0];
	s2 =	stileid.u32  }
0x5d4: {  	s1 =	rddreg [dreg:$0x1];
	p0 =	sne.s32 s2, $0x0  }
0x5d5: {  	s3 =	rddreg [dreg:$0x2];
	[bflag:$0x3] =	sbarrier.arrive $0xFFFF;
	s2 =	simm.s32 @!p0 $0x1C05  }
0x5d6: {  	[timem:s3], [sflag:s2] =	dma.local @!p0 [hbm:s0], s1  }
0x5d7: {  	s0 =	simm.s32 @!p0 $0x5  }
0x5d8: {  	_ =	swait.ge @!p0 [sflag:s0], s1  }
0x5d9: {  	s1 =	ssub.s32 @!p0 $0x0, s1;
	[sflag:s0] =	ssyncset.done @!p0 $0x0  }
0x5da: {  	[sflag:s0] =	ssyncadd.s32 @!p0 s1  }
0x5db: {  	[bflag:$0x3] =	sbarrier.arrive $0xFFFF  }
0x5dc: {  	_ =	shalt  }

// kernel: kernel.9.cloned.1.call-start
scs
__scs_entry_jumppad:
0x0: {  	(pc) =	sbr.rel $0x88, $3  }
0x1: {  	(tag) =	ssettag $0x0;
	lr =	simm.s32 $0x1  }
0x2: {  	[smem:$0x3F95] =	sst lr;
	_ =	strace $0xD0000000  }
0x3: {  	_ = 	snop  }
0x4: {  	_ = 	snop  }
0x5: {  	_ = 	snop  }
0x6: {  	_ = 	snop  }
0x7: {  	_ = 	snop  }
__scs_overlays_trampoline_lowered:
0x8: {  	[smem:$0x3FA4] =	sst s0  }
0x9: {  	[smem:$0x3FA5] =	sst s1  }
0xa: {  	[smem:$0x3FA6] =	sst s2  }
0xb: {  	[smem:$0x3FA7] =	sst s3  }
0xc: {  	[smem:$0x3FA8] =	sst s4  }
0xd: {  	[smem:$0x3FA9] =	sst s5  }
0xe: {  	[smem:$0x3FAA] =	sst s6  }
0xf: {  	[smem:$0x3FAB] =	sst s7  }
0x10: {  	[smem:$0x3FAC] =	sst s8  }
0x11: {  	[smem:$0x3FAD] =	sst s9;
	s0 =	simm.s32 @!p0 $0x0  }
0x12: {  	s1 =	sld [smem:$0x3F93];
	s0 =	simm.s32 @p0 $0x1  }
0x13: {  	[smem:$0x3FAE] =	sst s0;
	s0 =	simm.s32 @!p1 $0x0  }
0x14: {  	s2 =	sld [smem:$0x3F92];
	s0 =	simm.s32 @p1 $0x1  }
0x15: {  	[smem:$0x3FAF] =	sst s0;
	s0 =	simm.s32 @!p2 $0x0  }
0x16: {  	s3 =	sld [smem:$0x3FDB];
	s0 =	simm.s32 @p2 $0x1  }
0x17: {  	s4 =	simm.s32 $0x1BF5;
	[smem:$0x3FB1] =	sst s0  }
0x18: {  	s0 =	sld [smem:$0x3F94];
	_ =	swait.ge [sflag:s4], $0x0  }
0x19: {  	s7 =	sld [smem:$0x3F95]  }
0x1a: {  	s8 =	sadd.s32 $0xFFFFE003, lr  }
0x1b: {  	s9 =	sadd.s32 $0xFFFFFEF7, lr;
	s5 =	simm.s32 $0xFFFFFFFF;
	p2 =	slt.u32 s8, $0xFFFFF086  }
0x1c: {  	p1 =	slt.u32 s9, $0xF7A;
	s5 =	simm.s32 @!p2 $0x0  }
0x1d: {  	s5 =	simm.s32 @p1 $0x1;
	p0 =	seq.s32 s7, s2  }
0x1e: {  	s7 =	smul.u32 @!p0 $0xF7A, s2;
	p2 =	seq.s32 @!p0 s5, $0x0  }
0x1f: {  	s9 =	smul.u32 $0xF7A, s1;
	s8 =	simm.s32 @!p0 $0x1BF5;
	p2 =	por !p2, p0  }
0x20: {  	[sflag:s8] =	ssyncset.s32 @!p0 $0xFFFFF086;
	s6 =	sadd.s32 @!p0 s3, s7;
	s7 =	simm.s32 @!p0 $0x108  }
0x21: {  	s3 =	sadd.s32 s3, s9;
	s6 =	sadd.s32 @!p0 $0x88, s6;
	s7 =	simm.s32 @p2 $0x1082  }
0x22: {  	[simem:s7], [sflag:s8] =	dma.local @!p0 [hbm:s6], $0xF7A  }
0x23: {  	s9 =	sor.u32 $0xD0000000, s2;
	s6 =	simm.s32 $0x108;
	_ =	swait.ge @!p0 [sflag:s8], $0x0  }
0x24: {  	s3 =	sadd.s32 $0x88, s3;
	s6 =	simm.s32 @!p1 $0x1082;
	[sflag:s4] =	ssyncset.s32 $0xFFFFF086  }
0x25: {  	[simem:s6], [sflag:s4] =	dma.local [hbm:s3], $0xF7A  }
0x26: {  	[smem:$0x3F95] =	sst s1;
	(tag) =	ssettag s2;
	_ =	strace s9  }
0x27: {  	s1 =	sld [smem:$0x3FA5]  }
0x28: {  	s2 =	sld [smem:$0x3FA6]  }
0x29: {  	s4 =	sld [smem:$0x3FA8]  }
0x2a: {  	p0 =	seq.s32 s5, $0x0;
	s5 =	sld [smem:$0x3FA9]  }
0x2b: {  	s6 =	sld [smem:$0x3FAA]  }
0x2c: {  	s7 =	sld [smem:$0x3FAB]  }
0x2d: {  	s3 =	simm.s32 $0x108;
	s8 =	sld [smem:$0x3FAC]  }
0x2e: {  	s3 =	simm.s32 @!p0 $0x1082;
	s9 =	sld [smem:$0x3FAD]  }
0x2f: {  	lr =	sadd.s32 s0, s3;
	s0 =	sld [smem:$0x3FA4]  }
0x30: {  	s3 =	sld [smem:$0x3FA7]  }
0x31: {  	[smem:$0x3FB0] =	sst s10  }
0x32: {  	s10 =	sld [smem:$0x3FAE];
	_ =	sdelay $0x3  }
0x33: {  	p0 =	seq.s32 s10, $0x1;
	s10 =	sld [smem:$0x3FB0];
	_ =	sdelay $0x3  }
0x34: {  	[smem:$0x3FB0] =	sst s10  }
0x35: {  	s10 =	sld [smem:$0x3FAF];
	_ =	sdelay $0x3  }
0x36: {  	p1 =	seq.s32 s10, $0x1;
	s10 =	sld [smem:$0x3FB0];
	_ =	sdelay $0x3  }
0x37: {  	[smem:$0x3FB0] =	sst s10  }
0x38: {  	s10 =	sld [smem:$0x3FB1]  }
0x39: {  	_ = 	snop;
	(pc) =	sbr.ind lr, $3  }
0x3a: {  	_ = 	snop  }
0x3b: {  	_ = 	snop  }
0x3c: {  	p2 =	seq.s32 s10, $0x1;
	s10 =	sld [smem:$0x3FB0]  }
0x3d: {  	_ =	shalt  }
0x3e: {  	_ =	shalt  }
0x3f: {  	_ =	shalt  }
0x40: {  	_ =	shalt  }
0x41: {  	_ =	shalt  }
0x42: {  	_ =	shalt  }
0x43: {  	_ =	shalt  }
0x44: {  	_ =	shalt  }
0x45: {  	_ =	shalt  }
0x46: {  	_ =	shalt  }
0x47: {  	_ =	shalt  }
0x48: {  	_ =	shalt  }
0x49: {  	_ =	shalt  }
0x4a: {  	_ =	shalt  }
0x4b: {  	_ =	shalt  }
0x4c: {  	_ =	shalt  }
0x4d: {  	_ =	shalt  }
0x4e: {  	_ =	shalt  }
0x4f: {  	_ =	shalt  }
0x50: {  	_ =	shalt  }
0x51: {  	_ =	shalt  }
0x52: {  	_ =	shalt  }
0x53: {  	_ =	shalt  }
0x54: {  	_ =	shalt  }
0x55: {  	_ =	shalt  }
0x56: {  	_ =	shalt  }
0x57: {  	_ =	shalt  }
0x58: {  	_ =	shalt  }
0x59: {  	_ =	shalt  }
0x5a: {  	_ =	shalt  }
0x5b: {  	_ =	shalt  }
0x5c: {  	_ =	shalt  }
0x5d: {  	_ =	shalt  }
0x5e: {  	_ =	shalt  }
0x5f: {  	_ =	shalt  }
0x60: {  	_ =	shalt  }
0x61: {  	_ =	shalt  }
0x62: {  	_ =	shalt  }
0x63: {  	_ =	shalt  }
0x64: {  	_ =	shalt  }
0x65: {  	_ =	shalt  }
0x66: {  	_ =	shalt  }
0x67: {  	_ =	shalt  }
0x68: {  	_ =	shalt  }
0x69: {  	_ =	shalt  }
0x6a: {  	_ =	shalt  }
0x6b: {  	_ =	shalt  }
0x6c: {  	_ =	shalt  }
0x6d: {  	_ =	shalt  }
0x6e: {  	_ =	shalt  }
0x6f: {  	_ =	shalt  }
0x70: {  	_ =	shalt  }
0x71: {  	_ =	shalt  }
0x72: {  	_ =	shalt  }
0x73: {  	_ =	shalt  }
0x74: {  	_ =	shalt  }
0x75: {  	_ =	shalt  }
0x76: {  	_ =	shalt  }
0x77: {  	_ =	shalt  }
0x78: {  	_ =	shalt  }
0x79: {  	_ =	shalt  }
0x7a: {  	_ =	shalt  }
0x7b: {  	_ =	shalt  }
0x7c: {  	_ =	shalt  }
0x7d: {  	_ =	shalt  }
0x7e: {  	_ =	shalt  }
0x7f: {  	_ =	shalt  }
0x80: {  	_ =	shalt  }
0x81: {  	_ =	shalt  }
0x82: {  	_ =	shalt  }
0x83: {  	_ =	shalt  }
0x84: {  	_ =	shalt  }
0x85: {  	_ =	shalt  }
0x86: {  	_ =	shalt  }
0x87: {  	_ =	shalt  }
.Lfunc_end0:
.L_simem_size_0:
called_computation.1_lowered:
.L_overlay_start_0:
0x88: {  	s2 =	sld [smem:$0x3FD9]  }
0x89: {  	s3 =	sld [smem:$0x3FFE];
	_ =	sdelay $0x1  }
0x8a: {  	s1 =	srdreg.scid  }
0x8b: {  	s0 =	sand.u32 $0x1, s1  }
0x8c: {  	s14 =	sshll.u32 s0, $0xA;
	s2 =	sadd.s32 s3, s2  }
0x8d: {  	s2 =	sadd.s32 s2, s14  }
0x8e: {  	[smem:$0x3FBC] =	sst s2  }
0x8f: {  	_ = 	snop  }
0x90: {  	s2 =	sld [smem:$0x3FD0];
	_ =	sdelay $0x2  }
0x91: {  	s15 =	simm.s32 $0xA;
	s4 =	simm.s32 $0x10  }
0x92: {  	[smem:s4], [sflag:s15] =	dma.local [hbm:s2], $0x1  }
0x93: {  	_ =	swait.eq [sflag:s15], $0x1  }
0x94: {  	[sflag:s15] =	ssyncset.done $0x0  }
0x95: {  	[sflag:s15] =	ssyncadd.s32 $0xFFFFFFFF  }
0x96: {  	s16 =	sld [smem:$0x10];
	(tm) =	ssettm $0x1  }
0x97: {  	s17 =	sld [smem:$0x3FFB];
	_ =	sdelay $0x3  }
0x98: {  	_ =	strace s17  }
0x99: {  	s3 =	sld [smem:$0x3FFC];
	_ =	sdelay $0x3  }
0x9a: {  	_ =	strace s3  }
0x9b: {  	s3 =	sld [smem:$0x3FFD];
	_ =	sdelay $0x3  }
0x9c: {  	_ =	strace s3  }
0x9d: {  	_ =	strace $0x8FFFFFFF  }
0x9e: {  	s18 =	sld [smem:$0x3FDB];
	_ =	sdelay $0x1  }
0x9f: {  	s19 =	simm.s32 $_scs_section_size  }
0xa0: {  	s5 =	simm.s32 $_size__tile_overlayer_lowered;
	s6 =	simm.s32 $_tile_overlayer_lowered  }
0xa1: {  	s22 =	simm.s32 $0x1BFF;
	s21 =	sshll.u32 s6, $0x1;
	s3 =	sadd.s32 s19, s18  }
0xa2: {  	s7 =	simm.s32 $0x0;
	s20 =	sshll.u32 s5, $0x1;
	s5 =	sadd.s32 s21, s3  }
0xa3: {  	[timem:s7], [sflag:s22] =	dma.local [hbm:s5], s20  }
0xa4: {  	_ =	swait.ge [sflag:s22], s20  }
0xa5: {  	s4 =	ssub.s32 $0x0, s20;
	[sflag:s22] =	ssyncset.done $0x0  }
0xa6: {  	[sflag:s22] =	ssyncadd.s32 s4;
	_ =	sdelay $0x1  }
0xa7: {  	s23 =	simm.s32 $0x1B8B  }
0xa8: {  	_ =	swait.ge [sflag:s23], $0x1  }
0xa9: {  	[sflag:s23] =	ssyncset.done $0x0  }
0xaa: {  	s25 =	simm.s32 $0x1B8E;
	s24 =	sld [smem:$0x3FFE];
	[sflag:s23] =	ssyncadd.s32 $0xFFFFFFFF  }
0xab: {  	s26 =	simm.s32 $execute0_lowered;
	[smem:$0x3FD2] =	sst s25  }
0xac: {  	s5 =	sshll.u32 s26, $0x1;
	_ =	strace $0x80000049;
	[dreg:$0x1] =	wrdreg $0xFFFFFFFF  }
0xad: {  	s28 =	simm.s32 $_size_execute0_lowered;
	s3 =	sadd.s32 s3, s5;
	[dreg:$0x0] =	wrdreg $0x0  }
0xae: {  	s5 =	sshll.u32 s28, $0x1;
	[dreg:$0x2] =	wrdreg s3  }
0xaf: {  	[dreg:$0x3] =	wrdreg s5  }
0xb0: {  	[dreg:$0x4] =	wrdreg $0xC0  }
0xb1: {  	_ =	task [dreg:s7], $0x5FFFF  }
0xb2: {  	[dreg:$0x1] =	wrdreg $0xFFFFFFFF  }
0xb3: {  	[dreg:$0x0] =	wrdreg $0x60  }
0xb4: {  	[dreg:$0x2] =	wrdreg s24  }
0xb5: {  	[dreg:$0x3] =	wrdreg s16  }
0xb6: {  	[dreg:$0x4] =	wrdreg $0x9  }
0xb7: {  	_ =	task.clear_ibuf [dreg:s7], $0x5FFFF;
	_ =	strace $0x90000049  }
0xb8: {  	s29 =	simm.s32 $0x9;
	_ =	strace $0x8000004B  }
0xb9: {  	_ =	swait.ge [sflag:s29], $0x1  }
0xba: {  	[sflag:s29] =	ssyncadd.s32 $0xFFFFFFFF  }
0xbb: {  	_ =	strace $0x9000004B  }
0xbc: {  	_ =	sfence  }
0xbd: {  	s30 =	sld [smem:$0x0];
	_ =	sdelay $0x2  }
0xbe: {  	s31 =	sshll.u32 s1, $0xD;
	s1 =	sshrl.u32 s1, $0x2  }
0xbf: {  	s3 =	sand.u32 $0x4000, s31;
	s1 =	sadd.s32 s1, s30  }
0xc0: {  	s0 =	sor.u32 s3, s0;
	s1 =	sshll.u32 s1, $0x11  }
0xc1: {  	s0 =	sor.u32 s1, s0  }
0xc2: {  	s0 =	sadd.s32 $0x8F2B, s0  }
0xc3: {  	[sflag:s0] =	ssyncadd.remote.s32 $0x1  }
0xc4: {  	_ =	sfence.sel $0xFFFF  }
0xc5: {  	[dreg:$0x0] =	wrdreg $0xFFFFFFFF;
	(pc) =	sbr.abs _section_cstart, $3  }
0xc6: {  	[dreg:$0x1] =	wrdreg $0xFFFFFFFF  }
0xc7: {  	_ =	task.clear_ibuf [dreg:s7], $0x2FFFF;
	_ =	strace $0x9FFFFFFF  }
0xc8: {  	(tm) =	ssettm $0x7FFFFFFF  }
0xc9: {  	_ =	shalt  }
tec
execute0_lowered:
.L_overlay_start_1:
0x0: {  	(tag) =	ssettag $0x1  }
0x1: {  	s6 =	rddreg [dreg:$0x0];
	s1 =	srdreg.scid  }
0x2: {  	s0 =	stileid.u32;
	s9 =	rddreg [dreg:$0x1];
	s2 =	simm.s32 $0x0  }
0x3: {  	s12 =	simm.s32 $0x15900;
	s13 =	simm.s32 $0x17900;
	s14 =	simm.s32 $0x3  }
0x4: {  	s15 =	simm.s32 $0x14900;
	s16 =	simm.s32 $0x16900;
	s17 =	simm.s32 $0x18900  }
0x5: {  	s18 =	simm.s32 $0x1;
	s19 =	simm.s32 $0x9C80;
	s20 =	simm.s32 $0x2  }
0x6: {  	s21 =	simm.s32 $0x0;
	s26 =	simm.s32 $0x0;
	s3 =	sand.u32 $0x1, s1  }
0x7: {  	s4 =	sshll.u32 s0, $0x1;
	s1 =	rddreg [dreg:$0x2];
	s30 =	sshrl.u32 s0, $0x2  }
0x8: {  	s4 =	sor.u32 s3, s4;
	s7 =	ssub.s32 $0x2, s3;
	s3 =	smul.u32 $0x4E200, s30  }
0x9: {  	[smem:$0x7FF] =	sst s2;
	s5 =	sadd.s32 $0x3F600, s6;
	s10 =	smul.u32 $0x1388, s4  }
0xa: {  	_ =	strace $0x8000004A;
	s4 =	sadd.s32 $0x2BC00, s6;
	s11 =	sshrl.u32 s7, $0x1  }
0xb: {  	s11 =	ssub.s32 s7, s11;
	s31 =	sshrl.u32 s3, $0x3;
	s8 =	sadd.s32 s10, s6  }
0xc: {  	s6 =	sadd.s32 $0x35840, s6;
	s7 =	sadd.s32 s5, s31;
	s9 =	sadd.s32 s9, s10  }
0xd: {  	v0 =	vimm.f32 $0.0e+00;
	s10 =	smax.u32 s11, $0x1;
	s11 =	simm.s32 $0x13900;
	s8 =	sadd.s32 $0x2200, s8  }
.LBB2_1:
0xe: {  	[tilespmem:s11], [sflag:$0x1] =	stream.linear.gather [hbm4b:s6+s2], $0xFA0, $0x38;
	[tilespmem:$0x19900] =	vst v63  }
0xf: {  	_ = 	snop  }
0x10: {  	[tilespmem:s12], [sflag:$0x1] =	stream.linear.gather [hbm4b:s4+s2], $0xFA0, $0x38;
	[tilespmem:$0x19900] =	vst v63  }
0x11: {  	_ = 	snop  }
0x12: {  	[tilespmem:s13], [sflag:$0x1] =	stream.linear.gather [hbm4b:s7+s2], $0xFA0, $0x38;
	[tilespmem:$0x19900] =	vst v63  }
0x13: {  	_ = 	snop  }
0x14: {  	[tilespmem:s2], [sflag:$0x3] =	stream.linear.gather [hbm4b:s8+s2], $0x9C40, $0x38;
	[tilespmem:$0x19900] =	vst v63  }
0x15: {  	_ =	swait.ge [sflag:s14], $0x9C40  }
0x16: {  	[sflag:s14] =	ssyncset.done $0x0  }
0x17: {  	s22 =	simm.s32 $0x9CD0;
	[sflag:s14] =	ssyncadd.s32 $0xFFFF63C0  }
0x18: {  	[tilespmem:s22+$0xFFFFFFC0] =	vst v0  }
0x19: {  	[tilespmem:s22+$0xFFFFFFD0] =	vst v0  }
0x1a: {  	[tilespmem:s22+$0xFFFFFFE0] =	vst v0  }
0x1b: {  	[tilespmem:s22+$0xFFFFFFF0] =	vst v0  }
0x1c: {  	[tilespmem:s22+$0x0] =	vst v0  }
0x1d: {  	[tilespmem:s22+$0x10] =	vst v0  }
0x1e: {  	[tilespmem:s22+$0x20] =	vst v0  }
0x1f: {  	s23 =	sand.u32 $0xFFE0, s2;
	[tilespmem:s22+$0xFFFFFFB0] =	vst v0  }
0x20: {  	[tilespmem:s23+$0x9D00] =	vst v0  }
0x21: {  	s24 =	simm.s32 $0x9D70;
	s25 =	simm.s32 $0x0;
	s23 =	simm.s32 $0x0;
	[tilespmem:s22+$0x40] =	vst v0  }
.LBB2_2:
0x22: {  	[tilespmem:s24+$0xFFFFFFC0] =	vst v0  }
0x23: {  	[tilespmem:s24+$0xFFFFFFD0] =	vst v0  }
0x24: {  	[tilespmem:s24+$0xFFFFFFE0] =	vst v0  }
0x25: {  	s23 =	sadd.s32 $0xA, s23;
	[tilespmem:s24+$0xFFFFFFF0] =	vst v0  }
0x26: {  	p0 =	slt.u32 s23, $0x9BA;
	[tilespmem:s24+$0x0] =	vst v0  }
.Ltmp0:
0x27: {  	[tilespmem:s24+$0x10] =	vst v0;
	(pc) =	sbr.rel @p0 .LBB2_2-.Ltmp0, $4  }
0x28: {  	s25 =	sadd.s32 $0xA0, s25;
	[tilespmem:s24+$0x20] =	vst v0  }
0x29: {  	s22 =	sand.u32 $0xFFE0, s25;
	[tilespmem:s24+$0xFFFFFFB0] =	vst v0  }
0x2a: {  	[tilespmem:s22+$0x9D00] =	vst v0;
	s22 =	simm.s32 $0x0  }
0x2b: {  	[tilespmem:s24+$0x40] =	vst v0;
	s24 =	sadd.s32 $0xA0, s24  }
0x2c: {  	s23 =	simm.s32 $0x0  }
.LBB2_4:
0x2d: {  	s24 =	smul.u32 $0x1F40, s23;
	_ =	sdelay $0x1  }
0x2e: {  	s25 =	sshrl.u32 s24, $0x3  }
0x2f: {  	s24 =	sadd.s32 $0xFA0, s24;
	s25 =	sadd.s32 s4, s25  }
0x30: {  	s31 =	sshrl.u32 s24, $0x3;
	s24 =	sadd.s32 s3, s24;
	s25 =	sadd.s32 $0x9E34, s25  }
0x31: {  	[tilespmem:s15], [sflag:$0x2] =	stream.linear.gather [hbm4b:s25+s22], $0xFA0, $0x38;
	[tilespmem:$0x19900] =	vst v63  }
0x32: {  	s24 =	sshrl.u32 s24, $0x3;
	s25 =	sadd.s32 s4, s31  }
0x33: {  	[tilespmem:s16], [sflag:$0x2] =	stream.linear.gather [hbm4b:s25+s22], $0xFA0, $0x38;
	[tilespmem:$0x19900] =	vst v63  }
0x34: {  	s24 =	sadd.s32 s5, s24  }
0x35: {  	[tilespmem:s17], [sflag:$0x2] =	stream.linear.gather [hbm4b:s24+s22], $0xFA0, $0x38;
	[tilespmem:$0x19900] =	vst v63  }
0x36: {  	_ =	swait.ge [sflag:s18], $0xFA0  }
0x37: {  	[sflag:s18] =	ssyncset.done $0x0  }
0x38: {  	[sflag:s18] =	ssyncadd.s32 $0xFFFFF060  }
0x39: {  	_ =	swait.ge [sflag:s18], $0xFA0  }
0x3a: {  	[sflag:s18] =	ssyncset.done $0x0  }
0x3b: {  	[sflag:s18] =	ssyncadd.s32 $0xFFFFF060  }
0x3c: {  	_ =	swait.ge [sflag:s18], $0xFA0  }
0x3d: {  	[sflag:s18] =	ssyncset.done $0x0  }
0x3e: {  	s25 =	simm.s32 $0x0;
	s24 =	simm.s32 $0x40;
	[sflag:s18] =	ssyncadd.s32 $0xFFFFF060  }
.LBB2_5:
0x3f: {  	p0 =	sne.s32 s24, $0x3E40;
	v1 =	vld [tilespmem:s25+$0x13900]  }
0x40: {  	v2 =	vld [tilespmem:s25+$0x15900]  }
0x41: {  	v3 =	vld [tilespmem:s25+$0x17900];
	_ =	sdelay $0x5  }
0x42: {  	v4 =	vld.idx.msk [tilespmem:v1+s2+$0x0], $0xffff;
	_ =	sdelay $0x3  }
0x43: {  	v5 =	vadd.s32 $0x2710, v1;
	_ =	sdelay $0x1  }
0x44: {  	v4 =	vmul.f32 v4, v3;
	_ =	sdelay $0x1  }
0x45: {  	[tilespmem:v2+s19+$0x0] =	vst.idx.add.f32.msk $0xffff, v4  }
0x46: {  	v4 =	vld.idx.msk [tilespmem:v5+s2+$0x0], $0xffff;
	_ =	sdelay $0x2  }
0x47: {  	v5 =	vadd.s32 $0x2710, v2  }
0x48: {  	v6 =	vadd.s32 $0x4E20, v1;
	_ =	sdelay $0x1  }
0x49: {  	v4 =	vmul.f32 v4, v3;
	_ =	sdelay $0x1  }
0x4a: {  	[tilespmem:v5+s19+$0x0] =	vst.idx.add.f32.msk $0xffff, v4  }
0x4b: {  	v4 =	vld.idx.msk [tilespmem:v6+s2+$0x0], $0xffff;
	_ =	sdelay $0x2  }
0x4c: {  	v5 =	vadd.s32 $0x4E20, v2  }
0x4d: {  	v1 =	vadd.s32 $0x7530, v1;
	_ =	sdelay $0x1  }
0x4e: {  	v4 =	vmul.f32 v4, v3;
	_ =	sdelay $0x1  }
0x4f: {  	[tilespmem:v5+s19+$0x0] =	vst.idx.add.f32.msk $0xffff, v4  }
0x50: {  	v1 =	vld.idx.msk [tilespmem:v1+s2+$0x0], $0xffff;
	_ =	sdelay $0x2  }
0x51: {  	v2 =	vadd.s32 $0x7530, v2  }
.Ltmp1:
0x52: {  	(pc) =	sbr.rel @p0 .LBB2_5-.Ltmp1, $3  }
0x53: {  	_ = 	snop  }
0x54: {  	v1 =	vmul.f32 v1, v3;
	_ =	sdelay $0x1  }
0x55: {  	s25 =	sshra.s32 s24, $0x2;
	s24 =	sadd.s32 $0x40, s24;
	[tilespmem:v2+s19+$0x0] =	vst.idx.add.f32.msk $0xffff, v1  }
0x56: {  	v1 =	vld [tilespmem:s25+$0x13900];
	_ =	sdelay $0x5  }
0x57: {  	v2 =	vld [tilespmem:s25+$0x15900]  }
0x58: {  	v3 =	vld [tilespmem:s25+$0x17900]  }
0x59: {  	v4 =	vld.idx.msk [tilespmem:v1+s2+$0x0], $0xffff;
	_ =	sdelay $0x2  }
0x5a: {  	v5 =	vadd.s32 $0x2710, v1;
	_ =	sdelay $0x1  }
0x5b: {  	v4 =	vmul.f32 v4, v3;
	_ =	sdelay $0x1  }
0x5c: {  	[tilespmem:v2+s19+$0x0] =	vst.idx.add.f32.msk $0xffff, v4  }
0x5d: {  	v4 =	vld.idx.msk [tilespmem:v5+s2+$0x0], $0xffff;
	_ =	sdelay $0x1  }
0x5e: {  	v62 =	vadd.s32 $0x2710, v2  }
0x5f: {  	v6 =	vadd.s32 $0x4E20, v1;
	_ =	sdelay $0x1  }
0x60: {  	v4 =	vmul.f32 v4, v3;
	_ =	sdelay $0x1  }
0x61: {  	[tilespmem:v62+s19+$0x0] =	vst.idx.add.f32.msk $0xffff, v4  }
0x62: {  	v4 =	vld.idx.msk [tilespmem:v6+s2+$0x0], $0xffff;
	_ =	sdelay $0x1  }
0x63: {  	v63 =	vadd.s32 $0x4E20, v2  }
0x64: {  	v1 =	vadd.s32 $0x7530, v1;
	_ =	sdelay $0x1  }
0x65: {  	v4 =	vmul.f32 v4, v3;
	_ =	sdelay $0x1  }
0x66: {  	[tilespmem:v63+s19+$0x0] =	vst.idx.add.f32.msk $0xffff, v4  }
0x67: {  	v1 =	vld.idx.msk [tilespmem:v1+s2+$0x0], $0xffff  }
0x68: {  	s24 =	sshll.u32 s23, $0x1  }
0x69: {  	s24 =	smin.u32 s24, $0x4D;
	v2 =	vadd.s32 $0x7530, v2  }
0x6a: {  	s24 =	smul.u32 $0xFA0, s24;
	_ =	sdelay $0x1  }
0x6b: {  	s30 =	sshrl.u32 s24, $0x3;
	v1 =	vmul.f32 v1, v3  }
0x6c: {  	s24 =	sadd.s32 $0x1F40, s24;
	s25 =	sadd.s32 s4, s30  }
0x6d: {  	s31 =	sshrl.u32 s24, $0x3;
	s24 =	sadd.s32 s3, s24;
	s25 =	sadd.s32 $0xA028, s25;
	[tilespmem:v2+s19+$0x0] =	vst.idx.add.f32.msk $0xffff, v1  }
0x6e: {  	[tilespmem:s11], [sflag:$0x1] =	stream.linear.gather [hbm4b:s25+s26], $0xFA0, $0x38;
	[tilespmem:$0x19900] =	vst v63  }
0x6f: {  	s24 =	sshrl.u32 s24, $0x3;
	s25 =	sadd.s32 s4, s31  }
0x70: {  	[tilespmem:s12], [sflag:$0x1] =	stream.linear.gather [hbm4b:s25+s26], $0xFA0, $0x38;
	[tilespmem:$0x19900] =	vst v63  }
0x71: {  	s24 =	sadd.s32 s5, s24  }
0x72: {  	[tilespmem:s13], [sflag:$0x1] =	stream.linear.gather [hbm4b:s24+s26], $0xFA0, $0x38;
	[tilespmem:$0x19900] =	vst v63  }
0x73: {  	_ =	swait.ge [sflag:s20], $0xFA0  }
0x74: {  	[sflag:s20] =	ssyncset.done $0x0  }
0x75: {  	[sflag:s20] =	ssyncadd.s32 $0xFFFFF060  }
0x76: {  	_ =	swait.ge [sflag:s20], $0xFA0  }
0x77: {  	[sflag:s20] =	ssyncset.done $0x0  }
0x78: {  	[sflag:s20] =	ssyncadd.s32 $0xFFFFF060  }
0x79: {  	_ =	swait.ge [sflag:s20], $0xFA0  }
0x7a: {  	[sflag:s20] =	ssyncset.done $0x0  }
0x7b: {  	s25 =	simm.s32 $0x0;
	s24 =	simm.s32 $0x40;
	[sflag:s20] =	ssyncadd.s32 $0xFFFFF060  }
.LBB2_7:
0x7c: {  	p0 =	sne.s32 s24, $0x3E40;
	v1 =	vld [tilespmem:s25+$0x14900]  }
0x7d: {  	v2 =	vld [tilespmem:s25+$0x16900]  }
0x7e: {  	v3 =	vld [tilespmem:s25+$0x18900];
	_ =	sdelay $0x5  }
0x7f: {  	v4 =	vld.idx.msk [tilespmem:v1+s2+$0x0], $0xffff;
	_ =	sdelay $0x3  }
0x80: {  	v5 =	vadd.s32 $0x2710, v1;
	_ =	sdelay $0x1  }
0x81: {  	v4 =	vmul.f32 v4, v3;
	_ =	sdelay $0x1  }
0x82: {  	[tilespmem:v2+s19+$0x0] =	vst.idx.add.f32.msk $0xffff, v4  }
0x83: {  	v4 =	vld.idx.msk [tilespmem:v5+s2+$0x0], $0xffff;
	_ =	sdelay $0x2  }
0x84: {  	v5 =	vadd.s32 $0x2710, v2  }
0x85: {  	v6 =	vadd.s32 $0x4E20, v1;
	_ =	sdelay $0x1  }
0x86: {  	v4 =	vmul.f32 v4, v3;
	_ =	sdelay $0x1  }
0x87: {  	[tilespmem:v5+s19+$0x0] =	vst.idx.add.f32.msk $0xffff, v4  }
0x88: {  	v4 =	vld.idx.msk [tilespmem:v6+s2+$0x0], $0xffff;
	_ =	sdelay $0x2  }
0x89: {  	v5 =	vadd.s32 $0x4E20, v2  }
0x8a: {  	v1 =	vadd.s32 $0x7530, v1;
	_ =	sdelay $0x1  }
0x8b: {  	v4 =	vmul.f32 v4, v3;
	_ =	sdelay $0x1  }
0x8c: {  	[tilespmem:v5+s19+$0x0] =	vst.idx.add.f32.msk $0xffff, v4  }
0x8d: {  	v1 =	vld.idx.msk [tilespmem:v1+s2+$0x0], $0xffff;
	_ =	sdelay $0x2  }
0x8e: {  	v2 =	vadd.s32 $0x7530, v2  }
.Ltmp2:
0x8f: {  	(pc) =	sbr.rel @p0 .LBB2_7-.Ltmp2, $3  }
0x90: {  	_ = 	snop  }
0x91: {  	v1 =	vmul.f32 v1, v3;
	_ =	sdelay $0x1  }
0x92: {  	s25 =	sshra.s32 s24, $0x2;
	s24 =	sadd.s32 $0x40, s24;
	[tilespmem:v2+s19+$0x0] =	vst.idx.add.f32.msk $0xffff, v1  }
0x93: {  	v1 =	vld [tilespmem:s25+$0x14900];
	_ =	sdelay $0x5  }
0x94: {  	v2 =	vld [tilespmem:s25+$0x16900]  }
0x95: {  	v3 =	vld [tilespmem:s25+$0x18900]  }
0x96: {  	v4 =	vld.idx.msk [tilespmem:v1+s2+$0x0], $0xffff;
	_ =	sdelay $0x2  }
0x97: {  	v5 =	vadd.s32 $0x2710, v1;
	_ =	sdelay $0x1  }
0x98: {  	v4 =	vmul.f32 v4, v3;
	_ =	sdelay $0x1  }
0x99: {  	[tilespmem:v2+s19+$0x0] =	vst.idx.add.f32.msk $0xffff, v4  }
0x9a: {  	v4 =	vld.idx.msk [tilespmem:v5+s2+$0x0], $0xffff;
	_ =	sdelay $0x1  }
0x9b: {  	v62 =	vadd.s32 $0x2710, v2  }
0x9c: {  	v6 =	vadd.s32 $0x4E20, v1;
	_ =	sdelay $0x1  }
0x9d: {  	v4 =	vmul.f32 v4, v3;
	_ =	sdelay $0x1  }
0x9e: {  	[tilespmem:v62+s19+$0x0] =	vst.idx.add.f32.msk $0xffff, v4  }
0x9f: {  	v4 =	vld.idx.msk [tilespmem:v6+s2+$0x0], $0xffff;
	_ =	sdelay $0x1  }
0xa0: {  	v63 =	vadd.s32 $0x4E20, v2  }
0xa1: {  	v1 =	vadd.s32 $0x7530, v1;
	_ =	sdelay $0x1  }
0xa2: {  	v4 =	vmul.f32 v4, v3;
	_ =	sdelay $0x1  }
0xa3: {  	[tilespmem:v63+s19+$0x0] =	vst.idx.add.f32.msk $0xffff, v4  }
0xa4: {  	v1 =	vld.idx.msk [tilespmem:v1+s2+$0x0], $0xffff  }
0xa5: {  	s23 =	sadd.s32 $0x1, s23  }
0xa6: {  	p0 =	sne.s32 s23, $0x28;
	v2 =	vadd.s32 $0x7530, v2  }
.Ltmp3:
0xa7: {  	_ = 	snop;
	(pc) =	sbr.rel @p0 .LBB2_4-.Ltmp3, $3  }
0xa8: {  	_ = 	snop  }
0xa9: {  	v1 =	vmul.f32 v1, v3;
	_ =	sdelay $0x1  }
0xaa: {  	[tilespmem:v2+s19+$0x0] =	vst.idx.add.f32.msk $0xffff, v1  }
0xab: {  	_ =	swait.ge [sflag:s18], $0xFA0  }
0xac: {  	[sflag:s18] =	ssyncset.done $0x0  }
0xad: {  	[sflag:s18] =	ssyncadd.s32 $0xFFFFF060  }
0xae: {  	_ =	swait.ge [sflag:s18], $0xFA0  }
0xaf: {  	[sflag:s18] =	ssyncset.done $0x0  }
0xb0: {  	[sflag:s18] =	ssyncadd.s32 $0xFFFFF060  }
0xb1: {  	s21 =	sadd.s32 $0x1, s21;
	_ =	swait.ge [sflag:s18], $0xFA0  }
0xb2: {  	p0 =	sne.s32 s21, s10;
	[sflag:s18] =	ssyncset.done $0x0  }
.Ltmp4:
0xb3: {  	[sflag:s18] =	ssyncadd.s32 $0xFFFFF060;
	(pc) =	sbr.rel @p0 .LBB2_1-.Ltmp4, $4  }
0xb4: {  	[hbm4b:s9+s2] =	stream.linear.scatter [tilespmem:s19], [sflag:$0x3], $0x9C40, $0x38;
	[tilespmem:$0x19900] =	vst v63  }
0xb5: {  	_ =	swait.ge [sflag:s14], $0x9C40  }
0xb6: {  	[sflag:s14] =	ssyncset.done $0x0  }
0xb7: {  	[sflag:s14] =	ssyncadd.s32 $0xFFFF63C0  }
0xb8: {  	_ =	sfence.sel $0x180000  }
0xb9: {  	[bflag:$0x0] =	sbarrier.arrive $0xFFFF  }
0xba: {  	p0 =	sne.s32 s0, $0x0;
	_ =	strace $0x9000004A  }
0xbb: {  	s0 =	sadd.s32 @!p0 $0x100000, s1;
	[bflag:$0x2] =	sbarrier.arrive $0xFFFF  }
0xbc: {  	[sflag:s0] =	ssyncadd.tile.s32 @!p0 $0x1;
	_ =	shalt  }
.Lfunc_end2:
_tile_overlayer_lowered:
.L_overlay_start_2:
0xbd: {  	(tag) =	ssettag $0x2  }
0xbe: {  	s0 =	rddreg [dreg:$0x0];
	s2 =	stileid.u32  }
0xbf: {  	s1 =	rddreg [dreg:$0x1];
	p0 =	sne.s32 s2, $0x0  }
0xc0: {  	s3 =	rddreg [dreg:$0x2];
	[bflag:$0x3] =	sbarrier.arrive $0xFFFF;
	s2 =	simm.s32 @!p0 $0x1C03  }
0xc1: {  	[timem:s3], [sflag:s2] =	dma.local @!p0 [hbm:s0], s1  }
0xc2: {  	s0 =	simm.s32 @!p0 $0x3  }
0xc3: {  	_ =	swait.ge @!p0 [sflag:s0], s1  }
0xc4: {  	s1 =	ssub.s32 @!p0 $0x0, s1;
	[sflag:s0] =	ssyncset.done @!p0 $0x0  }
0xc5: {  	[sflag:s0] =	ssyncadd.s32 @!p0 s1  }
0xc6: {  	[bflag:$0x3] =	sbarrier.arrive $0xFFFF  }
0xc7: {  	_ =	shalt  }

</sc_bundles>
